<compile_context>
chip_gen: v7x
topology: tpu7x:2x2x1
jax: 0.10.2.dev20260603
libtpu: 0.0.44.dev20260713+nightly
codegen_flags: <defaults>
</compile_context>

<pallas_src>
import functools

import jax
import jax.numpy as jnp
from jax import lax
from jax.experimental import pallas as pl
from jax.experimental.pallas import tpu as pltpu
from jax.experimental.pallas import tpu_sc as plsc

N = 10000
E = 320000
D = 128

NC = 2
NS = 16
NW = NC * NS
EPT = E // NW
CH = 25
NCHUNK = EPT // CH
SEGS = 5
CPS = NCHUNK // SEGS
NP = 10240
RPT = NP // NS

_mesh = plsc.VectorSubcoreMesh(core_axis_name="c", subcore_axis_name="s")


GRP = 8
NGRP = CPS // GRP


@functools.partial(
    pl.kernel,
    out_type=jax.ShapeDtypeStruct((NC, NP, D), jnp.float32),
    mesh=_mesh,
    scratch_types=(
        [pltpu.VMEM((CPS, CH), jnp.int32)] * 2
        + [pltpu.VMEM((GRP * CH, D), jnp.float32)]
        + [pltpu.VMEM_SHARED((NP, D), jnp.float32)]
        + [pltpu.SemaphoreType.DMA] * (2 * GRP)
    ),
)
def _sc_agg(h_hbm, src_hbm, dst_hbm, zeros_hbm, out_hbm,
            src_v, dst_v, ring, acc, *sems):
    gsems = sems[:GRP]
    ssems = sems[GRP:]
    cid = lax.axis_index("c")
    sid = lax.axis_index("s")
    wid = sid * NC + cid
    pltpu.sync_copy(zeros_hbm, acc.at[pl.ds(sid * RPT, RPT)])
    plsc.subcore_barrier()

    def seg(s, carry):
        pltpu.sync_copy(src_hbm.at[wid * SEGS + s], src_v)
        pltpu.sync_copy(dst_hbm.at[wid * SEGS + s], dst_v)
        for b in range(GRP):
            pltpu.async_copy(h_hbm.at[src_v.at[b]],
                             ring.at[pl.ds(b * CH, CH)], gsems[b])

        def body(i, carry2):
            j0 = i * GRP
            for b in range(GRP):
                j = j0 + b
                pltpu.make_async_copy(h_hbm.at[src_v.at[j]],
                                      ring.at[pl.ds(b * CH, CH)], gsems[b]).wait()
                pltpu.async_copy(ring.at[pl.ds(b * CH, CH)],
                                 acc.at[dst_v.at[j]], ssems[b], add=True)
            for b in range(GRP):
                j = j0 + b
                pltpu.make_async_copy(ring.at[pl.ds(b * CH, CH)],
                                      acc.at[dst_v.at[j]], ssems[b]).wait()

                @pl.when(j + GRP < CPS)
                def _():
                    pltpu.async_copy(h_hbm.at[src_v.at[j + GRP]],
                                     ring.at[pl.ds(b * CH, CH)], gsems[b])
            return carry2

        lax.fori_loop(0, NGRP, body, 0, unroll=False)
        return carry

    lax.fori_loop(0, SEGS, seg, 0, unroll=False)
    plsc.subcore_barrier()
    pltpu.sync_copy(acc.at[pl.ds(sid * RPT, RPT)],
                    out_hbm.at[cid, pl.ds(sid * RPT, RPT)])


DCH = 80
DNCHUNK = EPT // DCH


@functools.partial(
    pl.kernel,
    out_type=(jax.ShapeDtypeStruct((NC * NP,), jnp.float32),
              jax.ShapeDtypeStruct((NC * NP,), jnp.float32)),
    mesh=_mesh,
    scratch_types=[
        pltpu.VMEM((DNCHUNK, DCH), jnp.int32),
        pltpu.VMEM((DNCHUNK, DCH), jnp.int32),
        pltpu.VMEM((DCH,), jnp.float32),
        pltpu.VMEM((NP // NS,), jnp.float32),
        pltpu.VMEM_SHARED((NP,), jnp.float32),
        pltpu.VMEM_SHARED((NP,), jnp.float32),
    ],
)
def _sc_deg(src_hbm, dst_hbm, deg_out, odeg_out,
            src_v, dst_v, ones_v, zbuf, dacc, oacc):
    cid = lax.axis_index("c")
    sid = lax.axis_index("s")
    wid = sid * NC + cid
    seg = NP // NS
    for k in range(seg // 16):
        zbuf[pl.ds(16 * k, 16)] = jnp.zeros((16,), jnp.float32)
    pltpu.sync_copy(zbuf, dacc.at[pl.ds(sid * seg, seg)])
    pltpu.sync_copy(zbuf, oacc.at[pl.ds(sid * seg, seg)])
    pltpu.sync_copy(src_hbm.at[wid], src_v)
    pltpu.sync_copy(dst_hbm.at[wid], dst_v)
    for k in range(DCH // 16):
        ones_v[pl.ds(16 * k, 16)] = jnp.ones((16,), jnp.float32)
    plsc.subcore_barrier()

    def body(j, carry):
        pltpu.sync_copy(ones_v, dacc.at[dst_v.at[j]], add=True)
        pltpu.sync_copy(ones_v, oacc.at[src_v.at[j]], add=True)
        return carry

    lax.fori_loop(0, DNCHUNK, body, 0, unroll=False)
    plsc.subcore_barrier()
    pltpu.sync_copy(dacc.at[pl.ds(sid * seg, seg)], zbuf)
    pltpu.sync_copy(zbuf, deg_out.at[pl.ds(cid * NP + sid * seg, seg)])
    pltpu.sync_copy(oacc.at[pl.ds(sid * seg, seg)], zbuf)
    pltpu.sync_copy(zbuf, odeg_out.at[pl.ds(cid * NP + sid * seg, seg)])


BN = 2000


def _tc_in_proj_body(x_ref, w_ref, b_ref, o_ref):
    o_ref[...] = jnp.dot(x_ref[...], w_ref[...],
                         preferred_element_type=jnp.float32) + b_ref[...]


def _in_proj(x, w, b):
    return pl.pallas_call(
        _tc_in_proj_body,
        grid=(N // BN,),
        in_specs=[
            pl.BlockSpec((BN, D), lambda i: (i, 0)),
            pl.BlockSpec((D, D), lambda i: (0, 0)),
            pl.BlockSpec((1, D), lambda i: (0, 0)),
        ],
        out_specs=pl.BlockSpec((BN, D), lambda i: (i, 0)),
        out_shape=jax.ShapeDtypeStruct((N, D), jnp.float32),
    )(x, w, b.reshape(1, D))


def _tc_layer_body(h_ref, p0_ref, p1_ref, degc_ref,
                   sw_ref, sb_ref, nw_ref, nb_ref,
                   gwh_ref, gwm_ref, gb_ref, g_ref, b_ref, o_ref):
    h = h_ref[...]
    deg = degc_ref[:, 0:1] + degc_ref[:, 1:2]
    has_pred = deg > 0.0
    denom = jnp.maximum(deg, 1.0)
    neigh = (p0_ref[0] + p1_ref[0]) / denom
    hs = jnp.dot(h, sw_ref[...], preferred_element_type=jnp.float32) + sb_ref[...]
    hn = jnp.dot(neigh, nw_ref[...], preferred_element_type=jnp.float32) + nb_ref[...]
    m = hs + jnp.where(has_pred, hn, 0.0)
    gate_lin = (jnp.dot(h, gwh_ref[...], preferred_element_type=jnp.float32)
                + jnp.dot(m, gwm_ref[...], preferred_element_type=jnp.float32)
                + gb_ref[...])
    gate = jax.nn.sigmoid(gate_lin)
    v = gate * m + (1.0 - gate) * h
    mu = jnp.mean(v, axis=-1, keepdims=True)
    var = jnp.mean((v - mu) ** 2, axis=-1, keepdims=True)
    y = (v - mu) * lax.rsqrt(var + 1e-5) * g_ref[...] + b_ref[...]
    o_ref[...] = jnp.maximum(y, 0.0)


def _tc_layer(h, parts, deg_cols, lp):
    row = lambda i: (i, 0)
    full = lambda i: (0, 0)
    return pl.pallas_call(
        _tc_layer_body,
        grid=(N // BN,),
        in_specs=[
            pl.BlockSpec((BN, D), row),
            pl.BlockSpec((1, BN, D), lambda i: (0, i, 0)),
            pl.BlockSpec((1, BN, D), lambda i: (1, i, 0)),
            pl.BlockSpec((BN, NC), row),
            pl.BlockSpec((D, D), full),
            pl.BlockSpec((1, D), full),
            pl.BlockSpec((D, D), full),
            pl.BlockSpec((1, D), full),
            pl.BlockSpec((D, D), full),
            pl.BlockSpec((D, D), full),
            pl.BlockSpec((1, D), full),
            pl.BlockSpec((1, D), full),
            pl.BlockSpec((1, D), full),
        ],
        out_specs=pl.BlockSpec((BN, D), row),
        out_shape=jax.ShapeDtypeStruct((N, D), jnp.float32),
    )(h, parts, parts, deg_cols,
      lp['self_w'], lp['self_b'].reshape(1, D),
      lp['neigh_w'], lp['neigh_b'].reshape(1, D),
      lp['gate_w'][:D], lp['gate_w'][D:], lp['gate_b'].reshape(1, D),
      lp['ln_g'].reshape(1, D), lp['ln_b'].reshape(1, D))


def _tc_pool_body(h_ref, odegc_ref, aw_ref, ab_ref, scw_ref, scb_ref, o_ref):
    h = h_ref[...]
    a = jnp.tanh(jnp.dot(h, aw_ref[...], preferred_element_type=jnp.float32)
                 + ab_ref[...])
    s = jnp.dot(a, scw_ref[...], preferred_element_type=jnp.float32) + scb_ref[...]
    od = odegc_ref[:, 0:1] + odegc_ref[:, 1:2]
    is_sink = od == 0.0
    any_sink = jnp.any(is_sink)
    mask = is_sink | jnp.logical_not(any_sink)
    s = jnp.where(mask, s, -1e30)
    mx = jnp.max(s)
    ex = jnp.exp(s - mx)
    w = ex / jnp.sum(ex)
    o_ref[...] = jnp.sum(w * h, axis=0, keepdims=True)


def _pool(h, odeg_cols, aw, ab, scw, scb):
    full = lambda: (0, 0)
    return pl.pallas_call(
        _tc_pool_body,
        grid=(),
        in_specs=[
            pl.BlockSpec((N, D), full),
            pl.BlockSpec((N, NC), full),
            pl.BlockSpec((D, D), full),
            pl.BlockSpec((1, D), full),
            pl.BlockSpec((D, 1), full),
            pl.BlockSpec((1, 1), full),
        ],
        out_specs=pl.BlockSpec((1, D), full),
        out_shape=jax.ShapeDtypeStruct((1, D), jnp.float32),
    )(h, odeg_cols, aw, ab.reshape(1, D), scw, scb.reshape(1, 1))


def kernel(node_feats, params, edge_index):
    src = edge_index[0].reshape(NW, DNCHUNK, DCH)
    dst = edge_index[1].reshape(NW, DNCHUNK, DCH)
    src4 = edge_index[0].reshape(NW * SEGS, CPS, CH)
    dst4 = edge_index[1].reshape(NW * SEGS, CPS, CH)
    zeros2 = jnp.zeros((RPT, D), jnp.float32)

    deg_p, odeg_p = _sc_deg(src, dst)
    deg_cols = jnp.transpose(deg_p.reshape(NC, NP)[:, :N], (1, 0))
    odeg_cols = jnp.transpose(odeg_p.reshape(NC, NP)[:, :N], (1, 0))

    h = _in_proj(node_feats, params['in_w'], params['in_b'])
    for lp in params['layers']:
        parts = _sc_agg(h, src4, dst4, zeros2)
        h = _tc_layer(h, parts, deg_cols, lp)

    emb = _pool(h, odeg_cols, params['att_w'], params['att_b'],
                params['score_w'], params['score_b'])
    return h, emb.reshape(D)

# --- scband reference (transcript-rebuilt; emitter-appended) ---
"""Pipeline reference for scband-simple-dagnn-46694884442364 (READ-ONLY COPY).

The authoritative reference and input builder live on the scoring server;
editing this copy changes nothing except your own understanding.
"""

import jax, jax.numpy as jnp
import numpy as np

N = 10000
E = 320000
D = 128
NUM_LAYERS = 3


def _dense(key, fan_in, fan_out):
    kw, kb = jax.random.split(key)
    lim = 1.0 / np.sqrt(fan_in)
    w = jax.random.uniform(kw, (fan_in, fan_out), minval=-lim, maxval=lim, dtype=jnp.float32)
    b = jax.random.uniform(kb, (fan_out,), minval=-lim, maxval=lim, dtype=jnp.float32)
    return w, b


def setup_inputs(seed: int = 0) -> dict:
    key = jax.random.key(seed)
    node_feats = jax.random.normal(jax.random.fold_in(key, 1), (N, D), dtype=jnp.float32)
    edge_index = jax.random.randint(jax.random.fold_in(key, 2), (2, E), 0, N, dtype=jnp.int32)
    in_w, in_b = _dense(jax.random.fold_in(key, 3), D, D)
    layers = []
    for i in range(NUM_LAYERS):
        k = jax.random.fold_in(key, 10 + i)
        sw, sb = _dense(jax.random.fold_in(k, 0), D, D)
        nw, nb = _dense(jax.random.fold_in(k, 1), D, D)
        gw, gb = _dense(jax.random.fold_in(k, 2), 2 * D, D)
        layers.append({
            'self_w': sw, 'self_b': sb,
            'neigh_w': nw, 'neigh_b': nb,
            'gate_w': gw, 'gate_b': gb,
            'ln_g': jnp.ones((D,), jnp.float32), 'ln_b': jnp.zeros((D,), jnp.float32),
        })
    aw, ab = _dense(jax.random.fold_in(key, 4), D, D)
    scw, scb = _dense(jax.random.fold_in(key, 5), D, 1)
    params = {'in_w': in_w, 'in_b': in_b, 'layers': layers,
              'att_w': aw, 'att_b': ab, 'score_w': scw, 'score_b': scb}
    return {'node_feats': node_feats, 'params': params, 'edge_index': edge_index}


def _layernorm(x, g, b, eps=1e-5):
    mu = jnp.mean(x, axis=-1, keepdims=True)
    var = jnp.mean((x - mu) ** 2, axis=-1, keepdims=True)
    return (x - mu) / jnp.sqrt(var + eps) * g + b


def _forward(node_feats, params, edge_index):
    src = edge_index[0]
    dst = edge_index[1]
    h = node_feats @ params['in_w'] + params['in_b']
    n = h.shape[0]
    # predecessors of node v = sources of edges whose dst == v
    deg = jnp.zeros((n,), h.dtype).at[dst].add(1.0)
    has_pred = (deg > 0)[:, None]
    denom = jnp.maximum(deg, 1.0)[:, None]
    for lp in params['layers']:
        # NOTE: the original per-node topo loop only reads the layer-input h,
        # so it vectorizes exactly into gather + scatter-add (segment mean).
        hs = h @ lp['self_w'] + lp['self_b']
        agg = jnp.zeros_like(h).at[dst].add(h[src])
        neigh = agg / denom
        hn = neigh @ lp['neigh_w'] + lp['neigh_b']
        m = hs + jnp.where(has_pred, hn, jnp.zeros_like(hn))
        gate_in = jnp.concatenate([h, m], axis=-1)
        gate = jax.nn.sigmoid(gate_in @ lp['gate_w'] + lp['gate_b'])
        v = gate * m + (1.0 - gate) * h
        h = jax.nn.relu(_layernorm(v, lp['ln_g'], lp['ln_b']))
    # pooling: attention over sink nodes (out_degree == 0); fall back to all nodes
    out_deg = jnp.zeros((n,), h.dtype).at[src].add(1.0)
    is_sink = out_deg == 0
    mask = is_sink | (~jnp.any(is_sink))
    a = jnp.tanh(h @ params['att_w'] + params['att_b'])
    scores = (a @ params['score_w'] + params['score_b'])[:, 0]
    scores = jnp.where(mask, scores, -jnp.inf)
    w = jax.nn.softmax(scores, axis=0)
    graph_emb = jnp.sum(w[:, None] * h, axis=0)
    return h, graph_emb


def reference(node_feats, params, edge_index):
    return _forward(node_feats, params, edge_index)

if __name__ == "__main__":
    import jax
    _d = setup_inputs()
    print(jax.jit(kernel)(*tuple(_d.values())))

</pallas_src>

<mosaic_0001>
#map = affine_map<(d0, d1) -> (0, 0, 0)>
#map1 = affine_map<(d0, d1) -> (0)>
module attributes {stable_mosaic.version = 14 : i64} {
  func.func @_sc_deg(%arg0: i32, %arg1: i32, %arg2: memref<32x125x80xi32, #tpu.memory_space<hbm>>, %arg3: memref<32x125x80xi32, #tpu.memory_space<hbm>>, %arg4: memref<20480xf32, #tpu.memory_space<hbm>>, %arg5: memref<20480xf32, #tpu.memory_space<hbm>>, %arg6: memref<125x80xi32, #tpu.memory_space<vmem>>, %arg7: memref<125x80xi32, #tpu.memory_space<vmem>>, %arg8: memref<80xf32, #tpu.memory_space<vmem>>, %arg9: memref<640xf32, #tpu.memory_space<vmem>>, %arg10: memref<10240xf32, #tpu.memory_space<vmem_shared>>, %arg11: memref<10240xf32, #tpu.memory_space<vmem_shared>>) attributes {dimension_semantics = [#tpu.dimension_semantics<core_parallel>, #tpu.dimension_semantics<subcore_parallel>], iteration_bounds = array<i64: 2, 16>, scalar_prefetch = 0 : i64, scratch_operands = 6 : i64, tpu.core_type = #tpu.core_type<sc_vector_subcore>, window_params = [{transform_indices = #map}, {transform_indices = #map}, {transform_indices = #map1}, {transform_indices = #map1}]} {
    %mul3A = arith.constant 2 : i32
    %mul3A_0 = arith.muli %arg1, %mul3A : i32
    %add3A = arith.addi %mul3A_0, %arg0 : i32
    %broadcast_in_dim3A = arith.constant 0.000000e+00 : f32
    %broadcast_in_dim3A_1 = vector.broadcast %broadcast_in_dim3A : f32 to vector<16xf32>
    %swap3A = arith.constant 0 : index
    %swap3A_2 = tpu.vector_load %arg9[%swap3A] {strides = array<i32>} : memref<640xf32, #tpu.memory_space<vmem>>, vector<16xf32>,
    %swap3A_3 = vector.shape_cast %swap3A_2 : vector<16xf32> to vector<16xf32>
    %swap3A_4 = vector.shape_cast %broadcast_in_dim3A_1 : vector<16xf32> to vector<16xf32>
    tpu.vector_store %arg9[%swap3A], %swap3A_4 {strides = array<i32>} : memref<640xf32, #tpu.memory_space<vmem>>, vector<16xf32>,
    %broadcast_in_dim3A_5 = arith.constant 0.000000e+00 : f32
    %broadcast_in_dim3A_6 = vector.broadcast %broadcast_in_dim3A_5 : f32 to vector<16xf32>
    %swap3A_7 = arith.constant 16 : index
    %swap3A_8 = tpu.vector_load %arg9[%swap3A_7] {strides = array<i32>} : memref<640xf32, #tpu.memory_space<vmem>>, vector<16xf32>,
    %swap3A_9 = vector.shape_cast %swap3A_8 : vector<16xf32> to vector<16xf32>
    %swap3A_10 = vector.shape_cast %broadcast_in_dim3A_6 : vector<16xf32> to vector<16xf32>
    tpu.vector_store %arg9[%swap3A_7], %swap3A_10 {strides = array<i32>} : memref<640xf32, #tpu.memory_space<vmem>>, vector<16xf32>,
    %broadcast_in_dim3A_11 = arith.constant 0.000000e+00 : f32
    %broadcast_in_dim3A_12 = vector.broadcast %broadcast_in_dim3A_11 : f32 to vector<16xf32>
    %swap3A_13 = arith.constant 32 : index
    %swap3A_14 = tpu.vector_load %arg9[%swap3A_13] {strides = array<i32>} : memref<640xf32, #tpu.memory_space<vmem>>, vector<16xf32>,
    %swap3A_15 = vector.shape_cast %swap3A_14 : vector<16xf32> to vector<16xf32>
    %swap3A_16 = vector.shape_cast %broadcast_in_dim3A_12 : vector<16xf32> to vector<16xf32>
    tpu.vector_store %arg9[%swap3A_13], %swap3A_16 {strides = array<i32>} : memref<640xf32, #tpu.memory_space<vmem>>, vector<16xf32>,
    %broadcast_in_dim3A_17 = arith.constant 0.000000e+00 : f32
    %broadcast_in_dim3A_18 = vector.broadcast %broadcast_in_dim3A_17 : f32 to vector<16xf32>
    %swap3A_19 = arith.constant 48 : index
    %swap3A_20 = tpu.vector_load %arg9[%swap3A_19] {strides = array<i32>} : memref<640xf32, #tpu.memory_space<vmem>>, vector<16xf32>,
    %swap3A_21 = vector.shape_cast %swap3A_20 : vector<16xf32> to vector<16xf32>
    %swap3A_22 = vector.shape_cast %broadcast_in_dim3A_18 : vector<16xf32> to vector<16xf32>
    tpu.vector_store %arg9[%swap3A_19], %swap3A_22 {strides = array<i32>} : memref<640xf32, #tpu.memory_space<vmem>>, vector<16xf32>,
    %broadcast_in_dim3A_23 = arith.constant 0.000000e+00 : f32
    %broadcast_in_dim3A_24 = vector.broadcast %broadcast_in_dim3A_23 : f32 to vector<16xf32>
    %swap3A_25 = arith.constant 64 : index
    %swap3A_26 = tpu.vector_load %arg9[%swap3A_25] {strides = array<i32>} : memref<640xf32, #tpu.memory_space<vmem>>, vector<16xf32>,
    %swap3A_27 = vector.shape_cast %swap3A_26 : vector<16xf32> to vector<16xf32>
    %swap3A_28 = vector.shape_cast %broadcast_in_dim3A_24 : vector<16xf32> to vector<16xf32>
    tpu.vector_store %arg9[%swap3A_25], %swap3A_28 {strides = array<i32>} : memref<640xf32, #tpu.memory_space<vmem>>, vector<16xf32>,
    %broadcast_in_dim3A_29 = arith.constant 0.000000e+00 : f32
    %broadcast_in_dim3A_30 = vector.broadcast %broadcast_in_dim3A_29 : f32 to vector<16xf32>
    %swap3A_31 = arith.constant 80 : index
    %swap3A_32 = tpu.vector_load %arg9[%swap3A_31] {strides = array<i32>} : memref<640xf32, #tpu.memory_space<vmem>>, vector<16xf32>,
    %swap3A_33 = vector.shape_cast %swap3A_32 : vector<16xf32> to vector<16xf32>
    %swap3A_34 = vector.shape_cast %broadcast_in_dim3A_30 : vector<16xf32> to vector<16xf32>
    tpu.vector_store %arg9[%swap3A_31], %swap3A_34 {strides = array<i32>} : memref<640xf32, #tpu.memory_space<vmem>>, vector<16xf32>,
    %broadcast_in_dim3A_35 = arith.constant 0.000000e+00 : f32
    %broadcast_in_dim3A_36 = vector.broadcast %broadcast_in_dim3A_35 : f32 to vector<16xf32>
    %swap3A_37 = arith.constant 96 : index
    %swap3A_38 = tpu.vector_load %arg9[%swap3A_37] {strides = array<i32>} : memref<640xf32, #tpu.memory_space<vmem>>, vector<16xf32>,
    %swap3A_39 = vector.shape_cast %swap3A_38 : vector<16xf32> to vector<16xf32>
    %swap3A_40 = vector.shape_cast %broadcast_in_dim3A_36 : vector<16xf32> to vector<16xf32>
    tpu.vector_store %arg9[%swap3A_37], %swap3A_40 {strides = array<i32>} : memref<640xf32, #tpu.memory_space<vmem>>, vector<16xf32>,
    %broadcast_in_dim3A_41 = arith.constant 0.000000e+00 : f32
    %broadcast_in_dim3A_42 = vector.broadcast %broadcast_in_dim3A_41 : f32 to vector<16xf32>
    %swap3A_43 = arith.constant 112 : index
    %swap3A_44 = tpu.vector_load %arg9[%swap3A_43] {strides = array<i32>} : memref<640xf32, #tpu.memory_space<vmem>>, vector<16xf32>,
    %swap3A_45 = vector.shape_cast %swap3A_44 : vector<16xf32> to vector<16xf32>
    %swap3A_46 = vector.shape_cast %broadcast_in_dim3A_42 : vector<16xf32> to vector<16xf32>
    tpu.vector_store %arg9[%swap3A_43], %swap3A_46 {strides = array<i32>} : memref<640xf32, #tpu.memory_space<vmem>>, vector<16xf32>,
    %broadcast_in_dim3A_47 = arith.constant 0.000000e+00 : f32
    %broadcast_in_dim3A_48 = vector.broadcast %broadcast_in_dim3A_47 : f32 to vector<16xf32>
    %swap3A_49 = arith.constant 128 : index
    %swap3A_50 = tpu.vector_load %arg9[%swap3A_49] {strides = array<i32>} : memref<640xf32, #tpu.memory_space<vmem>>, vector<16xf32>,
    %swap3A_51 = vector.shape_cast %swap3A_50 : vector<16xf32> to vector<16xf32>
    %swap3A_52 = vector.shape_cast %broadcast_in_dim3A_48 : vector<16xf32> to vector<16xf32>
    tpu.vector_store %arg9[%swap3A_49], %swap3A_52 {strides = array<i32>} : memref<640xf32, #tpu.memory_space<vmem>>, vector<16xf32>,
    %broadcast_in_dim3A_53 = arith.constant 0.000000e+00 : f32
    %broadcast_in_dim3A_54 = vector.broadcast %broadcast_in_dim3A_53 : f32 to vector<16xf32>
    %swap3A_55 = arith.constant 144 : index
    %swap3A_56 = tpu.vector_load %arg9[%swap3A_55] {strides = array<i32>} : memref<640xf32, #tpu.memory_space<vmem>>, vector<16xf32>,
    %swap3A_57 = vector.shape_cast %swap3A_56 : vector<16xf32> to vector<16xf32>
    %swap3A_58 = vector.shape_cast %broadcast_in_dim3A_54 : vector<16xf32> to vector<16xf32>
    tpu.vector_store %arg9[%swap3A_55], %swap3A_58 {strides = array<i32>} : memref<640xf32, #tpu.memory_space<vmem>>, vector<16xf32>,
    %broadcast_in_dim3A_59 = arith.constant 0.000000e+00 : f32
    %broadcast_in_dim3A_60 = vector.broadcast %broadcast_in_dim3A_59 : f32 to vector<16xf32>
    %swap3A_61 = arith.constant 160 : index
    %swap3A_62 = tpu.vector_load %arg9[%swap3A_61] {strides = array<i32>} : memref<640xf32, #tpu.memory_space<vmem>>, vector<16xf32>,
    %swap3A_63 = vector.shape_cast %swap3A_62 : vector<16xf32> to vector<16xf32>
    %swap3A_64 = vector.shape_cast %broadcast_in_dim3A_60 : vector<16xf32> to vector<16xf32>
    tpu.vector_store %arg9[%swap3A_61], %swap3A_64 {strides = array<i32>} : memref<640xf32, #tpu.memory_space<vmem>>, vector<16xf32>,
    %broadcast_in_dim3A_65 = arith.constant 0.000000e+00 : f32
    %broadcast_in_dim3A_66 = vector.broadcast %broadcast_in_dim3A_65 : f32 to vector<16xf32>
    %swap3A_67 = arith.constant 176 : index
    %swap3A_68 = tpu.vector_load %arg9[%swap3A_67] {strides = array<i32>} : memref<640xf32, #tpu.memory_space<vmem>>, vector<16xf32>,
    %swap3A_69 = vector.shape_cast %swap3A_68 : vector<16xf32> to vector<16xf32>
    %swap3A_70 = vector.shape_cast %broadcast_in_dim3A_66 : vector<16xf32> to vector<16xf32>
    tpu.vector_store %arg9[%swap3A_67], %swap3A_70 {strides = array<i32>} : memref<640xf32, #tpu.memory_space<vmem>>, vector<16xf32>,
    %broadcast_in_dim3A_71 = arith.constant 0.000000e+00 : f32
    %broadcast_in_dim3A_72 = vector.broadcast %broadcast_in_dim3A_71 : f32 to vector<16xf32>
    %swap3A_73 = arith.constant 192 : index
    %swap3A_74 = tpu.vector_load %arg9[%swap3A_73] {strides = array<i32>} : memref<640xf32, #tpu.memory_space<vmem>>, vector<16xf32>,
    %swap3A_75 = vector.shape_cast %swap3A_74 : vector<16xf32> to vector<16xf32>
    %swap3A_76 = vector.shape_cast %broadcast_in_dim3A_72 : vector<16xf32> to vector<16xf32>
    tpu.vector_store %arg9[%swap3A_73], %swap3A_76 {strides = array<i32>} : memref<640xf32, #tpu.memory_space<vmem>>, vector<16xf32>,
    %broadcast_in_dim3A_77 = arith.constant 0.000000e+00 : f32
    %broadcast_in_dim3A_78 = vector.broadcast %broadcast_in_dim3A_77 : f32 to vector<16xf32>
    %swap3A_79 = arith.constant 208 : index
    %swap3A_80 = tpu.vector_load %arg9[%swap3A_79] {strides = array<i32>} : memref<640xf32, #tpu.memory_space<vmem>>, vector<16xf32>,
    %swap3A_81 = vector.shape_cast %swap3A_80 : vector<16xf32> to vector<16xf32>
    %swap3A_82 = vector.shape_cast %broadcast_in_dim3A_78 : vector<16xf32> to vector<16xf32>
    tpu.vector_store %arg9[%swap3A_79], %swap3A_82 {strides = array<i32>} : memref<640xf32, #tpu.memory_space<vmem>>, vector<16xf32>,
    %broadcast_in_dim3A_83 = arith.constant 0.000000e+00 : f32
    %broadcast_in_dim3A_84 = vector.broadcast %broadcast_in_dim3A_83 : f32 to vector<16xf32>
    %swap3A_85 = arith.constant 224 : index
    %swap3A_86 = tpu.vector_load %arg9[%swap3A_85] {strides = array<i32>} : memref<640xf32, #tpu.memory_space<vmem>>, vector<16xf32>,
    %swap3A_87 = vector.shape_cast %swap3A_86 : vector<16xf32> to vector<16xf32>
    %swap3A_88 = vector.shape_cast %broadcast_in_dim3A_84 : vector<16xf32> to vector<16xf32>
    tpu.vector_store %arg9[%swap3A_85], %swap3A_88 {strides = array<i32>} : memref<640xf32, #tpu.memory_space<vmem>>, vector<16xf32>,
    %broadcast_in_dim3A_89 = arith.constant 0.000000e+00 : f32
    %broadcast_in_dim3A_90 = vector.broadcast %broadcast_in_dim3A_89 : f32 to vector<16xf32>
    %swap3A_91 = arith.constant 240 : index
    %swap3A_92 = tpu.vector_load %arg9[%swap3A_91] {strides = array<i32>} : memref<640xf32, #tpu.memory_space<vmem>>, vector<16xf32>,
    %swap3A_93 = vector.shape_cast %swap3A_92 : vector<16xf32> to vector<16xf32>
    %swap3A_94 = vector.shape_cast %broadcast_in_dim3A_90 : vector<16xf32> to vector<16xf32>
    tpu.vector_store %arg9[%swap3A_91], %swap3A_94 {strides = array<i32>} : memref<640xf32, #tpu.memory_space<vmem>>, vector<16xf32>,
    %broadcast_in_dim3A_95 = arith.constant 0.000000e+00 : f32
    %broadcast_in_dim3A_96 = vector.broadcast %broadcast_in_dim3A_95 : f32 to vector<16xf32>
    %swap3A_97 = arith.constant 256 : index
    %swap3A_98 = tpu.vector_load %arg9[%swap3A_97] {strides = array<i32>} : memref<640xf32, #tpu.memory_space<vmem>>, vector<16xf32>,
    %swap3A_99 = vector.shape_cast %swap3A_98 : vector<16xf32> to vector<16xf32>
    %swap3A_100 = vector.shape_cast %broadcast_in_dim3A_96 : vector<16xf32> to vector<16xf32>
    tpu.vector_store %arg9[%swap3A_97], %swap3A_100 {strides = array<i32>} : memref<640xf32, #tpu.memory_space<vmem>>, vector<16xf32>,
    %broadcast_in_dim3A_101 = arith.constant 0.000000e+00 : f32
    %broadcast_in_dim3A_102 = vector.broadcast %broadcast_in_dim3A_101 : f32 to vector<16xf32>
    %swap3A_103 = arith.constant 272 : index
    %swap3A_104 = tpu.vector_load %arg9[%swap3A_103] {strides = array<i32>} : memref<640xf32, #tpu.memory_space<vmem>>, vector<16xf32>,
    %swap3A_105 = vector.shape_cast %swap3A_104 : vector<16xf32> to vector<16xf32>
    %swap3A_106 = vector.shape_cast %broadcast_in_dim3A_102 : vector<16xf32> to vector<16xf32>
    tpu.vector_store %arg9[%swap3A_103], %swap3A_106 {strides = array<i32>} : memref<640xf32, #tpu.memory_space<vmem>>, vector<16xf32>,
    %broadcast_in_dim3A_107 = arith.constant 0.000000e+00 : f32
    %broadcast_in_dim3A_108 = vector.broadcast %broadcast_in_dim3A_107 : f32 to vector<16xf32>
    %swap3A_109 = arith.constant 288 : index
    %swap3A_110 = tpu.vector_load %arg9[%swap3A_109] {strides = array<i32>} : memref<640xf32, #tpu.memory_space<vmem>>, vector<16xf32>,
    %swap3A_111 = vector.shape_cast %swap3A_110 : vector<16xf32> to vector<16xf32>
    %swap3A_112 = vector.shape_cast %broadcast_in_dim3A_108 : vector<16xf32> to vector<16xf32>
    tpu.vector_store %arg9[%swap3A_109], %swap3A_112 {strides = array<i32>} : memref<640xf32, #tpu.memory_space<vmem>>, vector<16xf32>,
    %broadcast_in_dim3A_113 = arith.constant 0.000000e+00 : f32
    %broadcast_in_dim3A_114 = vector.broadcast %broadcast_in_dim3A_113 : f32 to vector<16xf32>
    %swap3A_115 = arith.constant 304 : index
    %swap3A_116 = tpu.vector_load %arg9[%swap3A_115] {strides = array<i32>} : memref<640xf32, #tpu.memory_space<vmem>>, vector<16xf32>,
    %swap3A_117 = vector.shape_cast %swap3A_116 : vector<16xf32> to vector<16xf32>
    %swap3A_118 = vector.shape_cast %broadcast_in_dim3A_114 : vector<16xf32> to vector<16xf32>
    tpu.vector_store %arg9[%swap3A_115], %swap3A_118 {strides = array<i32>} : memref<640xf32, #tpu.memory_space<vmem>>, vector<16xf32>,
    %broadcast_in_dim3A_119 = arith.constant 0.000000e+00 : f32
    %broadcast_in_dim3A_120 = vector.broadcast %broadcast_in_dim3A_119 : f32 to vector<16xf32>
    %swap3A_121 = arith.constant 320 : index
    %swap3A_122 = tpu.vector_load %arg9[%swap3A_121] {strides = array<i32>} : memref<640xf32, #tpu.memory_space<vmem>>, vector<16xf32>,
    %swap3A_123 = vector.shape_cast %swap3A_122 : vector<16xf32> to vector<16xf32>
    %swap3A_124 = vector.shape_cast %broadcast_in_dim3A_120 : vector<16xf32> to vector<16xf32>
    tpu.vector_store %arg9[%swap3A_121], %swap3A_124 {strides = array<i32>} : memref<640xf32, #tpu.memory_space<vmem>>, vector<16xf32>,
    %broadcast_in_dim3A_125 = arith.constant 0.000000e+00 : f32
    %broadcast_in_dim3A_126 = vector.broadcast %broadcast_in_dim3A_125 : f32 to vector<16xf32>
    %swap3A_127 = arith.constant 336 : index
    %swap3A_128 = tpu.vector_load %arg9[%swap3A_127] {strides = array<i32>} : memref<640xf32, #tpu.memory_space<vmem>>, vector<16xf32>,
    %swap3A_129 = vector.shape_cast %swap3A_128 : vector<16xf32> to vector<16xf32>
    %swap3A_130 = vector.shape_cast %broadcast_in_dim3A_126 : vector<16xf32> to vector<16xf32>
    tpu.vector_store %arg9[%swap3A_127], %swap3A_130 {strides = array<i32>} : memref<640xf32, #tpu.memory_space<vmem>>, vector<16xf32>,
    %broadcast_in_dim3A_131 = arith.constant 0.000000e+00 : f32
    %broadcast_in_dim3A_132 = vector.broadcast %broadcast_in_dim3A_131 : f32 to vector<16xf32>
    %swap3A_133 = arith.constant 352 : index
    %swap3A_134 = tpu.vector_load %arg9[%swap3A_133] {strides = array<i32>} : memref<640xf32, #tpu.memory_space<vmem>>, vector<16xf32>,
    %swap3A_135 = vector.shape_cast %swap3A_134 : vector<16xf32> to vector<16xf32>
    %swap3A_136 = vector.shape_cast %broadcast_in_dim3A_132 : vector<16xf32> to vector<16xf32>
    tpu.vector_store %arg9[%swap3A_133], %swap3A_136 {strides = array<i32>} : memref<640xf32, #tpu.memory_space<vmem>>, vector<16xf32>,
    %broadcast_in_dim3A_137 = arith.constant 0.000000e+00 : f32
    %broadcast_in_dim3A_138 = vector.broadcast %broadcast_in_dim3A_137 : f32 to vector<16xf32>
    %swap3A_139 = arith.constant 368 : index
    %swap3A_140 = tpu.vector_load %arg9[%swap3A_139] {strides = array<i32>} : memref<640xf32, #tpu.memory_space<vmem>>, vector<16xf32>,
    %swap3A_141 = vector.shape_cast %swap3A_140 : vector<16xf32> to vector<16xf32>
    %swap3A_142 = vector.shape_cast %broadcast_in_dim3A_138 : vector<16xf32> to vector<16xf32>
    tpu.vector_store %arg9[%swap3A_139], %swap3A_142 {strides = array<i32>} : memref<640xf32, #tpu.memory_space<vmem>>, vector<16xf32>,
    %broadcast_in_dim3A_143 = arith.constant 0.000000e+00 : f32
    %broadcast_in_dim3A_144 = vector.broadcast %broadcast_in_dim3A_143 : f32 to vector<16xf32>
    %swap3A_145 = arith.constant 384 : index
    %swap3A_146 = tpu.vector_load %arg9[%swap3A_145] {strides = array<i32>} : memref<640xf32, #tpu.memory_space<vmem>>, vector<16xf32>,
    %swap3A_147 = vector.shape_cast %swap3A_146 : vector<16xf32> to vector<16xf32>
    %swap3A_148 = vector.shape_cast %broadcast_in_dim3A_144 : vector<16xf32> to vector<16xf32>
    tpu.vector_store %arg9[%swap3A_145], %swap3A_148 {strides = array<i32>} : memref<640xf32, #tpu.memory_space<vmem>>, vector<16xf32>,
    %broadcast_in_dim3A_149 = arith.constant 0.000000e+00 : f32
    %broadcast_in_dim3A_150 = vector.broadcast %broadcast_in_dim3A_149 : f32 to vector<16xf32>
    %swap3A_151 = arith.constant 400 : index
    %swap3A_152 = tpu.vector_load %arg9[%swap3A_151] {strides = array<i32>} : memref<640xf32, #tpu.memory_space<vmem>>, vector<16xf32>,
    %swap3A_153 = vector.shape_cast %swap3A_152 : vector<16xf32> to vector<16xf32>
    %swap3A_154 = vector.shape_cast %broadcast_in_dim3A_150 : vector<16xf32> to vector<16xf32>
    tpu.vector_store %arg9[%swap3A_151], %swap3A_154 {strides = array<i32>} : memref<640xf32, #tpu.memory_space<vmem>>, vector<16xf32>,
    %broadcast_in_dim3A_155 = arith.constant 0.000000e+00 : f32
    %broadcast_in_dim3A_156 = vector.broadcast %broadcast_in_dim3A_155 : f32 to vector<16xf32>
    %swap3A_157 = arith.constant 416 : index
    %swap3A_158 = tpu.vector_load %arg9[%swap3A_157] {strides = array<i32>} : memref<640xf32, #tpu.memory_space<vmem>>, vector<16xf32>,
    %swap3A_159 = vector.shape_cast %swap3A_158 : vector<16xf32> to vector<16xf32>
    %swap3A_160 = vector.shape_cast %broadcast_in_dim3A_156 : vector<16xf32> to vector<16xf32>
    tpu.vector_store %arg9[%swap3A_157], %swap3A_160 {strides = array<i32>} : memref<640xf32, #tpu.memory_space<vmem>>, vector<16xf32>,
    %broadcast_in_dim3A_161 = arith.constant 0.000000e+00 : f32
    %broadcast_in_dim3A_162 = vector.broadcast %broadcast_in_dim3A_161 : f32 to vector<16xf32>
    %swap3A_163 = arith.constant 432 : index
    %swap3A_164 = tpu.vector_load %arg9[%swap3A_163] {strides = array<i32>} : memref<640xf32, #tpu.memory_space<vmem>>, vector<16xf32>,
    %swap3A_165 = vector.shape_cast %swap3A_164 : vector<16xf32> to vector<16xf32>
    %swap3A_166 = vector.shape_cast %broadcast_in_dim3A_162 : vector<16xf32> to vector<16xf32>
    tpu.vector_store %arg9[%swap3A_163], %swap3A_166 {strides = array<i32>} : memref<640xf32, #tpu.memory_space<vmem>>, vector<16xf32>,
    %broadcast_in_dim3A_167 = arith.constant 0.000000e+00 : f32
    %broadcast_in_dim3A_168 = vector.broadcast %broadcast_in_dim3A_167 : f32 to vector<16xf32>
    %swap3A_169 = arith.constant 448 : index
    %swap3A_170 = tpu.vector_load %arg9[%swap3A_169] {strides = array<i32>} : memref<640xf32, #tpu.memory_space<vmem>>, vector<16xf32>,
    %swap3A_171 = vector.shape_cast %swap3A_170 : vector<16xf32> to vector<16xf32>
    %swap3A_172 = vector.shape_cast %broadcast_in_dim3A_168 : vector<16xf32> to vector<16xf32>
    tpu.vector_store %arg9[%swap3A_169], %swap3A_172 {strides = array<i32>} : memref<640xf32, #tpu.memory_space<vmem>>, vector<16xf32>,
    %broadcast_in_dim3A_173 = arith.constant 0.000000e+00 : f32
    %broadcast_in_dim3A_174 = vector.broadcast %broadcast_in_dim3A_173 : f32 to vector<16xf32>
    %swap3A_175 = arith.constant 464 : index
    %swap3A_176 = tpu.vector_load %arg9[%swap3A_175] {strides = array<i32>} : memref<640xf32, #tpu.memory_space<vmem>>, vector<16xf32>,
    %swap3A_177 = vector.shape_cast %swap3A_176 : vector<16xf32> to vector<16xf32>
    %swap3A_178 = vector.shape_cast %broadcast_in_dim3A_174 : vector<16xf32> to vector<16xf32>
    tpu.vector_store %arg9[%swap3A_175], %swap3A_178 {strides = array<i32>} : memref<640xf32, #tpu.memory_space<vmem>>, vector<16xf32>,
    %broadcast_in_dim3A_179 = arith.constant 0.000000e+00 : f32
    %broadcast_in_dim3A_180 = vector.broadcast %broadcast_in_dim3A_179 : f32 to vector<16xf32>
    %swap3A_181 = arith.constant 480 : index
    %swap3A_182 = tpu.vector_load %arg9[%swap3A_181] {strides = array<i32>} : memref<640xf32, #tpu.memory_space<vmem>>, vector<16xf32>,
    %swap3A_183 = vector.shape_cast %swap3A_182 : vector<16xf32> to vector<16xf32>
    %swap3A_184 = vector.shape_cast %broadcast_in_dim3A_180 : vector<16xf32> to vector<16xf32>
    tpu.vector_store %arg9[%swap3A_181], %swap3A_184 {strides = array<i32>} : memref<640xf32, #tpu.memory_space<vmem>>, vector<16xf32>,
    %broadcast_in_dim3A_185 = arith.constant 0.000000e+00 : f32
    %broadcast_in_dim3A_186 = vector.broadcast %broadcast_in_dim3A_185 : f32 to vector<16xf32>
    %swap3A_187 = arith.constant 496 : index
    %swap3A_188 = tpu.vector_load %arg9[%swap3A_187] {strides = array<i32>} : memref<640xf32, #tpu.memory_space<vmem>>, vector<16xf32>,
    %swap3A_189 = vector.shape_cast %swap3A_188 : vector<16xf32> to vector<16xf32>
    %swap3A_190 = vector.shape_cast %broadcast_in_dim3A_186 : vector<16xf32> to vector<16xf32>
    tpu.vector_store %arg9[%swap3A_187], %swap3A_190 {strides = array<i32>} : memref<640xf32, #tpu.memory_space<vmem>>, vector<16xf32>,
    %broadcast_in_dim3A_191 = arith.constant 0.000000e+00 : f32
    %broadcast_in_dim3A_192 = vector.broadcast %broadcast_in_dim3A_191 : f32 to vector<16xf32>
    %swap3A_193 = arith.constant 512 : index
    %swap3A_194 = tpu.vector_load %arg9[%swap3A_193] {strides = array<i32>} : memref<640xf32, #tpu.memory_space<vmem>>, vector<16xf32>,
    %swap3A_195 = vector.shape_cast %swap3A_194 : vector<16xf32> to vector<16xf32>
    %swap3A_196 = vector.shape_cast %broadcast_in_dim3A_192 : vector<16xf32> to vector<16xf32>
    tpu.vector_store %arg9[%swap3A_193], %swap3A_196 {strides = array<i32>} : memref<640xf32, #tpu.memory_space<vmem>>, vector<16xf32>,
    %broadcast_in_dim3A_197 = arith.constant 0.000000e+00 : f32
    %broadcast_in_dim3A_198 = vector.broadcast %broadcast_in_dim3A_197 : f32 to vector<16xf32>
    %swap3A_199 = arith.constant 528 : index
    %swap3A_200 = tpu.vector_load %arg9[%swap3A_199] {strides = array<i32>} : memref<640xf32, #tpu.memory_space<vmem>>, vector<16xf32>,
    %swap3A_201 = vector.shape_cast %swap3A_200 : vector<16xf32> to vector<16xf32>
    %swap3A_202 = vector.shape_cast %broadcast_in_dim3A_198 : vector<16xf32> to vector<16xf32>
    tpu.vector_store %arg9[%swap3A_199], %swap3A_202 {strides = array<i32>} : memref<640xf32, #tpu.memory_space<vmem>>, vector<16xf32>,
    %broadcast_in_dim3A_203 = arith.constant 0.000000e+00 : f32
    %broadcast_in_dim3A_204 = vector.broadcast %broadcast_in_dim3A_203 : f32 to vector<16xf32>
    %swap3A_205 = arith.constant 544 : index
    %swap3A_206 = tpu.vector_load %arg9[%swap3A_205] {strides = array<i32>} : memref<640xf32, #tpu.memory_space<vmem>>, vector<16xf32>,
    %swap3A_207 = vector.shape_cast %swap3A_206 : vector<16xf32> to vector<16xf32>
    %swap3A_208 = vector.shape_cast %broadcast_in_dim3A_204 : vector<16xf32> to vector<16xf32>
    tpu.vector_store %arg9[%swap3A_205], %swap3A_208 {strides = array<i32>} : memref<640xf32, #tpu.memory_space<vmem>>, vector<16xf32>,
    %broadcast_in_dim3A_209 = arith.constant 0.000000e+00 : f32
    %broadcast_in_dim3A_210 = vector.broadcast %broadcast_in_dim3A_209 : f32 to vector<16xf32>
    %swap3A_211 = arith.constant 560 : index
    %swap3A_212 = tpu.vector_load %arg9[%swap3A_211] {strides = array<i32>} : memref<640xf32, #tpu.memory_space<vmem>>, vector<16xf32>,
    %swap3A_213 = vector.shape_cast %swap3A_212 : vector<16xf32> to vector<16xf32>
    %swap3A_214 = vector.shape_cast %broadcast_in_dim3A_210 : vector<16xf32> to vector<16xf32>
    tpu.vector_store %arg9[%swap3A_211], %swap3A_214 {strides = array<i32>} : memref<640xf32, #tpu.memory_space<vmem>>, vector<16xf32>,
    %broadcast_in_dim3A_215 = arith.constant 0.000000e+00 : f32
    %broadcast_in_dim3A_216 = vector.broadcast %broadcast_in_dim3A_215 : f32 to vector<16xf32>
    %swap3A_217 = arith.constant 576 : index
    %swap3A_218 = tpu.vector_load %arg9[%swap3A_217] {strides = array<i32>} : memref<640xf32, #tpu.memory_space<vmem>>, vector<16xf32>,
    %swap3A_219 = vector.shape_cast %swap3A_218 : vector<16xf32> to vector<16xf32>
    %swap3A_220 = vector.shape_cast %broadcast_in_dim3A_216 : vector<16xf32> to vector<16xf32>
    tpu.vector_store %arg9[%swap3A_217], %swap3A_220 {strides = array<i32>} : memref<640xf32, #tpu.memory_space<vmem>>, vector<16xf32>,
    %broadcast_in_dim3A_221 = arith.constant 0.000000e+00 : f32
    %broadcast_in_dim3A_222 = vector.broadcast %broadcast_in_dim3A_221 : f32 to vector<16xf32>
    %swap3A_223 = arith.constant 592 : index
    %swap3A_224 = tpu.vector_load %arg9[%swap3A_223] {strides = array<i32>} : memref<640xf32, #tpu.memory_space<vmem>>, vector<16xf32>,
    %swap3A_225 = vector.shape_cast %swap3A_224 : vector<16xf32> to vector<16xf32>
    %swap3A_226 = vector.shape_cast %broadcast_in_dim3A_222 : vector<16xf32> to vector<16xf32>
    tpu.vector_store %arg9[%swap3A_223], %swap3A_226 {strides = array<i32>} : memref<640xf32, #tpu.memory_space<vmem>>, vector<16xf32>,
    %broadcast_in_dim3A_227 = arith.constant 0.000000e+00 : f32
    %broadcast_in_dim3A_228 = vector.broadcast %broadcast_in_dim3A_227 : f32 to vector<16xf32>
    %swap3A_229 = arith.constant 608 : index
    %swap3A_230 = tpu.vector_load %arg9[%swap3A_229] {strides = array<i32>} : memref<640xf32, #tpu.memory_space<vmem>>, vector<16xf32>,
    %swap3A_231 = vector.shape_cast %swap3A_230 : vector<16xf32> to vector<16xf32>
    %swap3A_232 = vector.shape_cast %broadcast_in_dim3A_228 : vector<16xf32> to vector<16xf32>
    tpu.vector_store %arg9[%swap3A_229], %swap3A_232 {strides = array<i32>} : memref<640xf32, #tpu.memory_space<vmem>>, vector<16xf32>,
    %broadcast_in_dim3A_233 = arith.constant 0.000000e+00 : f32
    %broadcast_in_dim3A_234 = vector.broadcast %broadcast_in_dim3A_233 : f32 to vector<16xf32>
    %swap3A_235 = arith.constant 624 : index
    %swap3A_236 = tpu.vector_load %arg9[%swap3A_235] {strides = array<i32>} : memref<640xf32, #tpu.memory_space<vmem>>, vector<16xf32>,
    %swap3A_237 = vector.shape_cast %swap3A_236 : vector<16xf32> to vector<16xf32>
    %swap3A_238 = vector.shape_cast %broadcast_in_dim3A_234 : vector<16xf32> to vector<16xf32>
    tpu.vector_store %arg9[%swap3A_235], %swap3A_238 {strides = array<i32>} : memref<640xf32, #tpu.memory_space<vmem>>, vector<16xf32>,
    %mul3A_239 = arith.constant 640 : i32
    %mul3A_240 = arith.muli %arg1, %mul3A_239 : i32
    "tpu.region"() ({
      %run_scoped3A = tpu.sem_alloc : memref<!tpu.dma_semaphore, #tpu.memory_space<semaphore_mem>>
      %dma_start3A = tpu.memref_slice %arg10[%mul3A_240] : memref<10240xf32, #tpu.memory_space<vmem_shared>> -> memref<640xf32, #tpu.memory_space<vmem_shared>>
      %dma_start3A_293 = tpu.memref_slice %arg10[%mul3A_240] : memref<10240xf32, #tpu.memory_space<vmem_shared>> -> memref<640xf32, #tpu.memory_space<vmem_shared>>
      tpu.enqueue_dma source(%arg9 : memref<640xf32, #tpu.memory_space<vmem>>) target(%dma_start3A_293 : memref<640xf32, #tpu.memory_space<vmem_shared>>) target_semaphore(%run_scoped3A : memref<!tpu.dma_semaphore, #tpu.memory_space<semaphore_mem>>)
      %dma_wait3A = tpu.memref_slice %arg10[%mul3A_240] : memref<10240xf32, #tpu.memory_space<vmem_shared>> -> memref<640xf32, #tpu.memory_space<vmem_shared>>
      %dma_wait3A_294 = tpu.memref_slice %arg10[%mul3A_240] : memref<10240xf32, #tpu.memory_space<vmem_shared>> -> memref<640xf32, #tpu.memory_space<vmem_shared>>
      tpu.wait_dma2 semaphore(%run_scoped3A : memref<!tpu.dma_semaphore, #tpu.memory_space<semaphore_mem>>) src(%arg9 : memref<640xf32, #tpu.memory_space<vmem>>) dst(%dma_wait3A_294 : memref<640xf32, #tpu.memory_space<vmem_shared>>)
      tpu.yield
    }) : () -> ()
    %mul3A_241 = arith.constant 640 : i32
    %mul3A_242 = arith.muli %arg1, %mul3A_241 : i32
    "tpu.region"() ({
      %run_scoped3A = tpu.sem_alloc : memref<!tpu.dma_semaphore, #tpu.memory_space<semaphore_mem>>
      %dma_start3A = tpu.memref_slice %arg11[%mul3A_242] : memref<10240xf32, #tpu.memory_space<vmem_shared>> -> memref<640xf32, #tpu.memory_space<vmem_shared>>
      %dma_start3A_293 = tpu.memref_slice %arg11[%mul3A_242] : memref<10240xf32, #tpu.memory_space<vmem_shared>> -> memref<640xf32, #tpu.memory_space<vmem_shared>>
      tpu.enqueue_dma source(%arg9 : memref<640xf32, #tpu.memory_space<vmem>>) target(%dma_start3A_293 : memref<640xf32, #tpu.memory_space<vmem_shared>>) target_semaphore(%run_scoped3A : memref<!tpu.dma_semaphore, #tpu.memory_space<semaphore_mem>>)
      %dma_wait3A = tpu.memref_slice %arg11[%mul3A_242] : memref<10240xf32, #tpu.memory_space<vmem_shared>> -> memref<640xf32, #tpu.memory_space<vmem_shared>>
      %dma_wait3A_294 = tpu.memref_slice %arg11[%mul3A_242] : memref<10240xf32, #tpu.memory_space<vmem_shared>> -> memref<640xf32, #tpu.memory_space<vmem_shared>>
      tpu.wait_dma2 semaphore(%run_scoped3A : memref<!tpu.dma_semaphore, #tpu.memory_space<semaphore_mem>>) src(%arg9 : memref<640xf32, #tpu.memory_space<vmem>>) dst(%dma_wait3A_294 : memref<640xf32, #tpu.memory_space<vmem_shared>>)
      tpu.yield
    }) : () -> ()
    "tpu.region"() ({
      %run_scoped3A = tpu.sem_alloc : memref<!tpu.dma_semaphore, #tpu.memory_space<semaphore_mem>>
      %dma_start3A = arith.constant 0 : i32
      %dma_start3A_293 = arith.constant 0 : i32
      %dma_start3A_294 = tpu.memref_slice %arg2[%add3A, %dma_start3A, %dma_start3A_293] : memref<32x125x80xi32, #tpu.memory_space<hbm>> -> memref<1x125x80xi32, #tpu.memory_space<hbm>>
      %dma_start3A_295 = tpu.memref_squeeze %dma_start3A_294 : memref<1x125x80xi32, #tpu.memory_space<hbm>> -> memref<125x80xi32, #tpu.memory_space<hbm>>
      %dma_start3A_296 = arith.constant 0 : i32
      %dma_start3A_297 = arith.constant 0 : i32
      %dma_start3A_298 = tpu.memref_slice %arg2[%add3A, %dma_start3A_296, %dma_start3A_297] : memref<32x125x80xi32, #tpu.memory_space<hbm>> -> memref<1x125x80xi32, #tpu.memory_space<hbm>>
      %dma_start3A_299 = tpu.memref_squeeze %dma_start3A_298 : memref<1x125x80xi32, #tpu.memory_space<hbm>> -> memref<125x80xi32, #tpu.memory_space<hbm>>
      tpu.enqueue_dma source(%dma_start3A_299 : memref<125x80xi32, #tpu.memory_space<hbm>>) target(%arg6 : memref<125x80xi32, #tpu.memory_space<vmem>>) target_semaphore(%run_scoped3A : memref<!tpu.dma_semaphore, #tpu.memory_space<semaphore_mem>>)
      %dma_wait3A = arith.constant 0 : i32
      %dma_wait3A_300 = arith.constant 0 : i32
      %dma_wait3A_301 = tpu.memref_slice %arg2[%add3A, %dma_wait3A, %dma_wait3A_300] : memref<32x125x80xi32, #tpu.memory_space<hbm>> -> memref<1x125x80xi32, #tpu.memory_space<hbm>>
      %dma_wait3A_302 = tpu.memref_squeeze %dma_wait3A_301 : memref<1x125x80xi32, #tpu.memory_space<hbm>> -> memref<125x80xi32, #tpu.memory_space<hbm>>
      %dma_wait3A_303 = arith.constant 0 : i32
      %dma_wait3A_304 = arith.constant 0 : i32
      %dma_wait3A_305 = tpu.memref_slice %arg2[%add3A, %dma_wait3A_303, %dma_wait3A_304] : memref<32x125x80xi32, #tpu.memory_space<hbm>> -> memref<1x125x80xi32, #tpu.memory_space<hbm>>
      %dma_wait3A_306 = tpu.memref_squeeze %dma_wait3A_305 : memref<1x125x80xi32, #tpu.memory_space<hbm>> -> memref<125x80xi32, #tpu.memory_space<hbm>>
      tpu.wait_dma2 semaphore(%run_scoped3A : memref<!tpu.dma_semaphore, #tpu.memory_space<semaphore_mem>>) src(%dma_wait3A_306 : memref<125x80xi32, #tpu.memory_space<hbm>>) dst(%arg6 : memref<125x80xi32, #tpu.memory_space<vmem>>)
      tpu.yield
    }) : () -> ()
    "tpu.region"() ({
      %run_scoped3A = tpu.sem_alloc : memref<!tpu.dma_semaphore, #tpu.memory_space<semaphore_mem>>
      %dma_start3A = arith.constant 0 : i32
      %dma_start3A_293 = arith.constant 0 : i32
      %dma_start3A_294 = tpu.memref_slice %arg3[%add3A, %dma_start3A, %dma_start3A_293] : memref<32x125x80xi32, #tpu.memory_space<hbm>> -> memref<1x125x80xi32, #tpu.memory_space<hbm>>
      %dma_start3A_295 = tpu.memref_squeeze %dma_start3A_294 : memref<1x125x80xi32, #tpu.memory_space<hbm>> -> memref<125x80xi32, #tpu.memory_space<hbm>>
      %dma_start3A_296 = arith.constant 0 : i32
      %dma_start3A_297 = arith.constant 0 : i32
      %dma_start3A_298 = tpu.memref_slice %arg3[%add3A, %dma_start3A_296, %dma_start3A_297] : memref<32x125x80xi32, #tpu.memory_space<hbm>> -> memref<1x125x80xi32, #tpu.memory_space<hbm>>
      %dma_start3A_299 = tpu.memref_squeeze %dma_start3A_298 : memref<1x125x80xi32, #tpu.memory_space<hbm>> -> memref<125x80xi32, #tpu.memory_space<hbm>>
      tpu.enqueue_dma source(%dma_start3A_299 : memref<125x80xi32, #tpu.memory_space<hbm>>) target(%arg7 : memref<125x80xi32, #tpu.memory_space<vmem>>) target_semaphore(%run_scoped3A : memref<!tpu.dma_semaphore, #tpu.memory_space<semaphore_mem>>)
      %dma_wait3A = arith.constant 0 : i32
      %dma_wait3A_300 = arith.constant 0 : i32
      %dma_wait3A_301 = tpu.memref_slice %arg3[%add3A, %dma_wait3A, %dma_wait3A_300] : memref<32x125x80xi32, #tpu.memory_space<hbm>> -> memref<1x125x80xi32, #tpu.memory_space<hbm>>
      %dma_wait3A_302 = tpu.memref_squeeze %dma_wait3A_301 : memref<1x125x80xi32, #tpu.memory_space<hbm>> -> memref<125x80xi32, #tpu.memory_space<hbm>>
      %dma_wait3A_303 = arith.constant 0 : i32
      %dma_wait3A_304 = arith.constant 0 : i32
      %dma_wait3A_305 = tpu.memref_slice %arg3[%add3A, %dma_wait3A_303, %dma_wait3A_304] : memref<32x125x80xi32, #tpu.memory_space<hbm>> -> memref<1x125x80xi32, #tpu.memory_space<hbm>>
      %dma_wait3A_306 = tpu.memref_squeeze %dma_wait3A_305 : memref<1x125x80xi32, #tpu.memory_space<hbm>> -> memref<125x80xi32, #tpu.memory_space<hbm>>
      tpu.wait_dma2 semaphore(%run_scoped3A : memref<!tpu.dma_semaphore, #tpu.memory_space<semaphore_mem>>) src(%dma_wait3A_306 : memref<125x80xi32, #tpu.memory_space<hbm>>) dst(%arg7 : memref<125x80xi32, #tpu.memory_space<vmem>>)
      tpu.yield
    }) : () -> ()
    %broadcast_in_dim3A_243 = arith.constant 1.000000e+00 : f32
    %broadcast_in_dim3A_244 = vector.broadcast %broadcast_in_dim3A_243 : f32 to vector<16xf32>
    %swap3A_245 = arith.constant 0 : index
    %swap3A_246 = tpu.vector_load %arg8[%swap3A_245] {strides = array<i32>} : memref<80xf32, #tpu.memory_space<vmem>>, vector<16xf32>,
    %swap3A_247 = vector.shape_cast %swap3A_246 : vector<16xf32> to vector<16xf32>
    %swap3A_248 = vector.shape_cast %broadcast_in_dim3A_244 : vector<16xf32> to vector<16xf32>
    tpu.vector_store %arg8[%swap3A_245], %swap3A_248 {strides = array<i32>} : memref<80xf32, #tpu.memory_space<vmem>>, vector<16xf32>,
    %broadcast_in_dim3A_249 = arith.constant 1.000000e+00 : f32
    %broadcast_in_dim3A_250 = vector.broadcast %broadcast_in_dim3A_249 : f32 to vector<16xf32>
    %swap3A_251 = arith.constant 16 : index
    %swap3A_252 = tpu.vector_load %arg8[%swap3A_251] {strides = array<i32>} : memref<80xf32, #tpu.memory_space<vmem>>, vector<16xf32>,
    %swap3A_253 = vector.shape_cast %swap3A_252 : vector<16xf32> to vector<16xf32>
    %swap3A_254 = vector.shape_cast %broadcast_in_dim3A_250 : vector<16xf32> to vector<16xf32>
    tpu.vector_store %arg8[%swap3A_251], %swap3A_254 {strides = array<i32>} : memref<80xf32, #tpu.memory_space<vmem>>, vector<16xf32>,
    %broadcast_in_dim3A_255 = arith.constant 1.000000e+00 : f32
    %broadcast_in_dim3A_256 = vector.broadcast %broadcast_in_dim3A_255 : f32 to vector<16xf32>
    %swap3A_257 = arith.constant 32 : index
    %swap3A_258 = tpu.vector_load %arg8[%swap3A_257] {strides = array<i32>} : memref<80xf32, #tpu.memory_space<vmem>>, vector<16xf32>,
    %swap3A_259 = vector.shape_cast %swap3A_258 : vector<16xf32> to vector<16xf32>
    %swap3A_260 = vector.shape_cast %broadcast_in_dim3A_256 : vector<16xf32> to vector<16xf32>
    tpu.vector_store %arg8[%swap3A_257], %swap3A_260 {strides = array<i32>} : memref<80xf32, #tpu.memory_space<vmem>>, vector<16xf32>,
    %broadcast_in_dim3A_261 = arith.constant 1.000000e+00 : f32
    %broadcast_in_dim3A_262 = vector.broadcast %broadcast_in_dim3A_261 : f32 to vector<16xf32>
    %swap3A_263 = arith.constant 48 : index
    %swap3A_264 = tpu.vector_load %arg8[%swap3A_263] {strides = array<i32>} : memref<80xf32, #tpu.memory_space<vmem>>, vector<16xf32>,
    %swap3A_265 = vector.shape_cast %swap3A_264 : vector<16xf32> to vector<16xf32>
    %swap3A_266 = vector.shape_cast %broadcast_in_dim3A_262 : vector<16xf32> to vector<16xf32>
    tpu.vector_store %arg8[%swap3A_263], %swap3A_266 {strides = array<i32>} : memref<80xf32, #tpu.memory_space<vmem>>, vector<16xf32>,
    %broadcast_in_dim3A_267 = arith.constant 1.000000e+00 : f32
    %broadcast_in_dim3A_268 = vector.broadcast %broadcast_in_dim3A_267 : f32 to vector<16xf32>
    %swap3A_269 = arith.constant 64 : index
    %swap3A_270 = tpu.vector_load %arg8[%swap3A_269] {strides = array<i32>} : memref<80xf32, #tpu.memory_space<vmem>>, vector<16xf32>,
    %swap3A_271 = vector.shape_cast %swap3A_270 : vector<16xf32> to vector<16xf32>
    %swap3A_272 = vector.shape_cast %broadcast_in_dim3A_268 : vector<16xf32> to vector<16xf32>
    tpu.vector_store %arg8[%swap3A_269], %swap3A_272 {strides = array<i32>} : memref<80xf32, #tpu.memory_space<vmem>>, vector<16xf32>,
    %barrier3A = arith.constant 0 : index
    tpu.barrier barrier_id(%barrier3A)
    %scan3A = arith.constant 0 : i32
    %scan3A_273 = arith.constant 0 : i32
    %scan3A_274 = arith.constant 125 : i32
    %scan3A_275 = arith.addi %scan3A_273, %scan3A_274 : i32
    %scan3A_276 = arith.constant 1 : i32
    scf.for %scan3A_293 = %scan3A_273 to %scan3A_275 step %scan3A_276  : i32 {
      "tpu.region"() ({
        %run_scoped3A = tpu.sem_alloc : memref<!tpu.dma_semaphore, #tpu.memory_space<semaphore_mem>>
        %dma_start3A = arith.constant 0 : i32
        %dma_start3A_294 = tpu.memref_slice %arg7[%scan3A_293, %dma_start3A] : memref<125x80xi32, #tpu.memory_space<vmem>> -> memref<1x80xi32, #tpu.memory_space<vmem>>
        %dma_start3A_295 = tpu.memref_squeeze %dma_start3A_294 : memref<1x80xi32, #tpu.memory_space<vmem>> -> memref<80xi32, #tpu.memory_space<vmem>>
        %dma_start3A_296 = arith.constant 0 : i32
        %dma_start3A_297 = tpu.memref_slice %arg10[%dma_start3A_296] : memref<10240xf32, #tpu.memory_space<vmem_shared>> -> memref<10240xf32, #tpu.memory_space<vmem_shared>>
        tpu.enqueue_indirect_dma source(%arg8 : memref<80xf32, #tpu.memory_space<vmem>>) target(%dma_start3A_297 : memref<10240xf32, #tpu.memory_space<vmem_shared>>) offsets(%dma_start3A_295 : memref<80xi32, #tpu.memory_space<vmem>>) semaphore(%run_scoped3A : memref<!tpu.dma_semaphore, #tpu.memory_space<semaphore_mem>>) {add = true}
        %dma_wait3A = arith.constant 0 : i32
        %dma_wait3A_298 = tpu.memref_slice %arg7[%scan3A_293, %dma_wait3A] : memref<125x80xi32, #tpu.memory_space<vmem>> -> memref<1x80xi32, #tpu.memory_space<vmem>>
        %dma_wait3A_299 = tpu.memref_squeeze %dma_wait3A_298 : memref<1x80xi32, #tpu.memory_space<vmem>> -> memref<80xi32, #tpu.memory_space<vmem>>
        %dma_wait3A_300 = arith.constant 0 : i32
        %dma_wait3A_301 = tpu.memref_slice %arg10[%dma_wait3A_300] : memref<10240xf32, #tpu.memory_space<vmem_shared>> -> memref<10240xf32, #tpu.memory_space<vmem_shared>>
        tpu.wait_indirect_dma semaphore(%run_scoped3A : memref<!tpu.dma_semaphore, #tpu.memory_space<semaphore_mem>>) src(%arg8 : memref<80xf32, #tpu.memory_space<vmem>>) dst(%dma_wait3A_301 : memref<10240xf32, #tpu.memory_space<vmem_shared>>)
        tpu.yield
      }) : () -> ()
      "tpu.region"() ({
        %run_scoped3A = tpu.sem_alloc : memref<!tpu.dma_semaphore, #tpu.memory_space<semaphore_mem>>
        %dma_start3A = arith.constant 0 : i32
        %dma_start3A_294 = tpu.memref_slice %arg6[%scan3A_293, %dma_start3A] : memref<125x80xi32, #tpu.memory_space<vmem>> -> memref<1x80xi32, #tpu.memory_space<vmem>>
        %dma_start3A_295 = tpu.memref_squeeze %dma_start3A_294 : memref<1x80xi32, #tpu.memory_space<vmem>> -> memref<80xi32, #tpu.memory_space<vmem>>
        %dma_start3A_296 = arith.constant 0 : i32
        %dma_start3A_297 = tpu.memref_slice %arg11[%dma_start3A_296] : memref<10240xf32, #tpu.memory_space<vmem_shared>> -> memref<10240xf32, #tpu.memory_space<vmem_shared>>
        tpu.enqueue_indirect_dma source(%arg8 : memref<80xf32, #tpu.memory_space<vmem>>) target(%dma_start3A_297 : memref<10240xf32, #tpu.memory_space<vmem_shared>>) offsets(%dma_start3A_295 : memref<80xi32, #tpu.memory_space<vmem>>) semaphore(%run_scoped3A : memref<!tpu.dma_semaphore, #tpu.memory_space<semaphore_mem>>) {add = true}
        %dma_wait3A = arith.constant 0 : i32
        %dma_wait3A_298 = tpu.memref_slice %arg6[%scan3A_293, %dma_wait3A] : memref<125x80xi32, #tpu.memory_space<vmem>> -> memref<1x80xi32, #tpu.memory_space<vmem>>
        %dma_wait3A_299 = tpu.memref_squeeze %dma_wait3A_298 : memref<1x80xi32, #tpu.memory_space<vmem>> -> memref<80xi32, #tpu.memory_space<vmem>>
        %dma_wait3A_300 = arith.constant 0 : i32
        %dma_wait3A_301 = tpu.memref_slice %arg11[%dma_wait3A_300] : memref<10240xf32, #tpu.memory_space<vmem_shared>> -> memref<10240xf32, #tpu.memory_space<vmem_shared>>
        tpu.wait_indirect_dma semaphore(%run_scoped3A : memref<!tpu.dma_semaphore, #tpu.memory_space<semaphore_mem>>) src(%arg8 : memref<80xf32, #tpu.memory_space<vmem>>) dst(%dma_wait3A_301 : memref<10240xf32, #tpu.memory_space<vmem_shared>>)
        tpu.yield
      }) : () -> ()
    }
    %scan3A_277 = arith.constant 125 : i32
    %barrier3A_278 = arith.constant 0 : index
    tpu.barrier barrier_id(%barrier3A_278)
    %mul3A_279 = arith.constant 640 : i32
    %mul3A_280 = arith.muli %arg1, %mul3A_279 : i32
    "tpu.region"() ({
      %run_scoped3A = tpu.sem_alloc : memref<!tpu.dma_semaphore, #tpu.memory_space<semaphore_mem>>
      %dma_start3A = tpu.memref_slice %arg10[%mul3A_280] : memref<10240xf32, #tpu.memory_space<vmem_shared>> -> memref<640xf32, #tpu.memory_space<vmem_shared>>
      %dma_start3A_293 = tpu.memref_slice %arg10[%mul3A_280] : memref<10240xf32, #tpu.memory_space<vmem_shared>> -> memref<640xf32, #tpu.memory_space<vmem_shared>>
      tpu.enqueue_dma source(%dma_start3A_293 : memref<640xf32, #tpu.memory_space<vmem_shared>>) target(%arg9 : memref<640xf32, #tpu.memory_space<vmem>>) target_semaphore(%run_scoped3A : memref<!tpu.dma_semaphore, #tpu.memory_space<semaphore_mem>>)
      %dma_wait3A = tpu.memref_slice %arg10[%mul3A_280] : memref<10240xf32, #tpu.memory_space<vmem_shared>> -> memref<640xf32, #tpu.memory_space<vmem_shared>>
      %dma_wait3A_294 = tpu.memref_slice %arg10[%mul3A_280] : memref<10240xf32, #tpu.memory_space<vmem_shared>> -> memref<640xf32, #tpu.memory_space<vmem_shared>>
      tpu.wait_dma2 semaphore(%run_scoped3A : memref<!tpu.dma_semaphore, #tpu.memory_space<semaphore_mem>>) src(%dma_wait3A_294 : memref<640xf32, #tpu.memory_space<vmem_shared>>) dst(%arg9 : memref<640xf32, #tpu.memory_space<vmem>>)
      tpu.yield
    }) : () -> ()
    %mul3A_281 = arith.constant 10240 : i32
    %mul3A_282 = arith.muli %arg0, %mul3A_281 : i32
    %mul3A_283 = arith.constant 640 : i32
    %mul3A_284 = arith.muli %arg1, %mul3A_283 : i32
    %add3A_285 = arith.addi %mul3A_282, %mul3A_284 : i32
    "tpu.region"() ({
      %run_scoped3A = tpu.sem_alloc : memref<!tpu.dma_semaphore, #tpu.memory_space<semaphore_mem>>
      %dma_start3A = tpu.memref_slice %arg4[%add3A_285] : memref<20480xf32, #tpu.memory_space<hbm>> -> memref<640xf32, #tpu.memory_space<hbm>>
      %dma_start3A_293 = tpu.memref_slice %arg4[%add3A_285] : memref<20480xf32, #tpu.memory_space<hbm>> -> memref<640xf32, #tpu.memory_space<hbm>>
      tpu.enqueue_dma source(%arg9 : memref<640xf32, #tpu.memory_space<vmem>>) target(%dma_start3A_293 : memref<640xf32, #tpu.memory_space<hbm>>) target_semaphore(%run_scoped3A : memref<!tpu.dma_semaphore, #tpu.memory_space<semaphore_mem>>)
      %dma_wait3A = tpu.memref_slice %arg4[%add3A_285] : memref<20480xf32, #tpu.memory_space<hbm>> -> memref<640xf32, #tpu.memory_space<hbm>>
      %dma_wait3A_294 = tpu.memref_slice %arg4[%add3A_285] : memref<20480xf32, #tpu.memory_space<hbm>> -> memref<640xf32, #tpu.memory_space<hbm>>
      tpu.wait_dma2 semaphore(%run_scoped3A : memref<!tpu.dma_semaphore, #tpu.memory_space<semaphore_mem>>) src(%arg9 : memref<640xf32, #tpu.memory_space<vmem>>) dst(%dma_wait3A_294 : memref<640xf32, #tpu.memory_space<hbm>>)
      tpu.yield
    }) : () -> ()
    %mul3A_286 = arith.constant 640 : i32
    %mul3A_287 = arith.muli %arg1, %mul3A_286 : i32
    "tpu.region"() ({
      %run_scoped3A = tpu.sem_alloc : memref<!tpu.dma_semaphore, #tpu.memory_space<semaphore_mem>>
      %dma_start3A = tpu.memref_slice %arg11[%mul3A_287] : memref<10240xf32, #tpu.memory_space<vmem_shared>> -> memref<640xf32, #tpu.memory_space<vmem_shared>>
      %dma_start3A_293 = tpu.memref_slice %arg11[%mul3A_287] : memref<10240xf32, #tpu.memory_space<vmem_shared>> -> memref<640xf32, #tpu.memory_space<vmem_shared>>
      tpu.enqueue_dma source(%dma_start3A_293 : memref<640xf32, #tpu.memory_space<vmem_shared>>) target(%arg9 : memref<640xf32, #tpu.memory_space<vmem>>) target_semaphore(%run_scoped3A : memref<!tpu.dma_semaphore, #tpu.memory_space<semaphore_mem>>)
      %dma_wait3A = tpu.memref_slice %arg11[%mul3A_287] : memref<10240xf32, #tpu.memory_space<vmem_shared>> -> memref<640xf32, #tpu.memory_space<vmem_shared>>
      %dma_wait3A_294 = tpu.memref_slice %arg11[%mul3A_287] : memref<10240xf32, #tpu.memory_space<vmem_shared>> -> memref<640xf32, #tpu.memory_space<vmem_shared>>
      tpu.wait_dma2 semaphore(%run_scoped3A : memref<!tpu.dma_semaphore, #tpu.memory_space<semaphore_mem>>) src(%dma_wait3A_294 : memref<640xf32, #tpu.memory_space<vmem_shared>>) dst(%arg9 : memref<640xf32, #tpu.memory_space<vmem>>)
      tpu.yield
    }) : () -> ()
    %mul3A_288 = arith.constant 10240 : i32
    %mul3A_289 = arith.muli %arg0, %mul3A_288 : i32
    %mul3A_290 = arith.constant 640 : i32
    %mul3A_291 = arith.muli %arg1, %mul3A_290 : i32
    %add3A_292 = arith.addi %mul3A_289, %mul3A_291 : i32
    "tpu.region"() ({
      %run_scoped3A = tpu.sem_alloc : memref<!tpu.dma_semaphore, #tpu.memory_space<semaphore_mem>>
      %dma_start3A = tpu.memref_slice %arg5[%add3A_292] : memref<20480xf32, #tpu.memory_space<hbm>> -> memref<640xf32, #tpu.memory_space<hbm>>
      %dma_start3A_293 = tpu.memref_slice %arg5[%add3A_292] : memref<20480xf32, #tpu.memory_space<hbm>> -> memref<640xf32, #tpu.memory_space<hbm>>
      tpu.enqueue_dma source(%arg9 : memref<640xf32, #tpu.memory_space<vmem>>) target(%dma_start3A_293 : memref<640xf32, #tpu.memory_space<hbm>>) target_semaphore(%run_scoped3A : memref<!tpu.dma_semaphore, #tpu.memory_space<semaphore_mem>>)
      %dma_wait3A = tpu.memref_slice %arg5[%add3A_292] : memref<20480xf32, #tpu.memory_space<hbm>> -> memref<640xf32, #tpu.memory_space<hbm>>
      %dma_wait3A_294 = tpu.memref_slice %arg5[%add3A_292] : memref<20480xf32, #tpu.memory_space<hbm>> -> memref<640xf32, #tpu.memory_space<hbm>>
      tpu.wait_dma2 semaphore(%run_scoped3A : memref<!tpu.dma_semaphore, #tpu.memory_space<semaphore_mem>>) src(%arg9 : memref<640xf32, #tpu.memory_space<vmem>>) dst(%dma_wait3A_294 : memref<640xf32, #tpu.memory_space<hbm>>)
      tpu.yield
    }) : () -> ()
    return
  }
}

#map = affine_map<(d0, d1) -> (0, 0)>
#map1 = affine_map<(d0, d1) -> (0, 0, 0)>
module attributes {stable_mosaic.version = 14 : i64} {
  func.func @_sc_agg(%arg0: i32, %arg1: i32, %arg2: memref<10000x128xf32, #tpu.memory_space<hbm>>, %arg3: memref<160x80x25xi32, #tpu.memory_space<hbm>>, %arg4: memref<160x80x25xi32, #tpu.memory_space<hbm>>, %arg5: memref<640x128xf32, #tpu.memory_space<hbm>>, %arg6: memref<2x10240x128xf32, #tpu.memory_space<hbm>>, %arg7: memref<80x25xi32, #tpu.memory_space<vmem>>, %arg8: memref<80x25xi32, #tpu.memory_space<vmem>>, %arg9: memref<200x128xf32, #tpu.memory_space<vmem>>, %arg10: memref<10240x128xf32, #tpu.memory_space<vmem_shared>>, %arg11: memref<!tpu.dma_semaphore, #tpu.memory_space<semaphore_mem>>, %arg12: memref<!tpu.dma_semaphore, #tpu.memory_space<semaphore_mem>>, %arg13: memref<!tpu.dma_semaphore, #tpu.memory_space<semaphore_mem>>, %arg14: memref<!tpu.dma_semaphore, #tpu.memory_space<semaphore_mem>>, %arg15: memref<!tpu.dma_semaphore, #tpu.memory_space<semaphore_mem>>, %arg16: memref<!tpu.dma_semaphore, #tpu.memory_space<semaphore_mem>>, %arg17: memref<!tpu.dma_semaphore, #tpu.memory_space<semaphore_mem>>, %arg18: memref<!tpu.dma_semaphore, #tpu.memory_space<semaphore_mem>>, %arg19: memref<!tpu.dma_semaphore, #tpu.memory_space<semaphore_mem>>, %arg20: memref<!tpu.dma_semaphore, #tpu.memory_space<semaphore_mem>>, %arg21: memref<!tpu.dma_semaphore, #tpu.memory_space<semaphore_mem>>, %arg22: memref<!tpu.dma_semaphore, #tpu.memory_space<semaphore_mem>>, %arg23: memref<!tpu.dma_semaphore, #tpu.memory_space<semaphore_mem>>, %arg24: memref<!tpu.dma_semaphore, #tpu.memory_space<semaphore_mem>>, %arg25: memref<!tpu.dma_semaphore, #tpu.memory_space<semaphore_mem>>, %arg26: memref<!tpu.dma_semaphore, #tpu.memory_space<semaphore_mem>>) attributes {dimension_semantics = [#tpu.dimension_semantics<core_parallel>, #tpu.dimension_semantics<subcore_parallel>], iteration_bounds = array<i64: 2, 16>, scalar_prefetch = 0 : i64, scratch_operands = 20 : i64, tpu.core_type = #tpu.core_type<sc_vector_subcore>, window_params = [{transform_indices = #map}, {transform_indices = #map1}, {transform_indices = #map1}, {transform_indices = #map}, {transform_indices = #map1}]} {
    %mul3A = arith.constant 2 : i32
    %mul3A_0 = arith.muli %arg1, %mul3A : i32
    %add3A = arith.addi %mul3A_0, %arg0 : i32
    %mul3A_1 = arith.constant 640 : i32
    %mul3A_2 = arith.muli %arg1, %mul3A_1 : i32
    "tpu.region"() ({
      %run_scoped3A = tpu.sem_alloc : memref<!tpu.dma_semaphore, #tpu.memory_space<semaphore_mem>>
      %dma_start3A = arith.constant 0 : i32
      %dma_start3A_13 = tpu.memref_slice %arg10[%mul3A_2, %dma_start3A] : memref<10240x128xf32, #tpu.memory_space<vmem_shared>> -> memref<640x128xf32, #tpu.memory_space<vmem_shared>>
      tpu.enqueue_dma source(%arg5 : memref<640x128xf32, #tpu.memory_space<hbm>>) target(%dma_start3A_13 : memref<640x128xf32, #tpu.memory_space<vmem_shared>>) target_semaphore(%run_scoped3A : memref<!tpu.dma_semaphore, #tpu.memory_space<semaphore_mem>>)
      %dma_wait3A = arith.constant 0 : i32
      %dma_wait3A_14 = tpu.memref_slice %arg10[%mul3A_2, %dma_wait3A] : memref<10240x128xf32, #tpu.memory_space<vmem_shared>> -> memref<640x128xf32, #tpu.memory_space<vmem_shared>>
      tpu.wait_dma2 semaphore(%run_scoped3A : memref<!tpu.dma_semaphore, #tpu.memory_space<semaphore_mem>>) src(%arg5 : memref<640x128xf32, #tpu.memory_space<hbm>>) dst(%dma_wait3A_14 : memref<640x128xf32, #tpu.memory_space<vmem_shared>>)
      tpu.yield
    }) : () -> ()
    %barrier3A = arith.constant 0 : index
    tpu.barrier barrier_id(%barrier3A)
    %scan3A = arith.constant 0 : i32
    %scan3A_3 = arith.constant 0 : i32
    %scan3A_4 = arith.constant 5 : i32
    %scan3A_5 = arith.addi %scan3A_3, %scan3A_4 : i32
    %scan3A_6 = arith.constant 1 : i32
    scf.for %scan3A_13 = %scan3A_3 to %scan3A_5 step %scan3A_6  : i32 {
      %mul3A_14 = arith.constant 5 : i32
      %mul3A_15 = arith.muli %add3A, %mul3A_14 : i32
      %add3A_16 = arith.addi %mul3A_15, %scan3A_13 : i32
      "tpu.region"() ({
        %run_scoped3A = tpu.sem_alloc : memref<!tpu.dma_semaphore, #tpu.memory_space<semaphore_mem>>
        %dma_start3A_105 = arith.constant 0 : i32
        %dma_start3A_106 = arith.constant 0 : i32
        %dma_start3A_107 = tpu.memref_slice %arg3[%add3A_16, %dma_start3A_105, %dma_start3A_106] : memref<160x80x25xi32, #tpu.memory_space<hbm>> -> memref<1x80x25xi32, #tpu.memory_space<hbm>>
        %dma_start3A_108 = tpu.memref_squeeze %dma_start3A_107 : memref<1x80x25xi32, #tpu.memory_space<hbm>> -> memref<80x25xi32, #tpu.memory_space<hbm>>
        %dma_start3A_109 = arith.constant 0 : i32
        %dma_start3A_110 = arith.constant 0 : i32
        %dma_start3A_111 = tpu.memref_slice %arg3[%add3A_16, %dma_start3A_109, %dma_start3A_110] : memref<160x80x25xi32, #tpu.memory_space<hbm>> -> memref<1x80x25xi32, #tpu.memory_space<hbm>>
        %dma_start3A_112 = tpu.memref_squeeze %dma_start3A_111 : memref<1x80x25xi32, #tpu.memory_space<hbm>> -> memref<80x25xi32, #tpu.memory_space<hbm>>
        tpu.enqueue_dma source(%dma_start3A_112 : memref<80x25xi32, #tpu.memory_space<hbm>>) target(%arg7 : memref<80x25xi32, #tpu.memory_space<vmem>>) target_semaphore(%run_scoped3A : memref<!tpu.dma_semaphore, #tpu.memory_space<semaphore_mem>>)
        %dma_wait3A = arith.constant 0 : i32
        %dma_wait3A_113 = arith.constant 0 : i32
        %dma_wait3A_114 = tpu.memref_slice %arg3[%add3A_16, %dma_wait3A, %dma_wait3A_113] : memref<160x80x25xi32, #tpu.memory_space<hbm>> -> memref<1x80x25xi32, #tpu.memory_space<hbm>>
        %dma_wait3A_115 = tpu.memref_squeeze %dma_wait3A_114 : memref<1x80x25xi32, #tpu.memory_space<hbm>> -> memref<80x25xi32, #tpu.memory_space<hbm>>
        %dma_wait3A_116 = arith.constant 0 : i32
        %dma_wait3A_117 = arith.constant 0 : i32
        %dma_wait3A_118 = tpu.memref_slice %arg3[%add3A_16, %dma_wait3A_116, %dma_wait3A_117] : memref<160x80x25xi32, #tpu.memory_space<hbm>> -> memref<1x80x25xi32, #tpu.memory_space<hbm>>
        %dma_wait3A_119 = tpu.memref_squeeze %dma_wait3A_118 : memref<1x80x25xi32, #tpu.memory_space<hbm>> -> memref<80x25xi32, #tpu.memory_space<hbm>>
        tpu.wait_dma2 semaphore(%run_scoped3A : memref<!tpu.dma_semaphore, #tpu.memory_space<semaphore_mem>>) src(%dma_wait3A_119 : memref<80x25xi32, #tpu.memory_space<hbm>>) dst(%arg7 : memref<80x25xi32, #tpu.memory_space<vmem>>)
        tpu.yield
      }) : () -> ()
      %mul3A_17 = arith.constant 5 : i32
      %mul3A_18 = arith.muli %add3A, %mul3A_17 : i32
      %add3A_19 = arith.addi %mul3A_18, %scan3A_13 : i32
      "tpu.region"() ({
        %run_scoped3A = tpu.sem_alloc : memref<!tpu.dma_semaphore, #tpu.memory_space<semaphore_mem>>
        %dma_start3A_105 = arith.constant 0 : i32
        %dma_start3A_106 = arith.constant 0 : i32
        %dma_start3A_107 = tpu.memref_slice %arg4[%add3A_19, %dma_start3A_105, %dma_start3A_106] : memref<160x80x25xi32, #tpu.memory_space<hbm>> -> memref<1x80x25xi32, #tpu.memory_space<hbm>>
        %dma_start3A_108 = tpu.memref_squeeze %dma_start3A_107 : memref<1x80x25xi32, #tpu.memory_space<hbm>> -> memref<80x25xi32, #tpu.memory_space<hbm>>
        %dma_start3A_109 = arith.constant 0 : i32
        %dma_start3A_110 = arith.constant 0 : i32
        %dma_start3A_111 = tpu.memref_slice %arg4[%add3A_19, %dma_start3A_109, %dma_start3A_110] : memref<160x80x25xi32, #tpu.memory_space<hbm>> -> memref<1x80x25xi32, #tpu.memory_space<hbm>>
        %dma_start3A_112 = tpu.memref_squeeze %dma_start3A_111 : memref<1x80x25xi32, #tpu.memory_space<hbm>> -> memref<80x25xi32, #tpu.memory_space<hbm>>
        tpu.enqueue_dma source(%dma_start3A_112 : memref<80x25xi32, #tpu.memory_space<hbm>>) target(%arg8 : memref<80x25xi32, #tpu.memory_space<vmem>>) target_semaphore(%run_scoped3A : memref<!tpu.dma_semaphore, #tpu.memory_space<semaphore_mem>>)
        %dma_wait3A = arith.constant 0 : i32
        %dma_wait3A_113 = arith.constant 0 : i32
        %dma_wait3A_114 = tpu.memref_slice %arg4[%add3A_19, %dma_wait3A, %dma_wait3A_113] : memref<160x80x25xi32, #tpu.memory_space<hbm>> -> memref<1x80x25xi32, #tpu.memory_space<hbm>>
        %dma_wait3A_115 = tpu.memref_squeeze %dma_wait3A_114 : memref<1x80x25xi32, #tpu.memory_space<hbm>> -> memref<80x25xi32, #tpu.memory_space<hbm>>
        %dma_wait3A_116 = arith.constant 0 : i32
        %dma_wait3A_117 = arith.constant 0 : i32
        %dma_wait3A_118 = tpu.memref_slice %arg4[%add3A_19, %dma_wait3A_116, %dma_wait3A_117] : memref<160x80x25xi32, #tpu.memory_space<hbm>> -> memref<1x80x25xi32, #tpu.memory_space<hbm>>
        %dma_wait3A_119 = tpu.memref_squeeze %dma_wait3A_118 : memref<1x80x25xi32, #tpu.memory_space<hbm>> -> memref<80x25xi32, #tpu.memory_space<hbm>>
        tpu.wait_dma2 semaphore(%run_scoped3A : memref<!tpu.dma_semaphore, #tpu.memory_space<semaphore_mem>>) src(%dma_wait3A_119 : memref<80x25xi32, #tpu.memory_space<hbm>>) dst(%arg8 : memref<80x25xi32, #tpu.memory_space<vmem>>)
        tpu.yield
      }) : () -> ()
      %dma_start3A = arith.constant 0 : i32
      %dma_start3A_20 = arith.constant 0 : i32
      %dma_start3A_21 = arith.constant 0 : i32
      %dma_start3A_22 = tpu.memref_slice %arg9[%dma_start3A_20, %dma_start3A_21] : memref<200x128xf32, #tpu.memory_space<vmem>> -> memref<25x128xf32, #tpu.memory_space<vmem>>
      %dma_start3A_23 = arith.constant 0 : i32
      %dma_start3A_24 = tpu.memref_slice %arg7[%dma_start3A, %dma_start3A_23] : memref<80x25xi32, #tpu.memory_space<vmem>> -> memref<1x25xi32, #tpu.memory_space<vmem>>
      %dma_start3A_25 = tpu.memref_squeeze %dma_start3A_24 : memref<1x25xi32, #tpu.memory_space<vmem>> -> memref<25xi32, #tpu.memory_space<vmem>>
      %dma_start3A_26 = arith.constant 0 : i32
      %dma_start3A_27 = arith.constant 0 : i32
      %dma_start3A_28 = tpu.memref_slice %arg2[%dma_start3A_26, %dma_start3A_27] : memref<10000x128xf32, #tpu.memory_space<hbm>> -> memref<10000x128xf32, #tpu.memory_space<hbm>>
      tpu.enqueue_indirect_dma source(%dma_start3A_28 : memref<10000x128xf32, #tpu.memory_space<hbm>>) target(%dma_start3A_22 : memref<25x128xf32, #tpu.memory_space<vmem>>) offsets(%dma_start3A_25 : memref<25xi32, #tpu.memory_space<vmem>>) semaphore(%arg11 : memref<!tpu.dma_semaphore, #tpu.memory_space<semaphore_mem>>)
      %dma_start3A_29 = arith.constant 1 : i32
      %dma_start3A_30 = arith.constant 25 : i32
      %dma_start3A_31 = arith.constant 0 : i32
      %dma_start3A_32 = tpu.memref_slice %arg9[%dma_start3A_30, %dma_start3A_31] : memref<200x128xf32, #tpu.memory_space<vmem>> -> memref<25x128xf32, #tpu.memory_space<vmem>>
      %dma_start3A_33 = arith.constant 0 : i32
      %dma_start3A_34 = tpu.memref_slice %arg7[%dma_start3A_29, %dma_start3A_33] : memref<80x25xi32, #tpu.memory_space<vmem>> -> memref<1x25xi32, #tpu.memory_space<vmem>>
      %dma_start3A_35 = tpu.memref_squeeze %dma_start3A_34 : memref<1x25xi32, #tpu.memory_space<vmem>> -> memref<25xi32, #tpu.memory_space<vmem>>
      %dma_start3A_36 = arith.constant 0 : i32
      %dma_start3A_37 = arith.constant 0 : i32
      %dma_start3A_38 = tpu.memref_slice %arg2[%dma_start3A_36, %dma_start3A_37] : memref<10000x128xf32, #tpu.memory_space<hbm>> -> memref<10000x128xf32, #tpu.memory_space<hbm>>
      tpu.enqueue_indirect_dma source(%dma_start3A_38 : memref<10000x128xf32, #tpu.memory_space<hbm>>) target(%dma_start3A_32 : memref<25x128xf32, #tpu.memory_space<vmem>>) offsets(%dma_start3A_35 : memref<25xi32, #tpu.memory_space<vmem>>) semaphore(%arg12 : memref<!tpu.dma_semaphore, #tpu.memory_space<semaphore_mem>>)
      %dma_start3A_39 = arith.constant 2 : i32
      %dma_start3A_40 = arith.constant 50 : i32
      %dma_start3A_41 = arith.constant 0 : i32
      %dma_start3A_42 = tpu.memref_slice %arg9[%dma_start3A_40, %dma_start3A_41] : memref<200x128xf32, #tpu.memory_space<vmem>> -> memref<25x128xf32, #tpu.memory_space<vmem>>
      %dma_start3A_43 = arith.constant 0 : i32
      %dma_start3A_44 = tpu.memref_slice %arg7[%dma_start3A_39, %dma_start3A_43] : memref<80x25xi32, #tpu.memory_space<vmem>> -> memref<1x25xi32, #tpu.memory_space<vmem>>
      %dma_start3A_45 = tpu.memref_squeeze %dma_start3A_44 : memref<1x25xi32, #tpu.memory_space<vmem>> -> memref<25xi32, #tpu.memory_space<vmem>>
      %dma_start3A_46 = arith.constant 0 : i32
      %dma_start3A_47 = arith.constant 0 : i32
      %dma_start3A_48 = tpu.memref_slice %arg2[%dma_start3A_46, %dma_start3A_47] : memref<10000x128xf32, #tpu.memory_space<hbm>> -> memref<10000x128xf32, #tpu.memory_space<hbm>>
      tpu.enqueue_indirect_dma source(%dma_start3A_48 : memref<10000x128xf32, #tpu.memory_space<hbm>>) target(%dma_start3A_42 : memref<25x128xf32, #tpu.memory_space<vmem>>) offsets(%dma_start3A_45 : memref<25xi32, #tpu.memory_space<vmem>>) semaphore(%arg13 : memref<!tpu.dma_semaphore, #tpu.memory_space<semaphore_mem>>)
      %dma_start3A_49 = arith.constant 3 : i32
      %dma_start3A_50 = arith.constant 75 : i32
      %dma_start3A_51 = arith.constant 0 : i32
      %dma_start3A_52 = tpu.memref_slice %arg9[%dma_start3A_50, %dma_start3A_51] : memref<200x128xf32, #tpu.memory_space<vmem>> -> memref<25x128xf32, #tpu.memory_space<vmem>>
      %dma_start3A_53 = arith.constant 0 : i32
      %dma_start3A_54 = tpu.memref_slice %arg7[%dma_start3A_49, %dma_start3A_53] : memref<80x25xi32, #tpu.memory_space<vmem>> -> memref<1x25xi32, #tpu.memory_space<vmem>>
      %dma_start3A_55 = tpu.memref_squeeze %dma_start3A_54 : memref<1x25xi32, #tpu.memory_space<vmem>> -> memref<25xi32, #tpu.memory_space<vmem>>
      %dma_start3A_56 = arith.constant 0 : i32
      %dma_start3A_57 = arith.constant 0 : i32
      %dma_start3A_58 = tpu.memref_slice %arg2[%dma_start3A_56, %dma_start3A_57] : memref<10000x128xf32, #tpu.memory_space<hbm>> -> memref<10000x128xf32, #tpu.memory_space<hbm>>
      tpu.enqueue_indirect_dma source(%dma_start3A_58 : memref<10000x128xf32, #tpu.memory_space<hbm>>) target(%dma_start3A_52 : memref<25x128xf32, #tpu.memory_space<vmem>>) offsets(%dma_start3A_55 : memref<25xi32, #tpu.memory_space<vmem>>) semaphore(%arg14 : memref<!tpu.dma_semaphore, #tpu.memory_space<semaphore_mem>>)
      %dma_start3A_59 = arith.constant 4 : i32
      %dma_start3A_60 = arith.constant 100 : i32
      %dma_start3A_61 = arith.constant 0 : i32
      %dma_start3A_62 = tpu.memref_slice %arg9[%dma_start3A_60, %dma_start3A_61] : memref<200x128xf32, #tpu.memory_space<vmem>> -> memref<25x128xf32, #tpu.memory_space<vmem>>
      %dma_start3A_63 = arith.constant 0 : i32
      %dma_start3A_64 = tpu.memref_slice %arg7[%dma_start3A_59, %dma_start3A_63] : memref<80x25xi32, #tpu.memory_space<vmem>> -> memref<1x25xi32, #tpu.memory_space<vmem>>
      %dma_start3A_65 = tpu.memref_squeeze %dma_start3A_64 : memref<1x25xi32, #tpu.memory_space<vmem>> -> memref<25xi32, #tpu.memory_space<vmem>>
      %dma_start3A_66 = arith.constant 0 : i32
      %dma_start3A_67 = arith.constant 0 : i32
      %dma_start3A_68 = tpu.memref_slice %arg2[%dma_start3A_66, %dma_start3A_67] : memref<10000x128xf32, #tpu.memory_space<hbm>> -> memref<10000x128xf32, #tpu.memory_space<hbm>>
      tpu.enqueue_indirect_dma source(%dma_start3A_68 : memref<10000x128xf32, #tpu.memory_space<hbm>>) target(%dma_start3A_62 : memref<25x128xf32, #tpu.memory_space<vmem>>) offsets(%dma_start3A_65 : memref<25xi32, #tpu.memory_space<vmem>>) semaphore(%arg15 : memref<!tpu.dma_semaphore, #tpu.memory_space<semaphore_mem>>)
      %dma_start3A_69 = arith.constant 5 : i32
      %dma_start3A_70 = arith.constant 125 : i32
      %dma_start3A_71 = arith.constant 0 : i32
      %dma_start3A_72 = tpu.memref_slice %arg9[%dma_start3A_70, %dma_start3A_71] : memref<200x128xf32, #tpu.memory_space<vmem>> -> memref<25x128xf32, #tpu.memory_space<vmem>>
      %dma_start3A_73 = arith.constant 0 : i32
      %dma_start3A_74 = tpu.memref_slice %arg7[%dma_start3A_69, %dma_start3A_73] : memref<80x25xi32, #tpu.memory_space<vmem>> -> memref<1x25xi32, #tpu.memory_space<vmem>>
      %dma_start3A_75 = tpu.memref_squeeze %dma_start3A_74 : memref<1x25xi32, #tpu.memory_space<vmem>> -> memref<25xi32, #tpu.memory_space<vmem>>
      %dma_start3A_76 = arith.constant 0 : i32
      %dma_start3A_77 = arith.constant 0 : i32
      %dma_start3A_78 = tpu.memref_slice %arg2[%dma_start3A_76, %dma_start3A_77] : memref<10000x128xf32, #tpu.memory_space<hbm>> -> memref<10000x128xf32, #tpu.memory_space<hbm>>
      tpu.enqueue_indirect_dma source(%dma_start3A_78 : memref<10000x128xf32, #tpu.memory_space<hbm>>) target(%dma_start3A_72 : memref<25x128xf32, #tpu.memory_space<vmem>>) offsets(%dma_start3A_75 : memref<25xi32, #tpu.memory_space<vmem>>) semaphore(%arg16 : memref<!tpu.dma_semaphore, #tpu.memory_space<semaphore_mem>>)
      %dma_start3A_79 = arith.constant 6 : i32
      %dma_start3A_80 = arith.constant 150 : i32
      %dma_start3A_81 = arith.constant 0 : i32
      %dma_start3A_82 = tpu.memref_slice %arg9[%dma_start3A_80, %dma_start3A_81] : memref<200x128xf32, #tpu.memory_space<vmem>> -> memref<25x128xf32, #tpu.memory_space<vmem>>
      %dma_start3A_83 = arith.constant 0 : i32
      %dma_start3A_84 = tpu.memref_slice %arg7[%dma_start3A_79, %dma_start3A_83] : memref<80x25xi32, #tpu.memory_space<vmem>> -> memref<1x25xi32, #tpu.memory_space<vmem>>
      %dma_start3A_85 = tpu.memref_squeeze %dma_start3A_84 : memref<1x25xi32, #tpu.memory_space<vmem>> -> memref<25xi32, #tpu.memory_space<vmem>>
      %dma_start3A_86 = arith.constant 0 : i32
      %dma_start3A_87 = arith.constant 0 : i32
      %dma_start3A_88 = tpu.memref_slice %arg2[%dma_start3A_86, %dma_start3A_87] : memref<10000x128xf32, #tpu.memory_space<hbm>> -> memref<10000x128xf32, #tpu.memory_space<hbm>>
      tpu.enqueue_indirect_dma source(%dma_start3A_88 : memref<10000x128xf32, #tpu.memory_space<hbm>>) target(%dma_start3A_82 : memref<25x128xf32, #tpu.memory_space<vmem>>) offsets(%dma_start3A_85 : memref<25xi32, #tpu.memory_space<vmem>>) semaphore(%arg17 : memref<!tpu.dma_semaphore, #tpu.memory_space<semaphore_mem>>)
      %dma_start3A_89 = arith.constant 7 : i32
      %dma_start3A_90 = arith.constant 175 : i32
      %dma_start3A_91 = arith.constant 0 : i32
      %dma_start3A_92 = tpu.memref_slice %arg9[%dma_start3A_90, %dma_start3A_91] : memref<200x128xf32, #tpu.memory_space<vmem>> -> memref<25x128xf32, #tpu.memory_space<vmem>>
      %dma_start3A_93 = arith.constant 0 : i32
      %dma_start3A_94 = tpu.memref_slice %arg7[%dma_start3A_89, %dma_start3A_93] : memref<80x25xi32, #tpu.memory_space<vmem>> -> memref<1x25xi32, #tpu.memory_space<vmem>>
      %dma_start3A_95 = tpu.memref_squeeze %dma_start3A_94 : memref<1x25xi32, #tpu.memory_space<vmem>> -> memref<25xi32, #tpu.memory_space<vmem>>
      %dma_start3A_96 = arith.constant 0 : i32
      %dma_start3A_97 = arith.constant 0 : i32
      %dma_start3A_98 = tpu.memref_slice %arg2[%dma_start3A_96, %dma_start3A_97] : memref<10000x128xf32, #tpu.memory_space<hbm>> -> memref<10000x128xf32, #tpu.memory_space<hbm>>
      tpu.enqueue_indirect_dma source(%dma_start3A_98 : memref<10000x128xf32, #tpu.memory_space<hbm>>) target(%dma_start3A_92 : memref<25x128xf32, #tpu.memory_space<vmem>>) offsets(%dma_start3A_95 : memref<25xi32, #tpu.memory_space<vmem>>) semaphore(%arg18 : memref<!tpu.dma_semaphore, #tpu.memory_space<semaphore_mem>>)
      %scan3A_99 = arith.constant 0 : i32
      %scan3A_100 = arith.constant 0 : i32
      %scan3A_101 = arith.constant 10 : i32
      %scan3A_102 = arith.addi %scan3A_100, %scan3A_101 : i32
      %scan3A_103 = arith.constant 1 : i32
      scf.for %scan3A_105 = %scan3A_100 to %scan3A_102 step %scan3A_103  : i32 {
        %mul3A_106 = arith.constant 8 : i32
        %mul3A_107 = arith.muli %scan3A_105, %mul3A_106 : i32
        %add3A_108 = arith.constant 0 : i32
        %add3A_109 = arith.addi %mul3A_107, %add3A_108 : i32
        %dma_wait3A = arith.constant 0 : i32
        %dma_wait3A_110 = arith.constant 0 : i32
        %dma_wait3A_111 = tpu.memref_slice %arg9[%dma_wait3A, %dma_wait3A_110] : memref<200x128xf32, #tpu.memory_space<vmem>> -> memref<25x128xf32, #tpu.memory_space<vmem>>
        %dma_wait3A_112 = arith.constant 0 : i32
        %dma_wait3A_113 = tpu.memref_slice %arg7[%add3A_109, %dma_wait3A_112] : memref<80x25xi32, #tpu.memory_space<vmem>> -> memref<1x25xi32, #tpu.memory_space<vmem>>
        %dma_wait3A_114 = tpu.memref_squeeze %dma_wait3A_113 : memref<1x25xi32, #tpu.memory_space<vmem>> -> memref<25xi32, #tpu.memory_space<vmem>>
        %dma_wait3A_115 = arith.constant 0 : i32
        %dma_wait3A_116 = arith.constant 0 : i32
        %dma_wait3A_117 = tpu.memref_slice %arg2[%dma_wait3A_115, %dma_wait3A_116] : memref<10000x128xf32, #tpu.memory_space<hbm>> -> memref<10000x128xf32, #tpu.memory_space<hbm>>
        tpu.wait_indirect_dma semaphore(%arg11 : memref<!tpu.dma_semaphore, #tpu.memory_space<semaphore_mem>>) src(%dma_wait3A_117 : memref<10000x128xf32, #tpu.memory_space<hbm>>) dst(%dma_wait3A_111 : memref<25x128xf32, #tpu.memory_space<vmem>>)
        %dma_start3A_118 = arith.constant 0 : i32
        %dma_start3A_119 = arith.constant 0 : i32
        %dma_start3A_120 = tpu.memref_slice %arg9[%dma_start3A_118, %dma_start3A_119] : memref<200x128xf32, #tpu.memory_space<vmem>> -> memref<25x128xf32, #tpu.memory_space<vmem>>
        %dma_start3A_121 = arith.constant 0 : i32
        %dma_start3A_122 = tpu.memref_slice %arg8[%add3A_109, %dma_start3A_121] : memref<80x25xi32, #tpu.memory_space<vmem>> -> memref<1x25xi32, #tpu.memory_space<vmem>>
        %dma_start3A_123 = tpu.memref_squeeze %dma_start3A_122 : memref<1x25xi32, #tpu.memory_space<vmem>> -> memref<25xi32, #tpu.memory_space<vmem>>
        %dma_start3A_124 = arith.constant 0 : i32
        %dma_start3A_125 = arith.constant 0 : i32
        %dma_start3A_126 = tpu.memref_slice %arg10[%dma_start3A_124, %dma_start3A_125] : memref<10240x128xf32, #tpu.memory_space<vmem_shared>> -> memref<10240x128xf32, #tpu.memory_space<vmem_shared>>
        tpu.enqueue_indirect_dma source(%dma_start3A_120 : memref<25x128xf32, #tpu.memory_space<vmem>>) target(%dma_start3A_126 : memref<10240x128xf32, #tpu.memory_space<vmem_shared>>) offsets(%dma_start3A_123 : memref<25xi32, #tpu.memory_space<vmem>>) semaphore(%arg19 : memref<!tpu.dma_semaphore, #tpu.memory_space<semaphore_mem>>) {add = true}
        %add3A_127 = arith.constant 1 : i32
        %add3A_128 = arith.addi %mul3A_107, %add3A_127 : i32
        %dma_wait3A_129 = arith.constant 25 : i32
        %dma_wait3A_130 = arith.constant 0 : i32
        %dma_wait3A_131 = tpu.memref_slice %arg9[%dma_wait3A_129, %dma_wait3A_130] : memref<200x128xf32, #tpu.memory_space<vmem>> -> memref<25x128xf32, #tpu.memory_space<vmem>>
        %dma_wait3A_132 = arith.constant 0 : i32
        %dma_wait3A_133 = tpu.memref_slice %arg7[%add3A_128, %dma_wait3A_132] : memref<80x25xi32, #tpu.memory_space<vmem>> -> memref<1x25xi32, #tpu.memory_space<vmem>>
        %dma_wait3A_134 = tpu.memref_squeeze %dma_wait3A_133 : memref<1x25xi32, #tpu.memory_space<vmem>> -> memref<25xi32, #tpu.memory_space<vmem>>
        %dma_wait3A_135 = arith.constant 0 : i32
        %dma_wait3A_136 = arith.constant 0 : i32
        %dma_wait3A_137 = tpu.memref_slice %arg2[%dma_wait3A_135, %dma_wait3A_136] : memref<10000x128xf32, #tpu.memory_space<hbm>> -> memref<10000x128xf32, #tpu.memory_space<hbm>>
        tpu.wait_indirect_dma semaphore(%arg12 : memref<!tpu.dma_semaphore, #tpu.memory_space<semaphore_mem>>) src(%dma_wait3A_137 : memref<10000x128xf32, #tpu.memory_space<hbm>>) dst(%dma_wait3A_131 : memref<25x128xf32, #tpu.memory_space<vmem>>)
        %dma_start3A_138 = arith.constant 25 : i32
        %dma_start3A_139 = arith.constant 0 : i32
        %dma_start3A_140 = tpu.memref_slice %arg9[%dma_start3A_138, %dma_start3A_139] : memref<200x128xf32, #tpu.memory_space<vmem>> -> memref<25x128xf32, #tpu.memory_space<vmem>>
        %dma_start3A_141 = arith.constant 0 : i32
        %dma_start3A_142 = tpu.memref_slice %arg8[%add3A_128, %dma_start3A_141] : memref<80x25xi32, #tpu.memory_space<vmem>> -> memref<1x25xi32, #tpu.memory_space<vmem>>
        %dma_start3A_143 = tpu.memref_squeeze %dma_start3A_142 : memref<1x25xi32, #tpu.memory_space<vmem>> -> memref<25xi32, #tpu.memory_space<vmem>>
        %dma_start3A_144 = arith.constant 0 : i32
        %dma_start3A_145 = arith.constant 0 : i32
        %dma_start3A_146 = tpu.memref_slice %arg10[%dma_start3A_144, %dma_start3A_145] : memref<10240x128xf32, #tpu.memory_space<vmem_shared>> -> memref<10240x128xf32, #tpu.memory_space<vmem_shared>>
        tpu.enqueue_indirect_dma source(%dma_start3A_140 : memref<25x128xf32, #tpu.memory_space<vmem>>) target(%dma_start3A_146 : memref<10240x128xf32, #tpu.memory_space<vmem_shared>>) offsets(%dma_start3A_143 : memref<25xi32, #tpu.memory_space<vmem>>) semaphore(%arg20 : memref<!tpu.dma_semaphore, #tpu.memory_space<semaphore_mem>>) {add = true}
        %add3A_147 = arith.constant 2 : i32
        %add3A_148 = arith.addi %mul3A_107, %add3A_147 : i32
        %dma_wait3A_149 = arith.constant 50 : i32
        %dma_wait3A_150 = arith.constant 0 : i32
        %dma_wait3A_151 = tpu.memref_slice %arg9[%dma_wait3A_149, %dma_wait3A_150] : memref<200x128xf32, #tpu.memory_space<vmem>> -> memref<25x128xf32, #tpu.memory_space<vmem>>
        %dma_wait3A_152 = arith.constant 0 : i32
        %dma_wait3A_153 = tpu.memref_slice %arg7[%add3A_148, %dma_wait3A_152] : memref<80x25xi32, #tpu.memory_space<vmem>> -> memref<1x25xi32, #tpu.memory_space<vmem>>
        %dma_wait3A_154 = tpu.memref_squeeze %dma_wait3A_153 : memref<1x25xi32, #tpu.memory_space<vmem>> -> memref<25xi32, #tpu.memory_space<vmem>>
        %dma_wait3A_155 = arith.constant 0 : i32
        %dma_wait3A_156 = arith.constant 0 : i32
        %dma_wait3A_157 = tpu.memref_slice %arg2[%dma_wait3A_155, %dma_wait3A_156] : memref<10000x128xf32, #tpu.memory_space<hbm>> -> memref<10000x128xf32, #tpu.memory_space<hbm>>
        tpu.wait_indirect_dma semaphore(%arg13 : memref<!tpu.dma_semaphore, #tpu.memory_space<semaphore_mem>>) src(%dma_wait3A_157 : memref<10000x128xf32, #tpu.memory_space<hbm>>) dst(%dma_wait3A_151 : memref<25x128xf32, #tpu.memory_space<vmem>>)
        %dma_start3A_158 = arith.constant 50 : i32
        %dma_start3A_159 = arith.constant 0 : i32
        %dma_start3A_160 = tpu.memref_slice %arg9[%dma_start3A_158, %dma_start3A_159] : memref<200x128xf32, #tpu.memory_space<vmem>> -> memref<25x128xf32, #tpu.memory_space<vmem>>
        %dma_start3A_161 = arith.constant 0 : i32
        %dma_start3A_162 = tpu.memref_slice %arg8[%add3A_148, %dma_start3A_161] : memref<80x25xi32, #tpu.memory_space<vmem>> -> memref<1x25xi32, #tpu.memory_space<vmem>>
        %dma_start3A_163 = tpu.memref_squeeze %dma_start3A_162 : memref<1x25xi32, #tpu.memory_space<vmem>> -> memref<25xi32, #tpu.memory_space<vmem>>
        %dma_start3A_164 = arith.constant 0 : i32
        %dma_start3A_165 = arith.constant 0 : i32
        %dma_start3A_166 = tpu.memref_slice %arg10[%dma_start3A_164, %dma_start3A_165] : memref<10240x128xf32, #tpu.memory_space<vmem_shared>> -> memref<10240x128xf32, #tpu.memory_space<vmem_shared>>
        tpu.enqueue_indirect_dma source(%dma_start3A_160 : memref<25x128xf32, #tpu.memory_space<vmem>>) target(%dma_start3A_166 : memref<10240x128xf32, #tpu.memory_space<vmem_shared>>) offsets(%dma_start3A_163 : memref<25xi32, #tpu.memory_space<vmem>>) semaphore(%arg21 : memref<!tpu.dma_semaphore, #tpu.memory_space<semaphore_mem>>) {add = true}
        %add3A_167 = arith.constant 3 : i32
        %add3A_168 = arith.addi %mul3A_107, %add3A_167 : i32
        %dma_wait3A_169 = arith.constant 75 : i32
        %dma_wait3A_170 = arith.constant 0 : i32
        %dma_wait3A_171 = tpu.memref_slice %arg9[%dma_wait3A_169, %dma_wait3A_170] : memref<200x128xf32, #tpu.memory_space<vmem>> -> memref<25x128xf32, #tpu.memory_space<vmem>>
        %dma_wait3A_172 = arith.constant 0 : i32
        %dma_wait3A_173 = tpu.memref_slice %arg7[%add3A_168, %dma_wait3A_172] : memref<80x25xi32, #tpu.memory_space<vmem>> -> memref<1x25xi32, #tpu.memory_space<vmem>>
        %dma_wait3A_174 = tpu.memref_squeeze %dma_wait3A_173 : memref<1x25xi32, #tpu.memory_space<vmem>> -> memref<25xi32, #tpu.memory_space<vmem>>
        %dma_wait3A_175 = arith.constant 0 : i32
        %dma_wait3A_176 = arith.constant 0 : i32
        %dma_wait3A_177 = tpu.memref_slice %arg2[%dma_wait3A_175, %dma_wait3A_176] : memref<10000x128xf32, #tpu.memory_space<hbm>> -> memref<10000x128xf32, #tpu.memory_space<hbm>>
        tpu.wait_indirect_dma semaphore(%arg14 : memref<!tpu.dma_semaphore, #tpu.memory_space<semaphore_mem>>) src(%dma_wait3A_177 : memref<10000x128xf32, #tpu.memory_space<hbm>>) dst(%dma_wait3A_171 : memref<25x128xf32, #tpu.memory_space<vmem>>)
        %dma_start3A_178 = arith.constant 75 : i32
        %dma_start3A_179 = arith.constant 0 : i32
        %dma_start3A_180 = tpu.memref_slice %arg9[%dma_start3A_178, %dma_start3A_179] : memref<200x128xf32, #tpu.memory_space<vmem>> -> memref<25x128xf32, #tpu.memory_space<vmem>>
        %dma_start3A_181 = arith.constant 0 : i32
        %dma_start3A_182 = tpu.memref_slice %arg8[%add3A_168, %dma_start3A_181] : memref<80x25xi32, #tpu.memory_space<vmem>> -> memref<1x25xi32, #tpu.memory_space<vmem>>
        %dma_start3A_183 = tpu.memref_squeeze %dma_start3A_182 : memref<1x25xi32, #tpu.memory_space<vmem>> -> memref<25xi32, #tpu.memory_space<vmem>>
        %dma_start3A_184 = arith.constant 0 : i32
        %dma_start3A_185 = arith.constant 0 : i32
        %dma_start3A_186 = tpu.memref_slice %arg10[%dma_start3A_184, %dma_start3A_185] : memref<10240x128xf32, #tpu.memory_space<vmem_shared>> -> memref<10240x128xf32, #tpu.memory_space<vmem_shared>>
        tpu.enqueue_indirect_dma source(%dma_start3A_180 : memref<25x128xf32, #tpu.memory_space<vmem>>) target(%dma_start3A_186 : memref<10240x128xf32, #tpu.memory_space<vmem_shared>>) offsets(%dma_start3A_183 : memref<25xi32, #tpu.memory_space<vmem>>) semaphore(%arg22 : memref<!tpu.dma_semaphore, #tpu.memory_space<semaphore_mem>>) {add = true}
        %add3A_187 = arith.constant 4 : i32
        %add3A_188 = arith.addi %mul3A_107, %add3A_187 : i32
        %dma_wait3A_189 = arith.constant 100 : i32
        %dma_wait3A_190 = arith.constant 0 : i32
        %dma_wait3A_191 = tpu.memref_slice %arg9[%dma_wait3A_189, %dma_wait3A_190] : memref<200x128xf32, #tpu.memory_space<vmem>> -> memref<25x128xf32, #tpu.memory_space<vmem>>
        %dma_wait3A_192 = arith.constant 0 : i32
        %dma_wait3A_193 = tpu.memref_slice %arg7[%add3A_188, %dma_wait3A_192] : memref<80x25xi32, #tpu.memory_space<vmem>> -> memref<1x25xi32, #tpu.memory_space<vmem>>
        %dma_wait3A_194 = tpu.memref_squeeze %dma_wait3A_193 : memref<1x25xi32, #tpu.memory_space<vmem>> -> memref<25xi32, #tpu.memory_space<vmem>>
        %dma_wait3A_195 = arith.constant 0 : i32
        %dma_wait3A_196 = arith.constant 0 : i32
        %dma_wait3A_197 = tpu.memref_slice %arg2[%dma_wait3A_195, %dma_wait3A_196] : memref<10000x128xf32, #tpu.memory_space<hbm>> -> memref<10000x128xf32, #tpu.memory_space<hbm>>
        tpu.wait_indirect_dma semaphore(%arg15 : memref<!tpu.dma_semaphore, #tpu.memory_space<semaphore_mem>>) src(%dma_wait3A_197 : memref<10000x128xf32, #tpu.memory_space<hbm>>) dst(%dma_wait3A_191 : memref<25x128xf32, #tpu.memory_space<vmem>>)
        %dma_start3A_198 = arith.constant 100 : i32
        %dma_start3A_199 = arith.constant 0 : i32
        %dma_start3A_200 = tpu.memref_slice %arg9[%dma_start3A_198, %dma_start3A_199] : memref<200x128xf32, #tpu.memory_space<vmem>> -> memref<25x128xf32, #tpu.memory_space<vmem>>
        %dma_start3A_201 = arith.constant 0 : i32
        %dma_start3A_202 = tpu.memref_slice %arg8[%add3A_188, %dma_start3A_201] : memref<80x25xi32, #tpu.memory_space<vmem>> -> memref<1x25xi32, #tpu.memory_space<vmem>>
        %dma_start3A_203 = tpu.memref_squeeze %dma_start3A_202 : memref<1x25xi32, #tpu.memory_space<vmem>> -> memref<25xi32, #tpu.memory_space<vmem>>
        %dma_start3A_204 = arith.constant 0 : i32
        %dma_start3A_205 = arith.constant 0 : i32
        %dma_start3A_206 = tpu.memref_slice %arg10[%dma_start3A_204, %dma_start3A_205] : memref<10240x128xf32, #tpu.memory_space<vmem_shared>> -> memref<10240x128xf32, #tpu.memory_space<vmem_shared>>
        tpu.enqueue_indirect_dma source(%dma_start3A_200 : memref<25x128xf32, #tpu.memory_space<vmem>>) target(%dma_start3A_206 : memref<10240x128xf32, #tpu.memory_space<vmem_shared>>) offsets(%dma_start3A_203 : memref<25xi32, #tpu.memory_space<vmem>>) semaphore(%arg23 : memref<!tpu.dma_semaphore, #tpu.memory_space<semaphore_mem>>) {add = true}
        %add3A_207 = arith.constant 5 : i32
        %add3A_208 = arith.addi %mul3A_107, %add3A_207 : i32
        %dma_wait3A_209 = arith.constant 125 : i32
        %dma_wait3A_210 = arith.constant 0 : i32
        %dma_wait3A_211 = tpu.memref_slice %arg9[%dma_wait3A_209, %dma_wait3A_210] : memref<200x128xf32, #tpu.memory_space<vmem>> -> memref<25x128xf32, #tpu.memory_space<vmem>>
        %dma_wait3A_212 = arith.constant 0 : i32
        %dma_wait3A_213 = tpu.memref_slice %arg7[%add3A_208, %dma_wait3A_212] : memref<80x25xi32, #tpu.memory_space<vmem>> -> memref<1x25xi32, #tpu.memory_space<vmem>>
        %dma_wait3A_214 = tpu.memref_squeeze %dma_wait3A_213 : memref<1x25xi32, #tpu.memory_space<vmem>> -> memref<25xi32, #tpu.memory_space<vmem>>
        %dma_wait3A_215 = arith.constant 0 : i32
        %dma_wait3A_216 = arith.constant 0 : i32
        %dma_wait3A_217 = tpu.memref_slice %arg2[%dma_wait3A_215, %dma_wait3A_216] : memref<10000x128xf32, #tpu.memory_space<hbm>> -> memref<10000x128xf32, #tpu.memory_space<hbm>>
        tpu.wait_indirect_dma semaphore(%arg16 : memref<!tpu.dma_semaphore, #tpu.memory_space<semaphore_mem>>) src(%dma_wait3A_217 : memref<10000x128xf32, #tpu.memory_space<hbm>>) dst(%dma_wait3A_211 : memref<25x128xf32, #tpu.memory_space<vmem>>)
        %dma_start3A_218 = arith.constant 125 : i32
        %dma_start3A_219 = arith.constant 0 : i32
        %dma_start3A_220 = tpu.memref_slice %arg9[%dma_start3A_218, %dma_start3A_219] : memref<200x128xf32, #tpu.memory_space<vmem>> -> memref<25x128xf32, #tpu.memory_space<vmem>>
        %dma_start3A_221 = arith.constant 0 : i32
        %dma_start3A_222 = tpu.memref_slice %arg8[%add3A_208, %dma_start3A_221] : memref<80x25xi32, #tpu.memory_space<vmem>> -> memref<1x25xi32, #tpu.memory_space<vmem>>
        %dma_start3A_223 = tpu.memref_squeeze %dma_start3A_222 : memref<1x25xi32, #tpu.memory_space<vmem>> -> memref<25xi32, #tpu.memory_space<vmem>>
        %dma_start3A_224 = arith.constant 0 : i32
        %dma_start3A_225 = arith.constant 0 : i32
        %dma_start3A_226 = tpu.memref_slice %arg10[%dma_start3A_224, %dma_start3A_225] : memref<10240x128xf32, #tpu.memory_space<vmem_shared>> -> memref<10240x128xf32, #tpu.memory_space<vmem_shared>>
        tpu.enqueue_indirect_dma source(%dma_start3A_220 : memref<25x128xf32, #tpu.memory_space<vmem>>) target(%dma_start3A_226 : memref<10240x128xf32, #tpu.memory_space<vmem_shared>>) offsets(%dma_start3A_223 : memref<25xi32, #tpu.memory_space<vmem>>) semaphore(%arg24 : memref<!tpu.dma_semaphore, #tpu.memory_space<semaphore_mem>>) {add = true}
        %add3A_227 = arith.constant 6 : i32
        %add3A_228 = arith.addi %mul3A_107, %add3A_227 : i32
        %dma_wait3A_229 = arith.constant 150 : i32
        %dma_wait3A_230 = arith.constant 0 : i32
        %dma_wait3A_231 = tpu.memref_slice %arg9[%dma_wait3A_229, %dma_wait3A_230] : memref<200x128xf32, #tpu.memory_space<vmem>> -> memref<25x128xf32, #tpu.memory_space<vmem>>
        %dma_wait3A_232 = arith.constant 0 : i32
        %dma_wait3A_233 = tpu.memref_slice %arg7[%add3A_228, %dma_wait3A_232] : memref<80x25xi32, #tpu.memory_space<vmem>> -> memref<1x25xi32, #tpu.memory_space<vmem>>
        %dma_wait3A_234 = tpu.memref_squeeze %dma_wait3A_233 : memref<1x25xi32, #tpu.memory_space<vmem>> -> memref<25xi32, #tpu.memory_space<vmem>>
        %dma_wait3A_235 = arith.constant 0 : i32
        %dma_wait3A_236 = arith.constant 0 : i32
        %dma_wait3A_237 = tpu.memref_slice %arg2[%dma_wait3A_235, %dma_wait3A_236] : memref<10000x128xf32, #tpu.memory_space<hbm>> -> memref<10000x128xf32, #tpu.memory_space<hbm>>
        tpu.wait_indirect_dma semaphore(%arg17 : memref<!tpu.dma_semaphore, #tpu.memory_space<semaphore_mem>>) src(%dma_wait3A_237 : memref<10000x128xf32, #tpu.memory_space<hbm>>) dst(%dma_wait3A_231 : memref<25x128xf32, #tpu.memory_space<vmem>>)
        %dma_start3A_238 = arith.constant 150 : i32
        %dma_start3A_239 = arith.constant 0 : i32
        %dma_start3A_240 = tpu.memref_slice %arg9[%dma_start3A_238, %dma_start3A_239] : memref<200x128xf32, #tpu.memory_space<vmem>> -> memref<25x128xf32, #tpu.memory_space<vmem>>
        %dma_start3A_241 = arith.constant 0 : i32
        %dma_start3A_242 = tpu.memref_slice %arg8[%add3A_228, %dma_start3A_241] : memref<80x25xi32, #tpu.memory_space<vmem>> -> memref<1x25xi32, #tpu.memory_space<vmem>>
        %dma_start3A_243 = tpu.memref_squeeze %dma_start3A_242 : memref<1x25xi32, #tpu.memory_space<vmem>> -> memref<25xi32, #tpu.memory_space<vmem>>
        %dma_start3A_244 = arith.constant 0 : i32
        %dma_start3A_245 = arith.constant 0 : i32
        %dma_start3A_246 = tpu.memref_slice %arg10[%dma_start3A_244, %dma_start3A_245] : memref<10240x128xf32, #tpu.memory_space<vmem_shared>> -> memref<10240x128xf32, #tpu.memory_space<vmem_shared>>
        tpu.enqueue_indirect_dma source(%dma_start3A_240 : memref<25x128xf32, #tpu.memory_space<vmem>>) target(%dma_start3A_246 : memref<10240x128xf32, #tpu.memory_space<vmem_shared>>) offsets(%dma_start3A_243 : memref<25xi32, #tpu.memory_space<vmem>>) semaphore(%arg25 : memref<!tpu.dma_semaphore, #tpu.memory_space<semaphore_mem>>) {add = true}
        %add3A_247 = arith.constant 7 : i32
        %add3A_248 = arith.addi %mul3A_107, %add3A_247 : i32
        %dma_wait3A_249 = arith.constant 175 : i32
        %dma_wait3A_250 = arith.constant 0 : i32
        %dma_wait3A_251 = tpu.memref_slice %arg9[%dma_wait3A_249, %dma_wait3A_250] : memref<200x128xf32, #tpu.memory_space<vmem>> -> memref<25x128xf32, #tpu.memory_space<vmem>>
        %dma_wait3A_252 = arith.constant 0 : i32
        %dma_wait3A_253 = tpu.memref_slice %arg7[%add3A_248, %dma_wait3A_252] : memref<80x25xi32, #tpu.memory_space<vmem>> -> memref<1x25xi32, #tpu.memory_space<vmem>>
        %dma_wait3A_254 = tpu.memref_squeeze %dma_wait3A_253 : memref<1x25xi32, #tpu.memory_space<vmem>> -> memref<25xi32, #tpu.memory_space<vmem>>
        %dma_wait3A_255 = arith.constant 0 : i32
        %dma_wait3A_256 = arith.constant 0 : i32
        %dma_wait3A_257 = tpu.memref_slice %arg2[%dma_wait3A_255, %dma_wait3A_256] : memref<10000x128xf32, #tpu.memory_space<hbm>> -> memref<10000x128xf32, #tpu.memory_space<hbm>>
        tpu.wait_indirect_dma semaphore(%arg18 : memref<!tpu.dma_semaphore, #tpu.memory_space<semaphore_mem>>) src(%dma_wait3A_257 : memref<10000x128xf32, #tpu.memory_space<hbm>>) dst(%dma_wait3A_251 : memref<25x128xf32, #tpu.memory_space<vmem>>)
        %dma_start3A_258 = arith.constant 175 : i32
        %dma_start3A_259 = arith.constant 0 : i32
        %dma_start3A_260 = tpu.memref_slice %arg9[%dma_start3A_258, %dma_start3A_259] : memref<200x128xf32, #tpu.memory_space<vmem>> -> memref<25x128xf32, #tpu.memory_space<vmem>>
        %dma_start3A_261 = arith.constant 0 : i32
        %dma_start3A_262 = tpu.memref_slice %arg8[%add3A_248, %dma_start3A_261] : memref<80x25xi32, #tpu.memory_space<vmem>> -> memref<1x25xi32, #tpu.memory_space<vmem>>
        %dma_start3A_263 = tpu.memref_squeeze %dma_start3A_262 : memref<1x25xi32, #tpu.memory_space<vmem>> -> memref<25xi32, #tpu.memory_space<vmem>>
        %dma_start3A_264 = arith.constant 0 : i32
        %dma_start3A_265 = arith.constant 0 : i32
        %dma_start3A_266 = tpu.memref_slice %arg10[%dma_start3A_264, %dma_start3A_265] : memref<10240x128xf32, #tpu.memory_space<vmem_shared>> -> memref<10240x128xf32, #tpu.memory_space<vmem_shared>>
        tpu.enqueue_indirect_dma source(%dma_start3A_260 : memref<25x128xf32, #tpu.memory_space<vmem>>) target(%dma_start3A_266 : memref<10240x128xf32, #tpu.memory_space<vmem_shared>>) offsets(%dma_start3A_263 : memref<25xi32, #tpu.memory_space<vmem>>) semaphore(%arg26 : memref<!tpu.dma_semaphore, #tpu.memory_space<semaphore_mem>>) {add = true}
        %add3A_267 = arith.constant 0 : i32
        %add3A_268 = arith.addi %mul3A_107, %add3A_267 : i32
        %dma_wait3A_269 = arith.constant 0 : i32
        %dma_wait3A_270 = arith.constant 0 : i32
        %dma_wait3A_271 = tpu.memref_slice %arg9[%dma_wait3A_269, %dma_wait3A_270] : memref<200x128xf32, #tpu.memory_space<vmem>> -> memref<25x128xf32, #tpu.memory_space<vmem>>
        %dma_wait3A_272 = arith.constant 0 : i32
        %dma_wait3A_273 = tpu.memref_slice %arg8[%add3A_268, %dma_wait3A_272] : memref<80x25xi32, #tpu.memory_space<vmem>> -> memref<1x25xi32, #tpu.memory_space<vmem>>
        %dma_wait3A_274 = tpu.memref_squeeze %dma_wait3A_273 : memref<1x25xi32, #tpu.memory_space<vmem>> -> memref<25xi32, #tpu.memory_space<vmem>>
        %dma_wait3A_275 = arith.constant 0 : i32
        %dma_wait3A_276 = arith.constant 0 : i32
        %dma_wait3A_277 = tpu.memref_slice %arg10[%dma_wait3A_275, %dma_wait3A_276] : memref<10240x128xf32, #tpu.memory_space<vmem_shared>> -> memref<10240x128xf32, #tpu.memory_space<vmem_shared>>
        tpu.wait_indirect_dma semaphore(%arg19 : memref<!tpu.dma_semaphore, #tpu.memory_space<semaphore_mem>>) src(%dma_wait3A_271 : memref<25x128xf32, #tpu.memory_space<vmem>>) dst(%dma_wait3A_277 : memref<10240x128xf32, #tpu.memory_space<vmem_shared>>)
        %add3A_278 = arith.constant 8 : i32
        %add3A_279 = arith.addi %add3A_268, %add3A_278 : i32
        %lt3A = arith.constant 80 : i32
        %lt3A_280 = arith.cmpi slt, %add3A_279, %lt3A : i32
        %convert_element_type3A = arith.extui %lt3A_280 : i1 to i32
        %cond3A = arith.constant 0 : i32
        %cond3A_281 = arith.cmpi ne, %convert_element_type3A, %cond3A : i32
        scf.if %cond3A_281 {
          %add3A_408 = arith.constant 8 : i32
          %add3A_409 = arith.addi %add3A_268, %add3A_408 : i32
          %dma_start3A_410 = arith.constant 0 : i32
          %dma_start3A_411 = arith.constant 0 : i32
          %dma_start3A_412 = tpu.memref_slice %arg9[%dma_start3A_410, %dma_start3A_411] : memref<200x128xf32, #tpu.memory_space<vmem>> -> memref<25x128xf32, #tpu.memory_space<vmem>>
          %dma_start3A_413 = arith.constant 0 : i32
          %dma_start3A_414 = tpu.memref_slice %arg7[%add3A_409, %dma_start3A_413] : memref<80x25xi32, #tpu.memory_space<vmem>> -> memref<1x25xi32, #tpu.memory_space<vmem>>
          %dma_start3A_415 = tpu.memref_squeeze %dma_start3A_414 : memref<1x25xi32, #tpu.memory_space<vmem>> -> memref<25xi32, #tpu.memory_space<vmem>>
          %dma_start3A_416 = arith.constant 0 : i32
          %dma_start3A_417 = arith.constant 0 : i32
          %dma_start3A_418 = tpu.memref_slice %arg2[%dma_start3A_416, %dma_start3A_417] : memref<10000x128xf32, #tpu.memory_space<hbm>> -> memref<10000x128xf32, #tpu.memory_space<hbm>>
          tpu.enqueue_indirect_dma source(%dma_start3A_418 : memref<10000x128xf32, #tpu.memory_space<hbm>>) target(%dma_start3A_412 : memref<25x128xf32, #tpu.memory_space<vmem>>) offsets(%dma_start3A_415 : memref<25xi32, #tpu.memory_space<vmem>>) semaphore(%arg11 : memref<!tpu.dma_semaphore, #tpu.memory_space<semaphore_mem>>)
        } else {
        }
        %add3A_282 = arith.constant 1 : i32
        %add3A_283 = arith.addi %mul3A_107, %add3A_282 : i32
        %dma_wait3A_284 = arith.constant 25 : i32
        %dma_wait3A_285 = arith.constant 0 : i32
        %dma_wait3A_286 = tpu.memref_slice %arg9[%dma_wait3A_284, %dma_wait3A_285] : memref<200x128xf32, #tpu.memory_space<vmem>> -> memref<25x128xf32, #tpu.memory_space<vmem>>
        %dma_wait3A_287 = arith.constant 0 : i32
        %dma_wait3A_288 = tpu.memref_slice %arg8[%add3A_283, %dma_wait3A_287] : memref<80x25xi32, #tpu.memory_space<vmem>> -> memref<1x25xi32, #tpu.memory_space<vmem>>
        %dma_wait3A_289 = tpu.memref_squeeze %dma_wait3A_288 : memref<1x25xi32, #tpu.memory_space<vmem>> -> memref<25xi32, #tpu.memory_space<vmem>>
        %dma_wait3A_290 = arith.constant 0 : i32
        %dma_wait3A_291 = arith.constant 0 : i32
        %dma_wait3A_292 = tpu.memref_slice %arg10[%dma_wait3A_290, %dma_wait3A_291] : memref<10240x128xf32, #tpu.memory_space<vmem_shared>> -> memref<10240x128xf32, #tpu.memory_space<vmem_shared>>
        tpu.wait_indirect_dma semaphore(%arg20 : memref<!tpu.dma_semaphore, #tpu.memory_space<semaphore_mem>>) src(%dma_wait3A_286 : memref<25x128xf32, #tpu.memory_space<vmem>>) dst(%dma_wait3A_292 : memref<10240x128xf32, #tpu.memory_space<vmem_shared>>)
        %add3A_293 = arith.constant 8 : i32
        %add3A_294 = arith.addi %add3A_283, %add3A_293 : i32
        %lt3A_295 = arith.constant 80 : i32
        %lt3A_296 = arith.cmpi slt, %add3A_294, %lt3A_295 : i32
        %convert_element_type3A_297 = arith.extui %lt3A_296 : i1 to i32
        %cond3A_298 = arith.constant 0 : i32
        %cond3A_299 = arith.cmpi ne, %convert_element_type3A_297, %cond3A_298 : i32
        scf.if %cond3A_299 {
          %add3A_408 = arith.constant 8 : i32
          %add3A_409 = arith.addi %add3A_283, %add3A_408 : i32
          %dma_start3A_410 = arith.constant 25 : i32
          %dma_start3A_411 = arith.constant 0 : i32
          %dma_start3A_412 = tpu.memref_slice %arg9[%dma_start3A_410, %dma_start3A_411] : memref<200x128xf32, #tpu.memory_space<vmem>> -> memref<25x128xf32, #tpu.memory_space<vmem>>
          %dma_start3A_413 = arith.constant 0 : i32
          %dma_start3A_414 = tpu.memref_slice %arg7[%add3A_409, %dma_start3A_413] : memref<80x25xi32, #tpu.memory_space<vmem>> -> memref<1x25xi32, #tpu.memory_space<vmem>>
          %dma_start3A_415 = tpu.memref_squeeze %dma_start3A_414 : memref<1x25xi32, #tpu.memory_space<vmem>> -> memref<25xi32, #tpu.memory_space<vmem>>
          %dma_start3A_416 = arith.constant 0 : i32
          %dma_start3A_417 = arith.constant 0 : i32
          %dma_start3A_418 = tpu.memref_slice %arg2[%dma_start3A_416, %dma_start3A_417] : memref<10000x128xf32, #tpu.memory_space<hbm>> -> memref<10000x128xf32, #tpu.memory_space<hbm>>
          tpu.enqueue_indirect_dma source(%dma_start3A_418 : memref<10000x128xf32, #tpu.memory_space<hbm>>) target(%dma_start3A_412 : memref<25x128xf32, #tpu.memory_space<vmem>>) offsets(%dma_start3A_415 : memref<25xi32, #tpu.memory_space<vmem>>) semaphore(%arg12 : memref<!tpu.dma_semaphore, #tpu.memory_space<semaphore_mem>>)
        } else {
        }
        %add3A_300 = arith.constant 2 : i32
        %add3A_301 = arith.addi %mul3A_107, %add3A_300 : i32
        %dma_wait3A_302 = arith.constant 50 : i32
        %dma_wait3A_303 = arith.constant 0 : i32
        %dma_wait3A_304 = tpu.memref_slice %arg9[%dma_wait3A_302, %dma_wait3A_303] : memref<200x128xf32, #tpu.memory_space<vmem>> -> memref<25x128xf32, #tpu.memory_space<vmem>>
        %dma_wait3A_305 = arith.constant 0 : i32
        %dma_wait3A_306 = tpu.memref_slice %arg8[%add3A_301, %dma_wait3A_305] : memref<80x25xi32, #tpu.memory_space<vmem>> -> memref<1x25xi32, #tpu.memory_space<vmem>>
        %dma_wait3A_307 = tpu.memref_squeeze %dma_wait3A_306 : memref<1x25xi32, #tpu.memory_space<vmem>> -> memref<25xi32, #tpu.memory_space<vmem>>
        %dma_wait3A_308 = arith.constant 0 : i32
        %dma_wait3A_309 = arith.constant 0 : i32
        %dma_wait3A_310 = tpu.memref_slice %arg10[%dma_wait3A_308, %dma_wait3A_309] : memref<10240x128xf32, #tpu.memory_space<vmem_shared>> -> memref<10240x128xf32, #tpu.memory_space<vmem_shared>>
        tpu.wait_indirect_dma semaphore(%arg21 : memref<!tpu.dma_semaphore, #tpu.memory_space<semaphore_mem>>) src(%dma_wait3A_304 : memref<25x128xf32, #tpu.memory_space<vmem>>) dst(%dma_wait3A_310 : memref<10240x128xf32, #tpu.memory_space<vmem_shared>>)
        %add3A_311 = arith.constant 8 : i32
        %add3A_312 = arith.addi %add3A_301, %add3A_311 : i32
        %lt3A_313 = arith.constant 80 : i32
        %lt3A_314 = arith.cmpi slt, %add3A_312, %lt3A_313 : i32
        %convert_element_type3A_315 = arith.extui %lt3A_314 : i1 to i32
        %cond3A_316 = arith.constant 0 : i32
        %cond3A_317 = arith.cmpi ne, %convert_element_type3A_315, %cond3A_316 : i32
        scf.if %cond3A_317 {
          %add3A_408 = arith.constant 8 : i32
          %add3A_409 = arith.addi %add3A_301, %add3A_408 : i32
          %dma_start3A_410 = arith.constant 50 : i32
          %dma_start3A_411 = arith.constant 0 : i32
          %dma_start3A_412 = tpu.memref_slice %arg9[%dma_start3A_410, %dma_start3A_411] : memref<200x128xf32, #tpu.memory_space<vmem>> -> memref<25x128xf32, #tpu.memory_space<vmem>>
          %dma_start3A_413 = arith.constant 0 : i32
          %dma_start3A_414 = tpu.memref_slice %arg7[%add3A_409, %dma_start3A_413] : memref<80x25xi32, #tpu.memory_space<vmem>> -> memref<1x25xi32, #tpu.memory_space<vmem>>
          %dma_start3A_415 = tpu.memref_squeeze %dma_start3A_414 : memref<1x25xi32, #tpu.memory_space<vmem>> -> memref<25xi32, #tpu.memory_space<vmem>>
          %dma_start3A_416 = arith.constant 0 : i32
          %dma_start3A_417 = arith.constant 0 : i32
          %dma_start3A_418 = tpu.memref_slice %arg2[%dma_start3A_416, %dma_start3A_417] : memref<10000x128xf32, #tpu.memory_space<hbm>> -> memref<10000x128xf32, #tpu.memory_space<hbm>>
          tpu.enqueue_indirect_dma source(%dma_start3A_418 : memref<10000x128xf32, #tpu.memory_space<hbm>>) target(%dma_start3A_412 : memref<25x128xf32, #tpu.memory_space<vmem>>) offsets(%dma_start3A_415 : memref<25xi32, #tpu.memory_space<vmem>>) semaphore(%arg13 : memref<!tpu.dma_semaphore, #tpu.memory_space<semaphore_mem>>)
        } else {
        }
        %add3A_318 = arith.constant 3 : i32
        %add3A_319 = arith.addi %mul3A_107, %add3A_318 : i32
        %dma_wait3A_320 = arith.constant 75 : i32
        %dma_wait3A_321 = arith.constant 0 : i32
        %dma_wait3A_322 = tpu.memref_slice %arg9[%dma_wait3A_320, %dma_wait3A_321] : memref<200x128xf32, #tpu.memory_space<vmem>> -> memref<25x128xf32, #tpu.memory_space<vmem>>
        %dma_wait3A_323 = arith.constant 0 : i32
        %dma_wait3A_324 = tpu.memref_slice %arg8[%add3A_319, %dma_wait3A_323] : memref<80x25xi32, #tpu.memory_space<vmem>> -> memref<1x25xi32, #tpu.memory_space<vmem>>
        %dma_wait3A_325 = tpu.memref_squeeze %dma_wait3A_324 : memref<1x25xi32, #tpu.memory_space<vmem>> -> memref<25xi32, #tpu.memory_space<vmem>>
        %dma_wait3A_326 = arith.constant 0 : i32
        %dma_wait3A_327 = arith.constant 0 : i32
        %dma_wait3A_328 = tpu.memref_slice %arg10[%dma_wait3A_326, %dma_wait3A_327] : memref<10240x128xf32, #tpu.memory_space<vmem_shared>> -> memref<10240x128xf32, #tpu.memory_space<vmem_shared>>
        tpu.wait_indirect_dma semaphore(%arg22 : memref<!tpu.dma_semaphore, #tpu.memory_space<semaphore_mem>>) src(%dma_wait3A_322 : memref<25x128xf32, #tpu.memory_space<vmem>>) dst(%dma_wait3A_328 : memref<10240x128xf32, #tpu.memory_space<vmem_shared>>)
        %add3A_329 = arith.constant 8 : i32
        %add3A_330 = arith.addi %add3A_319, %add3A_329 : i32
        %lt3A_331 = arith.constant 80 : i32
        %lt3A_332 = arith.cmpi slt, %add3A_330, %lt3A_331 : i32
        %convert_element_type3A_333 = arith.extui %lt3A_332 : i1 to i32
        %cond3A_334 = arith.constant 0 : i32
        %cond3A_335 = arith.cmpi ne, %convert_element_type3A_333, %cond3A_334 : i32
        scf.if %cond3A_335 {
          %add3A_408 = arith.constant 8 : i32
          %add3A_409 = arith.addi %add3A_319, %add3A_408 : i32
          %dma_start3A_410 = arith.constant 75 : i32
          %dma_start3A_411 = arith.constant 0 : i32
          %dma_start3A_412 = tpu.memref_slice %arg9[%dma_start3A_410, %dma_start3A_411] : memref<200x128xf32, #tpu.memory_space<vmem>> -> memref<25x128xf32, #tpu.memory_space<vmem>>
          %dma_start3A_413 = arith.constant 0 : i32
          %dma_start3A_414 = tpu.memref_slice %arg7[%add3A_409, %dma_start3A_413] : memref<80x25xi32, #tpu.memory_space<vmem>> -> memref<1x25xi32, #tpu.memory_space<vmem>>
          %dma_start3A_415 = tpu.memref_squeeze %dma_start3A_414 : memref<1x25xi32, #tpu.memory_space<vmem>> -> memref<25xi32, #tpu.memory_space<vmem>>
          %dma_start3A_416 = arith.constant 0 : i32
          %dma_start3A_417 = arith.constant 0 : i32
          %dma_start3A_418 = tpu.memref_slice %arg2[%dma_start3A_416, %dma_start3A_417] : memref<10000x128xf32, #tpu.memory_space<hbm>> -> memref<10000x128xf32, #tpu.memory_space<hbm>>
          tpu.enqueue_indirect_dma source(%dma_start3A_418 : memref<10000x128xf32, #tpu.memory_space<hbm>>) target(%dma_start3A_412 : memref<25x128xf32, #tpu.memory_space<vmem>>) offsets(%dma_start3A_415 : memref<25xi32, #tpu.memory_space<vmem>>) semaphore(%arg14 : memref<!tpu.dma_semaphore, #tpu.memory_space<semaphore_mem>>)
        } else {
        }
        %add3A_336 = arith.constant 4 : i32
        %add3A_337 = arith.addi %mul3A_107, %add3A_336 : i32
        %dma_wait3A_338 = arith.constant 100 : i32
        %dma_wait3A_339 = arith.constant 0 : i32
        %dma_wait3A_340 = tpu.memref_slice %arg9[%dma_wait3A_338, %dma_wait3A_339] : memref<200x128xf32, #tpu.memory_space<vmem>> -> memref<25x128xf32, #tpu.memory_space<vmem>>
        %dma_wait3A_341 = arith.constant 0 : i32
        %dma_wait3A_342 = tpu.memref_slice %arg8[%add3A_337, %dma_wait3A_341] : memref<80x25xi32, #tpu.memory_space<vmem>> -> memref<1x25xi32, #tpu.memory_space<vmem>>
        %dma_wait3A_343 = tpu.memref_squeeze %dma_wait3A_342 : memref<1x25xi32, #tpu.memory_space<vmem>> -> memref<25xi32, #tpu.memory_space<vmem>>
        %dma_wait3A_344 = arith.constant 0 : i32
        %dma_wait3A_345 = arith.constant 0 : i32
        %dma_wait3A_346 = tpu.memref_slice %arg10[%dma_wait3A_344, %dma_wait3A_345] : memref<10240x128xf32, #tpu.memory_space<vmem_shared>> -> memref<10240x128xf32, #tpu.memory_space<vmem_shared>>
        tpu.wait_indirect_dma semaphore(%arg23 : memref<!tpu.dma_semaphore, #tpu.memory_space<semaphore_mem>>) src(%dma_wait3A_340 : memref<25x128xf32, #tpu.memory_space<vmem>>) dst(%dma_wait3A_346 : memref<10240x128xf32, #tpu.memory_space<vmem_shared>>)
        %add3A_347 = arith.constant 8 : i32
        %add3A_348 = arith.addi %add3A_337, %add3A_347 : i32
        %lt3A_349 = arith.constant 80 : i32
        %lt3A_350 = arith.cmpi slt, %add3A_348, %lt3A_349 : i32
        %convert_element_type3A_351 = arith.extui %lt3A_350 : i1 to i32
        %cond3A_352 = arith.constant 0 : i32
        %cond3A_353 = arith.cmpi ne, %convert_element_type3A_351, %cond3A_352 : i32
        scf.if %cond3A_353 {
          %add3A_408 = arith.constant 8 : i32
          %add3A_409 = arith.addi %add3A_337, %add3A_408 : i32
          %dma_start3A_410 = arith.constant 100 : i32
          %dma_start3A_411 = arith.constant 0 : i32
          %dma_start3A_412 = tpu.memref_slice %arg9[%dma_start3A_410, %dma_start3A_411] : memref<200x128xf32, #tpu.memory_space<vmem>> -> memref<25x128xf32, #tpu.memory_space<vmem>>
          %dma_start3A_413 = arith.constant 0 : i32
          %dma_start3A_414 = tpu.memref_slice %arg7[%add3A_409, %dma_start3A_413] : memref<80x25xi32, #tpu.memory_space<vmem>> -> memref<1x25xi32, #tpu.memory_space<vmem>>
          %dma_start3A_415 = tpu.memref_squeeze %dma_start3A_414 : memref<1x25xi32, #tpu.memory_space<vmem>> -> memref<25xi32, #tpu.memory_space<vmem>>
          %dma_start3A_416 = arith.constant 0 : i32
          %dma_start3A_417 = arith.constant 0 : i32
          %dma_start3A_418 = tpu.memref_slice %arg2[%dma_start3A_416, %dma_start3A_417] : memref<10000x128xf32, #tpu.memory_space<hbm>> -> memref<10000x128xf32, #tpu.memory_space<hbm>>
          tpu.enqueue_indirect_dma source(%dma_start3A_418 : memref<10000x128xf32, #tpu.memory_space<hbm>>) target(%dma_start3A_412 : memref<25x128xf32, #tpu.memory_space<vmem>>) offsets(%dma_start3A_415 : memref<25xi32, #tpu.memory_space<vmem>>) semaphore(%arg15 : memref<!tpu.dma_semaphore, #tpu.memory_space<semaphore_mem>>)
        } else {
        }
        %add3A_354 = arith.constant 5 : i32
        %add3A_355 = arith.addi %mul3A_107, %add3A_354 : i32
        %dma_wait3A_356 = arith.constant 125 : i32
        %dma_wait3A_357 = arith.constant 0 : i32
        %dma_wait3A_358 = tpu.memref_slice %arg9[%dma_wait3A_356, %dma_wait3A_357] : memref<200x128xf32, #tpu.memory_space<vmem>> -> memref<25x128xf32, #tpu.memory_space<vmem>>
        %dma_wait3A_359 = arith.constant 0 : i32
        %dma_wait3A_360 = tpu.memref_slice %arg8[%add3A_355, %dma_wait3A_359] : memref<80x25xi32, #tpu.memory_space<vmem>> -> memref<1x25xi32, #tpu.memory_space<vmem>>
        %dma_wait3A_361 = tpu.memref_squeeze %dma_wait3A_360 : memref<1x25xi32, #tpu.memory_space<vmem>> -> memref<25xi32, #tpu.memory_space<vmem>>
        %dma_wait3A_362 = arith.constant 0 : i32
        %dma_wait3A_363 = arith.constant 0 : i32
        %dma_wait3A_364 = tpu.memref_slice %arg10[%dma_wait3A_362, %dma_wait3A_363] : memref<10240x128xf32, #tpu.memory_space<vmem_shared>> -> memref<10240x128xf32, #tpu.memory_space<vmem_shared>>
        tpu.wait_indirect_dma semaphore(%arg24 : memref<!tpu.dma_semaphore, #tpu.memory_space<semaphore_mem>>) src(%dma_wait3A_358 : memref<25x128xf32, #tpu.memory_space<vmem>>) dst(%dma_wait3A_364 : memref<10240x128xf32, #tpu.memory_space<vmem_shared>>)
        %add3A_365 = arith.constant 8 : i32
        %add3A_366 = arith.addi %add3A_355, %add3A_365 : i32
        %lt3A_367 = arith.constant 80 : i32
        %lt3A_368 = arith.cmpi slt, %add3A_366, %lt3A_367 : i32
        %convert_element_type3A_369 = arith.extui %lt3A_368 : i1 to i32
        %cond3A_370 = arith.constant 0 : i32
        %cond3A_371 = arith.cmpi ne, %convert_element_type3A_369, %cond3A_370 : i32
        scf.if %cond3A_371 {
          %add3A_408 = arith.constant 8 : i32
          %add3A_409 = arith.addi %add3A_355, %add3A_408 : i32
          %dma_start3A_410 = arith.constant 125 : i32
          %dma_start3A_411 = arith.constant 0 : i32
          %dma_start3A_412 = tpu.memref_slice %arg9[%dma_start3A_410, %dma_start3A_411] : memref<200x128xf32, #tpu.memory_space<vmem>> -> memref<25x128xf32, #tpu.memory_space<vmem>>
          %dma_start3A_413 = arith.constant 0 : i32
          %dma_start3A_414 = tpu.memref_slice %arg7[%add3A_409, %dma_start3A_413] : memref<80x25xi32, #tpu.memory_space<vmem>> -> memref<1x25xi32, #tpu.memory_space<vmem>>
          %dma_start3A_415 = tpu.memref_squeeze %dma_start3A_414 : memref<1x25xi32, #tpu.memory_space<vmem>> -> memref<25xi32, #tpu.memory_space<vmem>>
          %dma_start3A_416 = arith.constant 0 : i32
          %dma_start3A_417 = arith.constant 0 : i32
          %dma_start3A_418 = tpu.memref_slice %arg2[%dma_start3A_416, %dma_start3A_417] : memref<10000x128xf32, #tpu.memory_space<hbm>> -> memref<10000x128xf32, #tpu.memory_space<hbm>>
          tpu.enqueue_indirect_dma source(%dma_start3A_418 : memref<10000x128xf32, #tpu.memory_space<hbm>>) target(%dma_start3A_412 : memref<25x128xf32, #tpu.memory_space<vmem>>) offsets(%dma_start3A_415 : memref<25xi32, #tpu.memory_space<vmem>>) semaphore(%arg16 : memref<!tpu.dma_semaphore, #tpu.memory_space<semaphore_mem>>)
        } else {
        }
        %add3A_372 = arith.constant 6 : i32
        %add3A_373 = arith.addi %mul3A_107, %add3A_372 : i32
        %dma_wait3A_374 = arith.constant 150 : i32
        %dma_wait3A_375 = arith.constant 0 : i32
        %dma_wait3A_376 = tpu.memref_slice %arg9[%dma_wait3A_374, %dma_wait3A_375] : memref<200x128xf32, #tpu.memory_space<vmem>> -> memref<25x128xf32, #tpu.memory_space<vmem>>
        %dma_wait3A_377 = arith.constant 0 : i32
        %dma_wait3A_378 = tpu.memref_slice %arg8[%add3A_373, %dma_wait3A_377] : memref<80x25xi32, #tpu.memory_space<vmem>> -> memref<1x25xi32, #tpu.memory_space<vmem>>
        %dma_wait3A_379 = tpu.memref_squeeze %dma_wait3A_378 : memref<1x25xi32, #tpu.memory_space<vmem>> -> memref<25xi32, #tpu.memory_space<vmem>>
        %dma_wait3A_380 = arith.constant 0 : i32
        %dma_wait3A_381 = arith.constant 0 : i32
        %dma_wait3A_382 = tpu.memref_slice %arg10[%dma_wait3A_380, %dma_wait3A_381] : memref<10240x128xf32, #tpu.memory_space<vmem_shared>> -> memref<10240x128xf32, #tpu.memory_space<vmem_shared>>
        tpu.wait_indirect_dma semaphore(%arg25 : memref<!tpu.dma_semaphore, #tpu.memory_space<semaphore_mem>>) src(%dma_wait3A_376 : memref<25x128xf32, #tpu.memory_space<vmem>>) dst(%dma_wait3A_382 : memref<10240x128xf32, #tpu.memory_space<vmem_shared>>)
        %add3A_383 = arith.constant 8 : i32
        %add3A_384 = arith.addi %add3A_373, %add3A_383 : i32
        %lt3A_385 = arith.constant 80 : i32
        %lt3A_386 = arith.cmpi slt, %add3A_384, %lt3A_385 : i32
        %convert_element_type3A_387 = arith.extui %lt3A_386 : i1 to i32
        %cond3A_388 = arith.constant 0 : i32
        %cond3A_389 = arith.cmpi ne, %convert_element_type3A_387, %cond3A_388 : i32
        scf.if %cond3A_389 {
          %add3A_408 = arith.constant 8 : i32
          %add3A_409 = arith.addi %add3A_373, %add3A_408 : i32
          %dma_start3A_410 = arith.constant 150 : i32
          %dma_start3A_411 = arith.constant 0 : i32
          %dma_start3A_412 = tpu.memref_slice %arg9[%dma_start3A_410, %dma_start3A_411] : memref<200x128xf32, #tpu.memory_space<vmem>> -> memref<25x128xf32, #tpu.memory_space<vmem>>
          %dma_start3A_413 = arith.constant 0 : i32
          %dma_start3A_414 = tpu.memref_slice %arg7[%add3A_409, %dma_start3A_413] : memref<80x25xi32, #tpu.memory_space<vmem>> -> memref<1x25xi32, #tpu.memory_space<vmem>>
          %dma_start3A_415 = tpu.memref_squeeze %dma_start3A_414 : memref<1x25xi32, #tpu.memory_space<vmem>> -> memref<25xi32, #tpu.memory_space<vmem>>
          %dma_start3A_416 = arith.constant 0 : i32
          %dma_start3A_417 = arith.constant 0 : i32
          %dma_start3A_418 = tpu.memref_slice %arg2[%dma_start3A_416, %dma_start3A_417] : memref<10000x128xf32, #tpu.memory_space<hbm>> -> memref<10000x128xf32, #tpu.memory_space<hbm>>
          tpu.enqueue_indirect_dma source(%dma_start3A_418 : memref<10000x128xf32, #tpu.memory_space<hbm>>) target(%dma_start3A_412 : memref<25x128xf32, #tpu.memory_space<vmem>>) offsets(%dma_start3A_415 : memref<25xi32, #tpu.memory_space<vmem>>) semaphore(%arg17 : memref<!tpu.dma_semaphore, #tpu.memory_space<semaphore_mem>>)
        } else {
        }
        %add3A_390 = arith.constant 7 : i32
        %add3A_391 = arith.addi %mul3A_107, %add3A_390 : i32
        %dma_wait3A_392 = arith.constant 175 : i32
        %dma_wait3A_393 = arith.constant 0 : i32
        %dma_wait3A_394 = tpu.memref_slice %arg9[%dma_wait3A_392, %dma_wait3A_393] : memref<200x128xf32, #tpu.memory_space<vmem>> -> memref<25x128xf32, #tpu.memory_space<vmem>>
        %dma_wait3A_395 = arith.constant 0 : i32
        %dma_wait3A_396 = tpu.memref_slice %arg8[%add3A_391, %dma_wait3A_395] : memref<80x25xi32, #tpu.memory_space<vmem>> -> memref<1x25xi32, #tpu.memory_space<vmem>>
        %dma_wait3A_397 = tpu.memref_squeeze %dma_wait3A_396 : memref<1x25xi32, #tpu.memory_space<vmem>> -> memref<25xi32, #tpu.memory_space<vmem>>
        %dma_wait3A_398 = arith.constant 0 : i32
        %dma_wait3A_399 = arith.constant 0 : i32
        %dma_wait3A_400 = tpu.memref_slice %arg10[%dma_wait3A_398, %dma_wait3A_399] : memref<10240x128xf32, #tpu.memory_space<vmem_shared>> -> memref<10240x128xf32, #tpu.memory_space<vmem_shared>>
        tpu.wait_indirect_dma semaphore(%arg26 : memref<!tpu.dma_semaphore, #tpu.memory_space<semaphore_mem>>) src(%dma_wait3A_394 : memref<25x128xf32, #tpu.memory_space<vmem>>) dst(%dma_wait3A_400 : memref<10240x128xf32, #tpu.memory_space<vmem_shared>>)
        %add3A_401 = arith.constant 8 : i32
        %add3A_402 = arith.addi %add3A_391, %add3A_401 : i32
        %lt3A_403 = arith.constant 80 : i32
        %lt3A_404 = arith.cmpi slt, %add3A_402, %lt3A_403 : i32
        %convert_element_type3A_405 = arith.extui %lt3A_404 : i1 to i32
        %cond3A_406 = arith.constant 0 : i32
        %cond3A_407 = arith.cmpi ne, %convert_element_type3A_405, %cond3A_406 : i32
        scf.if %cond3A_407 {
          %add3A_408 = arith.constant 8 : i32
          %add3A_409 = arith.addi %add3A_391, %add3A_408 : i32
          %dma_start3A_410 = arith.constant 175 : i32
          %dma_start3A_411 = arith.constant 0 : i32
          %dma_start3A_412 = tpu.memref_slice %arg9[%dma_start3A_410, %dma_start3A_411] : memref<200x128xf32, #tpu.memory_space<vmem>> -> memref<25x128xf32, #tpu.memory_space<vmem>>
          %dma_start3A_413 = arith.constant 0 : i32
          %dma_start3A_414 = tpu.memref_slice %arg7[%add3A_409, %dma_start3A_413] : memref<80x25xi32, #tpu.memory_space<vmem>> -> memref<1x25xi32, #tpu.memory_space<vmem>>
          %dma_start3A_415 = tpu.memref_squeeze %dma_start3A_414 : memref<1x25xi32, #tpu.memory_space<vmem>> -> memref<25xi32, #tpu.memory_space<vmem>>
          %dma_start3A_416 = arith.constant 0 : i32
          %dma_start3A_417 = arith.constant 0 : i32
          %dma_start3A_418 = tpu.memref_slice %arg2[%dma_start3A_416, %dma_start3A_417] : memref<10000x128xf32, #tpu.memory_space<hbm>> -> memref<10000x128xf32, #tpu.memory_space<hbm>>
          tpu.enqueue_indirect_dma source(%dma_start3A_418 : memref<10000x128xf32, #tpu.memory_space<hbm>>) target(%dma_start3A_412 : memref<25x128xf32, #tpu.memory_space<vmem>>) offsets(%dma_start3A_415 : memref<25xi32, #tpu.memory_space<vmem>>) semaphore(%arg18 : memref<!tpu.dma_semaphore, #tpu.memory_space<semaphore_mem>>)
        } else {
        }
      }
      %scan3A_104 = arith.constant 10 : i32
    }
    %scan3A_7 = arith.constant 5 : i32
    %barrier3A_8 = arith.constant 0 : index
    tpu.barrier barrier_id(%barrier3A_8)
    %mul3A_9 = arith.constant 640 : i32
    %mul3A_10 = arith.muli %arg1, %mul3A_9 : i32
    %mul3A_11 = arith.constant 640 : i32
    %mul3A_12 = arith.muli %arg1, %mul3A_11 : i32
    "tpu.region"() ({
      %run_scoped3A = tpu.sem_alloc : memref<!tpu.dma_semaphore, #tpu.memory_space<semaphore_mem>>
      %dma_start3A = arith.constant 0 : i32
      %dma_start3A_13 = tpu.memref_slice %arg6[%arg0, %mul3A_12, %dma_start3A] : memref<2x10240x128xf32, #tpu.memory_space<hbm>> -> memref<1x640x128xf32, #tpu.memory_space<hbm>>
      %dma_start3A_14 = tpu.memref_squeeze %dma_start3A_13 : memref<1x640x128xf32, #tpu.memory_space<hbm>> -> memref<640x128xf32, #tpu.memory_space<hbm>>
      %dma_start3A_15 = arith.constant 0 : i32
      %dma_start3A_16 = tpu.memref_slice %arg10[%mul3A_10, %dma_start3A_15] : memref<10240x128xf32, #tpu.memory_space<vmem_shared>> -> memref<640x128xf32, #tpu.memory_space<vmem_shared>>
      tpu.enqueue_dma source(%dma_start3A_16 : memref<640x128xf32, #tpu.memory_space<vmem_shared>>) target(%dma_start3A_14 : memref<640x128xf32, #tpu.memory_space<hbm>>) target_semaphore(%run_scoped3A : memref<!tpu.dma_semaphore, #tpu.memory_space<semaphore_mem>>)
      %dma_wait3A = arith.constant 0 : i32
      %dma_wait3A_17 = tpu.memref_slice %arg6[%arg0, %mul3A_12, %dma_wait3A] : memref<2x10240x128xf32, #tpu.memory_space<hbm>> -> memref<1x640x128xf32, #tpu.memory_space<hbm>>
      %dma_wait3A_18 = tpu.memref_squeeze %dma_wait3A_17 : memref<1x640x128xf32, #tpu.memory_space<hbm>> -> memref<640x128xf32, #tpu.memory_space<hbm>>
      %dma_wait3A_19 = arith.constant 0 : i32
      %dma_wait3A_20 = tpu.memref_slice %arg10[%mul3A_10, %dma_wait3A_19] : memref<10240x128xf32, #tpu.memory_space<vmem_shared>> -> memref<640x128xf32, #tpu.memory_space<vmem_shared>>
      tpu.wait_dma2 semaphore(%run_scoped3A : memref<!tpu.dma_semaphore, #tpu.memory_space<semaphore_mem>>) src(%dma_wait3A_20 : memref<640x128xf32, #tpu.memory_space<vmem_shared>>) dst(%dma_wait3A_18 : memref<640x128xf32, #tpu.memory_space<hbm>>)
      tpu.yield
    }) : () -> ()
    return
  }
}

#map = affine_map<(d0, d1) -> (0, 0)>
#map1 = affine_map<(d0, d1) -> (0, 0, 0)>
module attributes {stable_mosaic.version = 14 : i64} {
  func.func @_sc_agg(%arg0: i32, %arg1: i32, %arg2: memref<10000x128xf32, #tpu.memory_space<hbm>>, %arg3: memref<160x80x25xi32, #tpu.memory_space<hbm>>, %arg4: memref<160x80x25xi32, #tpu.memory_space<hbm>>, %arg5: memref<640x128xf32, #tpu.memory_space<hbm>>, %arg6: memref<2x10240x128xf32, #tpu.memory_space<hbm>>, %arg7: memref<80x25xi32, #tpu.memory_space<vmem>>, %arg8: memref<80x25xi32, #tpu.memory_space<vmem>>, %arg9: memref<200x128xf32, #tpu.memory_space<vmem>>, %arg10: memref<10240x128xf32, #tpu.memory_space<vmem_shared>>, %arg11: memref<!tpu.dma_semaphore, #tpu.memory_space<semaphore_mem>>, %arg12: memref<!tpu.dma_semaphore, #tpu.memory_space<semaphore_mem>>, %arg13: memref<!tpu.dma_semaphore, #tpu.memory_space<semaphore_mem>>, %arg14: memref<!tpu.dma_semaphore, #tpu.memory_space<semaphore_mem>>, %arg15: memref<!tpu.dma_semaphore, #tpu.memory_space<semaphore_mem>>, %arg16: memref<!tpu.dma_semaphore, #tpu.memory_space<semaphore_mem>>, %arg17: memref<!tpu.dma_semaphore, #tpu.memory_space<semaphore_mem>>, %arg18: memref<!tpu.dma_semaphore, #tpu.memory_space<semaphore_mem>>, %arg19: memref<!tpu.dma_semaphore, #tpu.memory_space<semaphore_mem>>, %arg20: memref<!tpu.dma_semaphore, #tpu.memory_space<semaphore_mem>>, %arg21: memref<!tpu.dma_semaphore, #tpu.memory_space<semaphore_mem>>, %arg22: memref<!tpu.dma_semaphore, #tpu.memory_space<semaphore_mem>>, %arg23: memref<!tpu.dma_semaphore, #tpu.memory_space<semaphore_mem>>, %arg24: memref<!tpu.dma_semaphore, #tpu.memory_space<semaphore_mem>>, %arg25: memref<!tpu.dma_semaphore, #tpu.memory_space<semaphore_mem>>, %arg26: memref<!tpu.dma_semaphore, #tpu.memory_space<semaphore_mem>>) attributes {dimension_semantics = [#tpu.dimension_semantics<core_parallel>, #tpu.dimension_semantics<subcore_parallel>], iteration_bounds = array<i64: 2, 16>, scalar_prefetch = 0 : i64, scratch_operands = 20 : i64, tpu.core_type = #tpu.core_type<sc_vector_subcore>, window_params = [{transform_indices = #map}, {transform_indices = #map1}, {transform_indices = #map1}, {transform_indices = #map}, {transform_indices = #map1}]} {
    %mul3A = arith.constant 2 : i32
    %mul3A_0 = arith.muli %arg1, %mul3A : i32
    %add3A = arith.addi %mul3A_0, %arg0 : i32
    %mul3A_1 = arith.constant 640 : i32
    %mul3A_2 = arith.muli %arg1, %mul3A_1 : i32
    "tpu.region"() ({
      %run_scoped3A = tpu.sem_alloc : memref<!tpu.dma_semaphore, #tpu.memory_space<semaphore_mem>>
      %dma_start3A = arith.constant 0 : i32
      %dma_start3A_13 = tpu.memref_slice %arg10[%mul3A_2, %dma_start3A] : memref<10240x128xf32, #tpu.memory_space<vmem_shared>> -> memref<640x128xf32, #tpu.memory_space<vmem_shared>>
      tpu.enqueue_dma source(%arg5 : memref<640x128xf32, #tpu.memory_space<hbm>>) target(%dma_start3A_13 : memref<640x128xf32, #tpu.memory_space<vmem_shared>>) target_semaphore(%run_scoped3A : memref<!tpu.dma_semaphore, #tpu.memory_space<semaphore_mem>>)
      %dma_wait3A = arith.constant 0 : i32
      %dma_wait3A_14 = tpu.memref_slice %arg10[%mul3A_2, %dma_wait3A] : memref<10240x128xf32, #tpu.memory_space<vmem_shared>> -> memref<640x128xf32, #tpu.memory_space<vmem_shared>>
      tpu.wait_dma2 semaphore(%run_scoped3A : memref<!tpu.dma_semaphore, #tpu.memory_space<semaphore_mem>>) src(%arg5 : memref<640x128xf32, #tpu.memory_space<hbm>>) dst(%dma_wait3A_14 : memref<640x128xf32, #tpu.memory_space<vmem_shared>>)
      tpu.yield
    }) : () -> ()
    %barrier3A = arith.constant 0 : index
    tpu.barrier barrier_id(%barrier3A)
    %scan3A = arith.constant 0 : i32
    %scan3A_3 = arith.constant 0 : i32
    %scan3A_4 = arith.constant 5 : i32
    %scan3A_5 = arith.addi %scan3A_3, %scan3A_4 : i32
    %scan3A_6 = arith.constant 1 : i32
    scf.for %scan3A_13 = %scan3A_3 to %scan3A_5 step %scan3A_6  : i32 {
      %mul3A_14 = arith.constant 5 : i32
      %mul3A_15 = arith.muli %add3A, %mul3A_14 : i32
      %add3A_16 = arith.addi %mul3A_15, %scan3A_13 : i32
      "tpu.region"() ({
        %run_scoped3A = tpu.sem_alloc : memref<!tpu.dma_semaphore, #tpu.memory_space<semaphore_mem>>
        %dma_start3A_105 = arith.constant 0 : i32
        %dma_start3A_106 = arith.constant 0 : i32
        %dma_start3A_107 = tpu.memref_slice %arg3[%add3A_16, %dma_start3A_105, %dma_start3A_106] : memref<160x80x25xi32, #tpu.memory_space<hbm>> -> memref<1x80x25xi32, #tpu.memory_space<hbm>>
        %dma_start3A_108 = tpu.memref_squeeze %dma_start3A_107 : memref<1x80x25xi32, #tpu.memory_space<hbm>> -> memref<80x25xi32, #tpu.memory_space<hbm>>
        %dma_start3A_109 = arith.constant 0 : i32
        %dma_start3A_110 = arith.constant 0 : i32
        %dma_start3A_111 = tpu.memref_slice %arg3[%add3A_16, %dma_start3A_109, %dma_start3A_110] : memref<160x80x25xi32, #tpu.memory_space<hbm>> -> memref<1x80x25xi32, #tpu.memory_space<hbm>>
        %dma_start3A_112 = tpu.memref_squeeze %dma_start3A_111 : memref<1x80x25xi32, #tpu.memory_space<hbm>> -> memref<80x25xi32, #tpu.memory_space<hbm>>
        tpu.enqueue_dma source(%dma_start3A_112 : memref<80x25xi32, #tpu.memory_space<hbm>>) target(%arg7 : memref<80x25xi32, #tpu.memory_space<vmem>>) target_semaphore(%run_scoped3A : memref<!tpu.dma_semaphore, #tpu.memory_space<semaphore_mem>>)
        %dma_wait3A = arith.constant 0 : i32
        %dma_wait3A_113 = arith.constant 0 : i32
        %dma_wait3A_114 = tpu.memref_slice %arg3[%add3A_16, %dma_wait3A, %dma_wait3A_113] : memref<160x80x25xi32, #tpu.memory_space<hbm>> -> memref<1x80x25xi32, #tpu.memory_space<hbm>>
        %dma_wait3A_115 = tpu.memref_squeeze %dma_wait3A_114 : memref<1x80x25xi32, #tpu.memory_space<hbm>> -> memref<80x25xi32, #tpu.memory_space<hbm>>
        %dma_wait3A_116 = arith.constant 0 : i32
        %dma_wait3A_117 = arith.constant 0 : i32
        %dma_wait3A_118 = tpu.memref_slice %arg3[%add3A_16, %dma_wait3A_116, %dma_wait3A_117] : memref<160x80x25xi32, #tpu.memory_space<hbm>> -> memref<1x80x25xi32, #tpu.memory_space<hbm>>
        %dma_wait3A_119 = tpu.memref_squeeze %dma_wait3A_118 : memref<1x80x25xi32, #tpu.memory_space<hbm>> -> memref<80x25xi32, #tpu.memory_space<hbm>>
        tpu.wait_dma2 semaphore(%run_scoped3A : memref<!tpu.dma_semaphore, #tpu.memory_space<semaphore_mem>>) src(%dma_wait3A_119 : memref<80x25xi32, #tpu.memory_space<hbm>>) dst(%arg7 : memref<80x25xi32, #tpu.memory_space<vmem>>)
        tpu.yield
      }) : () -> ()
      %mul3A_17 = arith.constant 5 : i32
      %mul3A_18 = arith.muli %add3A, %mul3A_17 : i32
      %add3A_19 = arith.addi %mul3A_18, %scan3A_13 : i32
      "tpu.region"() ({
        %run_scoped3A = tpu.sem_alloc : memref<!tpu.dma_semaphore, #tpu.memory_space<semaphore_mem>>
        %dma_start3A_105 = arith.constant 0 : i32
        %dma_start3A_106 = arith.constant 0 : i32
        %dma_start3A_107 = tpu.memref_slice %arg4[%add3A_19, %dma_start3A_105, %dma_start3A_106] : memref<160x80x25xi32, #tpu.memory_space<hbm>> -> memref<1x80x25xi32, #tpu.memory_space<hbm>>
        %dma_start3A_108 = tpu.memref_squeeze %dma_start3A_107 : memref<1x80x25xi32, #tpu.memory_space<hbm>> -> memref<80x25xi32, #tpu.memory_space<hbm>>
        %dma_start3A_109 = arith.constant 0 : i32
        %dma_start3A_110 = arith.constant 0 : i32
        %dma_start3A_111 = tpu.memref_slice %arg4[%add3A_19, %dma_start3A_109, %dma_start3A_110] : memref<160x80x25xi32, #tpu.memory_space<hbm>> -> memref<1x80x25xi32, #tpu.memory_space<hbm>>
        %dma_start3A_112 = tpu.memref_squeeze %dma_start3A_111 : memref<1x80x25xi32, #tpu.memory_space<hbm>> -> memref<80x25xi32, #tpu.memory_space<hbm>>
        tpu.enqueue_dma source(%dma_start3A_112 : memref<80x25xi32, #tpu.memory_space<hbm>>) target(%arg8 : memref<80x25xi32, #tpu.memory_space<vmem>>) target_semaphore(%run_scoped3A : memref<!tpu.dma_semaphore, #tpu.memory_space<semaphore_mem>>)
        %dma_wait3A = arith.constant 0 : i32
        %dma_wait3A_113 = arith.constant 0 : i32
        %dma_wait3A_114 = tpu.memref_slice %arg4[%add3A_19, %dma_wait3A, %dma_wait3A_113] : memref<160x80x25xi32, #tpu.memory_space<hbm>> -> memref<1x80x25xi32, #tpu.memory_space<hbm>>
        %dma_wait3A_115 = tpu.memref_squeeze %dma_wait3A_114 : memref<1x80x25xi32, #tpu.memory_space<hbm>> -> memref<80x25xi32, #tpu.memory_space<hbm>>
        %dma_wait3A_116 = arith.constant 0 : i32
        %dma_wait3A_117 = arith.constant 0 : i32
        %dma_wait3A_118 = tpu.memref_slice %arg4[%add3A_19, %dma_wait3A_116, %dma_wait3A_117] : memref<160x80x25xi32, #tpu.memory_space<hbm>> -> memref<1x80x25xi32, #tpu.memory_space<hbm>>
        %dma_wait3A_119 = tpu.memref_squeeze %dma_wait3A_118 : memref<1x80x25xi32, #tpu.memory_space<hbm>> -> memref<80x25xi32, #tpu.memory_space<hbm>>
        tpu.wait_dma2 semaphore(%run_scoped3A : memref<!tpu.dma_semaphore, #tpu.memory_space<semaphore_mem>>) src(%dma_wait3A_119 : memref<80x25xi32, #tpu.memory_space<hbm>>) dst(%arg8 : memref<80x25xi32, #tpu.memory_space<vmem>>)
        tpu.yield
      }) : () -> ()
      %dma_start3A = arith.constant 0 : i32
      %dma_start3A_20 = arith.constant 0 : i32
      %dma_start3A_21 = arith.constant 0 : i32
      %dma_start3A_22 = tpu.memref_slice %arg9[%dma_start3A_20, %dma_start3A_21] : memref<200x128xf32, #tpu.memory_space<vmem>> -> memref<25x128xf32, #tpu.memory_space<vmem>>
      %dma_start3A_23 = arith.constant 0 : i32
      %dma_start3A_24 = tpu.memref_slice %arg7[%dma_start3A, %dma_start3A_23] : memref<80x25xi32, #tpu.memory_space<vmem>> -> memref<1x25xi32, #tpu.memory_space<vmem>>
      %dma_start3A_25 = tpu.memref_squeeze %dma_start3A_24 : memref<1x25xi32, #tpu.memory_space<vmem>> -> memref<25xi32, #tpu.memory_space<vmem>>
      %dma_start3A_26 = arith.constant 0 : i32
      %dma_start3A_27 = arith.constant 0 : i32
      %dma_start3A_28 = tpu.memref_slice %arg2[%dma_start3A_26, %dma_start3A_27] : memref<10000x128xf32, #tpu.memory_space<hbm>> -> memref<10000x128xf32, #tpu.memory_space<hbm>>
      tpu.enqueue_indirect_dma source(%dma_start3A_28 : memref<10000x128xf32, #tpu.memory_space<hbm>>) target(%dma_start3A_22 : memref<25x128xf32, #tpu.memory_space<vmem>>) offsets(%dma_start3A_25 : memref<25xi32, #tpu.memory_space<vmem>>) semaphore(%arg11 : memref<!tpu.dma_semaphore, #tpu.memory_space<semaphore_mem>>)
      %dma_start3A_29 = arith.constant 1 : i32
      %dma_start3A_30 = arith.constant 25 : i32
      %dma_start3A_31 = arith.constant 0 : i32
      %dma_start3A_32 = tpu.memref_slice %arg9[%dma_start3A_30, %dma_start3A_31] : memref<200x128xf32, #tpu.memory_space<vmem>> -> memref<25x128xf32, #tpu.memory_space<vmem>>
      %dma_start3A_33 = arith.constant 0 : i32
      %dma_start3A_34 = tpu.memref_slice %arg7[%dma_start3A_29, %dma_start3A_33] : memref<80x25xi32, #tpu.memory_space<vmem>> -> memref<1x25xi32, #tpu.memory_space<vmem>>
      %dma_start3A_35 = tpu.memref_squeeze %dma_start3A_34 : memref<1x25xi32, #tpu.memory_space<vmem>> -> memref<25xi32, #tpu.memory_space<vmem>>
      %dma_start3A_36 = arith.constant 0 : i32
      %dma_start3A_37 = arith.constant 0 : i32
      %dma_start3A_38 = tpu.memref_slice %arg2[%dma_start3A_36, %dma_start3A_37] : memref<10000x128xf32, #tpu.memory_space<hbm>> -> memref<10000x128xf32, #tpu.memory_space<hbm>>
      tpu.enqueue_indirect_dma source(%dma_start3A_38 : memref<10000x128xf32, #tpu.memory_space<hbm>>) target(%dma_start3A_32 : memref<25x128xf32, #tpu.memory_space<vmem>>) offsets(%dma_start3A_35 : memref<25xi32, #tpu.memory_space<vmem>>) semaphore(%arg12 : memref<!tpu.dma_semaphore, #tpu.memory_space<semaphore_mem>>)
      %dma_start3A_39 = arith.constant 2 : i32
      %dma_start3A_40 = arith.constant 50 : i32
      %dma_start3A_41 = arith.constant 0 : i32
      %dma_start3A_42 = tpu.memref_slice %arg9[%dma_start3A_40, %dma_start3A_41] : memref<200x128xf32, #tpu.memory_space<vmem>> -> memref<25x128xf32, #tpu.memory_space<vmem>>
      %dma_start3A_43 = arith.constant 0 : i32
      %dma_start3A_44 = tpu.memref_slice %arg7[%dma_start3A_39, %dma_start3A_43] : memref<80x25xi32, #tpu.memory_space<vmem>> -> memref<1x25xi32, #tpu.memory_space<vmem>>
      %dma_start3A_45 = tpu.memref_squeeze %dma_start3A_44 : memref<1x25xi32, #tpu.memory_space<vmem>> -> memref<25xi32, #tpu.memory_space<vmem>>
      %dma_start3A_46 = arith.constant 0 : i32
      %dma_start3A_47 = arith.constant 0 : i32
      %dma_start3A_48 = tpu.memref_slice %arg2[%dma_start3A_46, %dma_start3A_47] : memref<10000x128xf32, #tpu.memory_space<hbm>> -> memref<10000x128xf32, #tpu.memory_space<hbm>>
      tpu.enqueue_indirect_dma source(%dma_start3A_48 : memref<10000x128xf32, #tpu.memory_space<hbm>>) target(%dma_start3A_42 : memref<25x128xf32, #tpu.memory_space<vmem>>) offsets(%dma_start3A_45 : memref<25xi32, #tpu.memory_space<vmem>>) semaphore(%arg13 : memref<!tpu.dma_semaphore, #tpu.memory_space<semaphore_mem>>)
      %dma_start3A_49 = arith.constant 3 : i32
      %dma_start3A_50 = arith.constant 75 : i32
      %dma_start3A_51 = arith.constant 0 : i32
      %dma_start3A_52 = tpu.memref_slice %arg9[%dma_start3A_50, %dma_start3A_51] : memref<200x128xf32, #tpu.memory_space<vmem>> -> memref<25x128xf32, #tpu.memory_space<vmem>>
      %dma_start3A_53 = arith.constant 0 : i32
      %dma_start3A_54 = tpu.memref_slice %arg7[%dma_start3A_49, %dma_start3A_53] : memref<80x25xi32, #tpu.memory_space<vmem>> -> memref<1x25xi32, #tpu.memory_space<vmem>>
      %dma_start3A_55 = tpu.memref_squeeze %dma_start3A_54 : memref<1x25xi32, #tpu.memory_space<vmem>> -> memref<25xi32, #tpu.memory_space<vmem>>
      %dma_start3A_56 = arith.constant 0 : i32
      %dma_start3A_57 = arith.constant 0 : i32
      %dma_start3A_58 = tpu.memref_slice %arg2[%dma_start3A_56, %dma_start3A_57] : memref<10000x128xf32, #tpu.memory_space<hbm>> -> memref<10000x128xf32, #tpu.memory_space<hbm>>
      tpu.enqueue_indirect_dma source(%dma_start3A_58 : memref<10000x128xf32, #tpu.memory_space<hbm>>) target(%dma_start3A_52 : memref<25x128xf32, #tpu.memory_space<vmem>>) offsets(%dma_start3A_55 : memref<25xi32, #tpu.memory_space<vmem>>) semaphore(%arg14 : memref<!tpu.dma_semaphore, #tpu.memory_space<semaphore_mem>>)
      %dma_start3A_59 = arith.constant 4 : i32
      %dma_start3A_60 = arith.constant 100 : i32
      %dma_start3A_61 = arith.constant 0 : i32
      %dma_start3A_62 = tpu.memref_slice %arg9[%dma_start3A_60, %dma_start3A_61] : memref<200x128xf32, #tpu.memory_space<vmem>> -> memref<25x128xf32, #tpu.memory_space<vmem>>
      %dma_start3A_63 = arith.constant 0 : i32
      %dma_start3A_64 = tpu.memref_slice %arg7[%dma_start3A_59, %dma_start3A_63] : memref<80x25xi32, #tpu.memory_space<vmem>> -> memref<1x25xi32, #tpu.memory_space<vmem>>
      %dma_start3A_65 = tpu.memref_squeeze %dma_start3A_64 : memref<1x25xi32, #tpu.memory_space<vmem>> -> memref<25xi32, #tpu.memory_space<vmem>>
      %dma_start3A_66 = arith.constant 0 : i32
      %dma_start3A_67 = arith.constant 0 : i32
      %dma_start3A_68 = tpu.memref_slice %arg2[%dma_start3A_66, %dma_start3A_67] : memref<10000x128xf32, #tpu.memory_space<hbm>> -> memref<10000x128xf32, #tpu.memory_space<hbm>>
      tpu.enqueue_indirect_dma source(%dma_start3A_68 : memref<10000x128xf32, #tpu.memory_space<hbm>>) target(%dma_start3A_62 : memref<25x128xf32, #tpu.memory_space<vmem>>) offsets(%dma_start3A_65 : memref<25xi32, #tpu.memory_space<vmem>>) semaphore(%arg15 : memref<!tpu.dma_semaphore, #tpu.memory_space<semaphore_mem>>)
      %dma_start3A_69 = arith.constant 5 : i32
      %dma_start3A_70 = arith.constant 125 : i32
      %dma_start3A_71 = arith.constant 0 : i32
      %dma_start3A_72 = tpu.memref_slice %arg9[%dma_start3A_70, %dma_start3A_71] : memref<200x128xf32, #tpu.memory_space<vmem>> -> memref<25x128xf32, #tpu.memory_space<vmem>>
      %dma_start3A_73 = arith.constant 0 : i32
      %dma_start3A_74 = tpu.memref_slice %arg7[%dma_start3A_69, %dma_start3A_73] : memref<80x25xi32, #tpu.memory_space<vmem>> -> memref<1x25xi32, #tpu.memory_space<vmem>>
      %dma_start3A_75 = tpu.memref_squeeze %dma_start3A_74 : memref<1x25xi32, #tpu.memory_space<vmem>> -> memref<25xi32, #tpu.memory_space<vmem>>
      %dma_start3A_76 = arith.constant 0 : i32
      %dma_start3A_77 = arith.constant 0 : i32
      %dma_start3A_78 = tpu.memref_slice %arg2[%dma_start3A_76, %dma_start3A_77] : memref<10000x128xf32, #tpu.memory_space<hbm>> -> memref<10000x128xf32, #tpu.memory_space<hbm>>
      tpu.enqueue_indirect_dma source(%dma_start3A_78 : memref<10000x128xf32, #tpu.memory_space<hbm>>) target(%dma_start3A_72 : memref<25x128xf32, #tpu.memory_space<vmem>>) offsets(%dma_start3A_75 : memref<25xi32, #tpu.memory_space<vmem>>) semaphore(%arg16 : memref<!tpu.dma_semaphore, #tpu.memory_space<semaphore_mem>>)
      %dma_start3A_79 = arith.constant 6 : i32
      %dma_start3A_80 = arith.constant 150 : i32
      %dma_start3A_81 = arith.constant 0 : i32
      %dma_start3A_82 = tpu.memref_slice %arg9[%dma_start3A_80, %dma_start3A_81] : memref<200x128xf32, #tpu.memory_space<vmem>> -> memref<25x128xf32, #tpu.memory_space<vmem>>
      %dma_start3A_83 = arith.constant 0 : i32
      %dma_start3A_84 = tpu.memref_slice %arg7[%dma_start3A_79, %dma_start3A_83] : memref<80x25xi32, #tpu.memory_space<vmem>> -> memref<1x25xi32, #tpu.memory_space<vmem>>
      %dma_start3A_85 = tpu.memref_squeeze %dma_start3A_84 : memref<1x25xi32, #tpu.memory_space<vmem>> -> memref<25xi32, #tpu.memory_space<vmem>>
      %dma_start3A_86 = arith.constant 0 : i32
      %dma_start3A_87 = arith.constant 0 : i32
      %dma_start3A_88 = tpu.memref_slice %arg2[%dma_start3A_86, %dma_start3A_87] : memref<10000x128xf32, #tpu.memory_space<hbm>> -> memref<10000x128xf32, #tpu.memory_space<hbm>>
      tpu.enqueue_indirect_dma source(%dma_start3A_88 : memref<10000x128xf32, #tpu.memory_space<hbm>>) target(%dma_start3A_82 : memref<25x128xf32, #tpu.memory_space<vmem>>) offsets(%dma_start3A_85 : memref<25xi32, #tpu.memory_space<vmem>>) semaphore(%arg17 : memref<!tpu.dma_semaphore, #tpu.memory_space<semaphore_mem>>)
      %dma_start3A_89 = arith.constant 7 : i32
      %dma_start3A_90 = arith.constant 175 : i32
      %dma_start3A_91 = arith.constant 0 : i32
      %dma_start3A_92 = tpu.memref_slice %arg9[%dma_start3A_90, %dma_start3A_91] : memref<200x128xf32, #tpu.memory_space<vmem>> -> memref<25x128xf32, #tpu.memory_space<vmem>>
      %dma_start3A_93 = arith.constant 0 : i32
      %dma_start3A_94 = tpu.memref_slice %arg7[%dma_start3A_89, %dma_start3A_93] : memref<80x25xi32, #tpu.memory_space<vmem>> -> memref<1x25xi32, #tpu.memory_space<vmem>>
      %dma_start3A_95 = tpu.memref_squeeze %dma_start3A_94 : memref<1x25xi32, #tpu.memory_space<vmem>> -> memref<25xi32, #tpu.memory_space<vmem>>
      %dma_start3A_96 = arith.constant 0 : i32
      %dma_start3A_97 = arith.constant 0 : i32
      %dma_start3A_98 = tpu.memref_slice %arg2[%dma_start3A_96, %dma_start3A_97] : memref<10000x128xf32, #tpu.memory_space<hbm>> -> memref<10000x128xf32, #tpu.memory_space<hbm>>
      tpu.enqueue_indirect_dma source(%dma_start3A_98 : memref<10000x128xf32, #tpu.memory_space<hbm>>) target(%dma_start3A_92 : memref<25x128xf32, #tpu.memory_space<vmem>>) offsets(%dma_start3A_95 : memref<25xi32, #tpu.memory_space<vmem>>) semaphore(%arg18 : memref<!tpu.dma_semaphore, #tpu.memory_space<semaphore_mem>>)
      %scan3A_99 = arith.constant 0 : i32
      %scan3A_100 = arith.constant 0 : i32
      %scan3A_101 = arith.constant 10 : i32
      %scan3A_102 = arith.addi %scan3A_100, %scan3A_101 : i32
      %scan3A_103 = arith.constant 1 : i32
      scf.for %scan3A_105 = %scan3A_100 to %scan3A_102 step %scan3A_103  : i32 {
        %mul3A_106 = arith.constant 8 : i32
        %mul3A_107 = arith.muli %scan3A_105, %mul3A_106 : i32
        %add3A_108 = arith.constant 0 : i32
        %add3A_109 = arith.addi %mul3A_107, %add3A_108 : i32
        %dma_wait3A = arith.constant 0 : i32
        %dma_wait3A_110 = arith.constant 0 : i32
        %dma_wait3A_111 = tpu.memref_slice %arg9[%dma_wait3A, %dma_wait3A_110] : memref<200x128xf32, #tpu.memory_space<vmem>> -> memref<25x128xf32, #tpu.memory_space<vmem>>
        %dma_wait3A_112 = arith.constant 0 : i32
        %dma_wait3A_113 = tpu.memref_slice %arg7[%add3A_109, %dma_wait3A_112] : memref<80x25xi32, #tpu.memory_space<vmem>> -> memref<1x25xi32, #tpu.memory_space<vmem>>
        %dma_wait3A_114 = tpu.memref_squeeze %dma_wait3A_113 : memref<1x25xi32, #tpu.memory_space<vmem>> -> memref<25xi32, #tpu.memory_space<vmem>>
        %dma_wait3A_115 = arith.constant 0 : i32
        %dma_wait3A_116 = arith.constant 0 : i32
        %dma_wait3A_117 = tpu.memref_slice %arg2[%dma_wait3A_115, %dma_wait3A_116] : memref<10000x128xf32, #tpu.memory_space<hbm>> -> memref<10000x128xf32, #tpu.memory_space<hbm>>
        tpu.wait_indirect_dma semaphore(%arg11 : memref<!tpu.dma_semaphore, #tpu.memory_space<semaphore_mem>>) src(%dma_wait3A_117 : memref<10000x128xf32, #tpu.memory_space<hbm>>) dst(%dma_wait3A_111 : memref<25x128xf32, #tpu.memory_space<vmem>>)
        %dma_start3A_118 = arith.constant 0 : i32
        %dma_start3A_119 = arith.constant 0 : i32
        %dma_start3A_120 = tpu.memref_slice %arg9[%dma_start3A_118, %dma_start3A_119] : memref<200x128xf32, #tpu.memory_space<vmem>> -> memref<25x128xf32, #tpu.memory_space<vmem>>
        %dma_start3A_121 = arith.constant 0 : i32
        %dma_start3A_122 = tpu.memref_slice %arg8[%add3A_109, %dma_start3A_121] : memref<80x25xi32, #tpu.memory_space<vmem>> -> memref<1x25xi32, #tpu.memory_space<vmem>>
        %dma_start3A_123 = tpu.memref_squeeze %dma_start3A_122 : memref<1x25xi32, #tpu.memory_space<vmem>> -> memref<25xi32, #tpu.memory_space<vmem>>
        %dma_start3A_124 = arith.constant 0 : i32
        %dma_start3A_125 = arith.constant 0 : i32
        %dma_start3A_126 = tpu.memref_slice %arg10[%dma_start3A_124, %dma_start3A_125] : memref<10240x128xf32, #tpu.memory_space<vmem_shared>> -> memref<10240x128xf32, #tpu.memory_space<vmem_shared>>
        tpu.enqueue_indirect_dma source(%dma_start3A_120 : memref<25x128xf32, #tpu.memory_space<vmem>>) target(%dma_start3A_126 : memref<10240x128xf32, #tpu.memory_space<vmem_shared>>) offsets(%dma_start3A_123 : memref<25xi32, #tpu.memory_space<vmem>>) semaphore(%arg19 : memref<!tpu.dma_semaphore, #tpu.memory_space<semaphore_mem>>) {add = true}
        %add3A_127 = arith.constant 1 : i32
        %add3A_128 = arith.addi %mul3A_107, %add3A_127 : i32
        %dma_wait3A_129 = arith.constant 25 : i32
        %dma_wait3A_130 = arith.constant 0 : i32
        %dma_wait3A_131 = tpu.memref_slice %arg9[%dma_wait3A_129, %dma_wait3A_130] : memref<200x128xf32, #tpu.memory_space<vmem>> -> memref<25x128xf32, #tpu.memory_space<vmem>>
        %dma_wait3A_132 = arith.constant 0 : i32
        %dma_wait3A_133 = tpu.memref_slice %arg7[%add3A_128, %dma_wait3A_132] : memref<80x25xi32, #tpu.memory_space<vmem>> -> memref<1x25xi32, #tpu.memory_space<vmem>>
        %dma_wait3A_134 = tpu.memref_squeeze %dma_wait3A_133 : memref<1x25xi32, #tpu.memory_space<vmem>> -> memref<25xi32, #tpu.memory_space<vmem>>
        %dma_wait3A_135 = arith.constant 0 : i32
        %dma_wait3A_136 = arith.constant 0 : i32
        %dma_wait3A_137 = tpu.memref_slice %arg2[%dma_wait3A_135, %dma_wait3A_136] : memref<10000x128xf32, #tpu.memory_space<hbm>> -> memref<10000x128xf32, #tpu.memory_space<hbm>>
        tpu.wait_indirect_dma semaphore(%arg12 : memref<!tpu.dma_semaphore, #tpu.memory_space<semaphore_mem>>) src(%dma_wait3A_137 : memref<10000x128xf32, #tpu.memory_space<hbm>>) dst(%dma_wait3A_131 : memref<25x128xf32, #tpu.memory_space<vmem>>)
        %dma_start3A_138 = arith.constant 25 : i32
        %dma_start3A_139 = arith.constant 0 : i32
        %dma_start3A_140 = tpu.memref_slice %arg9[%dma_start3A_138, %dma_start3A_139] : memref<200x128xf32, #tpu.memory_space<vmem>> -> memref<25x128xf32, #tpu.memory_space<vmem>>
        %dma_start3A_141 = arith.constant 0 : i32
        %dma_start3A_142 = tpu.memref_slice %arg8[%add3A_128, %dma_start3A_141] : memref<80x25xi32, #tpu.memory_space<vmem>> -> memref<1x25xi32, #tpu.memory_space<vmem>>
        %dma_start3A_143 = tpu.memref_squeeze %dma_start3A_142 : memref<1x25xi32, #tpu.memory_space<vmem>> -> memref<25xi32, #tpu.memory_space<vmem>>
        %dma_start3A_144 = arith.constant 0 : i32
        %dma_start3A_145 = arith.constant 0 : i32
        %dma_start3A_146 = tpu.memref_slice %arg10[%dma_start3A_144, %dma_start3A_145] : memref<10240x128xf32, #tpu.memory_space<vmem_shared>> -> memref<10240x128xf32, #tpu.memory_space<vmem_shared>>
        tpu.enqueue_indirect_dma source(%dma_start3A_140 : memref<25x128xf32, #tpu.memory_space<vmem>>) target(%dma_start3A_146 : memref<10240x128xf32, #tpu.memory_space<vmem_shared>>) offsets(%dma_start3A_143 : memref<25xi32, #tpu.memory_space<vmem>>) semaphore(%arg20 : memref<!tpu.dma_semaphore, #tpu.memory_space<semaphore_mem>>) {add = true}
        %add3A_147 = arith.constant 2 : i32
        %add3A_148 = arith.addi %mul3A_107, %add3A_147 : i32
        %dma_wait3A_149 = arith.constant 50 : i32
        %dma_wait3A_150 = arith.constant 0 : i32
        %dma_wait3A_151 = tpu.memref_slice %arg9[%dma_wait3A_149, %dma_wait3A_150] : memref<200x128xf32, #tpu.memory_space<vmem>> -> memref<25x128xf32, #tpu.memory_space<vmem>>
        %dma_wait3A_152 = arith.constant 0 : i32
        %dma_wait3A_153 = tpu.memref_slice %arg7[%add3A_148, %dma_wait3A_152] : memref<80x25xi32, #tpu.memory_space<vmem>> -> memref<1x25xi32, #tpu.memory_space<vmem>>
        %dma_wait3A_154 = tpu.memref_squeeze %dma_wait3A_153 : memref<1x25xi32, #tpu.memory_space<vmem>> -> memref<25xi32, #tpu.memory_space<vmem>>
        %dma_wait3A_155 = arith.constant 0 : i32
        %dma_wait3A_156 = arith.constant 0 : i32
        %dma_wait3A_157 = tpu.memref_slice %arg2[%dma_wait3A_155, %dma_wait3A_156] : memref<10000x128xf32, #tpu.memory_space<hbm>> -> memref<10000x128xf32, #tpu.memory_space<hbm>>
        tpu.wait_indirect_dma semaphore(%arg13 : memref<!tpu.dma_semaphore, #tpu.memory_space<semaphore_mem>>) src(%dma_wait3A_157 : memref<10000x128xf32, #tpu.memory_space<hbm>>) dst(%dma_wait3A_151 : memref<25x128xf32, #tpu.memory_space<vmem>>)
        %dma_start3A_158 = arith.constant 50 : i32
        %dma_start3A_159 = arith.constant 0 : i32
        %dma_start3A_160 = tpu.memref_slice %arg9[%dma_start3A_158, %dma_start3A_159] : memref<200x128xf32, #tpu.memory_space<vmem>> -> memref<25x128xf32, #tpu.memory_space<vmem>>
        %dma_start3A_161 = arith.constant 0 : i32
        %dma_start3A_162 = tpu.memref_slice %arg8[%add3A_148, %dma_start3A_161] : memref<80x25xi32, #tpu.memory_space<vmem>> -> memref<1x25xi32, #tpu.memory_space<vmem>>
        %dma_start3A_163 = tpu.memref_squeeze %dma_start3A_162 : memref<1x25xi32, #tpu.memory_space<vmem>> -> memref<25xi32, #tpu.memory_space<vmem>>
        %dma_start3A_164 = arith.constant 0 : i32
        %dma_start3A_165 = arith.constant 0 : i32
        %dma_start3A_166 = tpu.memref_slice %arg10[%dma_start3A_164, %dma_start3A_165] : memref<10240x128xf32, #tpu.memory_space<vmem_shared>> -> memref<10240x128xf32, #tpu.memory_space<vmem_shared>>
        tpu.enqueue_indirect_dma source(%dma_start3A_160 : memref<25x128xf32, #tpu.memory_space<vmem>>) target(%dma_start3A_166 : memref<10240x128xf32, #tpu.memory_space<vmem_shared>>) offsets(%dma_start3A_163 : memref<25xi32, #tpu.memory_space<vmem>>) semaphore(%arg21 : memref<!tpu.dma_semaphore, #tpu.memory_space<semaphore_mem>>) {add = true}
        %add3A_167 = arith.constant 3 : i32
        %add3A_168 = arith.addi %mul3A_107, %add3A_167 : i32
        %dma_wait3A_169 = arith.constant 75 : i32
        %dma_wait3A_170 = arith.constant 0 : i32
        %dma_wait3A_171 = tpu.memref_slice %arg9[%dma_wait3A_169, %dma_wait3A_170] : memref<200x128xf32, #tpu.memory_space<vmem>> -> memref<25x128xf32, #tpu.memory_space<vmem>>
        %dma_wait3A_172 = arith.constant 0 : i32
        %dma_wait3A_173 = tpu.memref_slice %arg7[%add3A_168, %dma_wait3A_172] : memref<80x25xi32, #tpu.memory_space<vmem>> -> memref<1x25xi32, #tpu.memory_space<vmem>>
        %dma_wait3A_174 = tpu.memref_squeeze %dma_wait3A_173 : memref<1x25xi32, #tpu.memory_space<vmem>> -> memref<25xi32, #tpu.memory_space<vmem>>
        %dma_wait3A_175 = arith.constant 0 : i32
        %dma_wait3A_176 = arith.constant 0 : i32
        %dma_wait3A_177 = tpu.memref_slice %arg2[%dma_wait3A_175, %dma_wait3A_176] : memref<10000x128xf32, #tpu.memory_space<hbm>> -> memref<10000x128xf32, #tpu.memory_space<hbm>>
        tpu.wait_indirect_dma semaphore(%arg14 : memref<!tpu.dma_semaphore, #tpu.memory_space<semaphore_mem>>) src(%dma_wait3A_177 : memref<10000x128xf32, #tpu.memory_space<hbm>>) dst(%dma_wait3A_171 : memref<25x128xf32, #tpu.memory_space<vmem>>)
        %dma_start3A_178 = arith.constant 75 : i32
        %dma_start3A_179 = arith.constant 0 : i32
        %dma_start3A_180 = tpu.memref_slice %arg9[%dma_start3A_178, %dma_start3A_179] : memref<200x128xf32, #tpu.memory_space<vmem>> -> memref<25x128xf32, #tpu.memory_space<vmem>>
        %dma_start3A_181 = arith.constant 0 : i32
        %dma_start3A_182 = tpu.memref_slice %arg8[%add3A_168, %dma_start3A_181] : memref<80x25xi32, #tpu.memory_space<vmem>> -> memref<1x25xi32, #tpu.memory_space<vmem>>
        %dma_start3A_183 = tpu.memref_squeeze %dma_start3A_182 : memref<1x25xi32, #tpu.memory_space<vmem>> -> memref<25xi32, #tpu.memory_space<vmem>>
        %dma_start3A_184 = arith.constant 0 : i32
        %dma_start3A_185 = arith.constant 0 : i32
        %dma_start3A_186 = tpu.memref_slice %arg10[%dma_start3A_184, %dma_start3A_185] : memref<10240x128xf32, #tpu.memory_space<vmem_shared>> -> memref<10240x128xf32, #tpu.memory_space<vmem_shared>>
        tpu.enqueue_indirect_dma source(%dma_start3A_180 : memref<25x128xf32, #tpu.memory_space<vmem>>) target(%dma_start3A_186 : memref<10240x128xf32, #tpu.memory_space<vmem_shared>>) offsets(%dma_start3A_183 : memref<25xi32, #tpu.memory_space<vmem>>) semaphore(%arg22 : memref<!tpu.dma_semaphore, #tpu.memory_space<semaphore_mem>>) {add = true}
        %add3A_187 = arith.constant 4 : i32
        %add3A_188 = arith.addi %mul3A_107, %add3A_187 : i32
        %dma_wait3A_189 = arith.constant 100 : i32
        %dma_wait3A_190 = arith.constant 0 : i32
        %dma_wait3A_191 = tpu.memref_slice %arg9[%dma_wait3A_189, %dma_wait3A_190] : memref<200x128xf32, #tpu.memory_space<vmem>> -> memref<25x128xf32, #tpu.memory_space<vmem>>
        %dma_wait3A_192 = arith.constant 0 : i32
        %dma_wait3A_193 = tpu.memref_slice %arg7[%add3A_188, %dma_wait3A_192] : memref<80x25xi32, #tpu.memory_space<vmem>> -> memref<1x25xi32, #tpu.memory_space<vmem>>
        %dma_wait3A_194 = tpu.memref_squeeze %dma_wait3A_193 : memref<1x25xi32, #tpu.memory_space<vmem>> -> memref<25xi32, #tpu.memory_space<vmem>>
        %dma_wait3A_195 = arith.constant 0 : i32
        %dma_wait3A_196 = arith.constant 0 : i32
        %dma_wait3A_197 = tpu.memref_slice %arg2[%dma_wait3A_195, %dma_wait3A_196] : memref<10000x128xf32, #tpu.memory_space<hbm>> -> memref<10000x128xf32, #tpu.memory_space<hbm>>
        tpu.wait_indirect_dma semaphore(%arg15 : memref<!tpu.dma_semaphore, #tpu.memory_space<semaphore_mem>>) src(%dma_wait3A_197 : memref<10000x128xf32, #tpu.memory_space<hbm>>) dst(%dma_wait3A_191 : memref<25x128xf32, #tpu.memory_space<vmem>>)
        %dma_start3A_198 = arith.constant 100 : i32
        %dma_start3A_199 = arith.constant 0 : i32
        %dma_start3A_200 = tpu.memref_slice %arg9[%dma_start3A_198, %dma_start3A_199] : memref<200x128xf32, #tpu.memory_space<vmem>> -> memref<25x128xf32, #tpu.memory_space<vmem>>
        %dma_start3A_201 = arith.constant 0 : i32
        %dma_start3A_202 = tpu.memref_slice %arg8[%add3A_188, %dma_start3A_201] : memref<80x25xi32, #tpu.memory_space<vmem>> -> memref<1x25xi32, #tpu.memory_space<vmem>>
        %dma_start3A_203 = tpu.memref_squeeze %dma_start3A_202 : memref<1x25xi32, #tpu.memory_space<vmem>> -> memref<25xi32, #tpu.memory_space<vmem>>
        %dma_start3A_204 = arith.constant 0 : i32
        %dma_start3A_205 = arith.constant 0 : i32
        %dma_start3A_206 = tpu.memref_slice %arg10[%dma_start3A_204, %dma_start3A_205] : memref<10240x128xf32, #tpu.memory_space<vmem_shared>> -> memref<10240x128xf32, #tpu.memory_space<vmem_shared>>
        tpu.enqueue_indirect_dma source(%dma_start3A_200 : memref<25x128xf32, #tpu.memory_space<vmem>>) target(%dma_start3A_206 : memref<10240x128xf32, #tpu.memory_space<vmem_shared>>) offsets(%dma_start3A_203 : memref<25xi32, #tpu.memory_space<vmem>>) semaphore(%arg23 : memref<!tpu.dma_semaphore, #tpu.memory_space<semaphore_mem>>) {add = true}
        %add3A_207 = arith.constant 5 : i32
        %add3A_208 = arith.addi %mul3A_107, %add3A_207 : i32
        %dma_wait3A_209 = arith.constant 125 : i32
        %dma_wait3A_210 = arith.constant 0 : i32
        %dma_wait3A_211 = tpu.memref_slice %arg9[%dma_wait3A_209, %dma_wait3A_210] : memref<200x128xf32, #tpu.memory_space<vmem>> -> memref<25x128xf32, #tpu.memory_space<vmem>>
        %dma_wait3A_212 = arith.constant 0 : i32
        %dma_wait3A_213 = tpu.memref_slice %arg7[%add3A_208, %dma_wait3A_212] : memref<80x25xi32, #tpu.memory_space<vmem>> -> memref<1x25xi32, #tpu.memory_space<vmem>>
        %dma_wait3A_214 = tpu.memref_squeeze %dma_wait3A_213 : memref<1x25xi32, #tpu.memory_space<vmem>> -> memref<25xi32, #tpu.memory_space<vmem>>
        %dma_wait3A_215 = arith.constant 0 : i32
        %dma_wait3A_216 = arith.constant 0 : i32
        %dma_wait3A_217 = tpu.memref_slice %arg2[%dma_wait3A_215, %dma_wait3A_216] : memref<10000x128xf32, #tpu.memory_space<hbm>> -> memref<10000x128xf32, #tpu.memory_space<hbm>>
        tpu.wait_indirect_dma semaphore(%arg16 : memref<!tpu.dma_semaphore, #tpu.memory_space<semaphore_mem>>) src(%dma_wait3A_217 : memref<10000x128xf32, #tpu.memory_space<hbm>>) dst(%dma_wait3A_211 : memref<25x128xf32, #tpu.memory_space<vmem>>)
        %dma_start3A_218 = arith.constant 125 : i32
        %dma_start3A_219 = arith.constant 0 : i32
        %dma_start3A_220 = tpu.memref_slice %arg9[%dma_start3A_218, %dma_start3A_219] : memref<200x128xf32, #tpu.memory_space<vmem>> -> memref<25x128xf32, #tpu.memory_space<vmem>>
        %dma_start3A_221 = arith.constant 0 : i32
        %dma_start3A_222 = tpu.memref_slice %arg8[%add3A_208, %dma_start3A_221] : memref<80x25xi32, #tpu.memory_space<vmem>> -> memref<1x25xi32, #tpu.memory_space<vmem>>
        %dma_start3A_223 = tpu.memref_squeeze %dma_start3A_222 : memref<1x25xi32, #tpu.memory_space<vmem>> -> memref<25xi32, #tpu.memory_space<vmem>>
        %dma_start3A_224 = arith.constant 0 : i32
        %dma_start3A_225 = arith.constant 0 : i32
        %dma_start3A_226 = tpu.memref_slice %arg10[%dma_start3A_224, %dma_start3A_225] : memref<10240x128xf32, #tpu.memory_space<vmem_shared>> -> memref<10240x128xf32, #tpu.memory_space<vmem_shared>>
        tpu.enqueue_indirect_dma source(%dma_start3A_220 : memref<25x128xf32, #tpu.memory_space<vmem>>) target(%dma_start3A_226 : memref<10240x128xf32, #tpu.memory_space<vmem_shared>>) offsets(%dma_start3A_223 : memref<25xi32, #tpu.memory_space<vmem>>) semaphore(%arg24 : memref<!tpu.dma_semaphore, #tpu.memory_space<semaphore_mem>>) {add = true}
        %add3A_227 = arith.constant 6 : i32
        %add3A_228 = arith.addi %mul3A_107, %add3A_227 : i32
        %dma_wait3A_229 = arith.constant 150 : i32
        %dma_wait3A_230 = arith.constant 0 : i32
        %dma_wait3A_231 = tpu.memref_slice %arg9[%dma_wait3A_229, %dma_wait3A_230] : memref<200x128xf32, #tpu.memory_space<vmem>> -> memref<25x128xf32, #tpu.memory_space<vmem>>
        %dma_wait3A_232 = arith.constant 0 : i32
        %dma_wait3A_233 = tpu.memref_slice %arg7[%add3A_228, %dma_wait3A_232] : memref<80x25xi32, #tpu.memory_space<vmem>> -> memref<1x25xi32, #tpu.memory_space<vmem>>
        %dma_wait3A_234 = tpu.memref_squeeze %dma_wait3A_233 : memref<1x25xi32, #tpu.memory_space<vmem>> -> memref<25xi32, #tpu.memory_space<vmem>>
        %dma_wait3A_235 = arith.constant 0 : i32
        %dma_wait3A_236 = arith.constant 0 : i32
        %dma_wait3A_237 = tpu.memref_slice %arg2[%dma_wait3A_235, %dma_wait3A_236] : memref<10000x128xf32, #tpu.memory_space<hbm>> -> memref<10000x128xf32, #tpu.memory_space<hbm>>
        tpu.wait_indirect_dma semaphore(%arg17 : memref<!tpu.dma_semaphore, #tpu.memory_space<semaphore_mem>>) src(%dma_wait3A_237 : memref<10000x128xf32, #tpu.memory_space<hbm>>) dst(%dma_wait3A_231 : memref<25x128xf32, #tpu.memory_space<vmem>>)
        %dma_start3A_238 = arith.constant 150 : i32
        %dma_start3A_239 = arith.constant 0 : i32
        %dma_start3A_240 = tpu.memref_slice %arg9[%dma_start3A_238, %dma_start3A_239] : memref<200x128xf32, #tpu.memory_space<vmem>> -> memref<25x128xf32, #tpu.memory_space<vmem>>
        %dma_start3A_241 = arith.constant 0 : i32
        %dma_start3A_242 = tpu.memref_slice %arg8[%add3A_228, %dma_start3A_241] : memref<80x25xi32, #tpu.memory_space<vmem>> -> memref<1x25xi32, #tpu.memory_space<vmem>>
        %dma_start3A_243 = tpu.memref_squeeze %dma_start3A_242 : memref<1x25xi32, #tpu.memory_space<vmem>> -> memref<25xi32, #tpu.memory_space<vmem>>
        %dma_start3A_244 = arith.constant 0 : i32
        %dma_start3A_245 = arith.constant 0 : i32
        %dma_start3A_246 = tpu.memref_slice %arg10[%dma_start3A_244, %dma_start3A_245] : memref<10240x128xf32, #tpu.memory_space<vmem_shared>> -> memref<10240x128xf32, #tpu.memory_space<vmem_shared>>
        tpu.enqueue_indirect_dma source(%dma_start3A_240 : memref<25x128xf32, #tpu.memory_space<vmem>>) target(%dma_start3A_246 : memref<10240x128xf32, #tpu.memory_space<vmem_shared>>) offsets(%dma_start3A_243 : memref<25xi32, #tpu.memory_space<vmem>>) semaphore(%arg25 : memref<!tpu.dma_semaphore, #tpu.memory_space<semaphore_mem>>) {add = true}
        %add3A_247 = arith.constant 7 : i32
        %add3A_248 = arith.addi %mul3A_107, %add3A_247 : i32
        %dma_wait3A_249 = arith.constant 175 : i32
        %dma_wait3A_250 = arith.constant 0 : i32
        %dma_wait3A_251 = tpu.memref_slice %arg9[%dma_wait3A_249, %dma_wait3A_250] : memref<200x128xf32, #tpu.memory_space<vmem>> -> memref<25x128xf32, #tpu.memory_space<vmem>>
        %dma_wait3A_252 = arith.constant 0 : i32
        %dma_wait3A_253 = tpu.memref_slice %arg7[%add3A_248, %dma_wait3A_252] : memref<80x25xi32, #tpu.memory_space<vmem>> -> memref<1x25xi32, #tpu.memory_space<vmem>>
        %dma_wait3A_254 = tpu.memref_squeeze %dma_wait3A_253 : memref<1x25xi32, #tpu.memory_space<vmem>> -> memref<25xi32, #tpu.memory_space<vmem>>
        %dma_wait3A_255 = arith.constant 0 : i32
        %dma_wait3A_256 = arith.constant 0 : i32
        %dma_wait3A_257 = tpu.memref_slice %arg2[%dma_wait3A_255, %dma_wait3A_256] : memref<10000x128xf32, #tpu.memory_space<hbm>> -> memref<10000x128xf32, #tpu.memory_space<hbm>>
        tpu.wait_indirect_dma semaphore(%arg18 : memref<!tpu.dma_semaphore, #tpu.memory_space<semaphore_mem>>) src(%dma_wait3A_257 : memref<10000x128xf32, #tpu.memory_space<hbm>>) dst(%dma_wait3A_251 : memref<25x128xf32, #tpu.memory_space<vmem>>)
        %dma_start3A_258 = arith.constant 175 : i32
        %dma_start3A_259 = arith.constant 0 : i32
        %dma_start3A_260 = tpu.memref_slice %arg9[%dma_start3A_258, %dma_start3A_259] : memref<200x128xf32, #tpu.memory_space<vmem>> -> memref<25x128xf32, #tpu.memory_space<vmem>>
        %dma_start3A_261 = arith.constant 0 : i32
        %dma_start3A_262 = tpu.memref_slice %arg8[%add3A_248, %dma_start3A_261] : memref<80x25xi32, #tpu.memory_space<vmem>> -> memref<1x25xi32, #tpu.memory_space<vmem>>
        %dma_start3A_263 = tpu.memref_squeeze %dma_start3A_262 : memref<1x25xi32, #tpu.memory_space<vmem>> -> memref<25xi32, #tpu.memory_space<vmem>>
        %dma_start3A_264 = arith.constant 0 : i32
        %dma_start3A_265 = arith.constant 0 : i32
        %dma_start3A_266 = tpu.memref_slice %arg10[%dma_start3A_264, %dma_start3A_265] : memref<10240x128xf32, #tpu.memory_space<vmem_shared>> -> memref<10240x128xf32, #tpu.memory_space<vmem_shared>>
        tpu.enqueue_indirect_dma source(%dma_start3A_260 : memref<25x128xf32, #tpu.memory_space<vmem>>) target(%dma_start3A_266 : memref<10240x128xf32, #tpu.memory_space<vmem_shared>>) offsets(%dma_start3A_263 : memref<25xi32, #tpu.memory_space<vmem>>) semaphore(%arg26 : memref<!tpu.dma_semaphore, #tpu.memory_space<semaphore_mem>>) {add = true}
        %add3A_267 = arith.constant 0 : i32
        %add3A_268 = arith.addi %mul3A_107, %add3A_267 : i32
        %dma_wait3A_269 = arith.constant 0 : i32
        %dma_wait3A_270 = arith.constant 0 : i32
        %dma_wait3A_271 = tpu.memref_slice %arg9[%dma_wait3A_269, %dma_wait3A_270] : memref<200x128xf32, #tpu.memory_space<vmem>> -> memref<25x128xf32, #tpu.memory_space<vmem>>
        %dma_wait3A_272 = arith.constant 0 : i32
        %dma_wait3A_273 = tpu.memref_slice %arg8[%add3A_268, %dma_wait3A_272] : memref<80x25xi32, #tpu.memory_space<vmem>> -> memref<1x25xi32, #tpu.memory_space<vmem>>
        %dma_wait3A_274 = tpu.memref_squeeze %dma_wait3A_273 : memref<1x25xi32, #tpu.memory_space<vmem>> -> memref<25xi32, #tpu.memory_space<vmem>>
        %dma_wait3A_275 = arith.constant 0 : i32
        %dma_wait3A_276 = arith.constant 0 : i32
        %dma_wait3A_277 = tpu.memref_slice %arg10[%dma_wait3A_275, %dma_wait3A_276] : memref<10240x128xf32, #tpu.memory_space<vmem_shared>> -> memref<10240x128xf32, #tpu.memory_space<vmem_shared>>
        tpu.wait_indirect_dma semaphore(%arg19 : memref<!tpu.dma_semaphore, #tpu.memory_space<semaphore_mem>>) src(%dma_wait3A_271 : memref<25x128xf32, #tpu.memory_space<vmem>>) dst(%dma_wait3A_277 : memref<10240x128xf32, #tpu.memory_space<vmem_shared>>)
        %add3A_278 = arith.constant 8 : i32
        %add3A_279 = arith.addi %add3A_268, %add3A_278 : i32
        %lt3A = arith.constant 80 : i32
        %lt3A_280 = arith.cmpi slt, %add3A_279, %lt3A : i32
        %convert_element_type3A = arith.extui %lt3A_280 : i1 to i32
        %cond3A = arith.constant 0 : i32
        %cond3A_281 = arith.cmpi ne, %convert_element_type3A, %cond3A : i32
        scf.if %cond3A_281 {
          %add3A_408 = arith.constant 8 : i32
          %add3A_409 = arith.addi %add3A_268, %add3A_408 : i32
          %dma_start3A_410 = arith.constant 0 : i32
          %dma_start3A_411 = arith.constant 0 : i32
          %dma_start3A_412 = tpu.memref_slice %arg9[%dma_start3A_410, %dma_start3A_411] : memref<200x128xf32, #tpu.memory_space<vmem>> -> memref<25x128xf32, #tpu.memory_space<vmem>>
          %dma_start3A_413 = arith.constant 0 : i32
          %dma_start3A_414 = tpu.memref_slice %arg7[%add3A_409, %dma_start3A_413] : memref<80x25xi32, #tpu.memory_space<vmem>> -> memref<1x25xi32, #tpu.memory_space<vmem>>
          %dma_start3A_415 = tpu.memref_squeeze %dma_start3A_414 : memref<1x25xi32, #tpu.memory_space<vmem>> -> memref<25xi32, #tpu.memory_space<vmem>>
          %dma_start3A_416 = arith.constant 0 : i32
          %dma_start3A_417 = arith.constant 0 : i32
          %dma_start3A_418 = tpu.memref_slice %arg2[%dma_start3A_416, %dma_start3A_417] : memref<10000x128xf32, #tpu.memory_space<hbm>> -> memref<10000x128xf32, #tpu.memory_space<hbm>>
          tpu.enqueue_indirect_dma source(%dma_start3A_418 : memref<10000x128xf32, #tpu.memory_space<hbm>>) target(%dma_start3A_412 : memref<25x128xf32, #tpu.memory_space<vmem>>) offsets(%dma_start3A_415 : memref<25xi32, #tpu.memory_space<vmem>>) semaphore(%arg11 : memref<!tpu.dma_semaphore, #tpu.memory_space<semaphore_mem>>)
        } else {
        }
        %add3A_282 = arith.constant 1 : i32
        %add3A_283 = arith.addi %mul3A_107, %add3A_282 : i32
        %dma_wait3A_284 = arith.constant 25 : i32
        %dma_wait3A_285 = arith.constant 0 : i32
        %dma_wait3A_286 = tpu.memref_slice %arg9[%dma_wait3A_284, %dma_wait3A_285] : memref<200x128xf32, #tpu.memory_space<vmem>> -> memref<25x128xf32, #tpu.memory_space<vmem>>
        %dma_wait3A_287 = arith.constant 0 : i32
        %dma_wait3A_288 = tpu.memref_slice %arg8[%add3A_283, %dma_wait3A_287] : memref<80x25xi32, #tpu.memory_space<vmem>> -> memref<1x25xi32, #tpu.memory_space<vmem>>
        %dma_wait3A_289 = tpu.memref_squeeze %dma_wait3A_288 : memref<1x25xi32, #tpu.memory_space<vmem>> -> memref<25xi32, #tpu.memory_space<vmem>>
        %dma_wait3A_290 = arith.constant 0 : i32
        %dma_wait3A_291 = arith.constant 0 : i32
        %dma_wait3A_292 = tpu.memref_slice %arg10[%dma_wait3A_290, %dma_wait3A_291] : memref<10240x128xf32, #tpu.memory_space<vmem_shared>> -> memref<10240x128xf32, #tpu.memory_space<vmem_shared>>
        tpu.wait_indirect_dma semaphore(%arg20 : memref<!tpu.dma_semaphore, #tpu.memory_space<semaphore_mem>>) src(%dma_wait3A_286 : memref<25x128xf32, #tpu.memory_space<vmem>>) dst(%dma_wait3A_292 : memref<10240x128xf32, #tpu.memory_space<vmem_shared>>)
        %add3A_293 = arith.constant 8 : i32
        %add3A_294 = arith.addi %add3A_283, %add3A_293 : i32
        %lt3A_295 = arith.constant 80 : i32
        %lt3A_296 = arith.cmpi slt, %add3A_294, %lt3A_295 : i32
        %convert_element_type3A_297 = arith.extui %lt3A_296 : i1 to i32
        %cond3A_298 = arith.constant 0 : i32
        %cond3A_299 = arith.cmpi ne, %convert_element_type3A_297, %cond3A_298 : i32
        scf.if %cond3A_299 {
          %add3A_408 = arith.constant 8 : i32
          %add3A_409 = arith.addi %add3A_283, %add3A_408 : i32
          %dma_start3A_410 = arith.constant 25 : i32
          %dma_start3A_411 = arith.constant 0 : i32
          %dma_start3A_412 = tpu.memref_slice %arg9[%dma_start3A_410, %dma_start3A_411] : memref<200x128xf32, #tpu.memory_space<vmem>> -> memref<25x128xf32, #tpu.memory_space<vmem>>
          %dma_start3A_413 = arith.constant 0 : i32
          %dma_start3A_414 = tpu.memref_slice %arg7[%add3A_409, %dma_start3A_413] : memref<80x25xi32, #tpu.memory_space<vmem>> -> memref<1x25xi32, #tpu.memory_space<vmem>>
          %dma_start3A_415 = tpu.memref_squeeze %dma_start3A_414 : memref<1x25xi32, #tpu.memory_space<vmem>> -> memref<25xi32, #tpu.memory_space<vmem>>
          %dma_start3A_416 = arith.constant 0 : i32
          %dma_start3A_417 = arith.constant 0 : i32
          %dma_start3A_418 = tpu.memref_slice %arg2[%dma_start3A_416, %dma_start3A_417] : memref<10000x128xf32, #tpu.memory_space<hbm>> -> memref<10000x128xf32, #tpu.memory_space<hbm>>
          tpu.enqueue_indirect_dma source(%dma_start3A_418 : memref<10000x128xf32, #tpu.memory_space<hbm>>) target(%dma_start3A_412 : memref<25x128xf32, #tpu.memory_space<vmem>>) offsets(%dma_start3A_415 : memref<25xi32, #tpu.memory_space<vmem>>) semaphore(%arg12 : memref<!tpu.dma_semaphore, #tpu.memory_space<semaphore_mem>>)
        } else {
        }
        %add3A_300 = arith.constant 2 : i32
        %add3A_301 = arith.addi %mul3A_107, %add3A_300 : i32
        %dma_wait3A_302 = arith.constant 50 : i32
        %dma_wait3A_303 = arith.constant 0 : i32
        %dma_wait3A_304 = tpu.memref_slice %arg9[%dma_wait3A_302, %dma_wait3A_303] : memref<200x128xf32, #tpu.memory_space<vmem>> -> memref<25x128xf32, #tpu.memory_space<vmem>>
        %dma_wait3A_305 = arith.constant 0 : i32
        %dma_wait3A_306 = tpu.memref_slice %arg8[%add3A_301, %dma_wait3A_305] : memref<80x25xi32, #tpu.memory_space<vmem>> -> memref<1x25xi32, #tpu.memory_space<vmem>>
        %dma_wait3A_307 = tpu.memref_squeeze %dma_wait3A_306 : memref<1x25xi32, #tpu.memory_space<vmem>> -> memref<25xi32, #tpu.memory_space<vmem>>
        %dma_wait3A_308 = arith.constant 0 : i32
        %dma_wait3A_309 = arith.constant 0 : i32
        %dma_wait3A_310 = tpu.memref_slice %arg10[%dma_wait3A_308, %dma_wait3A_309] : memref<10240x128xf32, #tpu.memory_space<vmem_shared>> -> memref<10240x128xf32, #tpu.memory_space<vmem_shared>>
        tpu.wait_indirect_dma semaphore(%arg21 : memref<!tpu.dma_semaphore, #tpu.memory_space<semaphore_mem>>) src(%dma_wait3A_304 : memref<25x128xf32, #tpu.memory_space<vmem>>) dst(%dma_wait3A_310 : memref<10240x128xf32, #tpu.memory_space<vmem_shared>>)
        %add3A_311 = arith.constant 8 : i32
        %add3A_312 = arith.addi %add3A_301, %add3A_311 : i32
        %lt3A_313 = arith.constant 80 : i32
        %lt3A_314 = arith.cmpi slt, %add3A_312, %lt3A_313 : i32
        %convert_element_type3A_315 = arith.extui %lt3A_314 : i1 to i32
        %cond3A_316 = arith.constant 0 : i32
        %cond3A_317 = arith.cmpi ne, %convert_element_type3A_315, %cond3A_316 : i32
        scf.if %cond3A_317 {
          %add3A_408 = arith.constant 8 : i32
          %add3A_409 = arith.addi %add3A_301, %add3A_408 : i32
          %dma_start3A_410 = arith.constant 50 : i32
          %dma_start3A_411 = arith.constant 0 : i32
          %dma_start3A_412 = tpu.memref_slice %arg9[%dma_start3A_410, %dma_start3A_411] : memref<200x128xf32, #tpu.memory_space<vmem>> -> memref<25x128xf32, #tpu.memory_space<vmem>>
          %dma_start3A_413 = arith.constant 0 : i32
          %dma_start3A_414 = tpu.memref_slice %arg7[%add3A_409, %dma_start3A_413] : memref<80x25xi32, #tpu.memory_space<vmem>> -> memref<1x25xi32, #tpu.memory_space<vmem>>
          %dma_start3A_415 = tpu.memref_squeeze %dma_start3A_414 : memref<1x25xi32, #tpu.memory_space<vmem>> -> memref<25xi32, #tpu.memory_space<vmem>>
          %dma_start3A_416 = arith.constant 0 : i32
          %dma_start3A_417 = arith.constant 0 : i32
          %dma_start3A_418 = tpu.memref_slice %arg2[%dma_start3A_416, %dma_start3A_417] : memref<10000x128xf32, #tpu.memory_space<hbm>> -> memref<10000x128xf32, #tpu.memory_space<hbm>>
          tpu.enqueue_indirect_dma source(%dma_start3A_418 : memref<10000x128xf32, #tpu.memory_space<hbm>>) target(%dma_start3A_412 : memref<25x128xf32, #tpu.memory_space<vmem>>) offsets(%dma_start3A_415 : memref<25xi32, #tpu.memory_space<vmem>>) semaphore(%arg13 : memref<!tpu.dma_semaphore, #tpu.memory_space<semaphore_mem>>)
        } else {
        }
        %add3A_318 = arith.constant 3 : i32
        %add3A_319 = arith.addi %mul3A_107, %add3A_318 : i32
        %dma_wait3A_320 = arith.constant 75 : i32
        %dma_wait3A_321 = arith.constant 0 : i32
        %dma_wait3A_322 = tpu.memref_slice %arg9[%dma_wait3A_320, %dma_wait3A_321] : memref<200x128xf32, #tpu.memory_space<vmem>> -> memref<25x128xf32, #tpu.memory_space<vmem>>
        %dma_wait3A_323 = arith.constant 0 : i32
        %dma_wait3A_324 = tpu.memref_slice %arg8[%add3A_319, %dma_wait3A_323] : memref<80x25xi32, #tpu.memory_space<vmem>> -> memref<1x25xi32, #tpu.memory_space<vmem>>
        %dma_wait3A_325 = tpu.memref_squeeze %dma_wait3A_324 : memref<1x25xi32, #tpu.memory_space<vmem>> -> memref<25xi32, #tpu.memory_space<vmem>>
        %dma_wait3A_326 = arith.constant 0 : i32
        %dma_wait3A_327 = arith.constant 0 : i32
        %dma_wait3A_328 = tpu.memref_slice %arg10[%dma_wait3A_326, %dma_wait3A_327] : memref<10240x128xf32, #tpu.memory_space<vmem_shared>> -> memref<10240x128xf32, #tpu.memory_space<vmem_shared>>
        tpu.wait_indirect_dma semaphore(%arg22 : memref<!tpu.dma_semaphore, #tpu.memory_space<semaphore_mem>>) src(%dma_wait3A_322 : memref<25x128xf32, #tpu.memory_space<vmem>>) dst(%dma_wait3A_328 : memref<10240x128xf32, #tpu.memory_space<vmem_shared>>)
        %add3A_329 = arith.constant 8 : i32
        %add3A_330 = arith.addi %add3A_319, %add3A_329 : i32
        %lt3A_331 = arith.constant 80 : i32
        %lt3A_332 = arith.cmpi slt, %add3A_330, %lt3A_331 : i32
        %convert_element_type3A_333 = arith.extui %lt3A_332 : i1 to i32
        %cond3A_334 = arith.constant 0 : i32
        %cond3A_335 = arith.cmpi ne, %convert_element_type3A_333, %cond3A_334 : i32
        scf.if %cond3A_335 {
          %add3A_408 = arith.constant 8 : i32
          %add3A_409 = arith.addi %add3A_319, %add3A_408 : i32
          %dma_start3A_410 = arith.constant 75 : i32
          %dma_start3A_411 = arith.constant 0 : i32
          %dma_start3A_412 = tpu.memref_slice %arg9[%dma_start3A_410, %dma_start3A_411] : memref<200x128xf32, #tpu.memory_space<vmem>> -> memref<25x128xf32, #tpu.memory_space<vmem>>
          %dma_start3A_413 = arith.constant 0 : i32
          %dma_start3A_414 = tpu.memref_slice %arg7[%add3A_409, %dma_start3A_413] : memref<80x25xi32, #tpu.memory_space<vmem>> -> memref<1x25xi32, #tpu.memory_space<vmem>>
          %dma_start3A_415 = tpu.memref_squeeze %dma_start3A_414 : memref<1x25xi32, #tpu.memory_space<vmem>> -> memref<25xi32, #tpu.memory_space<vmem>>
          %dma_start3A_416 = arith.constant 0 : i32
          %dma_start3A_417 = arith.constant 0 : i32
          %dma_start3A_418 = tpu.memref_slice %arg2[%dma_start3A_416, %dma_start3A_417] : memref<10000x128xf32, #tpu.memory_space<hbm>> -> memref<10000x128xf32, #tpu.memory_space<hbm>>
          tpu.enqueue_indirect_dma source(%dma_start3A_418 : memref<10000x128xf32, #tpu.memory_space<hbm>>) target(%dma_start3A_412 : memref<25x128xf32, #tpu.memory_space<vmem>>) offsets(%dma_start3A_415 : memref<25xi32, #tpu.memory_space<vmem>>) semaphore(%arg14 : memref<!tpu.dma_semaphore, #tpu.memory_space<semaphore_mem>>)
        } else {
        }
        %add3A_336 = arith.constant 4 : i32
        %add3A_337 = arith.addi %mul3A_107, %add3A_336 : i32
        %dma_wait3A_338 = arith.constant 100 : i32
        %dma_wait3A_339 = arith.constant 0 : i32
        %dma_wait3A_340 = tpu.memref_slice %arg9[%dma_wait3A_338, %dma_wait3A_339] : memref<200x128xf32, #tpu.memory_space<vmem>> -> memref<25x128xf32, #tpu.memory_space<vmem>>
        %dma_wait3A_341 = arith.constant 0 : i32
        %dma_wait3A_342 = tpu.memref_slice %arg8[%add3A_337, %dma_wait3A_341] : memref<80x25xi32, #tpu.memory_space<vmem>> -> memref<1x25xi32, #tpu.memory_space<vmem>>
        %dma_wait3A_343 = tpu.memref_squeeze %dma_wait3A_342 : memref<1x25xi32, #tpu.memory_space<vmem>> -> memref<25xi32, #tpu.memory_space<vmem>>
        %dma_wait3A_344 = arith.constant 0 : i32
        %dma_wait3A_345 = arith.constant 0 : i32
        %dma_wait3A_346 = tpu.memref_slice %arg10[%dma_wait3A_344, %dma_wait3A_345] : memref<10240x128xf32, #tpu.memory_space<vmem_shared>> -> memref<10240x128xf32, #tpu.memory_space<vmem_shared>>
        tpu.wait_indirect_dma semaphore(%arg23 : memref<!tpu.dma_semaphore, #tpu.memory_space<semaphore_mem>>) src(%dma_wait3A_340 : memref<25x128xf32, #tpu.memory_space<vmem>>) dst(%dma_wait3A_346 : memref<10240x128xf32, #tpu.memory_space<vmem_shared>>)
        %add3A_347 = arith.constant 8 : i32
        %add3A_348 = arith.addi %add3A_337, %add3A_347 : i32
        %lt3A_349 = arith.constant 80 : i32
        %lt3A_350 = arith.cmpi slt, %add3A_348, %lt3A_349 : i32
        %convert_element_type3A_351 = arith.extui %lt3A_350 : i1 to i32
        %cond3A_352 = arith.constant 0 : i32
        %cond3A_353 = arith.cmpi ne, %convert_element_type3A_351, %cond3A_352 : i32
        scf.if %cond3A_353 {
          %add3A_408 = arith.constant 8 : i32
          %add3A_409 = arith.addi %add3A_337, %add3A_408 : i32
          %dma_start3A_410 = arith.constant 100 : i32
          %dma_start3A_411 = arith.constant 0 : i32
          %dma_start3A_412 = tpu.memref_slice %arg9[%dma_start3A_410, %dma_start3A_411] : memref<200x128xf32, #tpu.memory_space<vmem>> -> memref<25x128xf32, #tpu.memory_space<vmem>>
          %dma_start3A_413 = arith.constant 0 : i32
          %dma_start3A_414 = tpu.memref_slice %arg7[%add3A_409, %dma_start3A_413] : memref<80x25xi32, #tpu.memory_space<vmem>> -> memref<1x25xi32, #tpu.memory_space<vmem>>
          %dma_start3A_415 = tpu.memref_squeeze %dma_start3A_414 : memref<1x25xi32, #tpu.memory_space<vmem>> -> memref<25xi32, #tpu.memory_space<vmem>>
          %dma_start3A_416 = arith.constant 0 : i32
          %dma_start3A_417 = arith.constant 0 : i32
          %dma_start3A_418 = tpu.memref_slice %arg2[%dma_start3A_416, %dma_start3A_417] : memref<10000x128xf32, #tpu.memory_space<hbm>> -> memref<10000x128xf32, #tpu.memory_space<hbm>>
          tpu.enqueue_indirect_dma source(%dma_start3A_418 : memref<10000x128xf32, #tpu.memory_space<hbm>>) target(%dma_start3A_412 : memref<25x128xf32, #tpu.memory_space<vmem>>) offsets(%dma_start3A_415 : memref<25xi32, #tpu.memory_space<vmem>>) semaphore(%arg15 : memref<!tpu.dma_semaphore, #tpu.memory_space<semaphore_mem>>)
        } else {
        }
        %add3A_354 = arith.constant 5 : i32
        %add3A_355 = arith.addi %mul3A_107, %add3A_354 : i32
        %dma_wait3A_356 = arith.constant 125 : i32
        %dma_wait3A_357 = arith.constant 0 : i32
        %dma_wait3A_358 = tpu.memref_slice %arg9[%dma_wait3A_356, %dma_wait3A_357] : memref<200x128xf32, #tpu.memory_space<vmem>> -> memref<25x128xf32, #tpu.memory_space<vmem>>
        %dma_wait3A_359 = arith.constant 0 : i32
        %dma_wait3A_360 = tpu.memref_slice %arg8[%add3A_355, %dma_wait3A_359] : memref<80x25xi32, #tpu.memory_space<vmem>> -> memref<1x25xi32, #tpu.memory_space<vmem>>
        %dma_wait3A_361 = tpu.memref_squeeze %dma_wait3A_360 : memref<1x25xi32, #tpu.memory_space<vmem>> -> memref<25xi32, #tpu.memory_space<vmem>>
        %dma_wait3A_362 = arith.constant 0 : i32
        %dma_wait3A_363 = arith.constant 0 : i32
        %dma_wait3A_364 = tpu.memref_slice %arg10[%dma_wait3A_362, %dma_wait3A_363] : memref<10240x128xf32, #tpu.memory_space<vmem_shared>> -> memref<10240x128xf32, #tpu.memory_space<vmem_shared>>
        tpu.wait_indirect_dma semaphore(%arg24 : memref<!tpu.dma_semaphore, #tpu.memory_space<semaphore_mem>>) src(%dma_wait3A_358 : memref<25x128xf32, #tpu.memory_space<vmem>>) dst(%dma_wait3A_364 : memref<10240x128xf32, #tpu.memory_space<vmem_shared>>)
        %add3A_365 = arith.constant 8 : i32
        %add3A_366 = arith.addi %add3A_355, %add3A_365 : i32
        %lt3A_367 = arith.constant 80 : i32
        %lt3A_368 = arith.cmpi slt, %add3A_366, %lt3A_367 : i32
        %convert_element_type3A_369 = arith.extui %lt3A_368 : i1 to i32
        %cond3A_370 = arith.constant 0 : i32
        %cond3A_371 = arith.cmpi ne, %convert_element_type3A_369, %cond3A_370 : i32
        scf.if %cond3A_371 {
          %add3A_408 = arith.constant 8 : i32
          %add3A_409 = arith.addi %add3A_355, %add3A_408 : i32
          %dma_start3A_410 = arith.constant 125 : i32
          %dma_start3A_411 = arith.constant 0 : i32
          %dma_start3A_412 = tpu.memref_slice %arg9[%dma_start3A_410, %dma_start3A_411] : memref<200x128xf32, #tpu.memory_space<vmem>> -> memref<25x128xf32, #tpu.memory_space<vmem>>
          %dma_start3A_413 = arith.constant 0 : i32
          %dma_start3A_414 = tpu.memref_slice %arg7[%add3A_409, %dma_start3A_413] : memref<80x25xi32, #tpu.memory_space<vmem>> -> memref<1x25xi32, #tpu.memory_space<vmem>>
          %dma_start3A_415 = tpu.memref_squeeze %dma_start3A_414 : memref<1x25xi32, #tpu.memory_space<vmem>> -> memref<25xi32, #tpu.memory_space<vmem>>
          %dma_start3A_416 = arith.constant 0 : i32
          %dma_start3A_417 = arith.constant 0 : i32
          %dma_start3A_418 = tpu.memref_slice %arg2[%dma_start3A_416, %dma_start3A_417] : memref<10000x128xf32, #tpu.memory_space<hbm>> -> memref<10000x128xf32, #tpu.memory_space<hbm>>
          tpu.enqueue_indirect_dma source(%dma_start3A_418 : memref<10000x128xf32, #tpu.memory_space<hbm>>) target(%dma_start3A_412 : memref<25x128xf32, #tpu.memory_space<vmem>>) offsets(%dma_start3A_415 : memref<25xi32, #tpu.memory_space<vmem>>) semaphore(%arg16 : memref<!tpu.dma_semaphore, #tpu.memory_space<semaphore_mem>>)
        } else {
        }
        %add3A_372 = arith.constant 6 : i32
        %add3A_373 = arith.addi %mul3A_107, %add3A_372 : i32
        %dma_wait3A_374 = arith.constant 150 : i32
        %dma_wait3A_375 = arith.constant 0 : i32
        %dma_wait3A_376 = tpu.memref_slice %arg9[%dma_wait3A_374, %dma_wait3A_375] : memref<200x128xf32, #tpu.memory_space<vmem>> -> memref<25x128xf32, #tpu.memory_space<vmem>>
        %dma_wait3A_377 = arith.constant 0 : i32
        %dma_wait3A_378 = tpu.memref_slice %arg8[%add3A_373, %dma_wait3A_377] : memref<80x25xi32, #tpu.memory_space<vmem>> -> memref<1x25xi32, #tpu.memory_space<vmem>>
        %dma_wait3A_379 = tpu.memref_squeeze %dma_wait3A_378 : memref<1x25xi32, #tpu.memory_space<vmem>> -> memref<25xi32, #tpu.memory_space<vmem>>
        %dma_wait3A_380 = arith.constant 0 : i32
        %dma_wait3A_381 = arith.constant 0 : i32
        %dma_wait3A_382 = tpu.memref_slice %arg10[%dma_wait3A_380, %dma_wait3A_381] : memref<10240x128xf32, #tpu.memory_space<vmem_shared>> -> memref<10240x128xf32, #tpu.memory_space<vmem_shared>>
        tpu.wait_indirect_dma semaphore(%arg25 : memref<!tpu.dma_semaphore, #tpu.memory_space<semaphore_mem>>) src(%dma_wait3A_376 : memref<25x128xf32, #tpu.memory_space<vmem>>) dst(%dma_wait3A_382 : memref<10240x128xf32, #tpu.memory_space<vmem_shared>>)
        %add3A_383 = arith.constant 8 : i32
        %add3A_384 = arith.addi %add3A_373, %add3A_383 : i32
        %lt3A_385 = arith.constant 80 : i32
        %lt3A_386 = arith.cmpi slt, %add3A_384, %lt3A_385 : i32
        %convert_element_type3A_387 = arith.extui %lt3A_386 : i1 to i32
        %cond3A_388 = arith.constant 0 : i32
        %cond3A_389 = arith.cmpi ne, %convert_element_type3A_387, %cond3A_388 : i32
        scf.if %cond3A_389 {
          %add3A_408 = arith.constant 8 : i32
          %add3A_409 = arith.addi %add3A_373, %add3A_408 : i32
          %dma_start3A_410 = arith.constant 150 : i32
          %dma_start3A_411 = arith.constant 0 : i32
          %dma_start3A_412 = tpu.memref_slice %arg9[%dma_start3A_410, %dma_start3A_411] : memref<200x128xf32, #tpu.memory_space<vmem>> -> memref<25x128xf32, #tpu.memory_space<vmem>>
          %dma_start3A_413 = arith.constant 0 : i32
          %dma_start3A_414 = tpu.memref_slice %arg7[%add3A_409, %dma_start3A_413] : memref<80x25xi32, #tpu.memory_space<vmem>> -> memref<1x25xi32, #tpu.memory_space<vmem>>
          %dma_start3A_415 = tpu.memref_squeeze %dma_start3A_414 : memref<1x25xi32, #tpu.memory_space<vmem>> -> memref<25xi32, #tpu.memory_space<vmem>>
          %dma_start3A_416 = arith.constant 0 : i32
          %dma_start3A_417 = arith.constant 0 : i32
          %dma_start3A_418 = tpu.memref_slice %arg2[%dma_start3A_416, %dma_start3A_417] : memref<10000x128xf32, #tpu.memory_space<hbm>> -> memref<10000x128xf32, #tpu.memory_space<hbm>>
          tpu.enqueue_indirect_dma source(%dma_start3A_418 : memref<10000x128xf32, #tpu.memory_space<hbm>>) target(%dma_start3A_412 : memref<25x128xf32, #tpu.memory_space<vmem>>) offsets(%dma_start3A_415 : memref<25xi32, #tpu.memory_space<vmem>>) semaphore(%arg17 : memref<!tpu.dma_semaphore, #tpu.memory_space<semaphore_mem>>)
        } else {
        }
        %add3A_390 = arith.constant 7 : i32
        %add3A_391 = arith.addi %mul3A_107, %add3A_390 : i32
        %dma_wait3A_392 = arith.constant 175 : i32
        %dma_wait3A_393 = arith.constant 0 : i32
        %dma_wait3A_394 = tpu.memref_slice %arg9[%dma_wait3A_392, %dma_wait3A_393] : memref<200x128xf32, #tpu.memory_space<vmem>> -> memref<25x128xf32, #tpu.memory_space<vmem>>
        %dma_wait3A_395 = arith.constant 0 : i32
        %dma_wait3A_396 = tpu.memref_slice %arg8[%add3A_391, %dma_wait3A_395] : memref<80x25xi32, #tpu.memory_space<vmem>> -> memref<1x25xi32, #tpu.memory_space<vmem>>
        %dma_wait3A_397 = tpu.memref_squeeze %dma_wait3A_396 : memref<1x25xi32, #tpu.memory_space<vmem>> -> memref<25xi32, #tpu.memory_space<vmem>>
        %dma_wait3A_398 = arith.constant 0 : i32
        %dma_wait3A_399 = arith.constant 0 : i32
        %dma_wait3A_400 = tpu.memref_slice %arg10[%dma_wait3A_398, %dma_wait3A_399] : memref<10240x128xf32, #tpu.memory_space<vmem_shared>> -> memref<10240x128xf32, #tpu.memory_space<vmem_shared>>
        tpu.wait_indirect_dma semaphore(%arg26 : memref<!tpu.dma_semaphore, #tpu.memory_space<semaphore_mem>>) src(%dma_wait3A_394 : memref<25x128xf32, #tpu.memory_space<vmem>>) dst(%dma_wait3A_400 : memref<10240x128xf32, #tpu.memory_space<vmem_shared>>)
        %add3A_401 = arith.constant 8 : i32
        %add3A_402 = arith.addi %add3A_391, %add3A_401 : i32
        %lt3A_403 = arith.constant 80 : i32
        %lt3A_404 = arith.cmpi slt, %add3A_402, %lt3A_403 : i32
        %convert_element_type3A_405 = arith.extui %lt3A_404 : i1 to i32
        %cond3A_406 = arith.constant 0 : i32
        %cond3A_407 = arith.cmpi ne, %convert_element_type3A_405, %cond3A_406 : i32
        scf.if %cond3A_407 {
          %add3A_408 = arith.constant 8 : i32
          %add3A_409 = arith.addi %add3A_391, %add3A_408 : i32
          %dma_start3A_410 = arith.constant 175 : i32
          %dma_start3A_411 = arith.constant 0 : i32
          %dma_start3A_412 = tpu.memref_slice %arg9[%dma_start3A_410, %dma_start3A_411] : memref<200x128xf32, #tpu.memory_space<vmem>> -> memref<25x128xf32, #tpu.memory_space<vmem>>
          %dma_start3A_413 = arith.constant 0 : i32
          %dma_start3A_414 = tpu.memref_slice %arg7[%add3A_409, %dma_start3A_413] : memref<80x25xi32, #tpu.memory_space<vmem>> -> memref<1x25xi32, #tpu.memory_space<vmem>>
          %dma_start3A_415 = tpu.memref_squeeze %dma_start3A_414 : memref<1x25xi32, #tpu.memory_space<vmem>> -> memref<25xi32, #tpu.memory_space<vmem>>
          %dma_start3A_416 = arith.constant 0 : i32
          %dma_start3A_417 = arith.constant 0 : i32
          %dma_start3A_418 = tpu.memref_slice %arg2[%dma_start3A_416, %dma_start3A_417] : memref<10000x128xf32, #tpu.memory_space<hbm>> -> memref<10000x128xf32, #tpu.memory_space<hbm>>
          tpu.enqueue_indirect_dma source(%dma_start3A_418 : memref<10000x128xf32, #tpu.memory_space<hbm>>) target(%dma_start3A_412 : memref<25x128xf32, #tpu.memory_space<vmem>>) offsets(%dma_start3A_415 : memref<25xi32, #tpu.memory_space<vmem>>) semaphore(%arg18 : memref<!tpu.dma_semaphore, #tpu.memory_space<semaphore_mem>>)
        } else {
        }
      }
      %scan3A_104 = arith.constant 10 : i32
    }
    %scan3A_7 = arith.constant 5 : i32
    %barrier3A_8 = arith.constant 0 : index
    tpu.barrier barrier_id(%barrier3A_8)
    %mul3A_9 = arith.constant 640 : i32
    %mul3A_10 = arith.muli %arg1, %mul3A_9 : i32
    %mul3A_11 = arith.constant 640 : i32
    %mul3A_12 = arith.muli %arg1, %mul3A_11 : i32
    "tpu.region"() ({
      %run_scoped3A = tpu.sem_alloc : memref<!tpu.dma_semaphore, #tpu.memory_space<semaphore_mem>>
      %dma_start3A = arith.constant 0 : i32
      %dma_start3A_13 = tpu.memref_slice %arg6[%arg0, %mul3A_12, %dma_start3A] : memref<2x10240x128xf32, #tpu.memory_space<hbm>> -> memref<1x640x128xf32, #tpu.memory_space<hbm>>
      %dma_start3A_14 = tpu.memref_squeeze %dma_start3A_13 : memref<1x640x128xf32, #tpu.memory_space<hbm>> -> memref<640x128xf32, #tpu.memory_space<hbm>>
      %dma_start3A_15 = arith.constant 0 : i32
      %dma_start3A_16 = tpu.memref_slice %arg10[%mul3A_10, %dma_start3A_15] : memref<10240x128xf32, #tpu.memory_space<vmem_shared>> -> memref<640x128xf32, #tpu.memory_space<vmem_shared>>
      tpu.enqueue_dma source(%dma_start3A_16 : memref<640x128xf32, #tpu.memory_space<vmem_shared>>) target(%dma_start3A_14 : memref<640x128xf32, #tpu.memory_space<hbm>>) target_semaphore(%run_scoped3A : memref<!tpu.dma_semaphore, #tpu.memory_space<semaphore_mem>>)
      %dma_wait3A = arith.constant 0 : i32
      %dma_wait3A_17 = tpu.memref_slice %arg6[%arg0, %mul3A_12, %dma_wait3A] : memref<2x10240x128xf32, #tpu.memory_space<hbm>> -> memref<1x640x128xf32, #tpu.memory_space<hbm>>
      %dma_wait3A_18 = tpu.memref_squeeze %dma_wait3A_17 : memref<1x640x128xf32, #tpu.memory_space<hbm>> -> memref<640x128xf32, #tpu.memory_space<hbm>>
      %dma_wait3A_19 = arith.constant 0 : i32
      %dma_wait3A_20 = tpu.memref_slice %arg10[%mul3A_10, %dma_wait3A_19] : memref<10240x128xf32, #tpu.memory_space<vmem_shared>> -> memref<640x128xf32, #tpu.memory_space<vmem_shared>>
      tpu.wait_dma2 semaphore(%run_scoped3A : memref<!tpu.dma_semaphore, #tpu.memory_space<semaphore_mem>>) src(%dma_wait3A_20 : memref<640x128xf32, #tpu.memory_space<vmem_shared>>) dst(%dma_wait3A_18 : memref<640x128xf32, #tpu.memory_space<hbm>>)
      tpu.yield
    }) : () -> ()
    return
  }
}

#map = affine_map<(d0, d1) -> (0, 0)>
#map1 = affine_map<(d0, d1) -> (0, 0, 0)>
module attributes {stable_mosaic.version = 14 : i64} {
  func.func @_sc_agg(%arg0: i32, %arg1: i32, %arg2: memref<10000x128xf32, #tpu.memory_space<hbm>>, %arg3: memref<160x80x25xi32, #tpu.memory_space<hbm>>, %arg4: memref<160x80x25xi32, #tpu.memory_space<hbm>>, %arg5: memref<640x128xf32, #tpu.memory_space<hbm>>, %arg6: memref<2x10240x128xf32, #tpu.memory_space<hbm>>, %arg7: memref<80x25xi32, #tpu.memory_space<vmem>>, %arg8: memref<80x25xi32, #tpu.memory_space<vmem>>, %arg9: memref<200x128xf32, #tpu.memory_space<vmem>>, %arg10: memref<10240x128xf32, #tpu.memory_space<vmem_shared>>, %arg11: memref<!tpu.dma_semaphore, #tpu.memory_space<semaphore_mem>>, %arg12: memref<!tpu.dma_semaphore, #tpu.memory_space<semaphore_mem>>, %arg13: memref<!tpu.dma_semaphore, #tpu.memory_space<semaphore_mem>>, %arg14: memref<!tpu.dma_semaphore, #tpu.memory_space<semaphore_mem>>, %arg15: memref<!tpu.dma_semaphore, #tpu.memory_space<semaphore_mem>>, %arg16: memref<!tpu.dma_semaphore, #tpu.memory_space<semaphore_mem>>, %arg17: memref<!tpu.dma_semaphore, #tpu.memory_space<semaphore_mem>>, %arg18: memref<!tpu.dma_semaphore, #tpu.memory_space<semaphore_mem>>, %arg19: memref<!tpu.dma_semaphore, #tpu.memory_space<semaphore_mem>>, %arg20: memref<!tpu.dma_semaphore, #tpu.memory_space<semaphore_mem>>, %arg21: memref<!tpu.dma_semaphore, #tpu.memory_space<semaphore_mem>>, %arg22: memref<!tpu.dma_semaphore, #tpu.memory_space<semaphore_mem>>, %arg23: memref<!tpu.dma_semaphore, #tpu.memory_space<semaphore_mem>>, %arg24: memref<!tpu.dma_semaphore, #tpu.memory_space<semaphore_mem>>, %arg25: memref<!tpu.dma_semaphore, #tpu.memory_space<semaphore_mem>>, %arg26: memref<!tpu.dma_semaphore, #tpu.memory_space<semaphore_mem>>) attributes {dimension_semantics = [#tpu.dimension_semantics<core_parallel>, #tpu.dimension_semantics<subcore_parallel>], iteration_bounds = array<i64: 2, 16>, scalar_prefetch = 0 : i64, scratch_operands = 20 : i64, tpu.core_type = #tpu.core_type<sc_vector_subcore>, window_params = [{transform_indices = #map}, {transform_indices = #map1}, {transform_indices = #map1}, {transform_indices = #map}, {transform_indices = #map1}]} {
    %mul3A = arith.constant 2 : i32
    %mul3A_0 = arith.muli %arg1, %mul3A : i32
    %add3A = arith.addi %mul3A_0, %arg0 : i32
    %mul3A_1 = arith.constant 640 : i32
    %mul3A_2 = arith.muli %arg1, %mul3A_1 : i32
    "tpu.region"() ({
      %run_scoped3A = tpu.sem_alloc : memref<!tpu.dma_semaphore, #tpu.memory_space<semaphore_mem>>
      %dma_start3A = arith.constant 0 : i32
      %dma_start3A_13 = tpu.memref_slice %arg10[%mul3A_2, %dma_start3A] : memref<10240x128xf32, #tpu.memory_space<vmem_shared>> -> memref<640x128xf32, #tpu.memory_space<vmem_shared>>
      tpu.enqueue_dma source(%arg5 : memref<640x128xf32, #tpu.memory_space<hbm>>) target(%dma_start3A_13 : memref<640x128xf32, #tpu.memory_space<vmem_shared>>) target_semaphore(%run_scoped3A : memref<!tpu.dma_semaphore, #tpu.memory_space<semaphore_mem>>)
      %dma_wait3A = arith.constant 0 : i32
      %dma_wait3A_14 = tpu.memref_slice %arg10[%mul3A_2, %dma_wait3A] : memref<10240x128xf32, #tpu.memory_space<vmem_shared>> -> memref<640x128xf32, #tpu.memory_space<vmem_shared>>
      tpu.wait_dma2 semaphore(%run_scoped3A : memref<!tpu.dma_semaphore, #tpu.memory_space<semaphore_mem>>) src(%arg5 : memref<640x128xf32, #tpu.memory_space<hbm>>) dst(%dma_wait3A_14 : memref<640x128xf32, #tpu.memory_space<vmem_shared>>)
      tpu.yield
    }) : () -> ()
    %barrier3A = arith.constant 0 : index
    tpu.barrier barrier_id(%barrier3A)
    %scan3A = arith.constant 0 : i32
    %scan3A_3 = arith.constant 0 : i32
    %scan3A_4 = arith.constant 5 : i32
    %scan3A_5 = arith.addi %scan3A_3, %scan3A_4 : i32
    %scan3A_6 = arith.constant 1 : i32
    scf.for %scan3A_13 = %scan3A_3 to %scan3A_5 step %scan3A_6  : i32 {
      %mul3A_14 = arith.constant 5 : i32
      %mul3A_15 = arith.muli %add3A, %mul3A_14 : i32
      %add3A_16 = arith.addi %mul3A_15, %scan3A_13 : i32
      "tpu.region"() ({
        %run_scoped3A = tpu.sem_alloc : memref<!tpu.dma_semaphore, #tpu.memory_space<semaphore_mem>>
        %dma_start3A_105 = arith.constant 0 : i32
        %dma_start3A_106 = arith.constant 0 : i32
        %dma_start3A_107 = tpu.memref_slice %arg3[%add3A_16, %dma_start3A_105, %dma_start3A_106] : memref<160x80x25xi32, #tpu.memory_space<hbm>> -> memref<1x80x25xi32, #tpu.memory_space<hbm>>
        %dma_start3A_108 = tpu.memref_squeeze %dma_start3A_107 : memref<1x80x25xi32, #tpu.memory_space<hbm>> -> memref<80x25xi32, #tpu.memory_space<hbm>>
        %dma_start3A_109 = arith.constant 0 : i32
        %dma_start3A_110 = arith.constant 0 : i32
        %dma_start3A_111 = tpu.memref_slice %arg3[%add3A_16, %dma_start3A_109, %dma_start3A_110] : memref<160x80x25xi32, #tpu.memory_space<hbm>> -> memref<1x80x25xi32, #tpu.memory_space<hbm>>
        %dma_start3A_112 = tpu.memref_squeeze %dma_start3A_111 : memref<1x80x25xi32, #tpu.memory_space<hbm>> -> memref<80x25xi32, #tpu.memory_space<hbm>>
        tpu.enqueue_dma source(%dma_start3A_112 : memref<80x25xi32, #tpu.memory_space<hbm>>) target(%arg7 : memref<80x25xi32, #tpu.memory_space<vmem>>) target_semaphore(%run_scoped3A : memref<!tpu.dma_semaphore, #tpu.memory_space<semaphore_mem>>)
        %dma_wait3A = arith.constant 0 : i32
        %dma_wait3A_113 = arith.constant 0 : i32
        %dma_wait3A_114 = tpu.memref_slice %arg3[%add3A_16, %dma_wait3A, %dma_wait3A_113] : memref<160x80x25xi32, #tpu.memory_space<hbm>> -> memref<1x80x25xi32, #tpu.memory_space<hbm>>
        %dma_wait3A_115 = tpu.memref_squeeze %dma_wait3A_114 : memref<1x80x25xi32, #tpu.memory_space<hbm>> -> memref<80x25xi32, #tpu.memory_space<hbm>>
        %dma_wait3A_116 = arith.constant 0 : i32
        %dma_wait3A_117 = arith.constant 0 : i32
        %dma_wait3A_118 = tpu.memref_slice %arg3[%add3A_16, %dma_wait3A_116, %dma_wait3A_117] : memref<160x80x25xi32, #tpu.memory_space<hbm>> -> memref<1x80x25xi32, #tpu.memory_space<hbm>>
        %dma_wait3A_119 = tpu.memref_squeeze %dma_wait3A_118 : memref<1x80x25xi32, #tpu.memory_space<hbm>> -> memref<80x25xi32, #tpu.memory_space<hbm>>
        tpu.wait_dma2 semaphore(%run_scoped3A : memref<!tpu.dma_semaphore, #tpu.memory_space<semaphore_mem>>) src(%dma_wait3A_119 : memref<80x25xi32, #tpu.memory_space<hbm>>) dst(%arg7 : memref<80x25xi32, #tpu.memory_space<vmem>>)
        tpu.yield
      }) : () -> ()
      %mul3A_17 = arith.constant 5 : i32
      %mul3A_18 = arith.muli %add3A, %mul3A_17 : i32
      %add3A_19 = arith.addi %mul3A_18, %scan3A_13 : i32
      "tpu.region"() ({
        %run_scoped3A = tpu.sem_alloc : memref<!tpu.dma_semaphore, #tpu.memory_space<semaphore_mem>>
        %dma_start3A_105 = arith.constant 0 : i32
        %dma_start3A_106 = arith.constant 0 : i32
        %dma_start3A_107 = tpu.memref_slice %arg4[%add3A_19, %dma_start3A_105, %dma_start3A_106] : memref<160x80x25xi32, #tpu.memory_space<hbm>> -> memref<1x80x25xi32, #tpu.memory_space<hbm>>
        %dma_start3A_108 = tpu.memref_squeeze %dma_start3A_107 : memref<1x80x25xi32, #tpu.memory_space<hbm>> -> memref<80x25xi32, #tpu.memory_space<hbm>>
        %dma_start3A_109 = arith.constant 0 : i32
        %dma_start3A_110 = arith.constant 0 : i32
        %dma_start3A_111 = tpu.memref_slice %arg4[%add3A_19, %dma_start3A_109, %dma_start3A_110] : memref<160x80x25xi32, #tpu.memory_space<hbm>> -> memref<1x80x25xi32, #tpu.memory_space<hbm>>
        %dma_start3A_112 = tpu.memref_squeeze %dma_start3A_111 : memref<1x80x25xi32, #tpu.memory_space<hbm>> -> memref<80x25xi32, #tpu.memory_space<hbm>>
        tpu.enqueue_dma source(%dma_start3A_112 : memref<80x25xi32, #tpu.memory_space<hbm>>) target(%arg8 : memref<80x25xi32, #tpu.memory_space<vmem>>) target_semaphore(%run_scoped3A : memref<!tpu.dma_semaphore, #tpu.memory_space<semaphore_mem>>)
        %dma_wait3A = arith.constant 0 : i32
        %dma_wait3A_113 = arith.constant 0 : i32
        %dma_wait3A_114 = tpu.memref_slice %arg4[%add3A_19, %dma_wait3A, %dma_wait3A_113] : memref<160x80x25xi32, #tpu.memory_space<hbm>> -> memref<1x80x25xi32, #tpu.memory_space<hbm>>
        %dma_wait3A_115 = tpu.memref_squeeze %dma_wait3A_114 : memref<1x80x25xi32, #tpu.memory_space<hbm>> -> memref<80x25xi32, #tpu.memory_space<hbm>>
        %dma_wait3A_116 = arith.constant 0 : i32
        %dma_wait3A_117 = arith.constant 0 : i32
        %dma_wait3A_118 = tpu.memref_slice %arg4[%add3A_19, %dma_wait3A_116, %dma_wait3A_117] : memref<160x80x25xi32, #tpu.memory_space<hbm>> -> memref<1x80x25xi32, #tpu.memory_space<hbm>>
        %dma_wait3A_119 = tpu.memref_squeeze %dma_wait3A_118 : memref<1x80x25xi32, #tpu.memory_space<hbm>> -> memref<80x25xi32, #tpu.memory_space<hbm>>
        tpu.wait_dma2 semaphore(%run_scoped3A : memref<!tpu.dma_semaphore, #tpu.memory_space<semaphore_mem>>) src(%dma_wait3A_119 : memref<80x25xi32, #tpu.memory_space<hbm>>) dst(%arg8 : memref<80x25xi32, #tpu.memory_space<vmem>>)
        tpu.yield
      }) : () -> ()
      %dma_start3A = arith.constant 0 : i32
      %dma_start3A_20 = arith.constant 0 : i32
      %dma_start3A_21 = arith.constant 0 : i32
      %dma_start3A_22 = tpu.memref_slice %arg9[%dma_start3A_20, %dma_start3A_21] : memref<200x128xf32, #tpu.memory_space<vmem>> -> memref<25x128xf32, #tpu.memory_space<vmem>>
      %dma_start3A_23 = arith.constant 0 : i32
      %dma_start3A_24 = tpu.memref_slice %arg7[%dma_start3A, %dma_start3A_23] : memref<80x25xi32, #tpu.memory_space<vmem>> -> memref<1x25xi32, #tpu.memory_space<vmem>>
      %dma_start3A_25 = tpu.memref_squeeze %dma_start3A_24 : memref<1x25xi32, #tpu.memory_space<vmem>> -> memref<25xi32, #tpu.memory_space<vmem>>
      %dma_start3A_26 = arith.constant 0 : i32
      %dma_start3A_27 = arith.constant 0 : i32
      %dma_start3A_28 = tpu.memref_slice %arg2[%dma_start3A_26, %dma_start3A_27] : memref<10000x128xf32, #tpu.memory_space<hbm>> -> memref<10000x128xf32, #tpu.memory_space<hbm>>
      tpu.enqueue_indirect_dma source(%dma_start3A_28 : memref<10000x128xf32, #tpu.memory_space<hbm>>) target(%dma_start3A_22 : memref<25x128xf32, #tpu.memory_space<vmem>>) offsets(%dma_start3A_25 : memref<25xi32, #tpu.memory_space<vmem>>) semaphore(%arg11 : memref<!tpu.dma_semaphore, #tpu.memory_space<semaphore_mem>>)
      %dma_start3A_29 = arith.constant 1 : i32
      %dma_start3A_30 = arith.constant 25 : i32
      %dma_start3A_31 = arith.constant 0 : i32
      %dma_start3A_32 = tpu.memref_slice %arg9[%dma_start3A_30, %dma_start3A_31] : memref<200x128xf32, #tpu.memory_space<vmem>> -> memref<25x128xf32, #tpu.memory_space<vmem>>
      %dma_start3A_33 = arith.constant 0 : i32
      %dma_start3A_34 = tpu.memref_slice %arg7[%dma_start3A_29, %dma_start3A_33] : memref<80x25xi32, #tpu.memory_space<vmem>> -> memref<1x25xi32, #tpu.memory_space<vmem>>
      %dma_start3A_35 = tpu.memref_squeeze %dma_start3A_34 : memref<1x25xi32, #tpu.memory_space<vmem>> -> memref<25xi32, #tpu.memory_space<vmem>>
      %dma_start3A_36 = arith.constant 0 : i32
      %dma_start3A_37 = arith.constant 0 : i32
      %dma_start3A_38 = tpu.memref_slice %arg2[%dma_start3A_36, %dma_start3A_37] : memref<10000x128xf32, #tpu.memory_space<hbm>> -> memref<10000x128xf32, #tpu.memory_space<hbm>>
      tpu.enqueue_indirect_dma source(%dma_start3A_38 : memref<10000x128xf32, #tpu.memory_space<hbm>>) target(%dma_start3A_32 : memref<25x128xf32, #tpu.memory_space<vmem>>) offsets(%dma_start3A_35 : memref<25xi32, #tpu.memory_space<vmem>>) semaphore(%arg12 : memref<!tpu.dma_semaphore, #tpu.memory_space<semaphore_mem>>)
      %dma_start3A_39 = arith.constant 2 : i32
      %dma_start3A_40 = arith.constant 50 : i32
      %dma_start3A_41 = arith.constant 0 : i32
      %dma_start3A_42 = tpu.memref_slice %arg9[%dma_start3A_40, %dma_start3A_41] : memref<200x128xf32, #tpu.memory_space<vmem>> -> memref<25x128xf32, #tpu.memory_space<vmem>>
      %dma_start3A_43 = arith.constant 0 : i32
      %dma_start3A_44 = tpu.memref_slice %arg7[%dma_start3A_39, %dma_start3A_43] : memref<80x25xi32, #tpu.memory_space<vmem>> -> memref<1x25xi32, #tpu.memory_space<vmem>>
      %dma_start3A_45 = tpu.memref_squeeze %dma_start3A_44 : memref<1x25xi32, #tpu.memory_space<vmem>> -> memref<25xi32, #tpu.memory_space<vmem>>
      %dma_start3A_46 = arith.constant 0 : i32
      %dma_start3A_47 = arith.constant 0 : i32
      %dma_start3A_48 = tpu.memref_slice %arg2[%dma_start3A_46, %dma_start3A_47] : memref<10000x128xf32, #tpu.memory_space<hbm>> -> memref<10000x128xf32, #tpu.memory_space<hbm>>
      tpu.enqueue_indirect_dma source(%dma_start3A_48 : memref<10000x128xf32, #tpu.memory_space<hbm>>) target(%dma_start3A_42 : memref<25x128xf32, #tpu.memory_space<vmem>>) offsets(%dma_start3A_45 : memref<25xi32, #tpu.memory_space<vmem>>) semaphore(%arg13 : memref<!tpu.dma_semaphore, #tpu.memory_space<semaphore_mem>>)
      %dma_start3A_49 = arith.constant 3 : i32
      %dma_start3A_50 = arith.constant 75 : i32
      %dma_start3A_51 = arith.constant 0 : i32
      %dma_start3A_52 = tpu.memref_slice %arg9[%dma_start3A_50, %dma_start3A_51] : memref<200x128xf32, #tpu.memory_space<vmem>> -> memref<25x128xf32, #tpu.memory_space<vmem>>
      %dma_start3A_53 = arith.constant 0 : i32
      %dma_start3A_54 = tpu.memref_slice %arg7[%dma_start3A_49, %dma_start3A_53] : memref<80x25xi32, #tpu.memory_space<vmem>> -> memref<1x25xi32, #tpu.memory_space<vmem>>
      %dma_start3A_55 = tpu.memref_squeeze %dma_start3A_54 : memref<1x25xi32, #tpu.memory_space<vmem>> -> memref<25xi32, #tpu.memory_space<vmem>>
      %dma_start3A_56 = arith.constant 0 : i32
      %dma_start3A_57 = arith.constant 0 : i32
      %dma_start3A_58 = tpu.memref_slice %arg2[%dma_start3A_56, %dma_start3A_57] : memref<10000x128xf32, #tpu.memory_space<hbm>> -> memref<10000x128xf32, #tpu.memory_space<hbm>>
      tpu.enqueue_indirect_dma source(%dma_start3A_58 : memref<10000x128xf32, #tpu.memory_space<hbm>>) target(%dma_start3A_52 : memref<25x128xf32, #tpu.memory_space<vmem>>) offsets(%dma_start3A_55 : memref<25xi32, #tpu.memory_space<vmem>>) semaphore(%arg14 : memref<!tpu.dma_semaphore, #tpu.memory_space<semaphore_mem>>)
      %dma_start3A_59 = arith.constant 4 : i32
      %dma_start3A_60 = arith.constant 100 : i32
      %dma_start3A_61 = arith.constant 0 : i32
      %dma_start3A_62 = tpu.memref_slice %arg9[%dma_start3A_60, %dma_start3A_61] : memref<200x128xf32, #tpu.memory_space<vmem>> -> memref<25x128xf32, #tpu.memory_space<vmem>>
      %dma_start3A_63 = arith.constant 0 : i32
      %dma_start3A_64 = tpu.memref_slice %arg7[%dma_start3A_59, %dma_start3A_63] : memref<80x25xi32, #tpu.memory_space<vmem>> -> memref<1x25xi32, #tpu.memory_space<vmem>>
      %dma_start3A_65 = tpu.memref_squeeze %dma_start3A_64 : memref<1x25xi32, #tpu.memory_space<vmem>> -> memref<25xi32, #tpu.memory_space<vmem>>
      %dma_start3A_66 = arith.constant 0 : i32
      %dma_start3A_67 = arith.constant 0 : i32
      %dma_start3A_68 = tpu.memref_slice %arg2[%dma_start3A_66, %dma_start3A_67] : memref<10000x128xf32, #tpu.memory_space<hbm>> -> memref<10000x128xf32, #tpu.memory_space<hbm>>
      tpu.enqueue_indirect_dma source(%dma_start3A_68 : memref<10000x128xf32, #tpu.memory_space<hbm>>) target(%dma_start3A_62 : memref<25x128xf32, #tpu.memory_space<vmem>>) offsets(%dma_start3A_65 : memref<25xi32, #tpu.memory_space<vmem>>) semaphore(%arg15 : memref<!tpu.dma_semaphore, #tpu.memory_space<semaphore_mem>>)
      %dma_start3A_69 = arith.constant 5 : i32
      %dma_start3A_70 = arith.constant 125 : i32
      %dma_start3A_71 = arith.constant 0 : i32
      %dma_start3A_72 = tpu.memref_slice %arg9[%dma_start3A_70, %dma_start3A_71] : memref<200x128xf32, #tpu.memory_space<vmem>> -> memref<25x128xf32, #tpu.memory_space<vmem>>
      %dma_start3A_73 = arith.constant 0 : i32
      %dma_start3A_74 = tpu.memref_slice %arg7[%dma_start3A_69, %dma_start3A_73] : memref<80x25xi32, #tpu.memory_space<vmem>> -> memref<1x25xi32, #tpu.memory_space<vmem>>
      %dma_start3A_75 = tpu.memref_squeeze %dma_start3A_74 : memref<1x25xi32, #tpu.memory_space<vmem>> -> memref<25xi32, #tpu.memory_space<vmem>>
      %dma_start3A_76 = arith.constant 0 : i32
      %dma_start3A_77 = arith.constant 0 : i32
      %dma_start3A_78 = tpu.memref_slice %arg2[%dma_start3A_76, %dma_start3A_77] : memref<10000x128xf32, #tpu.memory_space<hbm>> -> memref<10000x128xf32, #tpu.memory_space<hbm>>
      tpu.enqueue_indirect_dma source(%dma_start3A_78 : memref<10000x128xf32, #tpu.memory_space<hbm>>) target(%dma_start3A_72 : memref<25x128xf32, #tpu.memory_space<vmem>>) offsets(%dma_start3A_75 : memref<25xi32, #tpu.memory_space<vmem>>) semaphore(%arg16 : memref<!tpu.dma_semaphore, #tpu.memory_space<semaphore_mem>>)
      %dma_start3A_79 = arith.constant 6 : i32
      %dma_start3A_80 = arith.constant 150 : i32
      %dma_start3A_81 = arith.constant 0 : i32
      %dma_start3A_82 = tpu.memref_slice %arg9[%dma_start3A_80, %dma_start3A_81] : memref<200x128xf32, #tpu.memory_space<vmem>> -> memref<25x128xf32, #tpu.memory_space<vmem>>
      %dma_start3A_83 = arith.constant 0 : i32
      %dma_start3A_84 = tpu.memref_slice %arg7[%dma_start3A_79, %dma_start3A_83] : memref<80x25xi32, #tpu.memory_space<vmem>> -> memref<1x25xi32, #tpu.memory_space<vmem>>
      %dma_start3A_85 = tpu.memref_squeeze %dma_start3A_84 : memref<1x25xi32, #tpu.memory_space<vmem>> -> memref<25xi32, #tpu.memory_space<vmem>>
      %dma_start3A_86 = arith.constant 0 : i32
      %dma_start3A_87 = arith.constant 0 : i32
      %dma_start3A_88 = tpu.memref_slice %arg2[%dma_start3A_86, %dma_start3A_87] : memref<10000x128xf32, #tpu.memory_space<hbm>> -> memref<10000x128xf32, #tpu.memory_space<hbm>>
      tpu.enqueue_indirect_dma source(%dma_start3A_88 : memref<10000x128xf32, #tpu.memory_space<hbm>>) target(%dma_start3A_82 : memref<25x128xf32, #tpu.memory_space<vmem>>) offsets(%dma_start3A_85 : memref<25xi32, #tpu.memory_space<vmem>>) semaphore(%arg17 : memref<!tpu.dma_semaphore, #tpu.memory_space<semaphore_mem>>)
      %dma_start3A_89 = arith.constant 7 : i32
      %dma_start3A_90 = arith.constant 175 : i32
      %dma_start3A_91 = arith.constant 0 : i32
      %dma_start3A_92 = tpu.memref_slice %arg9[%dma_start3A_90, %dma_start3A_91] : memref<200x128xf32, #tpu.memory_space<vmem>> -> memref<25x128xf32, #tpu.memory_space<vmem>>
      %dma_start3A_93 = arith.constant 0 : i32
      %dma_start3A_94 = tpu.memref_slice %arg7[%dma_start3A_89, %dma_start3A_93] : memref<80x25xi32, #tpu.memory_space<vmem>> -> memref<1x25xi32, #tpu.memory_space<vmem>>
      %dma_start3A_95 = tpu.memref_squeeze %dma_start3A_94 : memref<1x25xi32, #tpu.memory_space<vmem>> -> memref<25xi32, #tpu.memory_space<vmem>>
      %dma_start3A_96 = arith.constant 0 : i32
      %dma_start3A_97 = arith.constant 0 : i32
      %dma_start3A_98 = tpu.memref_slice %arg2[%dma_start3A_96, %dma_start3A_97] : memref<10000x128xf32, #tpu.memory_space<hbm>> -> memref<10000x128xf32, #tpu.memory_space<hbm>>
      tpu.enqueue_indirect_dma source(%dma_start3A_98 : memref<10000x128xf32, #tpu.memory_space<hbm>>) target(%dma_start3A_92 : memref<25x128xf32, #tpu.memory_space<vmem>>) offsets(%dma_start3A_95 : memref<25xi32, #tpu.memory_space<vmem>>) semaphore(%arg18 : memref<!tpu.dma_semaphore, #tpu.memory_space<semaphore_mem>>)
      %scan3A_99 = arith.constant 0 : i32
      %scan3A_100 = arith.constant 0 : i32
      %scan3A_101 = arith.constant 10 : i32
      %scan3A_102 = arith.addi %scan3A_100, %scan3A_101 : i32
      %scan3A_103 = arith.constant 1 : i32
      scf.for %scan3A_105 = %scan3A_100 to %scan3A_102 step %scan3A_103  : i32 {
        %mul3A_106 = arith.constant 8 : i32
        %mul3A_107 = arith.muli %scan3A_105, %mul3A_106 : i32
        %add3A_108 = arith.constant 0 : i32
        %add3A_109 = arith.addi %mul3A_107, %add3A_108 : i32
        %dma_wait3A = arith.constant 0 : i32
        %dma_wait3A_110 = arith.constant 0 : i32
        %dma_wait3A_111 = tpu.memref_slice %arg9[%dma_wait3A, %dma_wait3A_110] : memref<200x128xf32, #tpu.memory_space<vmem>> -> memref<25x128xf32, #tpu.memory_space<vmem>>
        %dma_wait3A_112 = arith.constant 0 : i32
        %dma_wait3A_113 = tpu.memref_slice %arg7[%add3A_109, %dma_wait3A_112] : memref<80x25xi32, #tpu.memory_space<vmem>> -> memref<1x25xi32, #tpu.memory_space<vmem>>
        %dma_wait3A_114 = tpu.memref_squeeze %dma_wait3A_113 : memref<1x25xi32, #tpu.memory_space<vmem>> -> memref<25xi32, #tpu.memory_space<vmem>>
        %dma_wait3A_115 = arith.constant 0 : i32
        %dma_wait3A_116 = arith.constant 0 : i32
        %dma_wait3A_117 = tpu.memref_slice %arg2[%dma_wait3A_115, %dma_wait3A_116] : memref<10000x128xf32, #tpu.memory_space<hbm>> -> memref<10000x128xf32, #tpu.memory_space<hbm>>
        tpu.wait_indirect_dma semaphore(%arg11 : memref<!tpu.dma_semaphore, #tpu.memory_space<semaphore_mem>>) src(%dma_wait3A_117 : memref<10000x128xf32, #tpu.memory_space<hbm>>) dst(%dma_wait3A_111 : memref<25x128xf32, #tpu.memory_space<vmem>>)
        %dma_start3A_118 = arith.constant 0 : i32
        %dma_start3A_119 = arith.constant 0 : i32
        %dma_start3A_120 = tpu.memref_slice %arg9[%dma_start3A_118, %dma_start3A_119] : memref<200x128xf32, #tpu.memory_space<vmem>> -> memref<25x128xf32, #tpu.memory_space<vmem>>
        %dma_start3A_121 = arith.constant 0 : i32
        %dma_start3A_122 = tpu.memref_slice %arg8[%add3A_109, %dma_start3A_121] : memref<80x25xi32, #tpu.memory_space<vmem>> -> memref<1x25xi32, #tpu.memory_space<vmem>>
        %dma_start3A_123 = tpu.memref_squeeze %dma_start3A_122 : memref<1x25xi32, #tpu.memory_space<vmem>> -> memref<25xi32, #tpu.memory_space<vmem>>
        %dma_start3A_124 = arith.constant 0 : i32
        %dma_start3A_125 = arith.constant 0 : i32
        %dma_start3A_126 = tpu.memref_slice %arg10[%dma_start3A_124, %dma_start3A_125] : memref<10240x128xf32, #tpu.memory_space<vmem_shared>> -> memref<10240x128xf32, #tpu.memory_space<vmem_shared>>
        tpu.enqueue_indirect_dma source(%dma_start3A_120 : memref<25x128xf32, #tpu.memory_space<vmem>>) target(%dma_start3A_126 : memref<10240x128xf32, #tpu.memory_space<vmem_shared>>) offsets(%dma_start3A_123 : memref<25xi32, #tpu.memory_space<vmem>>) semaphore(%arg19 : memref<!tpu.dma_semaphore, #tpu.memory_space<semaphore_mem>>) {add = true}
        %add3A_127 = arith.constant 1 : i32
        %add3A_128 = arith.addi %mul3A_107, %add3A_127 : i32
        %dma_wait3A_129 = arith.constant 25 : i32
        %dma_wait3A_130 = arith.constant 0 : i32
        %dma_wait3A_131 = tpu.memref_slice %arg9[%dma_wait3A_129, %dma_wait3A_130] : memref<200x128xf32, #tpu.memory_space<vmem>> -> memref<25x128xf32, #tpu.memory_space<vmem>>
        %dma_wait3A_132 = arith.constant 0 : i32
        %dma_wait3A_133 = tpu.memref_slice %arg7[%add3A_128, %dma_wait3A_132] : memref<80x25xi32, #tpu.memory_space<vmem>> -> memref<1x25xi32, #tpu.memory_space<vmem>>
        %dma_wait3A_134 = tpu.memref_squeeze %dma_wait3A_133 : memref<1x25xi32, #tpu.memory_space<vmem>> -> memref<25xi32, #tpu.memory_space<vmem>>
        %dma_wait3A_135 = arith.constant 0 : i32
        %dma_wait3A_136 = arith.constant 0 : i32
        %dma_wait3A_137 = tpu.memref_slice %arg2[%dma_wait3A_135, %dma_wait3A_136] : memref<10000x128xf32, #tpu.memory_space<hbm>> -> memref<10000x128xf32, #tpu.memory_space<hbm>>
        tpu.wait_indirect_dma semaphore(%arg12 : memref<!tpu.dma_semaphore, #tpu.memory_space<semaphore_mem>>) src(%dma_wait3A_137 : memref<10000x128xf32, #tpu.memory_space<hbm>>) dst(%dma_wait3A_131 : memref<25x128xf32, #tpu.memory_space<vmem>>)
        %dma_start3A_138 = arith.constant 25 : i32
        %dma_start3A_139 = arith.constant 0 : i32
        %dma_start3A_140 = tpu.memref_slice %arg9[%dma_start3A_138, %dma_start3A_139] : memref<200x128xf32, #tpu.memory_space<vmem>> -> memref<25x128xf32, #tpu.memory_space<vmem>>
        %dma_start3A_141 = arith.constant 0 : i32
        %dma_start3A_142 = tpu.memref_slice %arg8[%add3A_128, %dma_start3A_141] : memref<80x25xi32, #tpu.memory_space<vmem>> -> memref<1x25xi32, #tpu.memory_space<vmem>>
        %dma_start3A_143 = tpu.memref_squeeze %dma_start3A_142 : memref<1x25xi32, #tpu.memory_space<vmem>> -> memref<25xi32, #tpu.memory_space<vmem>>
        %dma_start3A_144 = arith.constant 0 : i32
        %dma_start3A_145 = arith.constant 0 : i32
        %dma_start3A_146 = tpu.memref_slice %arg10[%dma_start3A_144, %dma_start3A_145] : memref<10240x128xf32, #tpu.memory_space<vmem_shared>> -> memref<10240x128xf32, #tpu.memory_space<vmem_shared>>
        tpu.enqueue_indirect_dma source(%dma_start3A_140 : memref<25x128xf32, #tpu.memory_space<vmem>>) target(%dma_start3A_146 : memref<10240x128xf32, #tpu.memory_space<vmem_shared>>) offsets(%dma_start3A_143 : memref<25xi32, #tpu.memory_space<vmem>>) semaphore(%arg20 : memref<!tpu.dma_semaphore, #tpu.memory_space<semaphore_mem>>) {add = true}
        %add3A_147 = arith.constant 2 : i32
        %add3A_148 = arith.addi %mul3A_107, %add3A_147 : i32
        %dma_wait3A_149 = arith.constant 50 : i32
        %dma_wait3A_150 = arith.constant 0 : i32
        %dma_wait3A_151 = tpu.memref_slice %arg9[%dma_wait3A_149, %dma_wait3A_150] : memref<200x128xf32, #tpu.memory_space<vmem>> -> memref<25x128xf32, #tpu.memory_space<vmem>>
        %dma_wait3A_152 = arith.constant 0 : i32
        %dma_wait3A_153 = tpu.memref_slice %arg7[%add3A_148, %dma_wait3A_152] : memref<80x25xi32, #tpu.memory_space<vmem>> -> memref<1x25xi32, #tpu.memory_space<vmem>>
        %dma_wait3A_154 = tpu.memref_squeeze %dma_wait3A_153 : memref<1x25xi32, #tpu.memory_space<vmem>> -> memref<25xi32, #tpu.memory_space<vmem>>
        %dma_wait3A_155 = arith.constant 0 : i32
        %dma_wait3A_156 = arith.constant 0 : i32
        %dma_wait3A_157 = tpu.memref_slice %arg2[%dma_wait3A_155, %dma_wait3A_156] : memref<10000x128xf32, #tpu.memory_space<hbm>> -> memref<10000x128xf32, #tpu.memory_space<hbm>>
        tpu.wait_indirect_dma semaphore(%arg13 : memref<!tpu.dma_semaphore, #tpu.memory_space<semaphore_mem>>) src(%dma_wait3A_157 : memref<10000x128xf32, #tpu.memory_space<hbm>>) dst(%dma_wait3A_151 : memref<25x128xf32, #tpu.memory_space<vmem>>)
        %dma_start3A_158 = arith.constant 50 : i32
        %dma_start3A_159 = arith.constant 0 : i32
        %dma_start3A_160 = tpu.memref_slice %arg9[%dma_start3A_158, %dma_start3A_159] : memref<200x128xf32, #tpu.memory_space<vmem>> -> memref<25x128xf32, #tpu.memory_space<vmem>>
        %dma_start3A_161 = arith.constant 0 : i32
        %dma_start3A_162 = tpu.memref_slice %arg8[%add3A_148, %dma_start3A_161] : memref<80x25xi32, #tpu.memory_space<vmem>> -> memref<1x25xi32, #tpu.memory_space<vmem>>
        %dma_start3A_163 = tpu.memref_squeeze %dma_start3A_162 : memref<1x25xi32, #tpu.memory_space<vmem>> -> memref<25xi32, #tpu.memory_space<vmem>>
        %dma_start3A_164 = arith.constant 0 : i32
        %dma_start3A_165 = arith.constant 0 : i32
        %dma_start3A_166 = tpu.memref_slice %arg10[%dma_start3A_164, %dma_start3A_165] : memref<10240x128xf32, #tpu.memory_space<vmem_shared>> -> memref<10240x128xf32, #tpu.memory_space<vmem_shared>>
        tpu.enqueue_indirect_dma source(%dma_start3A_160 : memref<25x128xf32, #tpu.memory_space<vmem>>) target(%dma_start3A_166 : memref<10240x128xf32, #tpu.memory_space<vmem_shared>>) offsets(%dma_start3A_163 : memref<25xi32, #tpu.memory_space<vmem>>) semaphore(%arg21 : memref<!tpu.dma_semaphore, #tpu.memory_space<semaphore_mem>>) {add = true}
        %add3A_167 = arith.constant 3 : i32
        %add3A_168 = arith.addi %mul3A_107, %add3A_167 : i32
        %dma_wait3A_169 = arith.constant 75 : i32
        %dma_wait3A_170 = arith.constant 0 : i32
        %dma_wait3A_171 = tpu.memref_slice %arg9[%dma_wait3A_169, %dma_wait3A_170] : memref<200x128xf32, #tpu.memory_space<vmem>> -> memref<25x128xf32, #tpu.memory_space<vmem>>
        %dma_wait3A_172 = arith.constant 0 : i32
        %dma_wait3A_173 = tpu.memref_slice %arg7[%add3A_168, %dma_wait3A_172] : memref<80x25xi32, #tpu.memory_space<vmem>> -> memref<1x25xi32, #tpu.memory_space<vmem>>
        %dma_wait3A_174 = tpu.memref_squeeze %dma_wait3A_173 : memref<1x25xi32, #tpu.memory_space<vmem>> -> memref<25xi32, #tpu.memory_space<vmem>>
        %dma_wait3A_175 = arith.constant 0 : i32
        %dma_wait3A_176 = arith.constant 0 : i32
        %dma_wait3A_177 = tpu.memref_slice %arg2[%dma_wait3A_175, %dma_wait3A_176] : memref<10000x128xf32, #tpu.memory_space<hbm>> -> memref<10000x128xf32, #tpu.memory_space<hbm>>
        tpu.wait_indirect_dma semaphore(%arg14 : memref<!tpu.dma_semaphore, #tpu.memory_space<semaphore_mem>>) src(%dma_wait3A_177 : memref<10000x128xf32, #tpu.memory_space<hbm>>) dst(%dma_wait3A_171 : memref<25x128xf32, #tpu.memory_space<vmem>>)
        %dma_start3A_178 = arith.constant 75 : i32
        %dma_start3A_179 = arith.constant 0 : i32
        %dma_start3A_180 = tpu.memref_slice %arg9[%dma_start3A_178, %dma_start3A_179] : memref<200x128xf32, #tpu.memory_space<vmem>> -> memref<25x128xf32, #tpu.memory_space<vmem>>
        %dma_start3A_181 = arith.constant 0 : i32
        %dma_start3A_182 = tpu.memref_slice %arg8[%add3A_168, %dma_start3A_181] : memref<80x25xi32, #tpu.memory_space<vmem>> -> memref<1x25xi32, #tpu.memory_space<vmem>>
        %dma_start3A_183 = tpu.memref_squeeze %dma_start3A_182 : memref<1x25xi32, #tpu.memory_space<vmem>> -> memref<25xi32, #tpu.memory_space<vmem>>
        %dma_start3A_184 = arith.constant 0 : i32
        %dma_start3A_185 = arith.constant 0 : i32
        %dma_start3A_186 = tpu.memref_slice %arg10[%dma_start3A_184, %dma_start3A_185] : memref<10240x128xf32, #tpu.memory_space<vmem_shared>> -> memref<10240x128xf32, #tpu.memory_space<vmem_shared>>
        tpu.enqueue_indirect_dma source(%dma_start3A_180 : memref<25x128xf32, #tpu.memory_space<vmem>>) target(%dma_start3A_186 : memref<10240x128xf32, #tpu.memory_space<vmem_shared>>) offsets(%dma_start3A_183 : memref<25xi32, #tpu.memory_space<vmem>>) semaphore(%arg22 : memref<!tpu.dma_semaphore, #tpu.memory_space<semaphore_mem>>) {add = true}
        %add3A_187 = arith.constant 4 : i32
        %add3A_188 = arith.addi %mul3A_107, %add3A_187 : i32
        %dma_wait3A_189 = arith.constant 100 : i32
        %dma_wait3A_190 = arith.constant 0 : i32
        %dma_wait3A_191 = tpu.memref_slice %arg9[%dma_wait3A_189, %dma_wait3A_190] : memref<200x128xf32, #tpu.memory_space<vmem>> -> memref<25x128xf32, #tpu.memory_space<vmem>>
        %dma_wait3A_192 = arith.constant 0 : i32
        %dma_wait3A_193 = tpu.memref_slice %arg7[%add3A_188, %dma_wait3A_192] : memref<80x25xi32, #tpu.memory_space<vmem>> -> memref<1x25xi32, #tpu.memory_space<vmem>>
        %dma_wait3A_194 = tpu.memref_squeeze %dma_wait3A_193 : memref<1x25xi32, #tpu.memory_space<vmem>> -> memref<25xi32, #tpu.memory_space<vmem>>
        %dma_wait3A_195 = arith.constant 0 : i32
        %dma_wait3A_196 = arith.constant 0 : i32
        %dma_wait3A_197 = tpu.memref_slice %arg2[%dma_wait3A_195, %dma_wait3A_196] : memref<10000x128xf32, #tpu.memory_space<hbm>> -> memref<10000x128xf32, #tpu.memory_space<hbm>>
        tpu.wait_indirect_dma semaphore(%arg15 : memref<!tpu.dma_semaphore, #tpu.memory_space<semaphore_mem>>) src(%dma_wait3A_197 : memref<10000x128xf32, #tpu.memory_space<hbm>>) dst(%dma_wait3A_191 : memref<25x128xf32, #tpu.memory_space<vmem>>)
        %dma_start3A_198 = arith.constant 100 : i32
        %dma_start3A_199 = arith.constant 0 : i32
        %dma_start3A_200 = tpu.memref_slice %arg9[%dma_start3A_198, %dma_start3A_199] : memref<200x128xf32, #tpu.memory_space<vmem>> -> memref<25x128xf32, #tpu.memory_space<vmem>>
        %dma_start3A_201 = arith.constant 0 : i32
        %dma_start3A_202 = tpu.memref_slice %arg8[%add3A_188, %dma_start3A_201] : memref<80x25xi32, #tpu.memory_space<vmem>> -> memref<1x25xi32, #tpu.memory_space<vmem>>
        %dma_start3A_203 = tpu.memref_squeeze %dma_start3A_202 : memref<1x25xi32, #tpu.memory_space<vmem>> -> memref<25xi32, #tpu.memory_space<vmem>>
        %dma_start3A_204 = arith.constant 0 : i32
        %dma_start3A_205 = arith.constant 0 : i32
        %dma_start3A_206 = tpu.memref_slice %arg10[%dma_start3A_204, %dma_start3A_205] : memref<10240x128xf32, #tpu.memory_space<vmem_shared>> -> memref<10240x128xf32, #tpu.memory_space<vmem_shared>>
        tpu.enqueue_indirect_dma source(%dma_start3A_200 : memref<25x128xf32, #tpu.memory_space<vmem>>) target(%dma_start3A_206 : memref<10240x128xf32, #tpu.memory_space<vmem_shared>>) offsets(%dma_start3A_203 : memref<25xi32, #tpu.memory_space<vmem>>) semaphore(%arg23 : memref<!tpu.dma_semaphore, #tpu.memory_space<semaphore_mem>>) {add = true}
        %add3A_207 = arith.constant 5 : i32
        %add3A_208 = arith.addi %mul3A_107, %add3A_207 : i32
        %dma_wait3A_209 = arith.constant 125 : i32
        %dma_wait3A_210 = arith.constant 0 : i32
        %dma_wait3A_211 = tpu.memref_slice %arg9[%dma_wait3A_209, %dma_wait3A_210] : memref<200x128xf32, #tpu.memory_space<vmem>> -> memref<25x128xf32, #tpu.memory_space<vmem>>
        %dma_wait3A_212 = arith.constant 0 : i32
        %dma_wait3A_213 = tpu.memref_slice %arg7[%add3A_208, %dma_wait3A_212] : memref<80x25xi32, #tpu.memory_space<vmem>> -> memref<1x25xi32, #tpu.memory_space<vmem>>
        %dma_wait3A_214 = tpu.memref_squeeze %dma_wait3A_213 : memref<1x25xi32, #tpu.memory_space<vmem>> -> memref<25xi32, #tpu.memory_space<vmem>>
        %dma_wait3A_215 = arith.constant 0 : i32
        %dma_wait3A_216 = arith.constant 0 : i32
        %dma_wait3A_217 = tpu.memref_slice %arg2[%dma_wait3A_215, %dma_wait3A_216] : memref<10000x128xf32, #tpu.memory_space<hbm>> -> memref<10000x128xf32, #tpu.memory_space<hbm>>
        tpu.wait_indirect_dma semaphore(%arg16 : memref<!tpu.dma_semaphore, #tpu.memory_space<semaphore_mem>>) src(%dma_wait3A_217 : memref<10000x128xf32, #tpu.memory_space<hbm>>) dst(%dma_wait3A_211 : memref<25x128xf32, #tpu.memory_space<vmem>>)
        %dma_start3A_218 = arith.constant 125 : i32
        %dma_start3A_219 = arith.constant 0 : i32
        %dma_start3A_220 = tpu.memref_slice %arg9[%dma_start3A_218, %dma_start3A_219] : memref<200x128xf32, #tpu.memory_space<vmem>> -> memref<25x128xf32, #tpu.memory_space<vmem>>
        %dma_start3A_221 = arith.constant 0 : i32
        %dma_start3A_222 = tpu.memref_slice %arg8[%add3A_208, %dma_start3A_221] : memref<80x25xi32, #tpu.memory_space<vmem>> -> memref<1x25xi32, #tpu.memory_space<vmem>>
        %dma_start3A_223 = tpu.memref_squeeze %dma_start3A_222 : memref<1x25xi32, #tpu.memory_space<vmem>> -> memref<25xi32, #tpu.memory_space<vmem>>
        %dma_start3A_224 = arith.constant 0 : i32
        %dma_start3A_225 = arith.constant 0 : i32
        %dma_start3A_226 = tpu.memref_slice %arg10[%dma_start3A_224, %dma_start3A_225] : memref<10240x128xf32, #tpu.memory_space<vmem_shared>> -> memref<10240x128xf32, #tpu.memory_space<vmem_shared>>
        tpu.enqueue_indirect_dma source(%dma_start3A_220 : memref<25x128xf32, #tpu.memory_space<vmem>>) target(%dma_start3A_226 : memref<10240x128xf32, #tpu.memory_space<vmem_shared>>) offsets(%dma_start3A_223 : memref<25xi32, #tpu.memory_space<vmem>>) semaphore(%arg24 : memref<!tpu.dma_semaphore, #tpu.memory_space<semaphore_mem>>) {add = true}
        %add3A_227 = arith.constant 6 : i32
        %add3A_228 = arith.addi %mul3A_107, %add3A_227 : i32
        %dma_wait3A_229 = arith.constant 150 : i32
        %dma_wait3A_230 = arith.constant 0 : i32
        %dma_wait3A_231 = tpu.memref_slice %arg9[%dma_wait3A_229, %dma_wait3A_230] : memref<200x128xf32, #tpu.memory_space<vmem>> -> memref<25x128xf32, #tpu.memory_space<vmem>>
        %dma_wait3A_232 = arith.constant 0 : i32
        %dma_wait3A_233 = tpu.memref_slice %arg7[%add3A_228, %dma_wait3A_232] : memref<80x25xi32, #tpu.memory_space<vmem>> -> memref<1x25xi32, #tpu.memory_space<vmem>>
        %dma_wait3A_234 = tpu.memref_squeeze %dma_wait3A_233 : memref<1x25xi32, #tpu.memory_space<vmem>> -> memref<25xi32, #tpu.memory_space<vmem>>
        %dma_wait3A_235 = arith.constant 0 : i32
        %dma_wait3A_236 = arith.constant 0 : i32
        %dma_wait3A_237 = tpu.memref_slice %arg2[%dma_wait3A_235, %dma_wait3A_236] : memref<10000x128xf32, #tpu.memory_space<hbm>> -> memref<10000x128xf32, #tpu.memory_space<hbm>>
        tpu.wait_indirect_dma semaphore(%arg17 : memref<!tpu.dma_semaphore, #tpu.memory_space<semaphore_mem>>) src(%dma_wait3A_237 : memref<10000x128xf32, #tpu.memory_space<hbm>>) dst(%dma_wait3A_231 : memref<25x128xf32, #tpu.memory_space<vmem>>)
        %dma_start3A_238 = arith.constant 150 : i32
        %dma_start3A_239 = arith.constant 0 : i32
        %dma_start3A_240 = tpu.memref_slice %arg9[%dma_start3A_238, %dma_start3A_239] : memref<200x128xf32, #tpu.memory_space<vmem>> -> memref<25x128xf32, #tpu.memory_space<vmem>>
        %dma_start3A_241 = arith.constant 0 : i32
        %dma_start3A_242 = tpu.memref_slice %arg8[%add3A_228, %dma_start3A_241] : memref<80x25xi32, #tpu.memory_space<vmem>> -> memref<1x25xi32, #tpu.memory_space<vmem>>
        %dma_start3A_243 = tpu.memref_squeeze %dma_start3A_242 : memref<1x25xi32, #tpu.memory_space<vmem>> -> memref<25xi32, #tpu.memory_space<vmem>>
        %dma_start3A_244 = arith.constant 0 : i32
        %dma_start3A_245 = arith.constant 0 : i32
        %dma_start3A_246 = tpu.memref_slice %arg10[%dma_start3A_244, %dma_start3A_245] : memref<10240x128xf32, #tpu.memory_space<vmem_shared>> -> memref<10240x128xf32, #tpu.memory_space<vmem_shared>>
        tpu.enqueue_indirect_dma source(%dma_start3A_240 : memref<25x128xf32, #tpu.memory_space<vmem>>) target(%dma_start3A_246 : memref<10240x128xf32, #tpu.memory_space<vmem_shared>>) offsets(%dma_start3A_243 : memref<25xi32, #tpu.memory_space<vmem>>) semaphore(%arg25 : memref<!tpu.dma_semaphore, #tpu.memory_space<semaphore_mem>>) {add = true}
        %add3A_247 = arith.constant 7 : i32
        %add3A_248 = arith.addi %mul3A_107, %add3A_247 : i32
        %dma_wait3A_249 = arith.constant 175 : i32
        %dma_wait3A_250 = arith.constant 0 : i32
        %dma_wait3A_251 = tpu.memref_slice %arg9[%dma_wait3A_249, %dma_wait3A_250] : memref<200x128xf32, #tpu.memory_space<vmem>> -> memref<25x128xf32, #tpu.memory_space<vmem>>
        %dma_wait3A_252 = arith.constant 0 : i32
        %dma_wait3A_253 = tpu.memref_slice %arg7[%add3A_248, %dma_wait3A_252] : memref<80x25xi32, #tpu.memory_space<vmem>> -> memref<1x25xi32, #tpu.memory_space<vmem>>
        %dma_wait3A_254 = tpu.memref_squeeze %dma_wait3A_253 : memref<1x25xi32, #tpu.memory_space<vmem>> -> memref<25xi32, #tpu.memory_space<vmem>>
        %dma_wait3A_255 = arith.constant 0 : i32
        %dma_wait3A_256 = arith.constant 0 : i32
        %dma_wait3A_257 = tpu.memref_slice %arg2[%dma_wait3A_255, %dma_wait3A_256] : memref<10000x128xf32, #tpu.memory_space<hbm>> -> memref<10000x128xf32, #tpu.memory_space<hbm>>
        tpu.wait_indirect_dma semaphore(%arg18 : memref<!tpu.dma_semaphore, #tpu.memory_space<semaphore_mem>>) src(%dma_wait3A_257 : memref<10000x128xf32, #tpu.memory_space<hbm>>) dst(%dma_wait3A_251 : memref<25x128xf32, #tpu.memory_space<vmem>>)
        %dma_start3A_258 = arith.constant 175 : i32
        %dma_start3A_259 = arith.constant 0 : i32
        %dma_start3A_260 = tpu.memref_slice %arg9[%dma_start3A_258, %dma_start3A_259] : memref<200x128xf32, #tpu.memory_space<vmem>> -> memref<25x128xf32, #tpu.memory_space<vmem>>
        %dma_start3A_261 = arith.constant 0 : i32
        %dma_start3A_262 = tpu.memref_slice %arg8[%add3A_248, %dma_start3A_261] : memref<80x25xi32, #tpu.memory_space<vmem>> -> memref<1x25xi32, #tpu.memory_space<vmem>>
        %dma_start3A_263 = tpu.memref_squeeze %dma_start3A_262 : memref<1x25xi32, #tpu.memory_space<vmem>> -> memref<25xi32, #tpu.memory_space<vmem>>
        %dma_start3A_264 = arith.constant 0 : i32
        %dma_start3A_265 = arith.constant 0 : i32
        %dma_start3A_266 = tpu.memref_slice %arg10[%dma_start3A_264, %dma_start3A_265] : memref<10240x128xf32, #tpu.memory_space<vmem_shared>> -> memref<10240x128xf32, #tpu.memory_space<vmem_shared>>
        tpu.enqueue_indirect_dma source(%dma_start3A_260 : memref<25x128xf32, #tpu.memory_space<vmem>>) target(%dma_start3A_266 : memref<10240x128xf32, #tpu.memory_space<vmem_shared>>) offsets(%dma_start3A_263 : memref<25xi32, #tpu.memory_space<vmem>>) semaphore(%arg26 : memref<!tpu.dma_semaphore, #tpu.memory_space<semaphore_mem>>) {add = true}
        %add3A_267 = arith.constant 0 : i32
        %add3A_268 = arith.addi %mul3A_107, %add3A_267 : i32
        %dma_wait3A_269 = arith.constant 0 : i32
        %dma_wait3A_270 = arith.constant 0 : i32
        %dma_wait3A_271 = tpu.memref_slice %arg9[%dma_wait3A_269, %dma_wait3A_270] : memref<200x128xf32, #tpu.memory_space<vmem>> -> memref<25x128xf32, #tpu.memory_space<vmem>>
        %dma_wait3A_272 = arith.constant 0 : i32
        %dma_wait3A_273 = tpu.memref_slice %arg8[%add3A_268, %dma_wait3A_272] : memref<80x25xi32, #tpu.memory_space<vmem>> -> memref<1x25xi32, #tpu.memory_space<vmem>>
        %dma_wait3A_274 = tpu.memref_squeeze %dma_wait3A_273 : memref<1x25xi32, #tpu.memory_space<vmem>> -> memref<25xi32, #tpu.memory_space<vmem>>
        %dma_wait3A_275 = arith.constant 0 : i32
        %dma_wait3A_276 = arith.constant 0 : i32
        %dma_wait3A_277 = tpu.memref_slice %arg10[%dma_wait3A_275, %dma_wait3A_276] : memref<10240x128xf32, #tpu.memory_space<vmem_shared>> -> memref<10240x128xf32, #tpu.memory_space<vmem_shared>>
        tpu.wait_indirect_dma semaphore(%arg19 : memref<!tpu.dma_semaphore, #tpu.memory_space<semaphore_mem>>) src(%dma_wait3A_271 : memref<25x128xf32, #tpu.memory_space<vmem>>) dst(%dma_wait3A_277 : memref<10240x128xf32, #tpu.memory_space<vmem_shared>>)
        %add3A_278 = arith.constant 8 : i32
        %add3A_279 = arith.addi %add3A_268, %add3A_278 : i32
        %lt3A = arith.constant 80 : i32
        %lt3A_280 = arith.cmpi slt, %add3A_279, %lt3A : i32
        %convert_element_type3A = arith.extui %lt3A_280 : i1 to i32
        %cond3A = arith.constant 0 : i32
        %cond3A_281 = arith.cmpi ne, %convert_element_type3A, %cond3A : i32
        scf.if %cond3A_281 {
          %add3A_408 = arith.constant 8 : i32
          %add3A_409 = arith.addi %add3A_268, %add3A_408 : i32
          %dma_start3A_410 = arith.constant 0 : i32
          %dma_start3A_411 = arith.constant 0 : i32
          %dma_start3A_412 = tpu.memref_slice %arg9[%dma_start3A_410, %dma_start3A_411] : memref<200x128xf32, #tpu.memory_space<vmem>> -> memref<25x128xf32, #tpu.memory_space<vmem>>
          %dma_start3A_413 = arith.constant 0 : i32
          %dma_start3A_414 = tpu.memref_slice %arg7[%add3A_409, %dma_start3A_413] : memref<80x25xi32, #tpu.memory_space<vmem>> -> memref<1x25xi32, #tpu.memory_space<vmem>>
          %dma_start3A_415 = tpu.memref_squeeze %dma_start3A_414 : memref<1x25xi32, #tpu.memory_space<vmem>> -> memref<25xi32, #tpu.memory_space<vmem>>
          %dma_start3A_416 = arith.constant 0 : i32
          %dma_start3A_417 = arith.constant 0 : i32
          %dma_start3A_418 = tpu.memref_slice %arg2[%dma_start3A_416, %dma_start3A_417] : memref<10000x128xf32, #tpu.memory_space<hbm>> -> memref<10000x128xf32, #tpu.memory_space<hbm>>
          tpu.enqueue_indirect_dma source(%dma_start3A_418 : memref<10000x128xf32, #tpu.memory_space<hbm>>) target(%dma_start3A_412 : memref<25x128xf32, #tpu.memory_space<vmem>>) offsets(%dma_start3A_415 : memref<25xi32, #tpu.memory_space<vmem>>) semaphore(%arg11 : memref<!tpu.dma_semaphore, #tpu.memory_space<semaphore_mem>>)
        } else {
        }
        %add3A_282 = arith.constant 1 : i32
        %add3A_283 = arith.addi %mul3A_107, %add3A_282 : i32
        %dma_wait3A_284 = arith.constant 25 : i32
        %dma_wait3A_285 = arith.constant 0 : i32
        %dma_wait3A_286 = tpu.memref_slice %arg9[%dma_wait3A_284, %dma_wait3A_285] : memref<200x128xf32, #tpu.memory_space<vmem>> -> memref<25x128xf32, #tpu.memory_space<vmem>>
        %dma_wait3A_287 = arith.constant 0 : i32
        %dma_wait3A_288 = tpu.memref_slice %arg8[%add3A_283, %dma_wait3A_287] : memref<80x25xi32, #tpu.memory_space<vmem>> -> memref<1x25xi32, #tpu.memory_space<vmem>>
        %dma_wait3A_289 = tpu.memref_squeeze %dma_wait3A_288 : memref<1x25xi32, #tpu.memory_space<vmem>> -> memref<25xi32, #tpu.memory_space<vmem>>
        %dma_wait3A_290 = arith.constant 0 : i32
        %dma_wait3A_291 = arith.constant 0 : i32
        %dma_wait3A_292 = tpu.memref_slice %arg10[%dma_wait3A_290, %dma_wait3A_291] : memref<10240x128xf32, #tpu.memory_space<vmem_shared>> -> memref<10240x128xf32, #tpu.memory_space<vmem_shared>>
        tpu.wait_indirect_dma semaphore(%arg20 : memref<!tpu.dma_semaphore, #tpu.memory_space<semaphore_mem>>) src(%dma_wait3A_286 : memref<25x128xf32, #tpu.memory_space<vmem>>) dst(%dma_wait3A_292 : memref<10240x128xf32, #tpu.memory_space<vmem_shared>>)
        %add3A_293 = arith.constant 8 : i32
        %add3A_294 = arith.addi %add3A_283, %add3A_293 : i32
        %lt3A_295 = arith.constant 80 : i32
        %lt3A_296 = arith.cmpi slt, %add3A_294, %lt3A_295 : i32
        %convert_element_type3A_297 = arith.extui %lt3A_296 : i1 to i32
        %cond3A_298 = arith.constant 0 : i32
        %cond3A_299 = arith.cmpi ne, %convert_element_type3A_297, %cond3A_298 : i32
        scf.if %cond3A_299 {
          %add3A_408 = arith.constant 8 : i32
          %add3A_409 = arith.addi %add3A_283, %add3A_408 : i32
          %dma_start3A_410 = arith.constant 25 : i32
          %dma_start3A_411 = arith.constant 0 : i32
          %dma_start3A_412 = tpu.memref_slice %arg9[%dma_start3A_410, %dma_start3A_411] : memref<200x128xf32, #tpu.memory_space<vmem>> -> memref<25x128xf32, #tpu.memory_space<vmem>>
          %dma_start3A_413 = arith.constant 0 : i32
          %dma_start3A_414 = tpu.memref_slice %arg7[%add3A_409, %dma_start3A_413] : memref<80x25xi32, #tpu.memory_space<vmem>> -> memref<1x25xi32, #tpu.memory_space<vmem>>
          %dma_start3A_415 = tpu.memref_squeeze %dma_start3A_414 : memref<1x25xi32, #tpu.memory_space<vmem>> -> memref<25xi32, #tpu.memory_space<vmem>>
          %dma_start3A_416 = arith.constant 0 : i32
          %dma_start3A_417 = arith.constant 0 : i32
          %dma_start3A_418 = tpu.memref_slice %arg2[%dma_start3A_416, %dma_start3A_417] : memref<10000x128xf32, #tpu.memory_space<hbm>> -> memref<10000x128xf32, #tpu.memory_space<hbm>>
          tpu.enqueue_indirect_dma source(%dma_start3A_418 : memref<10000x128xf32, #tpu.memory_space<hbm>>) target(%dma_start3A_412 : memref<25x128xf32, #tpu.memory_space<vmem>>) offsets(%dma_start3A_415 : memref<25xi32, #tpu.memory_space<vmem>>) semaphore(%arg12 : memref<!tpu.dma_semaphore, #tpu.memory_space<semaphore_mem>>)
        } else {
        }
        %add3A_300 = arith.constant 2 : i32
        %add3A_301 = arith.addi %mul3A_107, %add3A_300 : i32
        %dma_wait3A_302 = arith.constant 50 : i32
        %dma_wait3A_303 = arith.constant 0 : i32
        %dma_wait3A_304 = tpu.memref_slice %arg9[%dma_wait3A_302, %dma_wait3A_303] : memref<200x128xf32, #tpu.memory_space<vmem>> -> memref<25x128xf32, #tpu.memory_space<vmem>>
        %dma_wait3A_305 = arith.constant 0 : i32
        %dma_wait3A_306 = tpu.memref_slice %arg8[%add3A_301, %dma_wait3A_305] : memref<80x25xi32, #tpu.memory_space<vmem>> -> memref<1x25xi32, #tpu.memory_space<vmem>>
        %dma_wait3A_307 = tpu.memref_squeeze %dma_wait3A_306 : memref<1x25xi32, #tpu.memory_space<vmem>> -> memref<25xi32, #tpu.memory_space<vmem>>
        %dma_wait3A_308 = arith.constant 0 : i32
        %dma_wait3A_309 = arith.constant 0 : i32
        %dma_wait3A_310 = tpu.memref_slice %arg10[%dma_wait3A_308, %dma_wait3A_309] : memref<10240x128xf32, #tpu.memory_space<vmem_shared>> -> memref<10240x128xf32, #tpu.memory_space<vmem_shared>>
        tpu.wait_indirect_dma semaphore(%arg21 : memref<!tpu.dma_semaphore, #tpu.memory_space<semaphore_mem>>) src(%dma_wait3A_304 : memref<25x128xf32, #tpu.memory_space<vmem>>) dst(%dma_wait3A_310 : memref<10240x128xf32, #tpu.memory_space<vmem_shared>>)
        %add3A_311 = arith.constant 8 : i32
        %add3A_312 = arith.addi %add3A_301, %add3A_311 : i32
        %lt3A_313 = arith.constant 80 : i32
        %lt3A_314 = arith.cmpi slt, %add3A_312, %lt3A_313 : i32
        %convert_element_type3A_315 = arith.extui %lt3A_314 : i1 to i32
        %cond3A_316 = arith.constant 0 : i32
        %cond3A_317 = arith.cmpi ne, %convert_element_type3A_315, %cond3A_316 : i32
        scf.if %cond3A_317 {
          %add3A_408 = arith.constant 8 : i32
          %add3A_409 = arith.addi %add3A_301, %add3A_408 : i32
          %dma_start3A_410 = arith.constant 50 : i32
          %dma_start3A_411 = arith.constant 0 : i32
          %dma_start3A_412 = tpu.memref_slice %arg9[%dma_start3A_410, %dma_start3A_411] : memref<200x128xf32, #tpu.memory_space<vmem>> -> memref<25x128xf32, #tpu.memory_space<vmem>>
          %dma_start3A_413 = arith.constant 0 : i32
          %dma_start3A_414 = tpu.memref_slice %arg7[%add3A_409, %dma_start3A_413] : memref<80x25xi32, #tpu.memory_space<vmem>> -> memref<1x25xi32, #tpu.memory_space<vmem>>
          %dma_start3A_415 = tpu.memref_squeeze %dma_start3A_414 : memref<1x25xi32, #tpu.memory_space<vmem>> -> memref<25xi32, #tpu.memory_space<vmem>>
          %dma_start3A_416 = arith.constant 0 : i32
          %dma_start3A_417 = arith.constant 0 : i32
          %dma_start3A_418 = tpu.memref_slice %arg2[%dma_start3A_416, %dma_start3A_417] : memref<10000x128xf32, #tpu.memory_space<hbm>> -> memref<10000x128xf32, #tpu.memory_space<hbm>>
          tpu.enqueue_indirect_dma source(%dma_start3A_418 : memref<10000x128xf32, #tpu.memory_space<hbm>>) target(%dma_start3A_412 : memref<25x128xf32, #tpu.memory_space<vmem>>) offsets(%dma_start3A_415 : memref<25xi32, #tpu.memory_space<vmem>>) semaphore(%arg13 : memref<!tpu.dma_semaphore, #tpu.memory_space<semaphore_mem>>)
        } else {
        }
        %add3A_318 = arith.constant 3 : i32
        %add3A_319 = arith.addi %mul3A_107, %add3A_318 : i32
        %dma_wait3A_320 = arith.constant 75 : i32
        %dma_wait3A_321 = arith.constant 0 : i32
        %dma_wait3A_322 = tpu.memref_slice %arg9[%dma_wait3A_320, %dma_wait3A_321] : memref<200x128xf32, #tpu.memory_space<vmem>> -> memref<25x128xf32, #tpu.memory_space<vmem>>
        %dma_wait3A_323 = arith.constant 0 : i32
        %dma_wait3A_324 = tpu.memref_slice %arg8[%add3A_319, %dma_wait3A_323] : memref<80x25xi32, #tpu.memory_space<vmem>> -> memref<1x25xi32, #tpu.memory_space<vmem>>
        %dma_wait3A_325 = tpu.memref_squeeze %dma_wait3A_324 : memref<1x25xi32, #tpu.memory_space<vmem>> -> memref<25xi32, #tpu.memory_space<vmem>>
        %dma_wait3A_326 = arith.constant 0 : i32
        %dma_wait3A_327 = arith.constant 0 : i32
        %dma_wait3A_328 = tpu.memref_slice %arg10[%dma_wait3A_326, %dma_wait3A_327] : memref<10240x128xf32, #tpu.memory_space<vmem_shared>> -> memref<10240x128xf32, #tpu.memory_space<vmem_shared>>
        tpu.wait_indirect_dma semaphore(%arg22 : memref<!tpu.dma_semaphore, #tpu.memory_space<semaphore_mem>>) src(%dma_wait3A_322 : memref<25x128xf32, #tpu.memory_space<vmem>>) dst(%dma_wait3A_328 : memref<10240x128xf32, #tpu.memory_space<vmem_shared>>)
        %add3A_329 = arith.constant 8 : i32
        %add3A_330 = arith.addi %add3A_319, %add3A_329 : i32
        %lt3A_331 = arith.constant 80 : i32
        %lt3A_332 = arith.cmpi slt, %add3A_330, %lt3A_331 : i32
        %convert_element_type3A_333 = arith.extui %lt3A_332 : i1 to i32
        %cond3A_334 = arith.constant 0 : i32
        %cond3A_335 = arith.cmpi ne, %convert_element_type3A_333, %cond3A_334 : i32
        scf.if %cond3A_335 {
          %add3A_408 = arith.constant 8 : i32
          %add3A_409 = arith.addi %add3A_319, %add3A_408 : i32
          %dma_start3A_410 = arith.constant 75 : i32
          %dma_start3A_411 = arith.constant 0 : i32
          %dma_start3A_412 = tpu.memref_slice %arg9[%dma_start3A_410, %dma_start3A_411] : memref<200x128xf32, #tpu.memory_space<vmem>> -> memref<25x128xf32, #tpu.memory_space<vmem>>
          %dma_start3A_413 = arith.constant 0 : i32
          %dma_start3A_414 = tpu.memref_slice %arg7[%add3A_409, %dma_start3A_413] : memref<80x25xi32, #tpu.memory_space<vmem>> -> memref<1x25xi32, #tpu.memory_space<vmem>>
          %dma_start3A_415 = tpu.memref_squeeze %dma_start3A_414 : memref<1x25xi32, #tpu.memory_space<vmem>> -> memref<25xi32, #tpu.memory_space<vmem>>
          %dma_start3A_416 = arith.constant 0 : i32
          %dma_start3A_417 = arith.constant 0 : i32
          %dma_start3A_418 = tpu.memref_slice %arg2[%dma_start3A_416, %dma_start3A_417] : memref<10000x128xf32, #tpu.memory_space<hbm>> -> memref<10000x128xf32, #tpu.memory_space<hbm>>
          tpu.enqueue_indirect_dma source(%dma_start3A_418 : memref<10000x128xf32, #tpu.memory_space<hbm>>) target(%dma_start3A_412 : memref<25x128xf32, #tpu.memory_space<vmem>>) offsets(%dma_start3A_415 : memref<25xi32, #tpu.memory_space<vmem>>) semaphore(%arg14 : memref<!tpu.dma_semaphore, #tpu.memory_space<semaphore_mem>>)
        } else {
        }
        %add3A_336 = arith.constant 4 : i32
        %add3A_337 = arith.addi %mul3A_107, %add3A_336 : i32
        %dma_wait3A_338 = arith.constant 100 : i32
        %dma_wait3A_339 = arith.constant 0 : i32
        %dma_wait3A_340 = tpu.memref_slice %arg9[%dma_wait3A_338, %dma_wait3A_339] : memref<200x128xf32, #tpu.memory_space<vmem>> -> memref<25x128xf32, #tpu.memory_space<vmem>>
        %dma_wait3A_341 = arith.constant 0 : i32
        %dma_wait3A_342 = tpu.memref_slice %arg8[%add3A_337, %dma_wait3A_341] : memref<80x25xi32, #tpu.memory_space<vmem>> -> memref<1x25xi32, #tpu.memory_space<vmem>>
        %dma_wait3A_343 = tpu.memref_squeeze %dma_wait3A_342 : memref<1x25xi32, #tpu.memory_space<vmem>> -> memref<25xi32, #tpu.memory_space<vmem>>
        %dma_wait3A_344 = arith.constant 0 : i32
        %dma_wait3A_345 = arith.constant 0 : i32
        %dma_wait3A_346 = tpu.memref_slice %arg10[%dma_wait3A_344, %dma_wait3A_345] : memref<10240x128xf32, #tpu.memory_space<vmem_shared>> -> memref<10240x128xf32, #tpu.memory_space<vmem_shared>>
        tpu.wait_indirect_dma semaphore(%arg23 : memref<!tpu.dma_semaphore, #tpu.memory_space<semaphore_mem>>) src(%dma_wait3A_340 : memref<25x128xf32, #tpu.memory_space<vmem>>) dst(%dma_wait3A_346 : memref<10240x128xf32, #tpu.memory_space<vmem_shared>>)
        %add3A_347 = arith.constant 8 : i32
        %add3A_348 = arith.addi %add3A_337, %add3A_347 : i32
        %lt3A_349 = arith.constant 80 : i32
        %lt3A_350 = arith.cmpi slt, %add3A_348, %lt3A_349 : i32
        %convert_element_type3A_351 = arith.extui %lt3A_350 : i1 to i32
        %cond3A_352 = arith.constant 0 : i32
        %cond3A_353 = arith.cmpi ne, %convert_element_type3A_351, %cond3A_352 : i32
        scf.if %cond3A_353 {
          %add3A_408 = arith.constant 8 : i32
          %add3A_409 = arith.addi %add3A_337, %add3A_408 : i32
          %dma_start3A_410 = arith.constant 100 : i32
          %dma_start3A_411 = arith.constant 0 : i32
          %dma_start3A_412 = tpu.memref_slice %arg9[%dma_start3A_410, %dma_start3A_411] : memref<200x128xf32, #tpu.memory_space<vmem>> -> memref<25x128xf32, #tpu.memory_space<vmem>>
          %dma_start3A_413 = arith.constant 0 : i32
          %dma_start3A_414 = tpu.memref_slice %arg7[%add3A_409, %dma_start3A_413] : memref<80x25xi32, #tpu.memory_space<vmem>> -> memref<1x25xi32, #tpu.memory_space<vmem>>
          %dma_start3A_415 = tpu.memref_squeeze %dma_start3A_414 : memref<1x25xi32, #tpu.memory_space<vmem>> -> memref<25xi32, #tpu.memory_space<vmem>>
          %dma_start3A_416 = arith.constant 0 : i32
          %dma_start3A_417 = arith.constant 0 : i32
          %dma_start3A_418 = tpu.memref_slice %arg2[%dma_start3A_416, %dma_start3A_417] : memref<10000x128xf32, #tpu.memory_space<hbm>> -> memref<10000x128xf32, #tpu.memory_space<hbm>>
          tpu.enqueue_indirect_dma source(%dma_start3A_418 : memref<10000x128xf32, #tpu.memory_space<hbm>>) target(%dma_start3A_412 : memref<25x128xf32, #tpu.memory_space<vmem>>) offsets(%dma_start3A_415 : memref<25xi32, #tpu.memory_space<vmem>>) semaphore(%arg15 : memref<!tpu.dma_semaphore, #tpu.memory_space<semaphore_mem>>)
        } else {
        }
        %add3A_354 = arith.constant 5 : i32
        %add3A_355 = arith.addi %mul3A_107, %add3A_354 : i32
        %dma_wait3A_356 = arith.constant 125 : i32
        %dma_wait3A_357 = arith.constant 0 : i32
        %dma_wait3A_358 = tpu.memref_slice %arg9[%dma_wait3A_356, %dma_wait3A_357] : memref<200x128xf32, #tpu.memory_space<vmem>> -> memref<25x128xf32, #tpu.memory_space<vmem>>
        %dma_wait3A_359 = arith.constant 0 : i32
        %dma_wait3A_360 = tpu.memref_slice %arg8[%add3A_355, %dma_wait3A_359] : memref<80x25xi32, #tpu.memory_space<vmem>> -> memref<1x25xi32, #tpu.memory_space<vmem>>
        %dma_wait3A_361 = tpu.memref_squeeze %dma_wait3A_360 : memref<1x25xi32, #tpu.memory_space<vmem>> -> memref<25xi32, #tpu.memory_space<vmem>>
        %dma_wait3A_362 = arith.constant 0 : i32
        %dma_wait3A_363 = arith.constant 0 : i32
        %dma_wait3A_364 = tpu.memref_slice %arg10[%dma_wait3A_362, %dma_wait3A_363] : memref<10240x128xf32, #tpu.memory_space<vmem_shared>> -> memref<10240x128xf32, #tpu.memory_space<vmem_shared>>
        tpu.wait_indirect_dma semaphore(%arg24 : memref<!tpu.dma_semaphore, #tpu.memory_space<semaphore_mem>>) src(%dma_wait3A_358 : memref<25x128xf32, #tpu.memory_space<vmem>>) dst(%dma_wait3A_364 : memref<10240x128xf32, #tpu.memory_space<vmem_shared>>)
        %add3A_365 = arith.constant 8 : i32
        %add3A_366 = arith.addi %add3A_355, %add3A_365 : i32
        %lt3A_367 = arith.constant 80 : i32
        %lt3A_368 = arith.cmpi slt, %add3A_366, %lt3A_367 : i32
        %convert_element_type3A_369 = arith.extui %lt3A_368 : i1 to i32
        %cond3A_370 = arith.constant 0 : i32
        %cond3A_371 = arith.cmpi ne, %convert_element_type3A_369, %cond3A_370 : i32
        scf.if %cond3A_371 {
          %add3A_408 = arith.constant 8 : i32
          %add3A_409 = arith.addi %add3A_355, %add3A_408 : i32
          %dma_start3A_410 = arith.constant 125 : i32
          %dma_start3A_411 = arith.constant 0 : i32
          %dma_start3A_412 = tpu.memref_slice %arg9[%dma_start3A_410, %dma_start3A_411] : memref<200x128xf32, #tpu.memory_space<vmem>> -> memref<25x128xf32, #tpu.memory_space<vmem>>
          %dma_start3A_413 = arith.constant 0 : i32
          %dma_start3A_414 = tpu.memref_slice %arg7[%add3A_409, %dma_start3A_413] : memref<80x25xi32, #tpu.memory_space<vmem>> -> memref<1x25xi32, #tpu.memory_space<vmem>>
          %dma_start3A_415 = tpu.memref_squeeze %dma_start3A_414 : memref<1x25xi32, #tpu.memory_space<vmem>> -> memref<25xi32, #tpu.memory_space<vmem>>
          %dma_start3A_416 = arith.constant 0 : i32
          %dma_start3A_417 = arith.constant 0 : i32
          %dma_start3A_418 = tpu.memref_slice %arg2[%dma_start3A_416, %dma_start3A_417] : memref<10000x128xf32, #tpu.memory_space<hbm>> -> memref<10000x128xf32, #tpu.memory_space<hbm>>
          tpu.enqueue_indirect_dma source(%dma_start3A_418 : memref<10000x128xf32, #tpu.memory_space<hbm>>) target(%dma_start3A_412 : memref<25x128xf32, #tpu.memory_space<vmem>>) offsets(%dma_start3A_415 : memref<25xi32, #tpu.memory_space<vmem>>) semaphore(%arg16 : memref<!tpu.dma_semaphore, #tpu.memory_space<semaphore_mem>>)
        } else {
        }
        %add3A_372 = arith.constant 6 : i32
        %add3A_373 = arith.addi %mul3A_107, %add3A_372 : i32
        %dma_wait3A_374 = arith.constant 150 : i32
        %dma_wait3A_375 = arith.constant 0 : i32
        %dma_wait3A_376 = tpu.memref_slice %arg9[%dma_wait3A_374, %dma_wait3A_375] : memref<200x128xf32, #tpu.memory_space<vmem>> -> memref<25x128xf32, #tpu.memory_space<vmem>>
        %dma_wait3A_377 = arith.constant 0 : i32
        %dma_wait3A_378 = tpu.memref_slice %arg8[%add3A_373, %dma_wait3A_377] : memref<80x25xi32, #tpu.memory_space<vmem>> -> memref<1x25xi32, #tpu.memory_space<vmem>>
        %dma_wait3A_379 = tpu.memref_squeeze %dma_wait3A_378 : memref<1x25xi32, #tpu.memory_space<vmem>> -> memref<25xi32, #tpu.memory_space<vmem>>
        %dma_wait3A_380 = arith.constant 0 : i32
        %dma_wait3A_381 = arith.constant 0 : i32
        %dma_wait3A_382 = tpu.memref_slice %arg10[%dma_wait3A_380, %dma_wait3A_381] : memref<10240x128xf32, #tpu.memory_space<vmem_shared>> -> memref<10240x128xf32, #tpu.memory_space<vmem_shared>>
        tpu.wait_indirect_dma semaphore(%arg25 : memref<!tpu.dma_semaphore, #tpu.memory_space<semaphore_mem>>) src(%dma_wait3A_376 : memref<25x128xf32, #tpu.memory_space<vmem>>) dst(%dma_wait3A_382 : memref<10240x128xf32, #tpu.memory_space<vmem_shared>>)
        %add3A_383 = arith.constant 8 : i32
        %add3A_384 = arith.addi %add3A_373, %add3A_383 : i32
        %lt3A_385 = arith.constant 80 : i32
        %lt3A_386 = arith.cmpi slt, %add3A_384, %lt3A_385 : i32
        %convert_element_type3A_387 = arith.extui %lt3A_386 : i1 to i32
        %cond3A_388 = arith.constant 0 : i32
        %cond3A_389 = arith.cmpi ne, %convert_element_type3A_387, %cond3A_388 : i32
        scf.if %cond3A_389 {
          %add3A_408 = arith.constant 8 : i32
          %add3A_409 = arith.addi %add3A_373, %add3A_408 : i32
          %dma_start3A_410 = arith.constant 150 : i32
          %dma_start3A_411 = arith.constant 0 : i32
          %dma_start3A_412 = tpu.memref_slice %arg9[%dma_start3A_410, %dma_start3A_411] : memref<200x128xf32, #tpu.memory_space<vmem>> -> memref<25x128xf32, #tpu.memory_space<vmem>>
          %dma_start3A_413 = arith.constant 0 : i32
          %dma_start3A_414 = tpu.memref_slice %arg7[%add3A_409, %dma_start3A_413] : memref<80x25xi32, #tpu.memory_space<vmem>> -> memref<1x25xi32, #tpu.memory_space<vmem>>
          %dma_start3A_415 = tpu.memref_squeeze %dma_start3A_414 : memref<1x25xi32, #tpu.memory_space<vmem>> -> memref<25xi32, #tpu.memory_space<vmem>>
          %dma_start3A_416 = arith.constant 0 : i32
          %dma_start3A_417 = arith.constant 0 : i32
          %dma_start3A_418 = tpu.memref_slice %arg2[%dma_start3A_416, %dma_start3A_417] : memref<10000x128xf32, #tpu.memory_space<hbm>> -> memref<10000x128xf32, #tpu.memory_space<hbm>>
          tpu.enqueue_indirect_dma source(%dma_start3A_418 : memref<10000x128xf32, #tpu.memory_space<hbm>>) target(%dma_start3A_412 : memref<25x128xf32, #tpu.memory_space<vmem>>) offsets(%dma_start3A_415 : memref<25xi32, #tpu.memory_space<vmem>>) semaphore(%arg17 : memref<!tpu.dma_semaphore, #tpu.memory_space<semaphore_mem>>)
        } else {
        }
        %add3A_390 = arith.constant 7 : i32
        %add3A_391 = arith.addi %mul3A_107, %add3A_390 : i32
        %dma_wait3A_392 = arith.constant 175 : i32
        %dma_wait3A_393 = arith.constant 0 : i32
        %dma_wait3A_394 = tpu.memref_slice %arg9[%dma_wait3A_392, %dma_wait3A_393] : memref<200x128xf32, #tpu.memory_space<vmem>> -> memref<25x128xf32, #tpu.memory_space<vmem>>
        %dma_wait3A_395 = arith.constant 0 : i32
        %dma_wait3A_396 = tpu.memref_slice %arg8[%add3A_391, %dma_wait3A_395] : memref<80x25xi32, #tpu.memory_space<vmem>> -> memref<1x25xi32, #tpu.memory_space<vmem>>
        %dma_wait3A_397 = tpu.memref_squeeze %dma_wait3A_396 : memref<1x25xi32, #tpu.memory_space<vmem>> -> memref<25xi32, #tpu.memory_space<vmem>>
        %dma_wait3A_398 = arith.constant 0 : i32
        %dma_wait3A_399 = arith.constant 0 : i32
        %dma_wait3A_400 = tpu.memref_slice %arg10[%dma_wait3A_398, %dma_wait3A_399] : memref<10240x128xf32, #tpu.memory_space<vmem_shared>> -> memref<10240x128xf32, #tpu.memory_space<vmem_shared>>
        tpu.wait_indirect_dma semaphore(%arg26 : memref<!tpu.dma_semaphore, #tpu.memory_space<semaphore_mem>>) src(%dma_wait3A_394 : memref<25x128xf32, #tpu.memory_space<vmem>>) dst(%dma_wait3A_400 : memref<10240x128xf32, #tpu.memory_space<vmem_shared>>)
        %add3A_401 = arith.constant 8 : i32
        %add3A_402 = arith.addi %add3A_391, %add3A_401 : i32
        %lt3A_403 = arith.constant 80 : i32
        %lt3A_404 = arith.cmpi slt, %add3A_402, %lt3A_403 : i32
        %convert_element_type3A_405 = arith.extui %lt3A_404 : i1 to i32
        %cond3A_406 = arith.constant 0 : i32
        %cond3A_407 = arith.cmpi ne, %convert_element_type3A_405, %cond3A_406 : i32
        scf.if %cond3A_407 {
          %add3A_408 = arith.constant 8 : i32
          %add3A_409 = arith.addi %add3A_391, %add3A_408 : i32
          %dma_start3A_410 = arith.constant 175 : i32
          %dma_start3A_411 = arith.constant 0 : i32
          %dma_start3A_412 = tpu.memref_slice %arg9[%dma_start3A_410, %dma_start3A_411] : memref<200x128xf32, #tpu.memory_space<vmem>> -> memref<25x128xf32, #tpu.memory_space<vmem>>
          %dma_start3A_413 = arith.constant 0 : i32
          %dma_start3A_414 = tpu.memref_slice %arg7[%add3A_409, %dma_start3A_413] : memref<80x25xi32, #tpu.memory_space<vmem>> -> memref<1x25xi32, #tpu.memory_space<vmem>>
          %dma_start3A_415 = tpu.memref_squeeze %dma_start3A_414 : memref<1x25xi32, #tpu.memory_space<vmem>> -> memref<25xi32, #tpu.memory_space<vmem>>
          %dma_start3A_416 = arith.constant 0 : i32
          %dma_start3A_417 = arith.constant 0 : i32
          %dma_start3A_418 = tpu.memref_slice %arg2[%dma_start3A_416, %dma_start3A_417] : memref<10000x128xf32, #tpu.memory_space<hbm>> -> memref<10000x128xf32, #tpu.memory_space<hbm>>
          tpu.enqueue_indirect_dma source(%dma_start3A_418 : memref<10000x128xf32, #tpu.memory_space<hbm>>) target(%dma_start3A_412 : memref<25x128xf32, #tpu.memory_space<vmem>>) offsets(%dma_start3A_415 : memref<25xi32, #tpu.memory_space<vmem>>) semaphore(%arg18 : memref<!tpu.dma_semaphore, #tpu.memory_space<semaphore_mem>>)
        } else {
        }
      }
      %scan3A_104 = arith.constant 10 : i32
    }
    %scan3A_7 = arith.constant 5 : i32
    %barrier3A_8 = arith.constant 0 : index
    tpu.barrier barrier_id(%barrier3A_8)
    %mul3A_9 = arith.constant 640 : i32
    %mul3A_10 = arith.muli %arg1, %mul3A_9 : i32
    %mul3A_11 = arith.constant 640 : i32
    %mul3A_12 = arith.muli %arg1, %mul3A_11 : i32
    "tpu.region"() ({
      %run_scoped3A = tpu.sem_alloc : memref<!tpu.dma_semaphore, #tpu.memory_space<semaphore_mem>>
      %dma_start3A = arith.constant 0 : i32
      %dma_start3A_13 = tpu.memref_slice %arg6[%arg0, %mul3A_12, %dma_start3A] : memref<2x10240x128xf32, #tpu.memory_space<hbm>> -> memref<1x640x128xf32, #tpu.memory_space<hbm>>
      %dma_start3A_14 = tpu.memref_squeeze %dma_start3A_13 : memref<1x640x128xf32, #tpu.memory_space<hbm>> -> memref<640x128xf32, #tpu.memory_space<hbm>>
      %dma_start3A_15 = arith.constant 0 : i32
      %dma_start3A_16 = tpu.memref_slice %arg10[%mul3A_10, %dma_start3A_15] : memref<10240x128xf32, #tpu.memory_space<vmem_shared>> -> memref<640x128xf32, #tpu.memory_space<vmem_shared>>
      tpu.enqueue_dma source(%dma_start3A_16 : memref<640x128xf32, #tpu.memory_space<vmem_shared>>) target(%dma_start3A_14 : memref<640x128xf32, #tpu.memory_space<hbm>>) target_semaphore(%run_scoped3A : memref<!tpu.dma_semaphore, #tpu.memory_space<semaphore_mem>>)
      %dma_wait3A = arith.constant 0 : i32
      %dma_wait3A_17 = tpu.memref_slice %arg6[%arg0, %mul3A_12, %dma_wait3A] : memref<2x10240x128xf32, #tpu.memory_space<hbm>> -> memref<1x640x128xf32, #tpu.memory_space<hbm>>
      %dma_wait3A_18 = tpu.memref_squeeze %dma_wait3A_17 : memref<1x640x128xf32, #tpu.memory_space<hbm>> -> memref<640x128xf32, #tpu.memory_space<hbm>>
      %dma_wait3A_19 = arith.constant 0 : i32
      %dma_wait3A_20 = tpu.memref_slice %arg10[%mul3A_10, %dma_wait3A_19] : memref<10240x128xf32, #tpu.memory_space<vmem_shared>> -> memref<640x128xf32, #tpu.memory_space<vmem_shared>>
      tpu.wait_dma2 semaphore(%run_scoped3A : memref<!tpu.dma_semaphore, #tpu.memory_space<semaphore_mem>>) src(%dma_wait3A_20 : memref<640x128xf32, #tpu.memory_space<vmem_shared>>) dst(%dma_wait3A_18 : memref<640x128xf32, #tpu.memory_space<hbm>>)
      tpu.yield
    }) : () -> ()
    return
  }
}

module attributes {stable_mosaic.version = 14 : i64} {
  func.func @_tc_in_proj_body(%arg0: i32, %arg1: memref<2000x128xf32, #tpu.memory_space<vmem>>, %arg2: memref<128x128xf32, #tpu.memory_space<vmem>>, %arg3: memref<1x128xf32, #tpu.memory_space<vmem>>, %arg4: memref<2000x128xf32, #tpu.memory_space<vmem>>) attributes {dimension_semantics = [#tpu.dimension_semantics<arbitrary>], iteration_bounds = array<i64: 5>, scalar_prefetch = 0 : i64, scratch_operands = 0 : i64, tpu.core_type = #tpu.core_type<tc>, window_params = [{transform_indices = @transform_0, window_bounds = array<i64: 2000, 128>}, {pipeline_mode = #tpu.pipeline_mode<synchronous>, transform_indices = @transform_1, window_bounds = array<i64: 128, 128>}, {pipeline_mode = #tpu.pipeline_mode<synchronous>, transform_indices = @transform_2, window_bounds = array<i64: 1, 128>}, {transform_indices = @transform_3, window_bounds = array<i64: 2000, 128>}]} {
    %get3A = arith.constant 0 : index
    %get3A_0 = arith.constant 0 : index
    %get3A_1 = vector.load %arg1[%get3A, %get3A_0] : memref<2000x128xf32, #tpu.memory_space<vmem>>, vector<2000x128xf32>
    %get3A_2 = arith.constant 0 : index
    %get3A_3 = arith.constant 0 : index
    %get3A_4 = vector.load %arg2[%get3A_2, %get3A_3] : memref<128x128xf32, #tpu.memory_space<vmem>>, vector<128x128xf32>
    %dot_general3A = arith.constant dense<0.000000e+00> : vector<2000x128xf32>
    %dot_general3A_5 = tpu.matmul %get3A_1, %get3A_4, %dot_general3A {dimension_numbers = #tpu.dot_dimension_numbers<[1], [0], [0], [1], [0, 0, 1, 1], [], []>, transpose_lhs_hint = false} : vector<2000x128xf32>, vector<128x128xf32>, vector<2000x128xf32> -> vector<2000x128xf32>
    %get3A_6 = arith.constant 0 : index
    %get3A_7 = arith.constant 0 : index
    %get3A_8 = vector.load %arg3[%get3A_6, %get3A_7] : memref<1x128xf32, #tpu.memory_space<vmem>>, vector<1x128xf32>
    %add3A = vector.broadcast %get3A_8 : vector<1x128xf32> to vector<2000x128xf32>
    %add3A_9 = arith.addf %dot_general3A_5, %add3A : vector<2000x128xf32>
    %swap3A = arith.constant 0 : index
    %swap3A_10 = arith.constant 0 : index
    %swap3A_11 = vector.load %arg4[%swap3A, %swap3A_10] : memref<2000x128xf32, #tpu.memory_space<vmem>>, vector<2000x128xf32>
    tpu.vector_store %arg4[%swap3A, %swap3A_10], %add3A_9 {strides = array<i32>} : memref<2000x128xf32, #tpu.memory_space<vmem>>, vector<2000x128xf32>,
    return
  }
  func.func @transform_0(%arg0: i32) -> (i32, i32) {
    %c0_i32 = arith.constant 0 : i32
    %c0_i32_0 = arith.constant 0 : i32
    return %arg0, %c0_i32 : i32, i32
  }
  func.func @transform_1(%arg0: i32) -> (i32, i32) {
    %c0_i32 = arith.constant 0 : i32
    %c0_i32_0 = arith.constant 0 : i32
    %c0_i32_1 = arith.constant 0 : i32
    return %c0_i32, %c0_i32_0 : i32, i32
  }
  func.func @transform_2(%arg0: i32) -> (i32, i32) {
    %c0_i32 = arith.constant 0 : i32
    %c0_i32_0 = arith.constant 0 : i32
    %c0_i32_1 = arith.constant 0 : i32
    return %c0_i32, %c0_i32_0 : i32, i32
  }
  func.func @transform_3(%arg0: i32) -> (i32, i32) {
    %c0_i32 = arith.constant 0 : i32
    %c0_i32_0 = arith.constant 0 : i32
    return %arg0, %c0_i32 : i32, i32
  }
}

module attributes {stable_mosaic.version = 14 : i64} {
  func.func @_tc_layer_body(%arg0: i32, %arg1: memref<2000x128xf32, #tpu.memory_space<vmem>>, %arg2: memref<1x2000x128xf32, #tpu.memory_space<vmem>>, %arg3: memref<1x2000x128xf32, #tpu.memory_space<vmem>>, %arg4: memref<2000x2xf32, #tpu.memory_space<vmem>>, %arg5: memref<128x128xf32, #tpu.memory_space<vmem>>, %arg6: memref<1x128xf32, #tpu.memory_space<vmem>>, %arg7: memref<128x128xf32, #tpu.memory_space<vmem>>, %arg8: memref<1x128xf32, #tpu.memory_space<vmem>>, %arg9: memref<128x128xf32, #tpu.memory_space<vmem>>, %arg10: memref<128x128xf32, #tpu.memory_space<vmem>>, %arg11: memref<1x128xf32, #tpu.memory_space<vmem>>, %arg12: memref<1x128xf32, #tpu.memory_space<vmem>>, %arg13: memref<1x128xf32, #tpu.memory_space<vmem>>, %arg14: memref<2000x128xf32, #tpu.memory_space<vmem>>) attributes {dimension_semantics = [#tpu.dimension_semantics<arbitrary>], iteration_bounds = array<i64: 5>, scalar_prefetch = 0 : i64, scratch_operands = 0 : i64, tpu.core_type = #tpu.core_type<tc>, window_params = [{transform_indices = @transform_0, window_bounds = array<i64: 2000, 128>}, {transform_indices = @transform_1, window_bounds = array<i64: 1, 2000, 128>}, {transform_indices = @transform_2, window_bounds = array<i64: 1, 2000, 128>}, {transform_indices = @transform_3, window_bounds = array<i64: 2000, 2>}, {pipeline_mode = #tpu.pipeline_mode<synchronous>, transform_indices = @transform_4, window_bounds = array<i64: 128, 128>}, {pipeline_mode = #tpu.pipeline_mode<synchronous>, transform_indices = @transform_5, window_bounds = array<i64: 1, 128>}, {pipeline_mode = #tpu.pipeline_mode<synchronous>, transform_indices = @transform_6, window_bounds = array<i64: 128, 128>}, {pipeline_mode = #tpu.pipeline_mode<synchronous>, transform_indices = @transform_7, window_bounds = array<i64: 1, 128>}, {pipeline_mode = #tpu.pipeline_mode<synchronous>, transform_indices = @transform_8, window_bounds = array<i64: 128, 128>}, {pipeline_mode = #tpu.pipeline_mode<synchronous>, transform_indices = @transform_9, window_bounds = array<i64: 128, 128>}, {pipeline_mode = #tpu.pipeline_mode<synchronous>, transform_indices = @transform_10, window_bounds = array<i64: 1, 128>}, {pipeline_mode = #tpu.pipeline_mode<synchronous>, transform_indices = @transform_11, window_bounds = array<i64: 1, 128>}, {pipeline_mode = #tpu.pipeline_mode<synchronous>, transform_indices = @transform_12, window_bounds = array<i64: 1, 128>}, {transform_indices = @transform_13, window_bounds = array<i64: 2000, 128>}]} {
    %get3A = arith.constant 0 : index
    %get3A_0 = arith.constant 0 : index
    %get3A_1 = vector.load %arg1[%get3A, %get3A_0] : memref<2000x128xf32, #tpu.memory_space<vmem>>, vector<2000x128xf32>
    %get3A_2 = arith.constant 0 : index
    %get3A_3 = arith.constant 0 : index
    %get3A_4 = vector.load %arg4[%get3A_2, %get3A_3] : memref<2000x2xf32, #tpu.memory_space<vmem>>, vector<2000x1xf32>
    %get3A_5 = arith.constant 0 : index
    %get3A_6 = arith.constant 1 : index
    %get3A_7 = vector.load %arg4[%get3A_5, %get3A_6] : memref<2000x2xf32, #tpu.memory_space<vmem>>, vector<2000x1xf32>
    %add3A = arith.addf %get3A_4, %get3A_7 : vector<2000x1xf32>
    %gt3A = arith.constant 0.000000e+00 : f32
    %gt3A_8 = vector.broadcast %gt3A : f32 to vector<2000x1xf32>
    %gt3A_9 = arith.cmpf ogt, %add3A, %gt3A_8 : vector<2000x1xf32>
    %max3A = arith.constant 1.000000e+00 : f32
    %max3A_10 = vector.broadcast %max3A : f32 to vector<2000x1xf32>
    %max3A_11 = arith.maximumf %add3A, %max3A_10 : vector<2000x1xf32>
    %get3A_12 = arith.constant 0 : index
    %get3A_13 = arith.constant 0 : index
    %get3A_14 = arith.constant 0 : index
    %get3A_15 = vector.load %arg2[%get3A_12, %get3A_13, %get3A_14] : memref<1x2000x128xf32, #tpu.memory_space<vmem>>, vector<1x2000x128xf32>
    %get3A_16 = vector.shape_cast %get3A_15 : vector<1x2000x128xf32> to vector<2000x128xf32>
    %get3A_17 = arith.constant 0 : index
    %get3A_18 = arith.constant 0 : index
    %get3A_19 = arith.constant 0 : index
    %get3A_20 = vector.load %arg3[%get3A_17, %get3A_18, %get3A_19] : memref<1x2000x128xf32, #tpu.memory_space<vmem>>, vector<1x2000x128xf32>
    %get3A_21 = vector.shape_cast %get3A_20 : vector<1x2000x128xf32> to vector<2000x128xf32>
    %add3A_22 = arith.addf %get3A_16, %get3A_21 : vector<2000x128xf32>
    %div3A = vector.broadcast %max3A_11 : vector<2000x1xf32> to vector<2000x128xf32>
    %div3A_23 = arith.divf %add3A_22, %div3A : vector<2000x128xf32>
    %get3A_24 = arith.constant 0 : index
    %get3A_25 = arith.constant 0 : index
    %get3A_26 = vector.load %arg5[%get3A_24, %get3A_25] : memref<128x128xf32, #tpu.memory_space<vmem>>, vector<128x128xf32>
    %dot_general3A = arith.constant dense<0.000000e+00> : vector<2000x128xf32>
    %dot_general3A_27 = tpu.matmul %get3A_1, %get3A_26, %dot_general3A {dimension_numbers = #tpu.dot_dimension_numbers<[1], [0], [0], [1], [0, 0, 1, 1], [], []>, transpose_lhs_hint = false} : vector<2000x128xf32>, vector<128x128xf32>, vector<2000x128xf32> -> vector<2000x128xf32>
    %get3A_28 = arith.constant 0 : index
    %get3A_29 = arith.constant 0 : index
    %get3A_30 = vector.load %arg6[%get3A_28, %get3A_29] : memref<1x128xf32, #tpu.memory_space<vmem>>, vector<1x128xf32>
    %add3A_31 = vector.broadcast %get3A_30 : vector<1x128xf32> to vector<2000x128xf32>
    %add3A_32 = arith.addf %dot_general3A_27, %add3A_31 : vector<2000x128xf32>
    %get3A_33 = arith.constant 0 : index
    %get3A_34 = arith.constant 0 : index
    %get3A_35 = vector.load %arg7[%get3A_33, %get3A_34] : memref<128x128xf32, #tpu.memory_space<vmem>>, vector<128x128xf32>
    %dot_general3A_36 = arith.constant dense<0.000000e+00> : vector<2000x128xf32>
    %dot_general3A_37 = tpu.matmul %div3A_23, %get3A_35, %dot_general3A_36 {dimension_numbers = #tpu.dot_dimension_numbers<[1], [0], [0], [1], [0, 0, 1, 1], [], []>, transpose_lhs_hint = false} : vector<2000x128xf32>, vector<128x128xf32>, vector<2000x128xf32> -> vector<2000x128xf32>
    %get3A_38 = arith.constant 0 : index
    %get3A_39 = arith.constant 0 : index
    %get3A_40 = vector.load %arg8[%get3A_38, %get3A_39] : memref<1x128xf32, #tpu.memory_space<vmem>>, vector<1x128xf32>
    %add3A_41 = vector.broadcast %get3A_40 : vector<1x128xf32> to vector<2000x128xf32>
    %add3A_42 = arith.addf %dot_general3A_37, %add3A_41 : vector<2000x128xf32>
    %jit3A = arith.constant 0.000000e+00 : f32
    %broadcast_in_dim3A = vector.shape_cast %gt3A_9 : vector<2000x1xi1> to vector<2000x1xi1>
    %broadcast_in_dim3A_43 = vector.broadcast %broadcast_in_dim3A : vector<2000x1xi1> to vector<2000x128xi1>
    %broadcast_in_dim3A_44 = vector.broadcast %jit3A : f32 to vector<2000x128xf32>
    %select_n3A = arith.select %broadcast_in_dim3A_43, %add3A_42, %broadcast_in_dim3A_44 : vector<2000x128xi1>, vector<2000x128xf32>
    %add3A_45 = arith.addf %add3A_32, %select_n3A : vector<2000x128xf32>
    %get3A_46 = arith.constant 0 : index
    %get3A_47 = arith.constant 0 : index
    %get3A_48 = vector.load %arg9[%get3A_46, %get3A_47] : memref<128x128xf32, #tpu.memory_space<vmem>>, vector<128x128xf32>
    %dot_general3A_49 = arith.constant dense<0.000000e+00> : vector<2000x128xf32>
    %dot_general3A_50 = tpu.matmul %get3A_1, %get3A_48, %dot_general3A_49 {dimension_numbers = #tpu.dot_dimension_numbers<[1], [0], [0], [1], [0, 0, 1, 1], [], []>, transpose_lhs_hint = false} : vector<2000x128xf32>, vector<128x128xf32>, vector<2000x128xf32> -> vector<2000x128xf32>
    %get3A_51 = arith.constant 0 : index
    %get3A_52 = arith.constant 0 : index
    %get3A_53 = vector.load %arg10[%get3A_51, %get3A_52] : memref<128x128xf32, #tpu.memory_space<vmem>>, vector<128x128xf32>
    %dot_general3A_54 = arith.constant dense<0.000000e+00> : vector<2000x128xf32>
    %dot_general3A_55 = tpu.matmul %add3A_45, %get3A_53, %dot_general3A_54 {dimension_numbers = #tpu.dot_dimension_numbers<[1], [0], [0], [1], [0, 0, 1, 1], [], []>, transpose_lhs_hint = false} : vector<2000x128xf32>, vector<128x128xf32>, vector<2000x128xf32> -> vector<2000x128xf32>
    %add3A_56 = arith.addf %dot_general3A_50, %dot_general3A_55 : vector<2000x128xf32>
    %get3A_57 = arith.constant 0 : index
    %get3A_58 = arith.constant 0 : index
    %get3A_59 = vector.load %arg11[%get3A_57, %get3A_58] : memref<1x128xf32, #tpu.memory_space<vmem>>, vector<1x128xf32>
    %add3A_60 = vector.broadcast %get3A_59 : vector<1x128xf32> to vector<2000x128xf32>
    %add3A_61 = arith.addf %add3A_56, %add3A_60 : vector<2000x128xf32>
    %logistic3A = arith.negf %add3A_61 : vector<2000x128xf32>
    %logistic3A_62 = math.exp %logistic3A : vector<2000x128xf32>
    %logistic3A_63 = arith.constant 1.000000e+00 : f32
    %logistic3A_64 = vector.broadcast %logistic3A_63 : f32 to vector<2000x128xf32>
    %logistic3A_65 = arith.addf %logistic3A_64, %logistic3A_62 : vector<2000x128xf32>
    %logistic3A_66 = arith.divf %logistic3A_64, %logistic3A_65 : vector<2000x128xf32>
    %mul3A = arith.mulf %logistic3A_66, %add3A_45 : vector<2000x128xf32>
    %sub3A = arith.constant 1.000000e+00 : f32
    %sub3A_67 = vector.broadcast %sub3A : f32 to vector<2000x128xf32>
    %sub3A_68 = arith.subf %sub3A_67, %logistic3A_66 : vector<2000x128xf32>
    %mul3A_69 = arith.mulf %sub3A_68, %get3A_1 : vector<2000x128xf32>
    %add3A_70 = arith.addf %mul3A, %mul3A_69 : vector<2000x128xf32>
    %reduce_sum3A = arith.constant dense<0.000000e+00> : vector<2000xf32>
    %reduce_sum3A_71 = vector.multi_reduction <add>, %add3A_70, %reduce_sum3A [1] : vector<2000x128xf32> to vector<2000xf32>
    %broadcast_in_dim3A_72 = vector.shape_cast %reduce_sum3A_71 : vector<2000xf32> to vector<2000x1xf32>
    %div3A_73 = arith.constant 1.280000e+02 : f32
    %div3A_74 = vector.broadcast %div3A_73 : f32 to vector<2000x1xf32>
    %div3A_75 = arith.divf %broadcast_in_dim3A_72, %div3A_74 : vector<2000x1xf32>
    %sub3A_76 = vector.broadcast %div3A_75 : vector<2000x1xf32> to vector<2000x128xf32>
    %sub3A_77 = arith.subf %add3A_70, %sub3A_76 : vector<2000x128xf32>
    %integer_pow3A = arith.mulf %sub3A_77, %sub3A_77 : vector<2000x128xf32>
    %reduce_sum3A_78 = arith.constant dense<0.000000e+00> : vector<2000xf32>
    %reduce_sum3A_79 = vector.multi_reduction <add>, %integer_pow3A, %reduce_sum3A_78 [1] : vector<2000x128xf32> to vector<2000xf32>
    %broadcast_in_dim3A_80 = vector.shape_cast %reduce_sum3A_79 : vector<2000xf32> to vector<2000x1xf32>
    %div3A_81 = arith.constant 1.280000e+02 : f32
    %div3A_82 = vector.broadcast %div3A_81 : f32 to vector<2000x1xf32>
    %div3A_83 = arith.divf %broadcast_in_dim3A_80, %div3A_82 : vector<2000x1xf32>
    %sub3A_84 = vector.broadcast %div3A_75 : vector<2000x1xf32> to vector<2000x128xf32>
    %sub3A_85 = arith.subf %add3A_70, %sub3A_84 : vector<2000x128xf32>
    %add3A_86 = arith.constant 9.99999974E-6 : f32
    %add3A_87 = vector.broadcast %add3A_86 : f32 to vector<2000x1xf32>
    %add3A_88 = arith.addf %div3A_83, %add3A_87 : vector<2000x1xf32>
    %rsqrt3A = math.rsqrt %add3A_88 : vector<2000x1xf32>
    %mul3A_89 = vector.broadcast %rsqrt3A : vector<2000x1xf32> to vector<2000x128xf32>
    %mul3A_90 = arith.mulf %sub3A_85, %mul3A_89 : vector<2000x128xf32>
    %get3A_91 = arith.constant 0 : index
    %get3A_92 = arith.constant 0 : index
    %get3A_93 = vector.load %arg12[%get3A_91, %get3A_92] : memref<1x128xf32, #tpu.memory_space<vmem>>, vector<1x128xf32>
    %mul3A_94 = vector.broadcast %get3A_93 : vector<1x128xf32> to vector<2000x128xf32>
    %mul3A_95 = arith.mulf %mul3A_90, %mul3A_94 : vector<2000x128xf32>
    %get3A_96 = arith.constant 0 : index
    %get3A_97 = arith.constant 0 : index
    %get3A_98 = vector.load %arg13[%get3A_96, %get3A_97] : memref<1x128xf32, #tpu.memory_space<vmem>>, vector<1x128xf32>
    %add3A_99 = vector.broadcast %get3A_98 : vector<1x128xf32> to vector<2000x128xf32>
    %add3A_100 = arith.addf %mul3A_95, %add3A_99 : vector<2000x128xf32>
    %max3A_101 = arith.constant 0.000000e+00 : f32
    %max3A_102 = vector.broadcast %max3A_101 : f32 to vector<2000x128xf32>
    %max3A_103 = arith.maximumf %add3A_100, %max3A_102 : vector<2000x128xf32>
    %swap3A = arith.constant 0 : index
    %swap3A_104 = arith.constant 0 : index
    %swap3A_105 = vector.load %arg14[%swap3A, %swap3A_104] : memref<2000x128xf32, #tpu.memory_space<vmem>>, vector<2000x128xf32>
    tpu.vector_store %arg14[%swap3A, %swap3A_104], %max3A_103 {strides = array<i32>} : memref<2000x128xf32, #tpu.memory_space<vmem>>, vector<2000x128xf32>,
    return
  }
  func.func @transform_0(%arg0: i32) -> (i32, i32) {
    %c0_i32 = arith.constant 0 : i32
    %c0_i32_0 = arith.constant 0 : i32
    return %arg0, %c0_i32 : i32, i32
  }
  func.func @transform_1(%arg0: i32) -> (i32, i32, i32) {
    %c0_i32 = arith.constant 0 : i32
    %c0_i32_0 = arith.constant 0 : i32
    %c0_i32_1 = arith.constant 0 : i32
    return %c0_i32, %arg0, %c0_i32_0 : i32, i32, i32
  }
  func.func @transform_2(%arg0: i32) -> (i32, i32, i32) {
    %c1_i32 = arith.constant 1 : i32
    %c0_i32 = arith.constant 0 : i32
    %c0_i32_0 = arith.constant 0 : i32
    return %c1_i32, %arg0, %c0_i32 : i32, i32, i32
  }
  func.func @transform_3(%arg0: i32) -> (i32, i32) {
    %c0_i32 = arith.constant 0 : i32
    %c0_i32_0 = arith.constant 0 : i32
    return %arg0, %c0_i32 : i32, i32
  }
  func.func @transform_4(%arg0: i32) -> (i32, i32) {
    %c0_i32 = arith.constant 0 : i32
    %c0_i32_0 = arith.constant 0 : i32
    %c0_i32_1 = arith.constant 0 : i32
    return %c0_i32, %c0_i32_0 : i32, i32
  }
  func.func @transform_5(%arg0: i32) -> (i32, i32) {
    %c0_i32 = arith.constant 0 : i32
    %c0_i32_0 = arith.constant 0 : i32
    %c0_i32_1 = arith.constant 0 : i32
    return %c0_i32, %c0_i32_0 : i32, i32
  }
  func.func @transform_6(%arg0: i32) -> (i32, i32) {
    %c0_i32 = arith.constant 0 : i32
    %c0_i32_0 = arith.constant 0 : i32
    %c0_i32_1 = arith.constant 0 : i32
    return %c0_i32, %c0_i32_0 : i32, i32
  }
  func.func @transform_7(%arg0: i32) -> (i32, i32) {
    %c0_i32 = arith.constant 0 : i32
    %c0_i32_0 = arith.constant 0 : i32
    %c0_i32_1 = arith.constant 0 : i32
    return %c0_i32, %c0_i32_0 : i32, i32
  }
  func.func @transform_8(%arg0: i32) -> (i32, i32) {
    %c0_i32 = arith.constant 0 : i32
    %c0_i32_0 = arith.constant 0 : i32
    %c0_i32_1 = arith.constant 0 : i32
    return %c0_i32, %c0_i32_0 : i32, i32
  }
  func.func @transform_9(%arg0: i32) -> (i32, i32) {
    %c0_i32 = arith.constant 0 : i32
    %c0_i32_0 = arith.constant 0 : i32
    %c0_i32_1 = arith.constant 0 : i32
    return %c0_i32, %c0_i32_0 : i32, i32
  }
  func.func @transform_10(%arg0: i32) -> (i32, i32) {
    %c0_i32 = arith.constant 0 : i32
    %c0_i32_0 = arith.constant 0 : i32
    %c0_i32_1 = arith.constant 0 : i32
    return %c0_i32, %c0_i32_0 : i32, i32
  }
  func.func @transform_11(%arg0: i32) -> (i32, i32) {
    %c0_i32 = arith.constant 0 : i32
    %c0_i32_0 = arith.constant 0 : i32
    %c0_i32_1 = arith.constant 0 : i32
    return %c0_i32, %c0_i32_0 : i32, i32
  }
  func.func @transform_12(%arg0: i32) -> (i32, i32) {
    %c0_i32 = arith.constant 0 : i32
    %c0_i32_0 = arith.constant 0 : i32
    %c0_i32_1 = arith.constant 0 : i32
    return %c0_i32, %c0_i32_0 : i32, i32
  }
  func.func @transform_13(%arg0: i32) -> (i32, i32) {
    %c0_i32 = arith.constant 0 : i32
    %c0_i32_0 = arith.constant 0 : i32
    return %arg0, %c0_i32 : i32, i32
  }
}

module attributes {stable_mosaic.version = 14 : i64} {
  func.func @_tc_layer_body(%arg0: i32, %arg1: memref<2000x128xf32, #tpu.memory_space<vmem>>, %arg2: memref<1x2000x128xf32, #tpu.memory_space<vmem>>, %arg3: memref<1x2000x128xf32, #tpu.memory_space<vmem>>, %arg4: memref<2000x2xf32, #tpu.memory_space<vmem>>, %arg5: memref<128x128xf32, #tpu.memory_space<vmem>>, %arg6: memref<1x128xf32, #tpu.memory_space<vmem>>, %arg7: memref<128x128xf32, #tpu.memory_space<vmem>>, %arg8: memref<1x128xf32, #tpu.memory_space<vmem>>, %arg9: memref<128x128xf32, #tpu.memory_space<vmem>>, %arg10: memref<128x128xf32, #tpu.memory_space<vmem>>, %arg11: memref<1x128xf32, #tpu.memory_space<vmem>>, %arg12: memref<1x128xf32, #tpu.memory_space<vmem>>, %arg13: memref<1x128xf32, #tpu.memory_space<vmem>>, %arg14: memref<2000x128xf32, #tpu.memory_space<vmem>>) attributes {dimension_semantics = [#tpu.dimension_semantics<arbitrary>], iteration_bounds = array<i64: 5>, scalar_prefetch = 0 : i64, scratch_operands = 0 : i64, tpu.core_type = #tpu.core_type<tc>, window_params = [{transform_indices = @transform_0, window_bounds = array<i64: 2000, 128>}, {transform_indices = @transform_1, window_bounds = array<i64: 1, 2000, 128>}, {transform_indices = @transform_2, window_bounds = array<i64: 1, 2000, 128>}, {transform_indices = @transform_3, window_bounds = array<i64: 2000, 2>}, {pipeline_mode = #tpu.pipeline_mode<synchronous>, transform_indices = @transform_4, window_bounds = array<i64: 128, 128>}, {pipeline_mode = #tpu.pipeline_mode<synchronous>, transform_indices = @transform_5, window_bounds = array<i64: 1, 128>}, {pipeline_mode = #tpu.pipeline_mode<synchronous>, transform_indices = @transform_6, window_bounds = array<i64: 128, 128>}, {pipeline_mode = #tpu.pipeline_mode<synchronous>, transform_indices = @transform_7, window_bounds = array<i64: 1, 128>}, {pipeline_mode = #tpu.pipeline_mode<synchronous>, transform_indices = @transform_8, window_bounds = array<i64: 128, 128>}, {pipeline_mode = #tpu.pipeline_mode<synchronous>, transform_indices = @transform_9, window_bounds = array<i64: 128, 128>}, {pipeline_mode = #tpu.pipeline_mode<synchronous>, transform_indices = @transform_10, window_bounds = array<i64: 1, 128>}, {pipeline_mode = #tpu.pipeline_mode<synchronous>, transform_indices = @transform_11, window_bounds = array<i64: 1, 128>}, {pipeline_mode = #tpu.pipeline_mode<synchronous>, transform_indices = @transform_12, window_bounds = array<i64: 1, 128>}, {transform_indices = @transform_13, window_bounds = array<i64: 2000, 128>}]} {
    %get3A = arith.constant 0 : index
    %get3A_0 = arith.constant 0 : index
    %get3A_1 = vector.load %arg1[%get3A, %get3A_0] : memref<2000x128xf32, #tpu.memory_space<vmem>>, vector<2000x128xf32>
    %get3A_2 = arith.constant 0 : index
    %get3A_3 = arith.constant 0 : index
    %get3A_4 = vector.load %arg4[%get3A_2, %get3A_3] : memref<2000x2xf32, #tpu.memory_space<vmem>>, vector<2000x1xf32>
    %get3A_5 = arith.constant 0 : index
    %get3A_6 = arith.constant 1 : index
    %get3A_7 = vector.load %arg4[%get3A_5, %get3A_6] : memref<2000x2xf32, #tpu.memory_space<vmem>>, vector<2000x1xf32>
    %add3A = arith.addf %get3A_4, %get3A_7 : vector<2000x1xf32>
    %gt3A = arith.constant 0.000000e+00 : f32
    %gt3A_8 = vector.broadcast %gt3A : f32 to vector<2000x1xf32>
    %gt3A_9 = arith.cmpf ogt, %add3A, %gt3A_8 : vector<2000x1xf32>
    %max3A = arith.constant 1.000000e+00 : f32
    %max3A_10 = vector.broadcast %max3A : f32 to vector<2000x1xf32>
    %max3A_11 = arith.maximumf %add3A, %max3A_10 : vector<2000x1xf32>
    %get3A_12 = arith.constant 0 : index
    %get3A_13 = arith.constant 0 : index
    %get3A_14 = arith.constant 0 : index
    %get3A_15 = vector.load %arg2[%get3A_12, %get3A_13, %get3A_14] : memref<1x2000x128xf32, #tpu.memory_space<vmem>>, vector<1x2000x128xf32>
    %get3A_16 = vector.shape_cast %get3A_15 : vector<1x2000x128xf32> to vector<2000x128xf32>
    %get3A_17 = arith.constant 0 : index
    %get3A_18 = arith.constant 0 : index
    %get3A_19 = arith.constant 0 : index
    %get3A_20 = vector.load %arg3[%get3A_17, %get3A_18, %get3A_19] : memref<1x2000x128xf32, #tpu.memory_space<vmem>>, vector<1x2000x128xf32>
    %get3A_21 = vector.shape_cast %get3A_20 : vector<1x2000x128xf32> to vector<2000x128xf32>
    %add3A_22 = arith.addf %get3A_16, %get3A_21 : vector<2000x128xf32>
    %div3A = vector.broadcast %max3A_11 : vector<2000x1xf32> to vector<2000x128xf32>
    %div3A_23 = arith.divf %add3A_22, %div3A : vector<2000x128xf32>
    %get3A_24 = arith.constant 0 : index
    %get3A_25 = arith.constant 0 : index
    %get3A_26 = vector.load %arg5[%get3A_24, %get3A_25] : memref<128x128xf32, #tpu.memory_space<vmem>>, vector<128x128xf32>
    %dot_general3A = arith.constant dense<0.000000e+00> : vector<2000x128xf32>
    %dot_general3A_27 = tpu.matmul %get3A_1, %get3A_26, %dot_general3A {dimension_numbers = #tpu.dot_dimension_numbers<[1], [0], [0], [1], [0, 0, 1, 1], [], []>, transpose_lhs_hint = false} : vector<2000x128xf32>, vector<128x128xf32>, vector<2000x128xf32> -> vector<2000x128xf32>
    %get3A_28 = arith.constant 0 : index
    %get3A_29 = arith.constant 0 : index
    %get3A_30 = vector.load %arg6[%get3A_28, %get3A_29] : memref<1x128xf32, #tpu.memory_space<vmem>>, vector<1x128xf32>
    %add3A_31 = vector.broadcast %get3A_30 : vector<1x128xf32> to vector<2000x128xf32>
    %add3A_32 = arith.addf %dot_general3A_27, %add3A_31 : vector<2000x128xf32>
    %get3A_33 = arith.constant 0 : index
    %get3A_34 = arith.constant 0 : index
    %get3A_35 = vector.load %arg7[%get3A_33, %get3A_34] : memref<128x128xf32, #tpu.memory_space<vmem>>, vector<128x128xf32>
    %dot_general3A_36 = arith.constant dense<0.000000e+00> : vector<2000x128xf32>
    %dot_general3A_37 = tpu.matmul %div3A_23, %get3A_35, %dot_general3A_36 {dimension_numbers = #tpu.dot_dimension_numbers<[1], [0], [0], [1], [0, 0, 1, 1], [], []>, transpose_lhs_hint = false} : vector<2000x128xf32>, vector<128x128xf32>, vector<2000x128xf32> -> vector<2000x128xf32>
    %get3A_38 = arith.constant 0 : index
    %get3A_39 = arith.constant 0 : index
    %get3A_40 = vector.load %arg8[%get3A_38, %get3A_39] : memref<1x128xf32, #tpu.memory_space<vmem>>, vector<1x128xf32>
    %add3A_41 = vector.broadcast %get3A_40 : vector<1x128xf32> to vector<2000x128xf32>
    %add3A_42 = arith.addf %dot_general3A_37, %add3A_41 : vector<2000x128xf32>
    %jit3A = arith.constant 0.000000e+00 : f32
    %broadcast_in_dim3A = vector.shape_cast %gt3A_9 : vector<2000x1xi1> to vector<2000x1xi1>
    %broadcast_in_dim3A_43 = vector.broadcast %broadcast_in_dim3A : vector<2000x1xi1> to vector<2000x128xi1>
    %broadcast_in_dim3A_44 = vector.broadcast %jit3A : f32 to vector<2000x128xf32>
    %select_n3A = arith.select %broadcast_in_dim3A_43, %add3A_42, %broadcast_in_dim3A_44 : vector<2000x128xi1>, vector<2000x128xf32>
    %add3A_45 = arith.addf %add3A_32, %select_n3A : vector<2000x128xf32>
    %get3A_46 = arith.constant 0 : index
    %get3A_47 = arith.constant 0 : index
    %get3A_48 = vector.load %arg9[%get3A_46, %get3A_47] : memref<128x128xf32, #tpu.memory_space<vmem>>, vector<128x128xf32>
    %dot_general3A_49 = arith.constant dense<0.000000e+00> : vector<2000x128xf32>
    %dot_general3A_50 = tpu.matmul %get3A_1, %get3A_48, %dot_general3A_49 {dimension_numbers = #tpu.dot_dimension_numbers<[1], [0], [0], [1], [0, 0, 1, 1], [], []>, transpose_lhs_hint = false} : vector<2000x128xf32>, vector<128x128xf32>, vector<2000x128xf32> -> vector<2000x128xf32>
    %get3A_51 = arith.constant 0 : index
    %get3A_52 = arith.constant 0 : index
    %get3A_53 = vector.load %arg10[%get3A_51, %get3A_52] : memref<128x128xf32, #tpu.memory_space<vmem>>, vector<128x128xf32>
    %dot_general3A_54 = arith.constant dense<0.000000e+00> : vector<2000x128xf32>
    %dot_general3A_55 = tpu.matmul %add3A_45, %get3A_53, %dot_general3A_54 {dimension_numbers = #tpu.dot_dimension_numbers<[1], [0], [0], [1], [0, 0, 1, 1], [], []>, transpose_lhs_hint = false} : vector<2000x128xf32>, vector<128x128xf32>, vector<2000x128xf32> -> vector<2000x128xf32>
    %add3A_56 = arith.addf %dot_general3A_50, %dot_general3A_55 : vector<2000x128xf32>
    %get3A_57 = arith.constant 0 : index
    %get3A_58 = arith.constant 0 : index
    %get3A_59 = vector.load %arg11[%get3A_57, %get3A_58] : memref<1x128xf32, #tpu.memory_space<vmem>>, vector<1x128xf32>
    %add3A_60 = vector.broadcast %get3A_59 : vector<1x128xf32> to vector<2000x128xf32>
    %add3A_61 = arith.addf %add3A_56, %add3A_60 : vector<2000x128xf32>
    %logistic3A = arith.negf %add3A_61 : vector<2000x128xf32>
    %logistic3A_62 = math.exp %logistic3A : vector<2000x128xf32>
    %logistic3A_63 = arith.constant 1.000000e+00 : f32
    %logistic3A_64 = vector.broadcast %logistic3A_63 : f32 to vector<2000x128xf32>
    %logistic3A_65 = arith.addf %logistic3A_64, %logistic3A_62 : vector<2000x128xf32>
    %logistic3A_66 = arith.divf %logistic3A_64, %logistic3A_65 : vector<2000x128xf32>
    %mul3A = arith.mulf %logistic3A_66, %add3A_45 : vector<2000x128xf32>
    %sub3A = arith.constant 1.000000e+00 : f32
    %sub3A_67 = vector.broadcast %sub3A : f32 to vector<2000x128xf32>
    %sub3A_68 = arith.subf %sub3A_67, %logistic3A_66 : vector<2000x128xf32>
    %mul3A_69 = arith.mulf %sub3A_68, %get3A_1 : vector<2000x128xf32>
    %add3A_70 = arith.addf %mul3A, %mul3A_69 : vector<2000x128xf32>
    %reduce_sum3A = arith.constant dense<0.000000e+00> : vector<2000xf32>
    %reduce_sum3A_71 = vector.multi_reduction <add>, %add3A_70, %reduce_sum3A [1] : vector<2000x128xf32> to vector<2000xf32>
    %broadcast_in_dim3A_72 = vector.shape_cast %reduce_sum3A_71 : vector<2000xf32> to vector<2000x1xf32>
    %div3A_73 = arith.constant 1.280000e+02 : f32
    %div3A_74 = vector.broadcast %div3A_73 : f32 to vector<2000x1xf32>
    %div3A_75 = arith.divf %broadcast_in_dim3A_72, %div3A_74 : vector<2000x1xf32>
    %sub3A_76 = vector.broadcast %div3A_75 : vector<2000x1xf32> to vector<2000x128xf32>
    %sub3A_77 = arith.subf %add3A_70, %sub3A_76 : vector<2000x128xf32>
    %integer_pow3A = arith.mulf %sub3A_77, %sub3A_77 : vector<2000x128xf32>
    %reduce_sum3A_78 = arith.constant dense<0.000000e+00> : vector<2000xf32>
    %reduce_sum3A_79 = vector.multi_reduction <add>, %integer_pow3A, %reduce_sum3A_78 [1] : vector<2000x128xf32> to vector<2000xf32>
    %broadcast_in_dim3A_80 = vector.shape_cast %reduce_sum3A_79 : vector<2000xf32> to vector<2000x1xf32>
    %div3A_81 = arith.constant 1.280000e+02 : f32
    %div3A_82 = vector.broadcast %div3A_81 : f32 to vector<2000x1xf32>
    %div3A_83 = arith.divf %broadcast_in_dim3A_80, %div3A_82 : vector<2000x1xf32>
    %sub3A_84 = vector.broadcast %div3A_75 : vector<2000x1xf32> to vector<2000x128xf32>
    %sub3A_85 = arith.subf %add3A_70, %sub3A_84 : vector<2000x128xf32>
    %add3A_86 = arith.constant 9.99999974E-6 : f32
    %add3A_87 = vector.broadcast %add3A_86 : f32 to vector<2000x1xf32>
    %add3A_88 = arith.addf %div3A_83, %add3A_87 : vector<2000x1xf32>
    %rsqrt3A = math.rsqrt %add3A_88 : vector<2000x1xf32>
    %mul3A_89 = vector.broadcast %rsqrt3A : vector<2000x1xf32> to vector<2000x128xf32>
    %mul3A_90 = arith.mulf %sub3A_85, %mul3A_89 : vector<2000x128xf32>
    %get3A_91 = arith.constant 0 : index
    %get3A_92 = arith.constant 0 : index
    %get3A_93 = vector.load %arg12[%get3A_91, %get3A_92] : memref<1x128xf32, #tpu.memory_space<vmem>>, vector<1x128xf32>
    %mul3A_94 = vector.broadcast %get3A_93 : vector<1x128xf32> to vector<2000x128xf32>
    %mul3A_95 = arith.mulf %mul3A_90, %mul3A_94 : vector<2000x128xf32>
    %get3A_96 = arith.constant 0 : index
    %get3A_97 = arith.constant 0 : index
    %get3A_98 = vector.load %arg13[%get3A_96, %get3A_97] : memref<1x128xf32, #tpu.memory_space<vmem>>, vector<1x128xf32>
    %add3A_99 = vector.broadcast %get3A_98 : vector<1x128xf32> to vector<2000x128xf32>
    %add3A_100 = arith.addf %mul3A_95, %add3A_99 : vector<2000x128xf32>
    %max3A_101 = arith.constant 0.000000e+00 : f32
    %max3A_102 = vector.broadcast %max3A_101 : f32 to vector<2000x128xf32>
    %max3A_103 = arith.maximumf %add3A_100, %max3A_102 : vector<2000x128xf32>
    %swap3A = arith.constant 0 : index
    %swap3A_104 = arith.constant 0 : index
    %swap3A_105 = vector.load %arg14[%swap3A, %swap3A_104] : memref<2000x128xf32, #tpu.memory_space<vmem>>, vector<2000x128xf32>
    tpu.vector_store %arg14[%swap3A, %swap3A_104], %max3A_103 {strides = array<i32>} : memref<2000x128xf32, #tpu.memory_space<vmem>>, vector<2000x128xf32>,
    return
  }
  func.func @transform_0(%arg0: i32) -> (i32, i32) {
    %c0_i32 = arith.constant 0 : i32
    %c0_i32_0 = arith.constant 0 : i32
    return %arg0, %c0_i32 : i32, i32
  }
  func.func @transform_1(%arg0: i32) -> (i32, i32, i32) {
    %c0_i32 = arith.constant 0 : i32
    %c0_i32_0 = arith.constant 0 : i32
    %c0_i32_1 = arith.constant 0 : i32
    return %c0_i32, %arg0, %c0_i32_0 : i32, i32, i32
  }
  func.func @transform_2(%arg0: i32) -> (i32, i32, i32) {
    %c1_i32 = arith.constant 1 : i32
    %c0_i32 = arith.constant 0 : i32
    %c0_i32_0 = arith.constant 0 : i32
    return %c1_i32, %arg0, %c0_i32 : i32, i32, i32
  }
  func.func @transform_3(%arg0: i32) -> (i32, i32) {
    %c0_i32 = arith.constant 0 : i32
    %c0_i32_0 = arith.constant 0 : i32
    return %arg0, %c0_i32 : i32, i32
  }
  func.func @transform_4(%arg0: i32) -> (i32, i32) {
    %c0_i32 = arith.constant 0 : i32
    %c0_i32_0 = arith.constant 0 : i32
    %c0_i32_1 = arith.constant 0 : i32
    return %c0_i32, %c0_i32_0 : i32, i32
  }
  func.func @transform_5(%arg0: i32) -> (i32, i32) {
    %c0_i32 = arith.constant 0 : i32
    %c0_i32_0 = arith.constant 0 : i32
    %c0_i32_1 = arith.constant 0 : i32
    return %c0_i32, %c0_i32_0 : i32, i32
  }
  func.func @transform_6(%arg0: i32) -> (i32, i32) {
    %c0_i32 = arith.constant 0 : i32
    %c0_i32_0 = arith.constant 0 : i32
    %c0_i32_1 = arith.constant 0 : i32
    return %c0_i32, %c0_i32_0 : i32, i32
  }
  func.func @transform_7(%arg0: i32) -> (i32, i32) {
    %c0_i32 = arith.constant 0 : i32
    %c0_i32_0 = arith.constant 0 : i32
    %c0_i32_1 = arith.constant 0 : i32
    return %c0_i32, %c0_i32_0 : i32, i32
  }
  func.func @transform_8(%arg0: i32) -> (i32, i32) {
    %c0_i32 = arith.constant 0 : i32
    %c0_i32_0 = arith.constant 0 : i32
    %c0_i32_1 = arith.constant 0 : i32
    return %c0_i32, %c0_i32_0 : i32, i32
  }
  func.func @transform_9(%arg0: i32) -> (i32, i32) {
    %c0_i32 = arith.constant 0 : i32
    %c0_i32_0 = arith.constant 0 : i32
    %c0_i32_1 = arith.constant 0 : i32
    return %c0_i32, %c0_i32_0 : i32, i32
  }
  func.func @transform_10(%arg0: i32) -> (i32, i32) {
    %c0_i32 = arith.constant 0 : i32
    %c0_i32_0 = arith.constant 0 : i32
    %c0_i32_1 = arith.constant 0 : i32
    return %c0_i32, %c0_i32_0 : i32, i32
  }
  func.func @transform_11(%arg0: i32) -> (i32, i32) {
    %c0_i32 = arith.constant 0 : i32
    %c0_i32_0 = arith.constant 0 : i32
    %c0_i32_1 = arith.constant 0 : i32
    return %c0_i32, %c0_i32_0 : i32, i32
  }
  func.func @transform_12(%arg0: i32) -> (i32, i32) {
    %c0_i32 = arith.constant 0 : i32
    %c0_i32_0 = arith.constant 0 : i32
    %c0_i32_1 = arith.constant 0 : i32
    return %c0_i32, %c0_i32_0 : i32, i32
  }
  func.func @transform_13(%arg0: i32) -> (i32, i32) {
    %c0_i32 = arith.constant 0 : i32
    %c0_i32_0 = arith.constant 0 : i32
    return %arg0, %c0_i32 : i32, i32
  }
}

module attributes {stable_mosaic.version = 14 : i64} {
  func.func @_tc_pool_body(%arg0: memref<10000x128xf32, #tpu.memory_space<vmem>>, %arg1: memref<10000x2xf32, #tpu.memory_space<vmem>>, %arg2: memref<128x128xf32, #tpu.memory_space<vmem>>, %arg3: memref<1x128xf32, #tpu.memory_space<vmem>>, %arg4: memref<128x1xf32, #tpu.memory_space<vmem>>, %arg5: memref<1x1xf32, #tpu.memory_space<vmem>>, %arg6: memref<1x128xf32, #tpu.memory_space<vmem>>) attributes {dimension_semantics = [], scalar_prefetch = 0 : i64, scratch_operands = 0 : i64, tpu.core_type = #tpu.core_type<tc>} {
    %get3A = arith.constant 0 : index
    %get3A_0 = arith.constant 0 : index
    %get3A_1 = vector.load %arg0[%get3A, %get3A_0] : memref<10000x128xf32, #tpu.memory_space<vmem>>, vector<10000x128xf32>
    %get3A_2 = arith.constant 0 : index
    %get3A_3 = arith.constant 0 : index
    %get3A_4 = vector.load %arg2[%get3A_2, %get3A_3] : memref<128x128xf32, #tpu.memory_space<vmem>>, vector<128x128xf32>
    %dot_general3A = arith.constant dense<0.000000e+00> : vector<10000x128xf32>
    %dot_general3A_5 = tpu.matmul %get3A_1, %get3A_4, %dot_general3A {dimension_numbers = #tpu.dot_dimension_numbers<[1], [0], [0], [1], [0, 0, 1, 1], [], []>, transpose_lhs_hint = false} : vector<10000x128xf32>, vector<128x128xf32>, vector<10000x128xf32> -> vector<10000x128xf32>
    %get3A_6 = arith.constant 0 : index
    %get3A_7 = arith.constant 0 : index
    %get3A_8 = vector.load %arg3[%get3A_6, %get3A_7] : memref<1x128xf32, #tpu.memory_space<vmem>>, vector<1x128xf32>
    %add3A = vector.broadcast %get3A_8 : vector<1x128xf32> to vector<10000x128xf32>
    %add3A_9 = arith.addf %dot_general3A_5, %add3A : vector<10000x128xf32>
    %tanh3A = math.tanh %add3A_9 : vector<10000x128xf32>
    %get3A_10 = arith.constant 0 : index
    %get3A_11 = arith.constant 0 : index
    %get3A_12 = vector.load %arg4[%get3A_10, %get3A_11] : memref<128x1xf32, #tpu.memory_space<vmem>>, vector<128x1xf32>
    %dot_general3A_13 = arith.constant dense<0.000000e+00> : vector<10000x1xf32>
    %dot_general3A_14 = tpu.matmul %tanh3A, %get3A_12, %dot_general3A_13 {dimension_numbers = #tpu.dot_dimension_numbers<[1], [0], [0], [1], [0, 0, 1, 1], [], []>, transpose_lhs_hint = false} : vector<10000x128xf32>, vector<128x1xf32>, vector<10000x1xf32> -> vector<10000x1xf32>
    %get3A_15 = arith.constant 0 : index
    %get3A_16 = arith.constant 0 : index
    %get3A_17 = vector.load %arg5[%get3A_15, %get3A_16] : memref<1x1xf32, #tpu.memory_space<vmem>>, vector<1x1xf32>
    %add3A_18 = vector.broadcast %get3A_17 : vector<1x1xf32> to vector<10000x1xf32>
    %add3A_19 = arith.addf %dot_general3A_14, %add3A_18 : vector<10000x1xf32>
    %get3A_20 = arith.constant 0 : index
    %get3A_21 = arith.constant 0 : index
    %get3A_22 = vector.load %arg1[%get3A_20, %get3A_21] : memref<10000x2xf32, #tpu.memory_space<vmem>>, vector<10000x1xf32>
    %get3A_23 = arith.constant 0 : index
    %get3A_24 = arith.constant 1 : index
    %get3A_25 = vector.load %arg1[%get3A_23, %get3A_24] : memref<10000x2xf32, #tpu.memory_space<vmem>>, vector<10000x1xf32>
    %add3A_26 = arith.addf %get3A_22, %get3A_25 : vector<10000x1xf32>
    %eq3A = arith.constant 0.000000e+00 : f32
    %eq3A_27 = vector.broadcast %eq3A : f32 to vector<10000x1xf32>
    %eq3A_28 = arith.cmpf oeq, %add3A_26, %eq3A_27 : vector<10000x1xf32>
    %reduce_or3A = arith.constant 1.000000e+00 : f32
    %reduce_or3A_29 = arith.constant 0.000000e+00 : f32
    %reduce_or3A_30 = vector.broadcast %reduce_or3A : f32 to vector<10000x1xf32>
    %reduce_or3A_31 = vector.broadcast %reduce_or3A_29 : f32 to vector<10000x1xf32>
    %reduce_or3A_32 = arith.select %eq3A_28, %reduce_or3A_30, %reduce_or3A_31 : vector<10000x1xi1>, vector<10000x1xf32>
    %reduce_or3A_33 = vector.shape_cast %reduce_or3A_32 : vector<10000x1xf32> to vector<1x10000x1xf32>
    %reduce_or3A_34 = arith.constant dense<0xFF800000> : vector<1xf32>
    %reduce_or3A_35 = vector.multi_reduction <maximumf>, %reduce_or3A_33, %reduce_or3A_34 [1, 2] : vector<1x10000x1xf32> to vector<1xf32>
    %reduce_or3A_36 = vector.shape_cast %reduce_or3A_35 : vector<1xf32> to vector<1x1x1xf32>
    %reduce_or3A_37 = vector.extract %reduce_or3A_36[0, 0, 0] : f32 from vector<1x1x1xf32>
    %reduce_or3A_38 = arith.constant 0.000000e+00 : f32
    %reduce_or3A_39 = arith.cmpf ogt, %reduce_or3A_37, %reduce_or3A_38 : f32
    %not3A = arith.constant true
    %not3A_40 = arith.xori %reduce_or3A_39, %not3A : i1
    %or3A = vector.broadcast %not3A_40 : i1 to vector<10000x1xi1>
    %or3A_41 = arith.ori %eq3A_28, %or3A : vector<10000x1xi1>
    %jit3A = arith.constant -1.000000e+30 : f32
    %broadcast_in_dim3A = vector.broadcast %jit3A : f32 to vector<10000x1xf32>
    %select_n3A = arith.select %or3A_41, %add3A_19, %broadcast_in_dim3A : vector<10000x1xi1>, vector<10000x1xf32>
    %reduce_max3A = vector.shape_cast %select_n3A : vector<10000x1xf32> to vector<1x10000x1xf32>
    %reduce_max3A_42 = arith.constant dense<0xFF800000> : vector<1xf32>
    %reduce_max3A_43 = vector.multi_reduction <maximumf>, %reduce_max3A, %reduce_max3A_42 [1, 2] : vector<1x10000x1xf32> to vector<1xf32>
    %reduce_max3A_44 = vector.shape_cast %reduce_max3A_43 : vector<1xf32> to vector<1x1x1xf32>
    %reduce_max3A_45 = vector.extract %reduce_max3A_44[0, 0, 0] : f32 from vector<1x1x1xf32>
    %sub3A = vector.broadcast %reduce_max3A_45 : f32 to vector<10000x1xf32>
    %sub3A_46 = arith.subf %select_n3A, %sub3A : vector<10000x1xf32>
    %exp3A = math.exp %sub3A_46 : vector<10000x1xf32>
    %reduce_sum3A = vector.shape_cast %exp3A : vector<10000x1xf32> to vector<1x10000x1xf32>
    %reduce_sum3A_47 = arith.constant dense<0.000000e+00> : vector<1xf32>
    %reduce_sum3A_48 = vector.multi_reduction <add>, %reduce_sum3A, %reduce_sum3A_47 [1, 2] : vector<1x10000x1xf32> to vector<1xf32>
    %reduce_sum3A_49 = vector.shape_cast %reduce_sum3A_48 : vector<1xf32> to vector<1x1x1xf32>
    %reduce_sum3A_50 = vector.extract %reduce_sum3A_49[0, 0, 0] : f32 from vector<1x1x1xf32>
    %div3A = vector.broadcast %reduce_sum3A_50 : f32 to vector<10000x1xf32>
    %div3A_51 = arith.divf %exp3A, %div3A : vector<10000x1xf32>
    %mul3A = vector.broadcast %div3A_51 : vector<10000x1xf32> to vector<10000x128xf32>
    %mul3A_52 = arith.mulf %mul3A, %get3A_1 : vector<10000x128xf32>
    %reduce_sum3A_53 = arith.constant dense<0.000000e+00> : vector<128xf32>
    %reduce_sum3A_54 = vector.multi_reduction <add>, %mul3A_52, %reduce_sum3A_53 [0] : vector<10000x128xf32> to vector<128xf32>
    %broadcast_in_dim3A_55 = vector.shape_cast %reduce_sum3A_54 : vector<128xf32> to vector<1x128xf32>
    %swap3A = arith.constant 0 : index
    %swap3A_56 = arith.constant 0 : index
    %swap3A_57 = vector.load %arg6[%swap3A, %swap3A_56] : memref<1x128xf32, #tpu.memory_space<vmem>>, vector<1x128xf32>
    tpu.vector_store %arg6[%swap3A, %swap3A_56], %broadcast_in_dim3A_55 {strides = array<i32>} : memref<1x128xf32, #tpu.memory_space<vmem>>, vector<1x128xf32>,
    return
  }
}

</mosaic_0001>

<sc_bundles>
// kernel: kernel.11.cloned.1.call-start
scs
__scs_entry_jumppad:
0x0: {  	(pc) =	sbr.rel $0x88, $3  }
0x1: {  	(tag) =	ssettag $0x0;
	lr =	simm.s32 $0x1  }
0x2: {  	[smem:$0x3F81] =	sst lr;
	_ =	strace $0xD0000000  }
0x3: {  	_ = 	snop  }
0x4: {  	_ = 	snop  }
0x5: {  	_ = 	snop  }
0x6: {  	_ = 	snop  }
0x7: {  	_ = 	snop  }
__scs_overlays_trampoline_lowered:
0x8: {  	[smem:$0x3F90] =	sst s0  }
0x9: {  	[smem:$0x3F91] =	sst s1  }
0xa: {  	[smem:$0x3F92] =	sst s2  }
0xb: {  	[smem:$0x3F93] =	sst s3  }
0xc: {  	[smem:$0x3F94] =	sst s4  }
0xd: {  	[smem:$0x3F95] =	sst s5  }
0xe: {  	[smem:$0x3F96] =	sst s6  }
0xf: {  	[smem:$0x3F97] =	sst s7  }
0x10: {  	[smem:$0x3F98] =	sst s8  }
0x11: {  	[smem:$0x3F99] =	sst s9;
	s0 =	simm.s32 @!p0 $0x0  }
0x12: {  	s1 =	sld [smem:$0x3F7F];
	s0 =	simm.s32 @p0 $0x1  }
0x13: {  	[smem:$0x3F9A] =	sst s0;
	s0 =	simm.s32 @!p1 $0x0  }
0x14: {  	s2 =	sld [smem:$0x3F7E];
	s0 =	simm.s32 @p1 $0x1  }
0x15: {  	[smem:$0x3F9B] =	sst s0;
	s0 =	simm.s32 @!p2 $0x0  }
0x16: {  	s3 =	sld [smem:$0x3FDB];
	s0 =	simm.s32 @p2 $0x1  }
0x17: {  	s4 =	simm.s32 $0x1BF5;
	[smem:$0x3F9D] =	sst s0  }
0x18: {  	s0 =	sld [smem:$0x3F80];
	_ =	swait.ge [sflag:s4], $0x0  }
0x19: {  	s7 =	sld [smem:$0x3F81]  }
0x1a: {  	s8 =	sadd.s32 $0xFFFFE003, lr  }
0x1b: {  	s9 =	sadd.s32 $0xFFFFFEF7, lr;
	s5 =	simm.s32 $0xFFFFFFFF;
	p2 =	slt.u32 s8, $0xFFFFF086  }
0x1c: {  	p1 =	slt.u32 s9, $0xF7A;
	s5 =	simm.s32 @!p2 $0x0  }
0x1d: {  	s5 =	simm.s32 @p1 $0x1;
	p0 =	seq.s32 s7, s2  }
0x1e: {  	s7 =	smul.u32 @!p0 $0xF7A, s2;
	p2 =	seq.s32 @!p0 s5, $0x0  }
0x1f: {  	s9 =	smul.u32 $0xF7A, s1;
	s8 =	simm.s32 @!p0 $0x1BF5;
	p2 =	por !p2, p0  }
0x20: {  	[sflag:s8] =	ssyncset.s32 @!p0 $0xFFFFF086;
	s6 =	sadd.s32 @!p0 s3, s7;
	s7 =	simm.s32 @!p0 $0x108  }
0x21: {  	s3 =	sadd.s32 s3, s9;
	s6 =	sadd.s32 @!p0 $0x88, s6;
	s7 =	simm.s32 @p2 $0x1082  }
0x22: {  	[simem:s7], [sflag:s8] =	dma.local @!p0 [hbm:s6], $0xF7A  }
0x23: {  	s9 =	sor.u32 $0xD0000000, s2;
	s6 =	simm.s32 $0x108;
	_ =	swait.ge @!p0 [sflag:s8], $0x0  }
0x24: {  	s3 =	sadd.s32 $0x88, s3;
	s6 =	simm.s32 @!p1 $0x1082;
	[sflag:s4] =	ssyncset.s32 $0xFFFFF086  }
0x25: {  	[simem:s6], [sflag:s4] =	dma.local [hbm:s3], $0xF7A  }
0x26: {  	[smem:$0x3F81] =	sst s1;
	(tag) =	ssettag s2;
	_ =	strace s9  }
0x27: {  	s1 =	sld [smem:$0x3F91]  }
0x28: {  	s2 =	sld [smem:$0x3F92]  }
0x29: {  	s4 =	sld [smem:$0x3F94]  }
0x2a: {  	p0 =	seq.s32 s5, $0x0;
	s5 =	sld [smem:$0x3F95]  }
0x2b: {  	s6 =	sld [smem:$0x3F96]  }
0x2c: {  	s7 =	sld [smem:$0x3F97]  }
0x2d: {  	s3 =	simm.s32 $0x108;
	s8 =	sld [smem:$0x3F98]  }
0x2e: {  	s3 =	simm.s32 @!p0 $0x1082;
	s9 =	sld [smem:$0x3F99]  }
0x2f: {  	lr =	sadd.s32 s0, s3;
	s0 =	sld [smem:$0x3F90]  }
0x30: {  	s3 =	sld [smem:$0x3F93]  }
0x31: {  	[smem:$0x3F9C] =	sst s10  }
0x32: {  	s10 =	sld [smem:$0x3F9A];
	_ =	sdelay $0x3  }
0x33: {  	p0 =	seq.s32 s10, $0x1;
	s10 =	sld [smem:$0x3F9C];
	_ =	sdelay $0x3  }
0x34: {  	[smem:$0x3F9C] =	sst s10  }
0x35: {  	s10 =	sld [smem:$0x3F9B];
	_ =	sdelay $0x3  }
0x36: {  	p1 =	seq.s32 s10, $0x1;
	s10 =	sld [smem:$0x3F9C];
	_ =	sdelay $0x3  }
0x37: {  	[smem:$0x3F9C] =	sst s10  }
0x38: {  	s10 =	sld [smem:$0x3F9D]  }
0x39: {  	_ = 	snop;
	(pc) =	sbr.ind lr, $3  }
0x3a: {  	_ = 	snop  }
0x3b: {  	_ = 	snop  }
0x3c: {  	p2 =	seq.s32 s10, $0x1;
	s10 =	sld [smem:$0x3F9C]  }
0x3d: {  	_ =	shalt  }
0x3e: {  	_ =	shalt  }
0x3f: {  	_ =	shalt  }
0x40: {  	_ =	shalt  }
0x41: {  	_ =	shalt  }
0x42: {  	_ =	shalt  }
0x43: {  	_ =	shalt  }
0x44: {  	_ =	shalt  }
0x45: {  	_ =	shalt  }
0x46: {  	_ =	shalt  }
0x47: {  	_ =	shalt  }
0x48: {  	_ =	shalt  }
0x49: {  	_ =	shalt  }
0x4a: {  	_ =	shalt  }
0x4b: {  	_ =	shalt  }
0x4c: {  	_ =	shalt  }
0x4d: {  	_ =	shalt  }
0x4e: {  	_ =	shalt  }
0x4f: {  	_ =	shalt  }
0x50: {  	_ =	shalt  }
0x51: {  	_ =	shalt  }
0x52: {  	_ =	shalt  }
0x53: {  	_ =	shalt  }
0x54: {  	_ =	shalt  }
0x55: {  	_ =	shalt  }
0x56: {  	_ =	shalt  }
0x57: {  	_ =	shalt  }
0x58: {  	_ =	shalt  }
0x59: {  	_ =	shalt  }
0x5a: {  	_ =	shalt  }
0x5b: {  	_ =	shalt  }
0x5c: {  	_ =	shalt  }
0x5d: {  	_ =	shalt  }
0x5e: {  	_ =	shalt  }
0x5f: {  	_ =	shalt  }
0x60: {  	_ =	shalt  }
0x61: {  	_ =	shalt  }
0x62: {  	_ =	shalt  }
0x63: {  	_ =	shalt  }
0x64: {  	_ =	shalt  }
0x65: {  	_ =	shalt  }
0x66: {  	_ =	shalt  }
0x67: {  	_ =	shalt  }
0x68: {  	_ =	shalt  }
0x69: {  	_ =	shalt  }
0x6a: {  	_ =	shalt  }
0x6b: {  	_ =	shalt  }
0x6c: {  	_ =	shalt  }
0x6d: {  	_ =	shalt  }
0x6e: {  	_ =	shalt  }
0x6f: {  	_ =	shalt  }
0x70: {  	_ =	shalt  }
0x71: {  	_ =	shalt  }
0x72: {  	_ =	shalt  }
0x73: {  	_ =	shalt  }
0x74: {  	_ =	shalt  }
0x75: {  	_ =	shalt  }
0x76: {  	_ =	shalt  }
0x77: {  	_ =	shalt  }
0x78: {  	_ =	shalt  }
0x79: {  	_ =	shalt  }
0x7a: {  	_ =	shalt  }
0x7b: {  	_ =	shalt  }
0x7c: {  	_ =	shalt  }
0x7d: {  	_ =	shalt  }
0x7e: {  	_ =	shalt  }
0x7f: {  	_ =	shalt  }
0x80: {  	_ =	shalt  }
0x81: {  	_ =	shalt  }
0x82: {  	_ =	shalt  }
0x83: {  	_ =	shalt  }
0x84: {  	_ =	shalt  }
0x85: {  	_ =	shalt  }
0x86: {  	_ =	shalt  }
0x87: {  	_ =	shalt  }
.Lfunc_end0:
.L_simem_size_0:
called_computation_lowered:
.L_overlay_start_0:
0x88: {  	s2 =	sld [smem:$0x3FD9]  }
0x89: {  	s3 =	sld [smem:$0x3FFE];
	_ =	sdelay $0x1  }
0x8a: {  	s1 =	srdreg.scid  }
0x8b: {  	s0 =	sand.u32 $0x1, s1  }
0x8c: {  	s16 =	sshll.u32 s0, $0xA;
	s2 =	sadd.s32 s3, s2  }
0x8d: {  	s2 =	sadd.s32 s2, s16  }
0x8e: {  	[smem:$0x3FA8] =	sst s2  }
0x8f: {  	_ = 	snop  }
0x90: {  	(tm) =	ssettm $0x1  }
0x91: {  	s17 =	sld [smem:$0x3FFB];
	_ =	sdelay $0x3  }
0x92: {  	_ =	strace s17  }
0x93: {  	s2 =	sld [smem:$0x3FFC];
	_ =	sdelay $0x3  }
0x94: {  	_ =	strace s2  }
0x95: {  	s2 =	sld [smem:$0x3FFD];
	_ =	sdelay $0x3  }
0x96: {  	_ =	strace s2  }
0x97: {  	_ =	strace $0x8FFFFFFF  }
0x98: {  	s18 =	sld [smem:$0x3FDB];
	_ =	sdelay $0x1  }
0x99: {  	s19 =	simm.s32 $_scs_section_size  }
0x9a: {  	s4 =	simm.s32 $_size__tile_overlayer_lowered;
	s5 =	simm.s32 $_tile_overlayer_lowered  }
0x9b: {  	s22 =	simm.s32 $0x1BFF;
	s21 =	sshll.u32 s5, $0x1;
	s2 =	sadd.s32 s19, s18  }
0x9c: {  	s6 =	simm.s32 $0x0;
	s20 =	sshll.u32 s4, $0x1;
	s4 =	sadd.s32 s21, s2  }
0x9d: {  	[timem:s6], [sflag:s22] =	dma.local [hbm:s4], s20  }
0x9e: {  	_ =	swait.ge [sflag:s22], s20  }
0x9f: {  	s3 =	ssub.s32 $0x0, s20;
	[sflag:s22] =	ssyncset.done $0x0  }
0xa0: {  	[sflag:s22] =	ssyncadd.s32 s3;
	_ =	sdelay $0x1  }
0xa1: {  	s23 =	simm.s32 $0x1B8B  }
0xa2: {  	_ =	swait.ge [sflag:s23], $0x1  }
0xa3: {  	[sflag:s23] =	ssyncset.done $0x0  }
0xa4: {  	s25 =	simm.s32 $0x1B8E;
	s24 =	sld [smem:$0x3FFE];
	[sflag:s23] =	ssyncadd.s32 $0xFFFFFFFF  }
0xa5: {  	s26 =	simm.s32 $execute0_lowered;
	[smem:$0x3FD2] =	sst s25  }
0xa6: {  	s4 =	sshll.u32 s26, $0x1;
	_ =	strace $0x80000046;
	[dreg:$0x1] =	wrdreg $0xFFFFFFFF  }
0xa7: {  	s28 =	simm.s32 $_size_execute0_lowered;
	s2 =	sadd.s32 s2, s4;
	[dreg:$0x0] =	wrdreg $0x0  }
0xa8: {  	s4 =	sshll.u32 s28, $0x1;
	[dreg:$0x2] =	wrdreg s2  }
0xa9: {  	[dreg:$0x3] =	wrdreg s4  }
0xaa: {  	[dreg:$0x4] =	wrdreg $0xC0  }
0xab: {  	_ =	task [dreg:s6], $0x5FFFF  }
0xac: {  	[dreg:$0x1] =	wrdreg $0xFFFFFFFF  }
0xad: {  	[dreg:$0x0] =	wrdreg $0x60  }
0xae: {  	[dreg:$0x2] =	wrdreg s24  }
0xaf: {  	[dreg:$0x3] =	wrdreg $0x83000  }
0xb0: {  	[dreg:$0x4] =	wrdreg $0x85800  }
0xb1: {  	[dreg:$0x5] =	wrdreg $0x9  }
0xb2: {  	_ =	task.clear_ibuf [dreg:s6], $0x6FFFF;
	_ =	strace $0x90000046  }
0xb3: {  	s29 =	simm.s32 $0x9;
	_ =	strace $0x80000048  }
0xb4: {  	_ =	swait.ge [sflag:s29], $0x1  }
0xb5: {  	[sflag:s29] =	ssyncadd.s32 $0xFFFFFFFF  }
0xb6: {  	_ =	strace $0x90000048  }
0xb7: {  	_ =	sfence  }
0xb8: {  	s30 =	sld [smem:$0x0];
	_ =	sdelay $0x2  }
0xb9: {  	s31 =	sshll.u32 s1, $0xD;
	s1 =	sshrl.u32 s1, $0x2  }
0xba: {  	s3 =	sand.u32 $0x4000, s31;
	s1 =	sadd.s32 s1, s30  }
0xbb: {  	s0 =	sor.u32 s3, s0;
	s1 =	sshll.u32 s1, $0x11  }
0xbc: {  	s0 =	sor.u32 s1, s0  }
0xbd: {  	s0 =	sadd.s32 $0x8F2B, s0  }
0xbe: {  	[sflag:s0] =	ssyncadd.remote.s32 $0x1  }
0xbf: {  	_ =	sfence.sel $0xFFFF  }
0xc0: {  	[dreg:$0x0] =	wrdreg $0xFFFFFFFF;
	(pc) =	sbr.abs _section_cstart, $3  }
0xc1: {  	[dreg:$0x1] =	wrdreg $0xFFFFFFFF  }
0xc2: {  	_ =	task.clear_ibuf [dreg:s6], $0x2FFFF;
	_ =	strace $0x9FFFFFFF  }
0xc3: {  	(tm) =	ssettm $0x7FFFFFFF  }
tec
execute0_lowered:
.L_overlay_start_1:
0x0: {  	(tag) =	ssettag $0x1  }
0x1: {  	s5 =	rddreg [dreg:$0x0]  }
0x2: {  	s2 =	rddreg [dreg:$0x1]  }
0x3: {  	s3 =	rddreg [dreg:$0x2]  }
0x4: {  	s0 =	rddreg [dreg:$0x3];
	s6 =	srdreg.scid  }
0x5: {  	s1 =	stileid.u32;
	s4 =	simm.s32 $0x0;
	s13 =	simm.s32 $0x1  }
0x6: {  	s14 =	simm.s32 $0x4000;
	s15 =	simm.s32 $0x50;
	s16 =	simm.s32 $0x8000  }
0x7: {  	s17 =	simm.s32 $0x0;
	s6 =	sand.u32 $0x1, s6;
	s7 =	smul.u32 $0x280, s1  }
0x8: {  	[smem:$0x7FF] =	sst s4;
	s9 =	sshll.u32 s1, $0xC;
	s8 =	smul.u32 $0x2800, s6  }
0x9: {  	_ =	strace $0x80000047;
	s10 =	sshll.u32 s6, $0xB;
	s6 =	ssub.s32 $0x2, s6  }
0xa: {  	s9 =	sor.u32 s10, s9;
	s31 =	sshrl.u32 s6, $0x1;
	s8 =	sadd.s32 s7, s8  }
0xb: {  	s9 =	sadd.s32 s9, s5;
	s12 =	ssub.s32 s6, s31;
	s8 =	sshrl.u32 s8, $0x3  }
0xc: {  	s6 =	sadd.s32 s7, s3;
	s11 =	sadd.s32 s8, s5;
	s5 =	sadd.s32 s7, s2  }
0xd: {  	s7 =	sadd.s32 $0x6C00, s9;
	s8 =	sadd.s32 $0x16C00, s9;
	s9 =	sadd.s32 $0x26C00, s11  }
0xe: {  	v0 =	vimm.f32 $0.0e+00;
	v1 =	vimm.f32 $1.000000000e+00;
	s10 =	sadd.s32 $0x27600, s11;
	s11 =	smax.u32 s12, $0x1;
	s12 =	simm.s32 $0x8080  }
.LBB2_1:
0xf: {  	[tilespmem:$0x8080] =	vst v0  }
0x10: {  	[tilespmem:$0x8090] =	vst v0  }
0x11: {  	[tilespmem:$0x80A0] =	vst v0  }
0x12: {  	[tilespmem:$0x80B0] =	vst v0  }
0x13: {  	[tilespmem:$0x80C0] =	vst v0  }
0x14: {  	[tilespmem:$0x80D0] =	vst v0  }
0x15: {  	[tilespmem:$0x80E0] =	vst v0  }
0x16: {  	[tilespmem:$0x80F0] =	vst v0  }
0x17: {  	[tilespmem:$0x8100] =	vst v0  }
0x18: {  	[tilespmem:$0x8110] =	vst v0  }
0x19: {  	[tilespmem:$0x8120] =	vst v0  }
0x1a: {  	[tilespmem:$0x8130] =	vst v0  }
0x1b: {  	[tilespmem:$0x8140] =	vst v0  }
0x1c: {  	[tilespmem:$0x8150] =	vst v0  }
0x1d: {  	[tilespmem:$0x8160] =	vst v0  }
0x1e: {  	[tilespmem:$0x8170] =	vst v0  }
0x1f: {  	[tilespmem:$0x8180] =	vst v0  }
0x20: {  	[tilespmem:$0x8190] =	vst v0  }
0x21: {  	[tilespmem:$0x81A0] =	vst v0  }
0x22: {  	[tilespmem:$0x81B0] =	vst v0  }
0x23: {  	[tilespmem:$0x81C0] =	vst v0  }
0x24: {  	[tilespmem:$0x81D0] =	vst v0  }
0x25: {  	[tilespmem:$0x81E0] =	vst v0  }
0x26: {  	[tilespmem:$0x81F0] =	vst v0  }
0x27: {  	[tilespmem:$0x8200] =	vst v0  }
0x28: {  	[tilespmem:$0x8210] =	vst v0  }
0x29: {  	[tilespmem:$0x8220] =	vst v0  }
0x2a: {  	[tilespmem:$0x8230] =	vst v0  }
0x2b: {  	[tilespmem:$0x8240] =	vst v0  }
0x2c: {  	[tilespmem:$0x8250] =	vst v0  }
0x2d: {  	[tilespmem:$0x8260] =	vst v0  }
0x2e: {  	[tilespmem:$0x8270] =	vst v0  }
0x2f: {  	[tilespmem:$0x8280] =	vst v0  }
0x30: {  	[tilespmem:$0x8290] =	vst v0  }
0x31: {  	[tilespmem:$0x82A0] =	vst v0  }
0x32: {  	[tilespmem:$0x82B0] =	vst v0  }
0x33: {  	[tilespmem:$0x82C0] =	vst v0  }
0x34: {  	[tilespmem:$0x82D0] =	vst v0  }
0x35: {  	[tilespmem:$0x82E0] =	vst v0  }
0x36: {  	[tilespmem:$0x82F0] =	vst v0  }
0x37: {  	[spmem:s5] =	stream.linear.scatter [tilespmem:s12], [sflag:$0x1], $0x280, $0x38;
	[tilespmem:$0x8800] =	vst v63  }
0x38: {  	_ =	swait.ge [sflag:s13], $0x280  }
0x39: {  	[sflag:s13] =	ssyncset.done $0x0  }
0x3a: {  	[sflag:s13] =	ssyncadd.s32 $0xFFFFFD80  }
0x3b: {  	[spmem:s6] =	stream.linear.scatter [tilespmem:s12], [sflag:$0x1], $0x280, $0x38;
	[tilespmem:$0x8800] =	vst v63  }
0x3c: {  	_ =	swait.ge [sflag:s13], $0x280  }
0x3d: {  	[sflag:s13] =	ssyncset.done $0x0  }
0x3e: {  	[sflag:s13] =	ssyncadd.s32 $0xFFFFFD80  }
0x3f: {  	[tilespmem:s4], [sflag:$0x1] =	stream.linear.gather [hbm4b:s7+s4], $0x3E80, $0x38;
	[tilespmem:$0x8800] =	vst v63  }
0x40: {  	_ =	swait.ge [sflag:s13], $0x3E80  }
0x41: {  	[sflag:s13] =	ssyncset.done $0x0  }
0x42: {  	[sflag:s13] =	ssyncadd.s32 $0xFFFFC180  }
0x43: {  	[tilespmem:s14], [sflag:$0x1] =	stream.linear.gather [hbm4b:s8+s4], $0x3E80, $0x38;
	[tilespmem:$0x8800] =	vst v63  }
0x44: {  	_ =	swait.ge [sflag:s13], $0x3E80  }
0x45: {  	[sflag:s13] =	ssyncset.done $0x0  }
0x46: {  	[sflag:s13] =	ssyncadd.s32 $0xFFFFC180  }
0x47: {  	[tilespmem:$0x8000] =	vst v1  }
0x48: {  	[tilespmem:$0x8010] =	vst v1  }
0x49: {  	[tilespmem:$0x8020] =	vst v1  }
0x4a: {  	[tilespmem:$0x8030] =	vst v1  }
0x4b: {  	[tilespmem:$0x8040] =	vst v1  }
0x4c: {  	s18 =	simm.s32 $0x4000;
	[bflag:$0x0] =	sbarrier.arrive $0xFFFF  }
0x4d: {  	[spmem:s2] =	stream.indirect.scatter.add.f32 [tilespmem:s16], [sflag:$0x1], $0x1, s18, s15, $0xb8;
	[tilespmem:$0x8800] =	vst v63  }
0x4e: {  	_ =	swait.ge [sflag:s13], $0x50  }
0x4f: {  	[sflag:s13] =	ssyncset.done $0x0  }
0x50: {  	s31 =	simm.s32 $0x0;
	[sflag:s13] =	ssyncadd.s32 $0xFFFFFFB0  }
0x51: {  	[spmem:s3] =	stream.indirect.scatter.add.f32 [tilespmem:s16], [sflag:$0x1], $0x1, s31, s15, $0xb8;
	[tilespmem:$0x8800] =	vst v63  }
0x52: {  	_ =	swait.ge [sflag:s13], $0x50  }
0x53: {  	s19 =	simm.s32 $0x400;
	s18 =	simm.s32 $0x80;
	[sflag:s13] =	ssyncset.done $0x0  }
.LBB2_2:
0x54: {  	s20 =	sadd.s32 $0x4000, s18  }
0x55: {  	[sflag:s13] =	ssyncadd.s32 $0xFFFFFFB0;
	s21 =	smov.u32 s19;
	s22 =	sadd.s32 $0x200, s19  }
0x56: {  	[spmem:s2] =	stream.indirect.scatter.add.f32 [tilespmem:s16], [sflag:$0x1], $0x1, s20, s15, $0xb8;
	[tilespmem:$0x8800] =	vst v63  }
0x57: {  	p0 =	sne.s32 s19, $0xF800;
	_ =	swait.ge [sflag:s13], $0x50  }
.Ltmp0:
0x58: {  	[sflag:s13] =	ssyncset.done $0x0;
	(pc) =	sbr.rel @p0 .LBB2_2-.Ltmp0, $4  }
0x59: {  	[sflag:s13] =	ssyncadd.s32 $0xFFFFFFB0  }
0x5a: {  	[spmem:s3] =	stream.indirect.scatter.add.f32 [tilespmem:s16], [sflag:$0x1], $0x1, s18, s15, $0xb8;
	[tilespmem:$0x8800] =	vst v63  }
0x5b: {  	_ =	swait.ge [sflag:s13], $0x50  }
0x5c: {  	s19 =	smov.u32 s22;
	s18 =	sshra.s32 s21, $0x2;
	[sflag:s13] =	ssyncset.done $0x0  }
0x5d: {  	s19 =	sadd.s32 $0x4000, s18;
	[sflag:s13] =	ssyncadd.s32 $0xFFFFFFB0  }
0x5e: {  	[spmem:s2] =	stream.indirect.scatter.add.f32 [tilespmem:s16], [sflag:$0x1], $0x1, s19, s15, $0xb8;
	[tilespmem:$0x8800] =	vst v63  }
0x5f: {  	_ =	swait.ge [sflag:s13], $0x50  }
0x60: {  	[sflag:s13] =	ssyncset.done $0x0  }
0x61: {  	[sflag:s13] =	ssyncadd.s32 $0xFFFFFFB0  }
0x62: {  	[spmem:s3] =	stream.indirect.scatter.add.f32 [tilespmem:s16], [sflag:$0x1], $0x1, s18, s15, $0xb8;
	[tilespmem:$0x8800] =	vst v63  }
0x63: {  	_ =	swait.ge [sflag:s13], $0x50  }
0x64: {  	[sflag:s13] =	ssyncset.done $0x0  }
0x65: {  	[sflag:s13] =	ssyncadd.s32 $0xFFFFFFB0  }
0x66: {  	[bflag:$0x0] =	sbarrier.arrive $0xFFFF  }
0x67: {  	[tilespmem:s12], [sflag:$0x1] =	stream.linear.gather [spmem:s5], $0x280, $0x38;
	[tilespmem:$0x8800] =	vst v63  }
0x68: {  	_ =	swait.ge [sflag:s13], $0x280  }
0x69: {  	[sflag:s13] =	ssyncset.done $0x0  }
0x6a: {  	[sflag:s13] =	ssyncadd.s32 $0xFFFFFD80  }
0x6b: {  	[hbm4b:s9+s4] =	stream.linear.scatter [tilespmem:s12], [sflag:$0x1], $0x280, $0x38;
	[tilespmem:$0x8800] =	vst v63  }
0x6c: {  	_ =	swait.ge [sflag:s13], $0x280  }
0x6d: {  	[sflag:s13] =	ssyncset.done $0x0  }
0x6e: {  	[sflag:s13] =	ssyncadd.s32 $0xFFFFFD80  }
0x6f: {  	[tilespmem:s12], [sflag:$0x1] =	stream.linear.gather [spmem:s6], $0x280, $0x38;
	[tilespmem:$0x8800] =	vst v63  }
0x70: {  	s17 =	sadd.s32 $0x1, s17;
	_ =	swait.ge [sflag:s13], $0x280  }
0x71: {  	p0 =	sne.s32 s17, s11;
	[sflag:s13] =	ssyncset.done $0x0  }
.Ltmp1:
0x72: {  	[sflag:s13] =	ssyncadd.s32 $0xFFFFFD80;
	(pc) =	sbr.rel @p0 .LBB2_1-.Ltmp1, $4  }
0x73: {  	[hbm4b:s10+s4] =	stream.linear.scatter [tilespmem:s12], [sflag:$0x1], $0x280, $0x38;
	[tilespmem:$0x8800] =	vst v63  }
0x74: {  	_ =	swait.ge [sflag:s13], $0x280  }
0x75: {  	[sflag:s13] =	ssyncset.done $0x0  }
0x76: {  	[sflag:s13] =	ssyncadd.s32 $0xFFFFFD80  }
0x77: {  	_ =	sfence.sel $0x180000  }
0x78: {  	[bflag:$0x0] =	sbarrier.arrive $0xFFFF  }
0x79: {  	p0 =	sne.s32 s1, $0x0;
	_ =	strace $0x90000047  }
0x7a: {  	s0 =	sadd.s32 @!p0 $0x100000, s0;
	[bflag:$0x2] =	sbarrier.arrive $0xFFFF  }
0x7b: {  	[sflag:s0] =	ssyncadd.tile.s32 @!p0 $0x1;
	_ =	shalt  }
.Lfunc_end2:
_tile_overlayer_lowered:
.L_overlay_start_2:
0x7c: {  	(tag) =	ssettag $0x2  }
0x7d: {  	s0 =	rddreg [dreg:$0x0];
	s2 =	stileid.u32  }
0x7e: {  	s1 =	rddreg [dreg:$0x1];
	p0 =	sne.s32 s2, $0x0  }
0x7f: {  	s3 =	rddreg [dreg:$0x2];
	[bflag:$0x3] =	sbarrier.arrive $0xFFFF;
	s2 =	simm.s32 @!p0 $0x1C01  }
0x80: {  	[timem:s3], [sflag:s2] =	dma.local @!p0 [hbm:s0], s1  }
0x81: {  	s0 =	simm.s32 @!p0 $0x1  }
0x82: {  	_ =	swait.ge @!p0 [sflag:s0], s1  }
0x83: {  	s1 =	ssub.s32 @!p0 $0x0, s1;
	[sflag:s0] =	ssyncset.done @!p0 $0x0  }
0x84: {  	[sflag:s0] =	ssyncadd.s32 @!p0 s1  }
0x85: {  	[bflag:$0x3] =	sbarrier.arrive $0xFFFF  }
0x86: {  	_ =	shalt  }

// kernel: kernel.14.cloned.1.call-start
scs
__scs_entry_jumppad:
0x0: {  	(pc) =	sbr.rel $0x88, $3  }
0x1: {  	(tag) =	ssettag $0x0;
	lr =	simm.s32 $0x1  }
0x2: {  	[smem:$0x3F81] =	sst lr;
	_ =	strace $0xD0000000  }
0x3: {  	_ = 	snop  }
0x4: {  	_ = 	snop  }
0x5: {  	_ = 	snop  }
0x6: {  	_ = 	snop  }
0x7: {  	_ = 	snop  }
__scs_overlays_trampoline_lowered:
0x8: {  	[smem:$0x3F90] =	sst s0  }
0x9: {  	[smem:$0x3F91] =	sst s1  }
0xa: {  	[smem:$0x3F92] =	sst s2  }
0xb: {  	[smem:$0x3F93] =	sst s3  }
0xc: {  	[smem:$0x3F94] =	sst s4  }
0xd: {  	[smem:$0x3F95] =	sst s5  }
0xe: {  	[smem:$0x3F96] =	sst s6  }
0xf: {  	[smem:$0x3F97] =	sst s7  }
0x10: {  	[smem:$0x3F98] =	sst s8  }
0x11: {  	[smem:$0x3F99] =	sst s9;
	s0 =	simm.s32 @!p0 $0x0  }
0x12: {  	s1 =	sld [smem:$0x3F7F];
	s0 =	simm.s32 @p0 $0x1  }
0x13: {  	[smem:$0x3F9A] =	sst s0;
	s0 =	simm.s32 @!p1 $0x0  }
0x14: {  	s2 =	sld [smem:$0x3F7E];
	s0 =	simm.s32 @p1 $0x1  }
0x15: {  	[smem:$0x3F9B] =	sst s0;
	s0 =	simm.s32 @!p2 $0x0  }
0x16: {  	s3 =	sld [smem:$0x3FDB];
	s0 =	simm.s32 @p2 $0x1  }
0x17: {  	s4 =	simm.s32 $0x1BF5;
	[smem:$0x3F9D] =	sst s0  }
0x18: {  	s0 =	sld [smem:$0x3F80];
	_ =	swait.ge [sflag:s4], $0x0  }
0x19: {  	s7 =	sld [smem:$0x3F81]  }
0x1a: {  	s8 =	sadd.s32 $0xFFFFE003, lr  }
0x1b: {  	s9 =	sadd.s32 $0xFFFFFEF7, lr;
	s5 =	simm.s32 $0xFFFFFFFF;
	p2 =	slt.u32 s8, $0xFFFFF086  }
0x1c: {  	p1 =	slt.u32 s9, $0xF7A;
	s5 =	simm.s32 @!p2 $0x0  }
0x1d: {  	s5 =	simm.s32 @p1 $0x1;
	p0 =	seq.s32 s7, s2  }
0x1e: {  	s7 =	smul.u32 @!p0 $0xF7A, s2;
	p2 =	seq.s32 @!p0 s5, $0x0  }
0x1f: {  	s9 =	smul.u32 $0xF7A, s1;
	s8 =	simm.s32 @!p0 $0x1BF5;
	p2 =	por !p2, p0  }
0x20: {  	[sflag:s8] =	ssyncset.s32 @!p0 $0xFFFFF086;
	s6 =	sadd.s32 @!p0 s3, s7;
	s7 =	simm.s32 @!p0 $0x108  }
0x21: {  	s3 =	sadd.s32 s3, s9;
	s6 =	sadd.s32 @!p0 $0x88, s6;
	s7 =	simm.s32 @p2 $0x1082  }
0x22: {  	[simem:s7], [sflag:s8] =	dma.local @!p0 [hbm:s6], $0xF7A  }
0x23: {  	s9 =	sor.u32 $0xD0000000, s2;
	s6 =	simm.s32 $0x108;
	_ =	swait.ge @!p0 [sflag:s8], $0x0  }
0x24: {  	s3 =	sadd.s32 $0x88, s3;
	s6 =	simm.s32 @!p1 $0x1082;
	[sflag:s4] =	ssyncset.s32 $0xFFFFF086  }
0x25: {  	[simem:s6], [sflag:s4] =	dma.local [hbm:s3], $0xF7A  }
0x26: {  	[smem:$0x3F81] =	sst s1;
	(tag) =	ssettag s2;
	_ =	strace s9  }
0x27: {  	s1 =	sld [smem:$0x3F91]  }
0x28: {  	s2 =	sld [smem:$0x3F92]  }
0x29: {  	s4 =	sld [smem:$0x3F94]  }
0x2a: {  	p0 =	seq.s32 s5, $0x0;
	s5 =	sld [smem:$0x3F95]  }
0x2b: {  	s6 =	sld [smem:$0x3F96]  }
0x2c: {  	s7 =	sld [smem:$0x3F97]  }
0x2d: {  	s3 =	simm.s32 $0x108;
	s8 =	sld [smem:$0x3F98]  }
0x2e: {  	s3 =	simm.s32 @!p0 $0x1082;
	s9 =	sld [smem:$0x3F99]  }
0x2f: {  	lr =	sadd.s32 s0, s3;
	s0 =	sld [smem:$0x3F90]  }
0x30: {  	s3 =	sld [smem:$0x3F93]  }
0x31: {  	[smem:$0x3F9C] =	sst s10  }
0x32: {  	s10 =	sld [smem:$0x3F9A];
	_ =	sdelay $0x3  }
0x33: {  	p0 =	seq.s32 s10, $0x1;
	s10 =	sld [smem:$0x3F9C];
	_ =	sdelay $0x3  }
0x34: {  	[smem:$0x3F9C] =	sst s10  }
0x35: {  	s10 =	sld [smem:$0x3F9B];
	_ =	sdelay $0x3  }
0x36: {  	p1 =	seq.s32 s10, $0x1;
	s10 =	sld [smem:$0x3F9C];
	_ =	sdelay $0x3  }
0x37: {  	[smem:$0x3F9C] =	sst s10  }
0x38: {  	s10 =	sld [smem:$0x3F9D]  }
0x39: {  	_ = 	snop;
	(pc) =	sbr.ind lr, $3  }
0x3a: {  	_ = 	snop  }
0x3b: {  	_ = 	snop  }
0x3c: {  	p2 =	seq.s32 s10, $0x1;
	s10 =	sld [smem:$0x3F9C]  }
0x3d: {  	_ =	shalt  }
0x3e: {  	_ =	shalt  }
0x3f: {  	_ =	shalt  }
0x40: {  	_ =	shalt  }
0x41: {  	_ =	shalt  }
0x42: {  	_ =	shalt  }
0x43: {  	_ =	shalt  }
0x44: {  	_ =	shalt  }
0x45: {  	_ =	shalt  }
0x46: {  	_ =	shalt  }
0x47: {  	_ =	shalt  }
0x48: {  	_ =	shalt  }
0x49: {  	_ =	shalt  }
0x4a: {  	_ =	shalt  }
0x4b: {  	_ =	shalt  }
0x4c: {  	_ =	shalt  }
0x4d: {  	_ =	shalt  }
0x4e: {  	_ =	shalt  }
0x4f: {  	_ =	shalt  }
0x50: {  	_ =	shalt  }
0x51: {  	_ =	shalt  }
0x52: {  	_ =	shalt  }
0x53: {  	_ =	shalt  }
0x54: {  	_ =	shalt  }
0x55: {  	_ =	shalt  }
0x56: {  	_ =	shalt  }
0x57: {  	_ =	shalt  }
0x58: {  	_ =	shalt  }
0x59: {  	_ =	shalt  }
0x5a: {  	_ =	shalt  }
0x5b: {  	_ =	shalt  }
0x5c: {  	_ =	shalt  }
0x5d: {  	_ =	shalt  }
0x5e: {  	_ =	shalt  }
0x5f: {  	_ =	shalt  }
0x60: {  	_ =	shalt  }
0x61: {  	_ =	shalt  }
0x62: {  	_ =	shalt  }
0x63: {  	_ =	shalt  }
0x64: {  	_ =	shalt  }
0x65: {  	_ =	shalt  }
0x66: {  	_ =	shalt  }
0x67: {  	_ =	shalt  }
0x68: {  	_ =	shalt  }
0x69: {  	_ =	shalt  }
0x6a: {  	_ =	shalt  }
0x6b: {  	_ =	shalt  }
0x6c: {  	_ =	shalt  }
0x6d: {  	_ =	shalt  }
0x6e: {  	_ =	shalt  }
0x6f: {  	_ =	shalt  }
0x70: {  	_ =	shalt  }
0x71: {  	_ =	shalt  }
0x72: {  	_ =	shalt  }
0x73: {  	_ =	shalt  }
0x74: {  	_ =	shalt  }
0x75: {  	_ =	shalt  }
0x76: {  	_ =	shalt  }
0x77: {  	_ =	shalt  }
0x78: {  	_ =	shalt  }
0x79: {  	_ =	shalt  }
0x7a: {  	_ =	shalt  }
0x7b: {  	_ =	shalt  }
0x7c: {  	_ =	shalt  }
0x7d: {  	_ =	shalt  }
0x7e: {  	_ =	shalt  }
0x7f: {  	_ =	shalt  }
0x80: {  	_ =	shalt  }
0x81: {  	_ =	shalt  }
0x82: {  	_ =	shalt  }
0x83: {  	_ =	shalt  }
0x84: {  	_ =	shalt  }
0x85: {  	_ =	shalt  }
0x86: {  	_ =	shalt  }
0x87: {  	_ =	shalt  }
.Lfunc_end0:
.L_simem_size_0:
called_computation.1_lowered:
.L_overlay_start_0:
0x88: {  	s2 =	sld [smem:$0x3FD9]  }
0x89: {  	s3 =	sld [smem:$0x3FFE];
	_ =	sdelay $0x1  }
0x8a: {  	s1 =	srdreg.scid  }
0x8b: {  	s0 =	sand.u32 $0x1, s1  }
0x8c: {  	s15 =	sshll.u32 s0, $0xA;
	s2 =	sadd.s32 s3, s2  }
0x8d: {  	s2 =	sadd.s32 s2, s15  }
0x8e: {  	[smem:$0x3FA8] =	sst s2  }
0x8f: {  	_ = 	snop  }
0x90: {  	s2 =	sld [smem:$0x3FD0];
	_ =	sdelay $0x2  }
0x91: {  	s16 =	simm.s32 $0xB;
	s4 =	simm.s32 $0x10  }
0x92: {  	[smem:s4], [sflag:s16] =	dma.local [hbm:s2], $0x1  }
0x93: {  	_ =	swait.eq [sflag:s16], $0x1  }
0x94: {  	[sflag:s16] =	ssyncset.done $0x0  }
0x95: {  	[sflag:s16] =	ssyncadd.s32 $0xFFFFFFFF  }
0x96: {  	s17 =	sld [smem:$0x10];
	(tm) =	ssettm $0x1  }
0x97: {  	s18 =	sld [smem:$0x3FFB];
	_ =	sdelay $0x3  }
0x98: {  	_ =	strace s18  }
0x99: {  	s2 =	sld [smem:$0x3FFC];
	_ =	sdelay $0x3  }
0x9a: {  	_ =	strace s2  }
0x9b: {  	s2 =	sld [smem:$0x3FFD];
	_ =	sdelay $0x3  }
0x9c: {  	_ =	strace s2  }
0x9d: {  	_ =	strace $0x8FFFFFFF  }
0x9e: {  	s19 =	sld [smem:$0x3FDB];
	_ =	sdelay $0x1  }
0x9f: {  	s20 =	simm.s32 $_scs_section_size  }
0xa0: {  	s5 =	simm.s32 $_size__tile_overlayer_lowered;
	s6 =	simm.s32 $_tile_overlayer_lowered  }
0xa1: {  	s7 =	simm.s32 $0x1BFF;
	s21 =	sshll.u32 s6, $0x1;
	s4 =	sadd.s32 s20, s19  }
0xa2: {  	s22 =	simm.s32 $0x0;
	s5 =	sshll.u32 s5, $0x1;
	s6 =	sadd.s32 s21, s4  }
0xa3: {  	[timem:s22], [sflag:s7] =	dma.local [hbm:s6], s5  }
0xa4: {  	_ =	swait.ge [sflag:s7], s5  }
0xa5: {  	s5 =	ssub.s32 $0x0, s5;
	[sflag:s7] =	ssyncset.done $0x0  }
0xa6: {  	[sflag:s7] =	ssyncadd.s32 s5;
	_ =	sdelay $0x1  }
0xa7: {  	s23 =	simm.s32 $0x1B8B  }
0xa8: {  	_ =	swait.ge [sflag:s23], $0x1  }
0xa9: {  	[sflag:s23] =	ssyncset.done $0x0  }
0xaa: {  	[sflag:s23] =	ssyncadd.s32 $0xFFFFFFFF  }
0xab: {  	s5 =	sld [smem:$0x0]  }
0xac: {  	s6 =	sand.u32 $0xFFFFFFFE, s1  }
0xad: {  	p0 =	sne.s32 s1, s6  }
0xae: {  	s6 =	sshll.u32 @p0 s6, $0xE  }
0xaf: {  	s6 =	sadd.s32 @p0 $0x11B8D, s6;
	s7 =	sshll.u32 @p0 s5, $0x11  }
0xb0: {  	s6 =	sor.u32 @p0 s7, s6  }
0xb1: {  	[sflag:s6] =	ssyncadd.remote.s32 @p0 $0x1;
	_ =	sdelay $0x1  }
0xb2: {  	s6 =	simm.s32 @p0 $0x1B8D  }
0xb3: {  	_ =	swait.eq @p0 [sflag:s6], $0x1  }
0xb4: {  	[sflag:s6] =	ssyncadd.s32 @p0 $0xFFFFFFFF  }
0xb5: {  	s7 =	sshll.u32 @!p0 s1, $0xE  }
0xb6: {  	s7 =	sor.u32 @!p0 $0x4000, s7;
	s6 =	simm.s32 @!p0 $0x1B8D  }
0xb7: {  	s5 =	sshll.u32 @!p0 s5, $0x11;
	s7 =	sadd.s32 @!p0 $0x11B8D, s7;
	_ =	swait.eq @!p0 [sflag:s6], $0x1  }
0xb8: {  	s5 =	sor.u32 @!p0 s5, s7;
	[sflag:s6] =	ssyncadd.s32 @!p0 $0xFFFFFFFF  }
0xb9: {  	s25 =	simm.s32 $0x1B8E;
	s24 =	sld [smem:$0x3FFE];
	[sflag:s5] =	ssyncadd.remote.s32 @!p0 $0x1  }
0xba: {  	s26 =	simm.s32 $execute0_lowered;
	[smem:$0x3FD2] =	sst s25  }
0xbb: {  	s6 =	sshll.u32 s26, $0x1;
	_ =	strace $0x80000049;
	[dreg:$0x1] =	wrdreg $0xFFFFFFFF  }
0xbc: {  	s28 =	simm.s32 $_size_execute0_lowered;
	s4 =	sadd.s32 s4, s6;
	[dreg:$0x0] =	wrdreg $0x0  }
0xbd: {  	s6 =	sshll.u32 s28, $0x1;
	[dreg:$0x2] =	wrdreg s4  }
0xbe: {  	[dreg:$0x3] =	wrdreg s6  }
0xbf: {  	[dreg:$0x4] =	wrdreg $0xC0  }
0xc0: {  	_ =	task [dreg:s22], $0x5FFFF  }
0xc1: {  	[dreg:$0x1] =	wrdreg $0xFFFFFFFF  }
0xc2: {  	[dreg:$0x0] =	wrdreg $0x60  }
0xc3: {  	[dreg:$0x2] =	wrdreg s17  }
0xc4: {  	[dreg:$0x3] =	wrdreg s24  }
0xc5: {  	[dreg:$0x4] =	wrdreg $0xB4000  }
0xc6: {  	[dreg:$0x5] =	wrdreg $0xA  }
0xc7: {  	_ =	task.clear_ibuf [dreg:s22], $0x6FFFF;
	_ =	strace $0x90000049  }
0xc8: {  	s29 =	simm.s32 $0xA;
	_ =	strace $0x8000004B  }
0xc9: {  	_ =	swait.ge [sflag:s29], $0x1  }
0xca: {  	[sflag:s29] =	ssyncadd.s32 $0xFFFFFFFF  }
0xcb: {  	_ =	strace $0x9000004B  }
0xcc: {  	_ =	sfence  }
0xcd: {  	s30 =	sld [smem:$0x0];
	_ =	sdelay $0x2  }
0xce: {  	s31 =	sshll.u32 s1, $0xD;
	s1 =	sshrl.u32 s1, $0x2  }
0xcf: {  	s4 =	sand.u32 $0x4000, s31;
	s1 =	sadd.s32 s1, s30  }
0xd0: {  	s0 =	sor.u32 s4, s0;
	s1 =	sshll.u32 s1, $0x11  }
0xd1: {  	s0 =	sor.u32 s1, s0  }
0xd2: {  	s0 =	sadd.s32 $0x8F2B, s0  }
0xd3: {  	[sflag:s0] =	ssyncadd.remote.s32 $0x1  }
0xd4: {  	_ =	sfence.sel $0xFFFF  }
0xd5: {  	[dreg:$0x0] =	wrdreg $0xFFFFFFFF;
	(pc) =	sbr.abs _section_cstart, $3  }
0xd6: {  	[dreg:$0x1] =	wrdreg $0xFFFFFFFF  }
0xd7: {  	_ =	task.clear_ibuf [dreg:s22], $0x2FFFF;
	_ =	strace $0x9FFFFFFF  }
0xd8: {  	(tm) =	ssettm $0x7FFFFFFF  }
0xd9: {  	_ =	shalt  }
tec
execute0_lowered:
.L_overlay_start_1:
0x0: {  	(tag) =	ssettag $0x1  }
0x1: {  	s1 =	rddreg [dreg:$0x0]  }
0x2: {  	s0 =	rddreg [dreg:$0x1]  }
0x3: {  	s2 =	rddreg [dreg:$0x2];
	s3 =	srdreg.scid;
	s9 =	simm.s32 $0x0  }
0x4: {  	s7 =	stileid.u32;
	s15 =	simm.s32 $0x19;
	s16 =	simm.s32 $0x5000  }
0x5: {  	s18 =	simm.s32 $0x5C80;
	s29 =	simm.s32 $0x9B00;
	s31 =	simm.s32 $0xA780  }
0x6: {  	s10 =	simm.s32 $0x4;
	s11 =	simm.s32 $0x5;
	s12 =	simm.s32 $0x7  }
0x7: {  	s14 =	simm.s32 $0x9;
	s17 =	simm.s32 $0xA;
	s28 =	simm.s32 $0xF  }
0x8: {  	s30 =	simm.s32 $0x10;
	s3 =	sand.u32 $0x1, s3;
	[smem:$0x7FF] =	sst s9  }
0x9: {  	s5 =	smul.u32 $0x14000, s7;
	s6 =	sadd.s32 $0x28000, s0;
	s19 =	sadd.s32 $0x5A000, s0  }
0xa: {  	s21 =	smul.u32 $0x50000, s7;
	s8 =	sadd.s32 $0x8C000, s0;
	s23 =	sshll.u32 s7, $0x1  }
0xb: {  	s25 =	sshll.u32 s7, $0x6;
	_ =	strace $0x8000004A;
	[dreg:$0x5] =	wrdreg s6  }
0xc: {  	s7 =	simm.s32 $0x3;
	s4 =	smul.u32 $0x140000, s3;
	[dreg:$0x6] =	wrdreg s19  }
0xd: {  	s20 =	ssub.s32 $0x2, s3;
	[dreg:$0x7] =	wrdreg s8;
	s3 =	sor.u32 s3, s23  }
0xe: {  	s8 =	simm.s32 $0x6;
	s19 =	simm.s32 $0xB;
	s23 =	simm.s32 $0xD  }
0xf: {  	s22 =	sshrl.u32 s20, $0x1;
	s6 =	sshrl.u32 s21, $0x2;
	s3 =	smul.u32 $0x5, s3  }
0x10: {  	s21 =	simm.s32 $0xC;
	s4 =	sadd.s32 s5, s4;
	s24 =	sadd.s32 s6, s2  }
0x11: {  	s6 =	sor.u32 $0x1C11, s25;
	s25 =	simm.s32 $0xE;
	s4 =	sshrl.u32 s4, $0x3  }
0x12: {  	[dreg:$0x9] =	wrdreg s3;
	s13 =	sshrl.u32 s24, $0x3;
	s24 =	simm.s32 $0x8200  }
.Ltmp0:
0x13: {  	s3 =	simm.s32 $0x2;
	[dreg:$0x8] =	wrdreg s6;
	(pc) =	sbr.rel .LBB2_1-.Ltmp0, $4  }
0x14: {  	s0 =	sadd.s32 s4, s0;
	s4 =	ssub.s32 s20, s22;
	s20 =	simm.s32 $0x6900  }
0x15: {  	s22 =	simm.s32 $0x7580;
	[dreg:$0xc] =	wrdreg s13;
	s0 =	sadd.s32 $0x8E800, s0  }
0x16: {  	s26 =	smax.u32 s4, $0x1;
	s4 =	simm.s32 $0x8;
	[dreg:$0xa] =	wrdreg s0  }
0x17: {  	[dreg:$0xb] =	wrdreg s26;
	s26 =	simm.s32 $0x8E80;
	s0 =	simm.s32 $0x1  }
.LBB2_6:
0x18: {  	[bflag:$0x0] =	sbarrier.arrive $0xFFFF  }
0x19: {  	s6 =	rddreg [dreg:$0x8]  }
0x1a: {  	s5 =	rddreg [dreg:$0xa]  }
0x1b: {  	s13 =	rddreg [dreg:$0xc]  }
0x1c: {  	[hbm:s5], [sflag:s6] =	dma.local [spmem:s13], $0x2800  }
0x1d: {  	s5 =	simm.s32 $0x11  }
0x1e: {  	_ =	swait.ge [sflag:s5], $0x2800  }
0x1f: {  	s9 =	rddreg [dreg:$0x4]  }
0x20: {  	[sflag:s5] =	ssyncset.done $0x0;
	s5 =	rddreg [dreg:$0xb];
	s9 =	sadd.s32 $0x1, s9  }
0x21: {  	p0 =	sne.s32 s9, s5  }
.Ltmp1:
0x22: {  	_ = 	snop;
	(pc) =	sbr.rel @!p0 .LBB2_7-.Ltmp1, $3  }
0x23: {  	_ =	sdelay $0x1  }
0x24: {  	s5 =	simm.s32 $0x11  }
0x25: {  	[sflag:s5] =	ssyncadd.s32 $0xFFFFD800  }
.LBB2_1:
0x26: {  	[dreg:$0x4] =	wrdreg s9  }
0x27: {  	s9 =	simm.s32 $0x11;
	s5 =	rddreg [dreg:$0x7]  }
0x28: {  	[spmem:s13], [sflag:s6] =	dma.local [hbm:s5], $0x2800  }
.Ltmp2:
0x29: {  	_ =	swait.ge [sflag:s9], $0x2800;
	(pc) =	sbr.rel .LBB2_2-.Ltmp2, $4  }
0x2a: {  	[sflag:s9] =	ssyncset.done $0x0  }
0x2b: {  	[sflag:s9] =	ssyncadd.s32 $0xFFFFD800  }
0x2c: {  	[bflag:$0x0] =	sbarrier.arrive $0xFFFF  }
0x2d: {  	s5 =	simm.s32 $0x0  }
.LBB2_5:
0x2e: {  	_ =	swait.ge [sflag:s17], $0xC80  }
0x2f: {  	[sflag:s17] =	ssyncset.done $0x0  }
0x30: {  	[sflag:s17] =	ssyncadd.s32 $0xFFFFF380  }
0x31: {  	_ =	swait.ge [sflag:s19], $0xC80  }
0x32: {  	[sflag:s19] =	ssyncset.done $0x0  }
0x33: {  	[sflag:s19] =	ssyncadd.s32 $0xFFFFF380  }
0x34: {  	_ =	swait.ge [sflag:s21], $0xC80  }
0x35: {  	[sflag:s21] =	ssyncset.done $0x0  }
0x36: {  	[sflag:s21] =	ssyncadd.s32 $0xFFFFF380  }
0x37: {  	_ =	swait.ge [sflag:s23], $0xC80  }
0x38: {  	[sflag:s23] =	ssyncset.done $0x0  }
0x39: {  	[sflag:s23] =	ssyncadd.s32 $0xFFFFF380  }
0x3a: {  	_ =	swait.ge [sflag:s25], $0xC80  }
0x3b: {  	[sflag:s25] =	ssyncset.done $0x0  }
0x3c: {  	[sflag:s25] =	ssyncadd.s32 $0xFFFFF380  }
0x3d: {  	_ =	swait.ge [sflag:s28], $0xC80  }
0x3e: {  	[sflag:s28] =	ssyncset.done $0x0  }
0x3f: {  	[sflag:s28] =	ssyncadd.s32 $0xFFFFF380  }
0x40: {  	_ =	swait.ge [sflag:s30], $0xC80  }
0x41: {  	s5 =	rddreg [dreg:$0xd]  }
0x42: {  	s5 =	sadd.s32 $0x1, s5  }
0x43: {  	p0 =	sne.s32 s5, $0x5  }
.Ltmp3:
0x44: {  	_ = 	snop;
	(pc) =	sbr.rel @!p0 .LBB2_6-.Ltmp3, $3  }
0x45: {  	_ =	sdelay $0x1  }
0x46: {  	[sflag:s30] =	ssyncset.done $0x0  }
0x47: {  	[sflag:s30] =	ssyncadd.s32 $0xFFFFF380  }
.LBB2_2:
0x48: {  	s6 =	rddreg [dreg:$0x9]  }
0x49: {  	s6 =	sadd.s32 s6, s5  }
0x4a: {  	[dreg:$0xd] =	wrdreg s5;
	s9 =	smul.u32 $0x500, s6  }
0x4b: {  	s5 =	rddreg [dreg:$0x5]  }
0x4c: {  	s6 =	simm.s32 $0x0;
	s13 =	sadd.s32 s5, s9;
	s5 =	simm.s32 $0x11  }
0x4d: {  	[tilespmem:s6], [sflag:$0x11] =	stream.linear.gather [hbm4b:s13+s6], $0x2800, $0x38;
	[tilespmem:$0x1F400] =	vst v63  }
0x4e: {  	_ =	swait.ge [sflag:s5], $0x2800  }
0x4f: {  	[sflag:s5] =	ssyncset.done $0x0;
	s13 =	rddreg [dreg:$0x6]  }
0x50: {  	[sflag:s5] =	ssyncadd.s32 $0xFFFFD800;
	s9 =	sadd.s32 s13, s9;
	s13 =	simm.s32 $0x2800  }
0x51: {  	[tilespmem:s13], [sflag:$0x11] =	stream.linear.gather [hbm4b:s9+s6], $0x2800, $0x38;
	[tilespmem:$0x1F400] =	vst v63  }
0x52: {  	_ =	swait.ge [sflag:s5], $0x2800  }
0x53: {  	[sflag:s5] =	ssyncset.done $0x0  }
0x54: {  	[sflag:s5] =	ssyncadd.s32 $0xFFFFD800  }
0x55: {  	[tilespmem:s16], [sflag:$0x1] =	stream.indirect.gather [hbm4b:s1+s15], $0x80, s6, s15, $0xb8;
	[tilespmem:$0x1F400] =	vst v63  }
0x56: {  	s13 =	simm.s32 $0x80  }
0x57: {  	[tilespmem:s18], [sflag:$0x2] =	stream.indirect.gather [hbm4b:s1+s15], $0x80, s13, s15, $0xb8;
	[tilespmem:$0x1F400] =	vst v63  }
0x58: {  	s9 =	simm.s32 $0x100  }
0x59: {  	[tilespmem:s20], [sflag:$0x3] =	stream.indirect.gather [hbm4b:s1+s15], $0x80, s9, s15, $0xb8;
	[tilespmem:$0x1F400] =	vst v63  }
0x5a: {  	s13 =	simm.s32 $0x180  }
0x5b: {  	[tilespmem:s22], [sflag:$0x4] =	stream.indirect.gather [hbm4b:s1+s15], $0x80, s13, s15, $0xb8;
	[tilespmem:$0x1F400] =	vst v63  }
0x5c: {  	s9 =	simm.s32 $0x200  }
0x5d: {  	[tilespmem:s24], [sflag:$0x5] =	stream.indirect.gather [hbm4b:s1+s15], $0x80, s9, s15, $0xb8;
	[tilespmem:$0x1F400] =	vst v63  }
0x5e: {  	s13 =	simm.s32 $0x280  }
0x5f: {  	[tilespmem:s26], [sflag:$0x6] =	stream.indirect.gather [hbm4b:s1+s15], $0x80, s13, s15, $0xb8;
	[tilespmem:$0x1F400] =	vst v63  }
0x60: {  	s9 =	simm.s32 $0x300  }
0x61: {  	[tilespmem:s29], [sflag:$0x7] =	stream.indirect.gather [hbm4b:s1+s15], $0x80, s9, s15, $0xb8;
	[tilespmem:$0x1F400] =	vst v63  }
0x62: {  	s13 =	simm.s32 $0x380  }
0x63: {  	[tilespmem:s31], [sflag:$0x8] =	stream.indirect.gather [hbm4b:s1+s15], $0x80, s13, s15, $0xb8;
	[tilespmem:$0x1F400] =	vst v63  }
.LBB2_3:
0x64: {  	_ =	swait.ge [sflag:s0], $0xC80  }
0x65: {  	s9 =	sshra.s32 s6, $0x2;
	[sflag:s0] =	ssyncset.done $0x0  }
0x66: {  	s13 =	sadd.s32 $0x2800, s9;
	[sflag:s0] =	ssyncadd.s32 $0xFFFFF380  }
0x67: {  	[spmem:s2] =	stream.indirect.scatter.add.f32 [tilespmem:s16], [sflag:$0x9], $0x80, s13, s15, $0xb8;
	[tilespmem:$0x1F400] =	vst v63  }
0x68: {  	_ =	swait.ge [sflag:s3], $0xC80  }
0x69: {  	[sflag:s3] =	ssyncset.done $0x0  }
0x6a: {  	s5 =	sadd.s32 $0x2880, s9;
	[sflag:s3] =	ssyncadd.s32 $0xFFFFF380  }
0x6b: {  	[spmem:s2] =	stream.indirect.scatter.add.f32 [tilespmem:s18], [sflag:$0xA], $0x80, s5, s15, $0xb8;
	[tilespmem:$0x1F400] =	vst v63  }
0x6c: {  	_ =	swait.ge [sflag:s7], $0xC80  }
0x6d: {  	[sflag:s7] =	ssyncset.done $0x0  }
0x6e: {  	s5 =	sadd.s32 $0x2900, s9;
	[sflag:s7] =	ssyncadd.s32 $0xFFFFF380  }
0x6f: {  	[spmem:s2] =	stream.indirect.scatter.add.f32 [tilespmem:s20], [sflag:$0xB], $0x80, s5, s15, $0xb8;
	[tilespmem:$0x1F400] =	vst v63  }
0x70: {  	_ =	swait.ge [sflag:s10], $0xC80  }
0x71: {  	[sflag:s10] =	ssyncset.done $0x0  }
0x72: {  	s5 =	sadd.s32 $0x2980, s9;
	[sflag:s10] =	ssyncadd.s32 $0xFFFFF380  }
0x73: {  	[spmem:s2] =	stream.indirect.scatter.add.f32 [tilespmem:s22], [sflag:$0xC], $0x80, s5, s15, $0xb8;
	[tilespmem:$0x1F400] =	vst v63  }
0x74: {  	_ =	swait.ge [sflag:s11], $0xC80  }
0x75: {  	[sflag:s11] =	ssyncset.done $0x0  }
0x76: {  	s5 =	sadd.s32 $0x2A00, s9;
	[sflag:s11] =	ssyncadd.s32 $0xFFFFF380  }
0x77: {  	[spmem:s2] =	stream.indirect.scatter.add.f32 [tilespmem:s24], [sflag:$0xD], $0x80, s5, s15, $0xb8;
	[tilespmem:$0x1F400] =	vst v63  }
0x78: {  	_ =	swait.ge [sflag:s8], $0xC80  }
0x79: {  	[sflag:s8] =	ssyncset.done $0x0  }
0x7a: {  	s5 =	sadd.s32 $0x2A80, s9;
	[sflag:s8] =	ssyncadd.s32 $0xFFFFF380  }
0x7b: {  	[spmem:s2] =	stream.indirect.scatter.add.f32 [tilespmem:s26], [sflag:$0xE], $0x80, s5, s15, $0xb8;
	[tilespmem:$0x1F400] =	vst v63  }
0x7c: {  	_ =	swait.ge [sflag:s12], $0xC80  }
0x7d: {  	[sflag:s12] =	ssyncset.done $0x0  }
0x7e: {  	s5 =	sadd.s32 $0x2B00, s9;
	[sflag:s12] =	ssyncadd.s32 $0xFFFFF380  }
0x7f: {  	[spmem:s2] =	stream.indirect.scatter.add.f32 [tilespmem:s29], [sflag:$0xF], $0x80, s5, s15, $0xb8;
	[tilespmem:$0x1F400] =	vst v63  }
0x80: {  	_ =	swait.ge [sflag:s4], $0xC80  }
0x81: {  	p0 =	seq.s32 s6, $0x9000;
	[sflag:s4] =	ssyncset.done $0x0  }
.Ltmp4:
0x82: {  	s5 =	sadd.s32 $0x2B80, s9;
	[sflag:s4] =	ssyncadd.s32 $0xFFFFF380;
	(pc) =	sbr.rel @p0 .LBB2_5-.Ltmp4, $4  }
0x83: {  	[spmem:s2] =	stream.indirect.scatter.add.f32 [tilespmem:s31], [sflag:$0x10], $0x80, s5, s15, $0xb8;
	[tilespmem:$0x1F400] =	vst v63  }
0x84: {  	_ =	swait.ge [sflag:s14], $0xC80  }
0x85: {  	[sflag:s14] =	ssyncset.done $0x0  }
0x86: {  	[sflag:s14] =	ssyncadd.s32 $0xFFFFF380  }
0x87: {  	s13 =	sadd.s32 $0x400, s9  }
0x88: {  	[tilespmem:s16], [sflag:$0x1] =	stream.indirect.gather [hbm4b:s1+s15], $0x80, s13, s15, $0xb8;
	[tilespmem:$0x1F400] =	vst v63  }
0x89: {  	_ =	swait.ge [sflag:s17], $0xC80  }
0x8a: {  	[sflag:s17] =	ssyncset.done $0x0  }
0x8b: {  	s5 =	sadd.s32 $0x480, s9;
	[sflag:s17] =	ssyncadd.s32 $0xFFFFF380  }
0x8c: {  	[tilespmem:s18], [sflag:$0x2] =	stream.indirect.gather [hbm4b:s1+s15], $0x80, s5, s15, $0xb8;
	[tilespmem:$0x1F400] =	vst v63  }
0x8d: {  	_ =	swait.ge [sflag:s19], $0xC80  }
0x8e: {  	[sflag:s19] =	ssyncset.done $0x0  }
0x8f: {  	s5 =	sadd.s32 $0x500, s9;
	[sflag:s19] =	ssyncadd.s32 $0xFFFFF380  }
0x90: {  	[tilespmem:s20], [sflag:$0x3] =	stream.indirect.gather [hbm4b:s1+s15], $0x80, s5, s15, $0xb8;
	[tilespmem:$0x1F400] =	vst v63  }
0x91: {  	_ =	swait.ge [sflag:s21], $0xC80  }
0x92: {  	[sflag:s21] =	ssyncset.done $0x0  }
0x93: {  	s5 =	sadd.s32 $0x580, s9;
	[sflag:s21] =	ssyncadd.s32 $0xFFFFF380  }
0x94: {  	[tilespmem:s22], [sflag:$0x4] =	stream.indirect.gather [hbm4b:s1+s15], $0x80, s5, s15, $0xb8;
	[tilespmem:$0x1F400] =	vst v63  }
0x95: {  	_ =	swait.ge [sflag:s23], $0xC80  }
0x96: {  	[sflag:s23] =	ssyncset.done $0x0  }
0x97: {  	s5 =	sadd.s32 $0x600, s9;
	[sflag:s23] =	ssyncadd.s32 $0xFFFFF380  }
0x98: {  	[tilespmem:s24], [sflag:$0x5] =	stream.indirect.gather [hbm4b:s1+s15], $0x80, s5, s15, $0xb8;
	[tilespmem:$0x1F400] =	vst v63  }
0x99: {  	_ =	swait.ge [sflag:s25], $0xC80  }
0x9a: {  	[sflag:s25] =	ssyncset.done $0x0  }
0x9b: {  	s5 =	sadd.s32 $0x680, s9;
	[sflag:s25] =	ssyncadd.s32 $0xFFFFF380  }
0x9c: {  	[tilespmem:s26], [sflag:$0x6] =	stream.indirect.gather [hbm4b:s1+s15], $0x80, s5, s15, $0xb8;
	[tilespmem:$0x1F400] =	vst v63  }
0x9d: {  	_ =	swait.ge [sflag:s28], $0xC80  }
0x9e: {  	[sflag:s28] =	ssyncset.done $0x0  }
0x9f: {  	s5 =	sadd.s32 $0x700, s9;
	[sflag:s28] =	ssyncadd.s32 $0xFFFFF380  }
0xa0: {  	[tilespmem:s29], [sflag:$0x7] =	stream.indirect.gather [hbm4b:s1+s15], $0x80, s5, s15, $0xb8;
	[tilespmem:$0x1F400] =	vst v63  }
.Ltmp5:
0xa1: {  	_ = 	snop;
	(pc) =	sbr.rel .LBB2_3-.Ltmp5, $4  }
0xa2: {  	_ =	swait.ge [sflag:s30], $0xC80  }
0xa3: {  	[sflag:s30] =	ssyncset.done $0x0  }
0xa4: {  	s6 =	sadd.s32 $0x1000, s6;
	s13 =	sadd.s32 $0x780, s9;
	[sflag:s30] =	ssyncadd.s32 $0xFFFFF380  }
0xa5: {  	[tilespmem:s31], [sflag:$0x8] =	stream.indirect.gather [hbm4b:s1+s15], $0x80, s13, s15, $0xb8;
	[tilespmem:$0x1F400] =	vst v63  }
.LBB2_7:
0xa6: {  	_ =	sfence.sel $0x180000  }
0xa7: {  	[bflag:$0x0] =	sbarrier.arrive $0xFFFF  }
0xa8: {  	_ =	strace $0x9000004A  }
0xa9: {  	s0 =	stileid.u32;
	[bflag:$0x2] =	sbarrier.arrive $0xFFFF  }
0xaa: {  	p0 =	sne.s32 s0, $0x0;
	s0 =	rddreg [dreg:$0x3]  }
0xab: {  	s0 =	sadd.s32 @!p0 $0x100000, s0  }
0xac: {  	[sflag:s0] =	ssyncadd.tile.s32 @!p0 $0x1;
	_ =	shalt  }
.Lfunc_end2:
_tile_overlayer_lowered:
.L_overlay_start_2:
0xad: {  	(tag) =	ssettag $0x2  }
0xae: {  	s0 =	rddreg [dreg:$0x0];
	s2 =	stileid.u32  }
0xaf: {  	s1 =	rddreg [dreg:$0x1];
	p0 =	sne.s32 s2, $0x0  }
0xb0: {  	s3 =	rddreg [dreg:$0x2];
	[bflag:$0x3] =	sbarrier.arrive $0xFFFF;
	s2 =	simm.s32 @!p0 $0x1C11  }
0xb1: {  	[timem:s3], [sflag:s2] =	dma.local @!p0 [hbm:s0], s1  }
0xb2: {  	s0 =	simm.s32 @!p0 $0x11  }
0xb3: {  	_ =	swait.ge @!p0 [sflag:s0], s1  }
0xb4: {  	s1 =	ssub.s32 @!p0 $0x0, s1;
	[sflag:s0] =	ssyncset.done @!p0 $0x0  }
0xb5: {  	[sflag:s0] =	ssyncadd.s32 @!p0 s1  }
0xb6: {  	[bflag:$0x3] =	sbarrier.arrive $0xFFFF  }
0xb7: {  	_ =	shalt  }

// kernel: kernel.17.cloned.1.call-start
scs
__scs_entry_jumppad:
0x0: {  	(pc) =	sbr.rel $0x88, $3  }
0x1: {  	(tag) =	ssettag $0x0;
	lr =	simm.s32 $0x1  }
0x2: {  	[smem:$0x3F81] =	sst lr;
	_ =	strace $0xD0000000  }
0x3: {  	_ = 	snop  }
0x4: {  	_ = 	snop  }
0x5: {  	_ = 	snop  }
0x6: {  	_ = 	snop  }
0x7: {  	_ = 	snop  }
__scs_overlays_trampoline_lowered:
0x8: {  	[smem:$0x3F90] =	sst s0  }
0x9: {  	[smem:$0x3F91] =	sst s1  }
0xa: {  	[smem:$0x3F92] =	sst s2  }
0xb: {  	[smem:$0x3F93] =	sst s3  }
0xc: {  	[smem:$0x3F94] =	sst s4  }
0xd: {  	[smem:$0x3F95] =	sst s5  }
0xe: {  	[smem:$0x3F96] =	sst s6  }
0xf: {  	[smem:$0x3F97] =	sst s7  }
0x10: {  	[smem:$0x3F98] =	sst s8  }
0x11: {  	[smem:$0x3F99] =	sst s9;
	s0 =	simm.s32 @!p0 $0x0  }
0x12: {  	s1 =	sld [smem:$0x3F7F];
	s0 =	simm.s32 @p0 $0x1  }
0x13: {  	[smem:$0x3F9A] =	sst s0;
	s0 =	simm.s32 @!p1 $0x0  }
0x14: {  	s2 =	sld [smem:$0x3F7E];
	s0 =	simm.s32 @p1 $0x1  }
0x15: {  	[smem:$0x3F9B] =	sst s0;
	s0 =	simm.s32 @!p2 $0x0  }
0x16: {  	s3 =	sld [smem:$0x3FDB];
	s0 =	simm.s32 @p2 $0x1  }
0x17: {  	s4 =	simm.s32 $0x1BF5;
	[smem:$0x3F9D] =	sst s0  }
0x18: {  	s0 =	sld [smem:$0x3F80];
	_ =	swait.ge [sflag:s4], $0x0  }
0x19: {  	s7 =	sld [smem:$0x3F81]  }
0x1a: {  	s8 =	sadd.s32 $0xFFFFE003, lr  }
0x1b: {  	s9 =	sadd.s32 $0xFFFFFEF7, lr;
	s5 =	simm.s32 $0xFFFFFFFF;
	p2 =	slt.u32 s8, $0xFFFFF086  }
0x1c: {  	p1 =	slt.u32 s9, $0xF7A;
	s5 =	simm.s32 @!p2 $0x0  }
0x1d: {  	s5 =	simm.s32 @p1 $0x1;
	p0 =	seq.s32 s7, s2  }
0x1e: {  	s7 =	smul.u32 @!p0 $0xF7A, s2;
	p2 =	seq.s32 @!p0 s5, $0x0  }
0x1f: {  	s9 =	smul.u32 $0xF7A, s1;
	s8 =	simm.s32 @!p0 $0x1BF5;
	p2 =	por !p2, p0  }
0x20: {  	[sflag:s8] =	ssyncset.s32 @!p0 $0xFFFFF086;
	s6 =	sadd.s32 @!p0 s3, s7;
	s7 =	simm.s32 @!p0 $0x108  }
0x21: {  	s3 =	sadd.s32 s3, s9;
	s6 =	sadd.s32 @!p0 $0x88, s6;
	s7 =	simm.s32 @p2 $0x1082  }
0x22: {  	[simem:s7], [sflag:s8] =	dma.local @!p0 [hbm:s6], $0xF7A  }
0x23: {  	s9 =	sor.u32 $0xD0000000, s2;
	s6 =	simm.s32 $0x108;
	_ =	swait.ge @!p0 [sflag:s8], $0x0  }
0x24: {  	s3 =	sadd.s32 $0x88, s3;
	s6 =	simm.s32 @!p1 $0x1082;
	[sflag:s4] =	ssyncset.s32 $0xFFFFF086  }
0x25: {  	[simem:s6], [sflag:s4] =	dma.local [hbm:s3], $0xF7A  }
0x26: {  	[smem:$0x3F81] =	sst s1;
	(tag) =	ssettag s2;
	_ =	strace s9  }
0x27: {  	s1 =	sld [smem:$0x3F91]  }
0x28: {  	s2 =	sld [smem:$0x3F92]  }
0x29: {  	s4 =	sld [smem:$0x3F94]  }
0x2a: {  	p0 =	seq.s32 s5, $0x0;
	s5 =	sld [smem:$0x3F95]  }
0x2b: {  	s6 =	sld [smem:$0x3F96]  }
0x2c: {  	s7 =	sld [smem:$0x3F97]  }
0x2d: {  	s3 =	simm.s32 $0x108;
	s8 =	sld [smem:$0x3F98]  }
0x2e: {  	s3 =	simm.s32 @!p0 $0x1082;
	s9 =	sld [smem:$0x3F99]  }
0x2f: {  	lr =	sadd.s32 s0, s3;
	s0 =	sld [smem:$0x3F90]  }
0x30: {  	s3 =	sld [smem:$0x3F93]  }
0x31: {  	[smem:$0x3F9C] =	sst s10  }
0x32: {  	s10 =	sld [smem:$0x3F9A];
	_ =	sdelay $0x3  }
0x33: {  	p0 =	seq.s32 s10, $0x1;
	s10 =	sld [smem:$0x3F9C];
	_ =	sdelay $0x3  }
0x34: {  	[smem:$0x3F9C] =	sst s10  }
0x35: {  	s10 =	sld [smem:$0x3F9B];
	_ =	sdelay $0x3  }
0x36: {  	p1 =	seq.s32 s10, $0x1;
	s10 =	sld [smem:$0x3F9C];
	_ =	sdelay $0x3  }
0x37: {  	[smem:$0x3F9C] =	sst s10  }
0x38: {  	s10 =	sld [smem:$0x3F9D]  }
0x39: {  	_ = 	snop;
	(pc) =	sbr.ind lr, $3  }
0x3a: {  	_ = 	snop  }
0x3b: {  	_ = 	snop  }
0x3c: {  	p2 =	seq.s32 s10, $0x1;
	s10 =	sld [smem:$0x3F9C]  }
0x3d: {  	_ =	shalt  }
0x3e: {  	_ =	shalt  }
0x3f: {  	_ =	shalt  }
0x40: {  	_ =	shalt  }
0x41: {  	_ =	shalt  }
0x42: {  	_ =	shalt  }
0x43: {  	_ =	shalt  }
0x44: {  	_ =	shalt  }
0x45: {  	_ =	shalt  }
0x46: {  	_ =	shalt  }
0x47: {  	_ =	shalt  }
0x48: {  	_ =	shalt  }
0x49: {  	_ =	shalt  }
0x4a: {  	_ =	shalt  }
0x4b: {  	_ =	shalt  }
0x4c: {  	_ =	shalt  }
0x4d: {  	_ =	shalt  }
0x4e: {  	_ =	shalt  }
0x4f: {  	_ =	shalt  }
0x50: {  	_ =	shalt  }
0x51: {  	_ =	shalt  }
0x52: {  	_ =	shalt  }
0x53: {  	_ =	shalt  }
0x54: {  	_ =	shalt  }
0x55: {  	_ =	shalt  }
0x56: {  	_ =	shalt  }
0x57: {  	_ =	shalt  }
0x58: {  	_ =	shalt  }
0x59: {  	_ =	shalt  }
0x5a: {  	_ =	shalt  }
0x5b: {  	_ =	shalt  }
0x5c: {  	_ =	shalt  }
0x5d: {  	_ =	shalt  }
0x5e: {  	_ =	shalt  }
0x5f: {  	_ =	shalt  }
0x60: {  	_ =	shalt  }
0x61: {  	_ =	shalt  }
0x62: {  	_ =	shalt  }
0x63: {  	_ =	shalt  }
0x64: {  	_ =	shalt  }
0x65: {  	_ =	shalt  }
0x66: {  	_ =	shalt  }
0x67: {  	_ =	shalt  }
0x68: {  	_ =	shalt  }
0x69: {  	_ =	shalt  }
0x6a: {  	_ =	shalt  }
0x6b: {  	_ =	shalt  }
0x6c: {  	_ =	shalt  }
0x6d: {  	_ =	shalt  }
0x6e: {  	_ =	shalt  }
0x6f: {  	_ =	shalt  }
0x70: {  	_ =	shalt  }
0x71: {  	_ =	shalt  }
0x72: {  	_ =	shalt  }
0x73: {  	_ =	shalt  }
0x74: {  	_ =	shalt  }
0x75: {  	_ =	shalt  }
0x76: {  	_ =	shalt  }
0x77: {  	_ =	shalt  }
0x78: {  	_ =	shalt  }
0x79: {  	_ =	shalt  }
0x7a: {  	_ =	shalt  }
0x7b: {  	_ =	shalt  }
0x7c: {  	_ =	shalt  }
0x7d: {  	_ =	shalt  }
0x7e: {  	_ =	shalt  }
0x7f: {  	_ =	shalt  }
0x80: {  	_ =	shalt  }
0x81: {  	_ =	shalt  }
0x82: {  	_ =	shalt  }
0x83: {  	_ =	shalt  }
0x84: {  	_ =	shalt  }
0x85: {  	_ =	shalt  }
0x86: {  	_ =	shalt  }
0x87: {  	_ =	shalt  }
.Lfunc_end0:
.L_simem_size_0:
called_computation.2_lowered:
.L_overlay_start_0:
0x88: {  	s2 =	sld [smem:$0x3FD9]  }
0x89: {  	s3 =	sld [smem:$0x3FFE];
	_ =	sdelay $0x1  }
0x8a: {  	s1 =	srdreg.scid  }
0x8b: {  	s0 =	sand.u32 $0x1, s1  }
0x8c: {  	s14 =	sshll.u32 s0, $0xA;
	s2 =	sadd.s32 s3, s2  }
0x8d: {  	s2 =	sadd.s32 s2, s14  }
0x8e: {  	[smem:$0x3FA8] =	sst s2  }
0x8f: {  	_ = 	snop  }
0x90: {  	s2 =	sld [smem:$0x3FD0];
	_ =	sdelay $0x2  }
0x91: {  	s15 =	simm.s32 $0xB;
	s4 =	simm.s32 $0x10  }
0x92: {  	[smem:s4], [sflag:s15] =	dma.local [hbm:s2], $0x1  }
0x93: {  	_ =	swait.eq [sflag:s15], $0x1  }
0x94: {  	[sflag:s15] =	ssyncset.done $0x0  }
0x95: {  	[sflag:s15] =	ssyncadd.s32 $0xFFFFFFFF  }
0x96: {  	s16 =	sld [smem:$0x10];
	(tm) =	ssettm $0x1  }
0x97: {  	s17 =	sld [smem:$0x3FFB];
	_ =	sdelay $0x3  }
0x98: {  	_ =	strace s17  }
0x99: {  	s3 =	sld [smem:$0x3FFC];
	_ =	sdelay $0x3  }
0x9a: {  	_ =	strace s3  }
0x9b: {  	s3 =	sld [smem:$0x3FFD];
	_ =	sdelay $0x3  }
0x9c: {  	_ =	strace s3  }
0x9d: {  	_ =	strace $0x8FFFFFFF  }
0x9e: {  	s18 =	sld [smem:$0x3FDB];
	_ =	sdelay $0x1  }
0x9f: {  	s19 =	simm.s32 $_scs_section_size  }
0xa0: {  	s5 =	simm.s32 $_size__tile_overlayer_lowered;
	s6 =	simm.s32 $_tile_overlayer_lowered  }
0xa1: {  	s22 =	simm.s32 $0x1BFF;
	s21 =	sshll.u32 s6, $0x1;
	s3 =	sadd.s32 s19, s18  }
0xa2: {  	s7 =	simm.s32 $0x0;
	s20 =	sshll.u32 s5, $0x1;
	s5 =	sadd.s32 s21, s3  }
0xa3: {  	[timem:s7], [sflag:s22] =	dma.local [hbm:s5], s20  }
0xa4: {  	_ =	swait.ge [sflag:s22], s20  }
0xa5: {  	s4 =	ssub.s32 $0x0, s20;
	[sflag:s22] =	ssyncset.done $0x0  }
0xa6: {  	[sflag:s22] =	ssyncadd.s32 s4;
	_ =	sdelay $0x1  }
0xa7: {  	s23 =	simm.s32 $0x1B8B  }
0xa8: {  	_ =	swait.ge [sflag:s23], $0x1  }
0xa9: {  	[sflag:s23] =	ssyncset.done $0x0  }
0xaa: {  	s25 =	simm.s32 $0x1B8E;
	s24 =	sld [smem:$0x3FFE];
	[sflag:s23] =	ssyncadd.s32 $0xFFFFFFFF  }
0xab: {  	s26 =	simm.s32 $execute0_lowered;
	[smem:$0x3FD2] =	sst s25  }
0xac: {  	s5 =	sshll.u32 s26, $0x1;
	_ =	strace $0x8000004C;
	[dreg:$0x1] =	wrdreg $0xFFFFFFFF  }
0xad: {  	s28 =	simm.s32 $_size_execute0_lowered;
	s3 =	sadd.s32 s3, s5;
	[dreg:$0x0] =	wrdreg $0x0  }
0xae: {  	s5 =	sshll.u32 s28, $0x1;
	[dreg:$0x2] =	wrdreg s3  }
0xaf: {  	[dreg:$0x3] =	wrdreg s5  }
0xb0: {  	[dreg:$0x4] =	wrdreg $0xC0  }
0xb1: {  	_ =	task [dreg:s7], $0x5FFFF  }
0xb2: {  	[dreg:$0x1] =	wrdreg $0xFFFFFFFF  }
0xb3: {  	[dreg:$0x0] =	wrdreg $0x60  }
0xb4: {  	[dreg:$0x2] =	wrdreg s16  }
0xb5: {  	[dreg:$0x3] =	wrdreg s24  }
0xb6: {  	[dreg:$0x4] =	wrdreg $0xB4000  }
0xb7: {  	[dreg:$0x5] =	wrdreg $0x9  }
0xb8: {  	_ =	task.clear_ibuf [dreg:s7], $0x6FFFF;
	_ =	strace $0x9000004C  }
0xb9: {  	s29 =	simm.s32 $0x9;
	_ =	strace $0x8000004E  }
0xba: {  	_ =	swait.ge [sflag:s29], $0x1  }
0xbb: {  	[sflag:s29] =	ssyncadd.s32 $0xFFFFFFFF  }
0xbc: {  	_ =	strace $0x9000004E  }
0xbd: {  	_ =	sfence  }
0xbe: {  	s30 =	sld [smem:$0x0];
	_ =	sdelay $0x2  }
0xbf: {  	s31 =	sshll.u32 s1, $0xD;
	s1 =	sshrl.u32 s1, $0x2  }
0xc0: {  	s3 =	sand.u32 $0x4000, s31;
	s1 =	sadd.s32 s1, s30  }
0xc1: {  	s0 =	sor.u32 s3, s0;
	s1 =	sshll.u32 s1, $0x11  }
0xc2: {  	s0 =	sor.u32 s1, s0  }
0xc3: {  	s0 =	sadd.s32 $0x8F2B, s0  }
0xc4: {  	[sflag:s0] =	ssyncadd.remote.s32 $0x1  }
0xc5: {  	_ =	sfence.sel $0xFFFF  }
0xc6: {  	[dreg:$0x0] =	wrdreg $0xFFFFFFFF;
	(pc) =	sbr.abs _section_cstart, $3  }
0xc7: {  	[dreg:$0x1] =	wrdreg $0xFFFFFFFF  }
0xc8: {  	_ =	task.clear_ibuf [dreg:s7], $0x2FFFF;
	_ =	strace $0x9FFFFFFF  }
0xc9: {  	(tm) =	ssettm $0x7FFFFFFF  }
tec
execute0_lowered:
.L_overlay_start_1:
0x0: {  	(tag) =	ssettag $0x1  }
0x1: {  	s1 =	rddreg [dreg:$0x0]  }
0x2: {  	s0 =	rddreg [dreg:$0x1]  }
0x3: {  	s2 =	rddreg [dreg:$0x2];
	s3 =	srdreg.scid;
	s9 =	simm.s32 $0x0  }
0x4: {  	s7 =	stileid.u32;
	s15 =	simm.s32 $0x19;
	s16 =	simm.s32 $0x5000  }
0x5: {  	s18 =	simm.s32 $0x5C80;
	s29 =	simm.s32 $0x9B00;
	s31 =	simm.s32 $0xA780  }
0x6: {  	s10 =	simm.s32 $0x4;
	s11 =	simm.s32 $0x5;
	s12 =	simm.s32 $0x7  }
0x7: {  	s14 =	simm.s32 $0x9;
	s17 =	simm.s32 $0xA;
	s28 =	simm.s32 $0xF  }
0x8: {  	s30 =	simm.s32 $0x10;
	s3 =	sand.u32 $0x1, s3;
	[smem:$0x7FF] =	sst s9  }
0x9: {  	s5 =	smul.u32 $0x14000, s7;
	s6 =	sadd.s32 $0x28000, s0;
	s19 =	sadd.s32 $0x5A000, s0  }
0xa: {  	s21 =	smul.u32 $0x50000, s7;
	s8 =	sadd.s32 $0x8C000, s0;
	s23 =	sshll.u32 s7, $0x1  }
0xb: {  	s25 =	sshll.u32 s7, $0x6;
	_ =	strace $0x8000004D;
	[dreg:$0x5] =	wrdreg s6  }
0xc: {  	s7 =	simm.s32 $0x3;
	s4 =	smul.u32 $0x140000, s3;
	[dreg:$0x6] =	wrdreg s19  }
0xd: {  	s20 =	ssub.s32 $0x2, s3;
	[dreg:$0x7] =	wrdreg s8;
	s3 =	sor.u32 s3, s23  }
0xe: {  	s8 =	simm.s32 $0x6;
	s19 =	simm.s32 $0xB;
	s23 =	simm.s32 $0xD  }
0xf: {  	s22 =	sshrl.u32 s20, $0x1;
	s6 =	sshrl.u32 s21, $0x2;
	s3 =	smul.u32 $0x5, s3  }
0x10: {  	s21 =	simm.s32 $0xC;
	s4 =	sadd.s32 s5, s4;
	s24 =	sadd.s32 s6, s2  }
0x11: {  	s6 =	sor.u32 $0x1C11, s25;
	s25 =	simm.s32 $0xE;
	s4 =	sshrl.u32 s4, $0x3  }
0x12: {  	[dreg:$0x9] =	wrdreg s3;
	s13 =	sshrl.u32 s24, $0x3;
	s24 =	simm.s32 $0x8200  }
.Ltmp0:
0x13: {  	s3 =	simm.s32 $0x2;
	[dreg:$0x8] =	wrdreg s6;
	(pc) =	sbr.rel .LBB2_1-.Ltmp0, $4  }
0x14: {  	s0 =	sadd.s32 s4, s0;
	s4 =	ssub.s32 s20, s22;
	s20 =	simm.s32 $0x6900  }
0x15: {  	s22 =	simm.s32 $0x7580;
	[dreg:$0xc] =	wrdreg s13;
	s0 =	sadd.s32 $0x8E800, s0  }
0x16: {  	s26 =	smax.u32 s4, $0x1;
	s4 =	simm.s32 $0x8;
	[dreg:$0xa] =	wrdreg s0  }
0x17: {  	[dreg:$0xb] =	wrdreg s26;
	s26 =	simm.s32 $0x8E80;
	s0 =	simm.s32 $0x1  }
.LBB2_6:
0x18: {  	[bflag:$0x0] =	sbarrier.arrive $0xFFFF  }
0x19: {  	s6 =	rddreg [dreg:$0x8]  }
0x1a: {  	s5 =	rddreg [dreg:$0xa]  }
0x1b: {  	s13 =	rddreg [dreg:$0xc]  }
0x1c: {  	[hbm:s5], [sflag:s6] =	dma.local [spmem:s13], $0x2800  }
0x1d: {  	s5 =	simm.s32 $0x11  }
0x1e: {  	_ =	swait.ge [sflag:s5], $0x2800  }
0x1f: {  	s9 =	rddreg [dreg:$0x4]  }
0x20: {  	[sflag:s5] =	ssyncset.done $0x0;
	s5 =	rddreg [dreg:$0xb];
	s9 =	sadd.s32 $0x1, s9  }
0x21: {  	p0 =	sne.s32 s9, s5  }
.Ltmp1:
0x22: {  	_ = 	snop;
	(pc) =	sbr.rel @!p0 .LBB2_7-.Ltmp1, $3  }
0x23: {  	_ =	sdelay $0x1  }
0x24: {  	s5 =	simm.s32 $0x11  }
0x25: {  	[sflag:s5] =	ssyncadd.s32 $0xFFFFD800  }
.LBB2_1:
0x26: {  	[dreg:$0x4] =	wrdreg s9  }
0x27: {  	s9 =	simm.s32 $0x11;
	s5 =	rddreg [dreg:$0x7]  }
0x28: {  	[spmem:s13], [sflag:s6] =	dma.local [hbm:s5], $0x2800  }
.Ltmp2:
0x29: {  	_ =	swait.ge [sflag:s9], $0x2800;
	(pc) =	sbr.rel .LBB2_2-.Ltmp2, $4  }
0x2a: {  	[sflag:s9] =	ssyncset.done $0x0  }
0x2b: {  	[sflag:s9] =	ssyncadd.s32 $0xFFFFD800  }
0x2c: {  	[bflag:$0x0] =	sbarrier.arrive $0xFFFF  }
0x2d: {  	s5 =	simm.s32 $0x0  }
.LBB2_5:
0x2e: {  	_ =	swait.ge [sflag:s17], $0xC80  }
0x2f: {  	[sflag:s17] =	ssyncset.done $0x0  }
0x30: {  	[sflag:s17] =	ssyncadd.s32 $0xFFFFF380  }
0x31: {  	_ =	swait.ge [sflag:s19], $0xC80  }
0x32: {  	[sflag:s19] =	ssyncset.done $0x0  }
0x33: {  	[sflag:s19] =	ssyncadd.s32 $0xFFFFF380  }
0x34: {  	_ =	swait.ge [sflag:s21], $0xC80  }
0x35: {  	[sflag:s21] =	ssyncset.done $0x0  }
0x36: {  	[sflag:s21] =	ssyncadd.s32 $0xFFFFF380  }
0x37: {  	_ =	swait.ge [sflag:s23], $0xC80  }
0x38: {  	[sflag:s23] =	ssyncset.done $0x0  }
0x39: {  	[sflag:s23] =	ssyncadd.s32 $0xFFFFF380  }
0x3a: {  	_ =	swait.ge [sflag:s25], $0xC80  }
0x3b: {  	[sflag:s25] =	ssyncset.done $0x0  }
0x3c: {  	[sflag:s25] =	ssyncadd.s32 $0xFFFFF380  }
0x3d: {  	_ =	swait.ge [sflag:s28], $0xC80  }
0x3e: {  	[sflag:s28] =	ssyncset.done $0x0  }
0x3f: {  	[sflag:s28] =	ssyncadd.s32 $0xFFFFF380  }
0x40: {  	_ =	swait.ge [sflag:s30], $0xC80  }
0x41: {  	s5 =	rddreg [dreg:$0xd]  }
0x42: {  	s5 =	sadd.s32 $0x1, s5  }
0x43: {  	p0 =	sne.s32 s5, $0x5  }
.Ltmp3:
0x44: {  	_ = 	snop;
	(pc) =	sbr.rel @!p0 .LBB2_6-.Ltmp3, $3  }
0x45: {  	_ =	sdelay $0x1  }
0x46: {  	[sflag:s30] =	ssyncset.done $0x0  }
0x47: {  	[sflag:s30] =	ssyncadd.s32 $0xFFFFF380  }
.LBB2_2:
0x48: {  	s6 =	rddreg [dreg:$0x9]  }
0x49: {  	s6 =	sadd.s32 s6, s5  }
0x4a: {  	[dreg:$0xd] =	wrdreg s5;
	s9 =	smul.u32 $0x500, s6  }
0x4b: {  	s5 =	rddreg [dreg:$0x5]  }
0x4c: {  	s6 =	simm.s32 $0x0;
	s13 =	sadd.s32 s5, s9;
	s5 =	simm.s32 $0x11  }
0x4d: {  	[tilespmem:s6], [sflag:$0x11] =	stream.linear.gather [hbm4b:s13+s6], $0x2800, $0x38;
	[tilespmem:$0x1F400] =	vst v63  }
0x4e: {  	_ =	swait.ge [sflag:s5], $0x2800  }
0x4f: {  	[sflag:s5] =	ssyncset.done $0x0;
	s13 =	rddreg [dreg:$0x6]  }
0x50: {  	[sflag:s5] =	ssyncadd.s32 $0xFFFFD800;
	s9 =	sadd.s32 s13, s9;
	s13 =	simm.s32 $0x2800  }
0x51: {  	[tilespmem:s13], [sflag:$0x11] =	stream.linear.gather [hbm4b:s9+s6], $0x2800, $0x38;
	[tilespmem:$0x1F400] =	vst v63  }
0x52: {  	_ =	swait.ge [sflag:s5], $0x2800  }
0x53: {  	[sflag:s5] =	ssyncset.done $0x0  }
0x54: {  	[sflag:s5] =	ssyncadd.s32 $0xFFFFD800  }
0x55: {  	[tilespmem:s16], [sflag:$0x1] =	stream.indirect.gather [hbm4b:s1+s15], $0x80, s6, s15, $0xb8;
	[tilespmem:$0x1F400] =	vst v63  }
0x56: {  	s13 =	simm.s32 $0x80  }
0x57: {  	[tilespmem:s18], [sflag:$0x2] =	stream.indirect.gather [hbm4b:s1+s15], $0x80, s13, s15, $0xb8;
	[tilespmem:$0x1F400] =	vst v63  }
0x58: {  	s9 =	simm.s32 $0x100  }
0x59: {  	[tilespmem:s20], [sflag:$0x3] =	stream.indirect.gather [hbm4b:s1+s15], $0x80, s9, s15, $0xb8;
	[tilespmem:$0x1F400] =	vst v63  }
0x5a: {  	s13 =	simm.s32 $0x180  }
0x5b: {  	[tilespmem:s22], [sflag:$0x4] =	stream.indirect.gather [hbm4b:s1+s15], $0x80, s13, s15, $0xb8;
	[tilespmem:$0x1F400] =	vst v63  }
0x5c: {  	s9 =	simm.s32 $0x200  }
0x5d: {  	[tilespmem:s24], [sflag:$0x5] =	stream.indirect.gather [hbm4b:s1+s15], $0x80, s9, s15, $0xb8;
	[tilespmem:$0x1F400] =	vst v63  }
0x5e: {  	s13 =	simm.s32 $0x280  }
0x5f: {  	[tilespmem:s26], [sflag:$0x6] =	stream.indirect.gather [hbm4b:s1+s15], $0x80, s13, s15, $0xb8;
	[tilespmem:$0x1F400] =	vst v63  }
0x60: {  	s9 =	simm.s32 $0x300  }
0x61: {  	[tilespmem:s29], [sflag:$0x7] =	stream.indirect.gather [hbm4b:s1+s15], $0x80, s9, s15, $0xb8;
	[tilespmem:$0x1F400] =	vst v63  }
0x62: {  	s13 =	simm.s32 $0x380  }
0x63: {  	[tilespmem:s31], [sflag:$0x8] =	stream.indirect.gather [hbm4b:s1+s15], $0x80, s13, s15, $0xb8;
	[tilespmem:$0x1F400] =	vst v63  }
.LBB2_3:
0x64: {  	_ =	swait.ge [sflag:s0], $0xC80  }
0x65: {  	s9 =	sshra.s32 s6, $0x2;
	[sflag:s0] =	ssyncset.done $0x0  }
0x66: {  	s13 =	sadd.s32 $0x2800, s9;
	[sflag:s0] =	ssyncadd.s32 $0xFFFFF380  }
0x67: {  	[spmem:s2] =	stream.indirect.scatter.add.f32 [tilespmem:s16], [sflag:$0x9], $0x80, s13, s15, $0xb8;
	[tilespmem:$0x1F400] =	vst v63  }
0x68: {  	_ =	swait.ge [sflag:s3], $0xC80  }
0x69: {  	[sflag:s3] =	ssyncset.done $0x0  }
0x6a: {  	s5 =	sadd.s32 $0x2880, s9;
	[sflag:s3] =	ssyncadd.s32 $0xFFFFF380  }
0x6b: {  	[spmem:s2] =	stream.indirect.scatter.add.f32 [tilespmem:s18], [sflag:$0xA], $0x80, s5, s15, $0xb8;
	[tilespmem:$0x1F400] =	vst v63  }
0x6c: {  	_ =	swait.ge [sflag:s7], $0xC80  }
0x6d: {  	[sflag:s7] =	ssyncset.done $0x0  }
0x6e: {  	s5 =	sadd.s32 $0x2900, s9;
	[sflag:s7] =	ssyncadd.s32 $0xFFFFF380  }
0x6f: {  	[spmem:s2] =	stream.indirect.scatter.add.f32 [tilespmem:s20], [sflag:$0xB], $0x80, s5, s15, $0xb8;
	[tilespmem:$0x1F400] =	vst v63  }
0x70: {  	_ =	swait.ge [sflag:s10], $0xC80  }
0x71: {  	[sflag:s10] =	ssyncset.done $0x0  }
0x72: {  	s5 =	sadd.s32 $0x2980, s9;
	[sflag:s10] =	ssyncadd.s32 $0xFFFFF380  }
0x73: {  	[spmem:s2] =	stream.indirect.scatter.add.f32 [tilespmem:s22], [sflag:$0xC], $0x80, s5, s15, $0xb8;
	[tilespmem:$0x1F400] =	vst v63  }
0x74: {  	_ =	swait.ge [sflag:s11], $0xC80  }
0x75: {  	[sflag:s11] =	ssyncset.done $0x0  }
0x76: {  	s5 =	sadd.s32 $0x2A00, s9;
	[sflag:s11] =	ssyncadd.s32 $0xFFFFF380  }
0x77: {  	[spmem:s2] =	stream.indirect.scatter.add.f32 [tilespmem:s24], [sflag:$0xD], $0x80, s5, s15, $0xb8;
	[tilespmem:$0x1F400] =	vst v63  }
0x78: {  	_ =	swait.ge [sflag:s8], $0xC80  }
0x79: {  	[sflag:s8] =	ssyncset.done $0x0  }
0x7a: {  	s5 =	sadd.s32 $0x2A80, s9;
	[sflag:s8] =	ssyncadd.s32 $0xFFFFF380  }
0x7b: {  	[spmem:s2] =	stream.indirect.scatter.add.f32 [tilespmem:s26], [sflag:$0xE], $0x80, s5, s15, $0xb8;
	[tilespmem:$0x1F400] =	vst v63  }
0x7c: {  	_ =	swait.ge [sflag:s12], $0xC80  }
0x7d: {  	[sflag:s12] =	ssyncset.done $0x0  }
0x7e: {  	s5 =	sadd.s32 $0x2B00, s9;
	[sflag:s12] =	ssyncadd.s32 $0xFFFFF380  }
0x7f: {  	[spmem:s2] =	stream.indirect.scatter.add.f32 [tilespmem:s29], [sflag:$0xF], $0x80, s5, s15, $0xb8;
	[tilespmem:$0x1F400] =	vst v63  }
0x80: {  	_ =	swait.ge [sflag:s4], $0xC80  }
0x81: {  	p0 =	seq.s32 s6, $0x9000;
	[sflag:s4] =	ssyncset.done $0x0  }
.Ltmp4:
0x82: {  	s5 =	sadd.s32 $0x2B80, s9;
	[sflag:s4] =	ssyncadd.s32 $0xFFFFF380;
	(pc) =	sbr.rel @p0 .LBB2_5-.Ltmp4, $4  }
0x83: {  	[spmem:s2] =	stream.indirect.scatter.add.f32 [tilespmem:s31], [sflag:$0x10], $0x80, s5, s15, $0xb8;
	[tilespmem:$0x1F400] =	vst v63  }
0x84: {  	_ =	swait.ge [sflag:s14], $0xC80  }
0x85: {  	[sflag:s14] =	ssyncset.done $0x0  }
0x86: {  	[sflag:s14] =	ssyncadd.s32 $0xFFFFF380  }
0x87: {  	s13 =	sadd.s32 $0x400, s9  }
0x88: {  	[tilespmem:s16], [sflag:$0x1] =	stream.indirect.gather [hbm4b:s1+s15], $0x80, s13, s15, $0xb8;
	[tilespmem:$0x1F400] =	vst v63  }
0x89: {  	_ =	swait.ge [sflag:s17], $0xC80  }
0x8a: {  	[sflag:s17] =	ssyncset.done $0x0  }
0x8b: {  	s5 =	sadd.s32 $0x480, s9;
	[sflag:s17] =	ssyncadd.s32 $0xFFFFF380  }
0x8c: {  	[tilespmem:s18], [sflag:$0x2] =	stream.indirect.gather [hbm4b:s1+s15], $0x80, s5, s15, $0xb8;
	[tilespmem:$0x1F400] =	vst v63  }
0x8d: {  	_ =	swait.ge [sflag:s19], $0xC80  }
0x8e: {  	[sflag:s19] =	ssyncset.done $0x0  }
0x8f: {  	s5 =	sadd.s32 $0x500, s9;
	[sflag:s19] =	ssyncadd.s32 $0xFFFFF380  }
0x90: {  	[tilespmem:s20], [sflag:$0x3] =	stream.indirect.gather [hbm4b:s1+s15], $0x80, s5, s15, $0xb8;
	[tilespmem:$0x1F400] =	vst v63  }
0x91: {  	_ =	swait.ge [sflag:s21], $0xC80  }
0x92: {  	[sflag:s21] =	ssyncset.done $0x0  }
0x93: {  	s5 =	sadd.s32 $0x580, s9;
	[sflag:s21] =	ssyncadd.s32 $0xFFFFF380  }
0x94: {  	[tilespmem:s22], [sflag:$0x4] =	stream.indirect.gather [hbm4b:s1+s15], $0x80, s5, s15, $0xb8;
	[tilespmem:$0x1F400] =	vst v63  }
0x95: {  	_ =	swait.ge [sflag:s23], $0xC80  }
0x96: {  	[sflag:s23] =	ssyncset.done $0x0  }
0x97: {  	s5 =	sadd.s32 $0x600, s9;
	[sflag:s23] =	ssyncadd.s32 $0xFFFFF380  }
0x98: {  	[tilespmem:s24], [sflag:$0x5] =	stream.indirect.gather [hbm4b:s1+s15], $0x80, s5, s15, $0xb8;
	[tilespmem:$0x1F400] =	vst v63  }
0x99: {  	_ =	swait.ge [sflag:s25], $0xC80  }
0x9a: {  	[sflag:s25] =	ssyncset.done $0x0  }
0x9b: {  	s5 =	sadd.s32 $0x680, s9;
	[sflag:s25] =	ssyncadd.s32 $0xFFFFF380  }
0x9c: {  	[tilespmem:s26], [sflag:$0x6] =	stream.indirect.gather [hbm4b:s1+s15], $0x80, s5, s15, $0xb8;
	[tilespmem:$0x1F400] =	vst v63  }
0x9d: {  	_ =	swait.ge [sflag:s28], $0xC80  }
0x9e: {  	[sflag:s28] =	ssyncset.done $0x0  }
0x9f: {  	s5 =	sadd.s32 $0x700, s9;
	[sflag:s28] =	ssyncadd.s32 $0xFFFFF380  }
0xa0: {  	[tilespmem:s29], [sflag:$0x7] =	stream.indirect.gather [hbm4b:s1+s15], $0x80, s5, s15, $0xb8;
	[tilespmem:$0x1F400] =	vst v63  }
.Ltmp5:
0xa1: {  	_ = 	snop;
	(pc) =	sbr.rel .LBB2_3-.Ltmp5, $4  }
0xa2: {  	_ =	swait.ge [sflag:s30], $0xC80  }
0xa3: {  	[sflag:s30] =	ssyncset.done $0x0  }
0xa4: {  	s6 =	sadd.s32 $0x1000, s6;
	s13 =	sadd.s32 $0x780, s9;
	[sflag:s30] =	ssyncadd.s32 $0xFFFFF380  }
0xa5: {  	[tilespmem:s31], [sflag:$0x8] =	stream.indirect.gather [hbm4b:s1+s15], $0x80, s13, s15, $0xb8;
	[tilespmem:$0x1F400] =	vst v63  }
.LBB2_7:
0xa6: {  	_ =	sfence.sel $0x180000  }
0xa7: {  	[bflag:$0x0] =	sbarrier.arrive $0xFFFF  }
0xa8: {  	_ =	strace $0x9000004D  }
0xa9: {  	s0 =	stileid.u32;
	[bflag:$0x2] =	sbarrier.arrive $0xFFFF  }
0xaa: {  	p0 =	sne.s32 s0, $0x0;
	s0 =	rddreg [dreg:$0x3]  }
0xab: {  	s0 =	sadd.s32 @!p0 $0x100000, s0  }
0xac: {  	[sflag:s0] =	ssyncadd.tile.s32 @!p0 $0x1;
	_ =	shalt  }
.Lfunc_end2:
_tile_overlayer_lowered:
.L_overlay_start_2:
0xad: {  	(tag) =	ssettag $0x2  }
0xae: {  	s0 =	rddreg [dreg:$0x0];
	s2 =	stileid.u32  }
0xaf: {  	s1 =	rddreg [dreg:$0x1];
	p0 =	sne.s32 s2, $0x0  }
0xb0: {  	s3 =	rddreg [dreg:$0x2];
	[bflag:$0x3] =	sbarrier.arrive $0xFFFF;
	s2 =	simm.s32 @!p0 $0x1C11  }
0xb1: {  	[timem:s3], [sflag:s2] =	dma.local @!p0 [hbm:s0], s1  }
0xb2: {  	s0 =	simm.s32 @!p0 $0x11  }
0xb3: {  	_ =	swait.ge @!p0 [sflag:s0], s1  }
0xb4: {  	s1 =	ssub.s32 @!p0 $0x0, s1;
	[sflag:s0] =	ssyncset.done @!p0 $0x0  }
0xb5: {  	[sflag:s0] =	ssyncadd.s32 @!p0 s1  }
0xb6: {  	[bflag:$0x3] =	sbarrier.arrive $0xFFFF  }
0xb7: {  	_ =	shalt  }

// kernel: kernel.20.cloned.1.call-start
scs
__scs_entry_jumppad:
0x0: {  	(pc) =	sbr.rel $0x88, $3  }
0x1: {  	(tag) =	ssettag $0x0;
	lr =	simm.s32 $0x1  }
0x2: {  	[smem:$0x3F81] =	sst lr;
	_ =	strace $0xD0000000  }
0x3: {  	_ = 	snop  }
0x4: {  	_ = 	snop  }
0x5: {  	_ = 	snop  }
0x6: {  	_ = 	snop  }
0x7: {  	_ = 	snop  }
__scs_overlays_trampoline_lowered:
0x8: {  	[smem:$0x3F90] =	sst s0  }
0x9: {  	[smem:$0x3F91] =	sst s1  }
0xa: {  	[smem:$0x3F92] =	sst s2  }
0xb: {  	[smem:$0x3F93] =	sst s3  }
0xc: {  	[smem:$0x3F94] =	sst s4  }
0xd: {  	[smem:$0x3F95] =	sst s5  }
0xe: {  	[smem:$0x3F96] =	sst s6  }
0xf: {  	[smem:$0x3F97] =	sst s7  }
0x10: {  	[smem:$0x3F98] =	sst s8  }
0x11: {  	[smem:$0x3F99] =	sst s9;
	s0 =	simm.s32 @!p0 $0x0  }
0x12: {  	s1 =	sld [smem:$0x3F7F];
	s0 =	simm.s32 @p0 $0x1  }
0x13: {  	[smem:$0x3F9A] =	sst s0;
	s0 =	simm.s32 @!p1 $0x0  }
0x14: {  	s2 =	sld [smem:$0x3F7E];
	s0 =	simm.s32 @p1 $0x1  }
0x15: {  	[smem:$0x3F9B] =	sst s0;
	s0 =	simm.s32 @!p2 $0x0  }
0x16: {  	s3 =	sld [smem:$0x3FDB];
	s0 =	simm.s32 @p2 $0x1  }
0x17: {  	s4 =	simm.s32 $0x1BF5;
	[smem:$0x3F9D] =	sst s0  }
0x18: {  	s0 =	sld [smem:$0x3F80];
	_ =	swait.ge [sflag:s4], $0x0  }
0x19: {  	s7 =	sld [smem:$0x3F81]  }
0x1a: {  	s8 =	sadd.s32 $0xFFFFE003, lr  }
0x1b: {  	s9 =	sadd.s32 $0xFFFFFEF7, lr;
	s5 =	simm.s32 $0xFFFFFFFF;
	p2 =	slt.u32 s8, $0xFFFFF086  }
0x1c: {  	p1 =	slt.u32 s9, $0xF7A;
	s5 =	simm.s32 @!p2 $0x0  }
0x1d: {  	s5 =	simm.s32 @p1 $0x1;
	p0 =	seq.s32 s7, s2  }
0x1e: {  	s7 =	smul.u32 @!p0 $0xF7A, s2;
	p2 =	seq.s32 @!p0 s5, $0x0  }
0x1f: {  	s9 =	smul.u32 $0xF7A, s1;
	s8 =	simm.s32 @!p0 $0x1BF5;
	p2 =	por !p2, p0  }
0x20: {  	[sflag:s8] =	ssyncset.s32 @!p0 $0xFFFFF086;
	s6 =	sadd.s32 @!p0 s3, s7;
	s7 =	simm.s32 @!p0 $0x108  }
0x21: {  	s3 =	sadd.s32 s3, s9;
	s6 =	sadd.s32 @!p0 $0x88, s6;
	s7 =	simm.s32 @p2 $0x1082  }
0x22: {  	[simem:s7], [sflag:s8] =	dma.local @!p0 [hbm:s6], $0xF7A  }
0x23: {  	s9 =	sor.u32 $0xD0000000, s2;
	s6 =	simm.s32 $0x108;
	_ =	swait.ge @!p0 [sflag:s8], $0x0  }
0x24: {  	s3 =	sadd.s32 $0x88, s3;
	s6 =	simm.s32 @!p1 $0x1082;
	[sflag:s4] =	ssyncset.s32 $0xFFFFF086  }
0x25: {  	[simem:s6], [sflag:s4] =	dma.local [hbm:s3], $0xF7A  }
0x26: {  	[smem:$0x3F81] =	sst s1;
	(tag) =	ssettag s2;
	_ =	strace s9  }
0x27: {  	s1 =	sld [smem:$0x3F91]  }
0x28: {  	s2 =	sld [smem:$0x3F92]  }
0x29: {  	s4 =	sld [smem:$0x3F94]  }
0x2a: {  	p0 =	seq.s32 s5, $0x0;
	s5 =	sld [smem:$0x3F95]  }
0x2b: {  	s6 =	sld [smem:$0x3F96]  }
0x2c: {  	s7 =	sld [smem:$0x3F97]  }
0x2d: {  	s3 =	simm.s32 $0x108;
	s8 =	sld [smem:$0x3F98]  }
0x2e: {  	s3 =	simm.s32 @!p0 $0x1082;
	s9 =	sld [smem:$0x3F99]  }
0x2f: {  	lr =	sadd.s32 s0, s3;
	s0 =	sld [smem:$0x3F90]  }
0x30: {  	s3 =	sld [smem:$0x3F93]  }
0x31: {  	[smem:$0x3F9C] =	sst s10  }
0x32: {  	s10 =	sld [smem:$0x3F9A];
	_ =	sdelay $0x3  }
0x33: {  	p0 =	seq.s32 s10, $0x1;
	s10 =	sld [smem:$0x3F9C];
	_ =	sdelay $0x3  }
0x34: {  	[smem:$0x3F9C] =	sst s10  }
0x35: {  	s10 =	sld [smem:$0x3F9B];
	_ =	sdelay $0x3  }
0x36: {  	p1 =	seq.s32 s10, $0x1;
	s10 =	sld [smem:$0x3F9C];
	_ =	sdelay $0x3  }
0x37: {  	[smem:$0x3F9C] =	sst s10  }
0x38: {  	s10 =	sld [smem:$0x3F9D]  }
0x39: {  	_ = 	snop;
	(pc) =	sbr.ind lr, $3  }
0x3a: {  	_ = 	snop  }
0x3b: {  	_ = 	snop  }
0x3c: {  	p2 =	seq.s32 s10, $0x1;
	s10 =	sld [smem:$0x3F9C]  }
0x3d: {  	_ =	shalt  }
0x3e: {  	_ =	shalt  }
0x3f: {  	_ =	shalt  }
0x40: {  	_ =	shalt  }
0x41: {  	_ =	shalt  }
0x42: {  	_ =	shalt  }
0x43: {  	_ =	shalt  }
0x44: {  	_ =	shalt  }
0x45: {  	_ =	shalt  }
0x46: {  	_ =	shalt  }
0x47: {  	_ =	shalt  }
0x48: {  	_ =	shalt  }
0x49: {  	_ =	shalt  }
0x4a: {  	_ =	shalt  }
0x4b: {  	_ =	shalt  }
0x4c: {  	_ =	shalt  }
0x4d: {  	_ =	shalt  }
0x4e: {  	_ =	shalt  }
0x4f: {  	_ =	shalt  }
0x50: {  	_ =	shalt  }
0x51: {  	_ =	shalt  }
0x52: {  	_ =	shalt  }
0x53: {  	_ =	shalt  }
0x54: {  	_ =	shalt  }
0x55: {  	_ =	shalt  }
0x56: {  	_ =	shalt  }
0x57: {  	_ =	shalt  }
0x58: {  	_ =	shalt  }
0x59: {  	_ =	shalt  }
0x5a: {  	_ =	shalt  }
0x5b: {  	_ =	shalt  }
0x5c: {  	_ =	shalt  }
0x5d: {  	_ =	shalt  }
0x5e: {  	_ =	shalt  }
0x5f: {  	_ =	shalt  }
0x60: {  	_ =	shalt  }
0x61: {  	_ =	shalt  }
0x62: {  	_ =	shalt  }
0x63: {  	_ =	shalt  }
0x64: {  	_ =	shalt  }
0x65: {  	_ =	shalt  }
0x66: {  	_ =	shalt  }
0x67: {  	_ =	shalt  }
0x68: {  	_ =	shalt  }
0x69: {  	_ =	shalt  }
0x6a: {  	_ =	shalt  }
0x6b: {  	_ =	shalt  }
0x6c: {  	_ =	shalt  }
0x6d: {  	_ =	shalt  }
0x6e: {  	_ =	shalt  }
0x6f: {  	_ =	shalt  }
0x70: {  	_ =	shalt  }
0x71: {  	_ =	shalt  }
0x72: {  	_ =	shalt  }
0x73: {  	_ =	shalt  }
0x74: {  	_ =	shalt  }
0x75: {  	_ =	shalt  }
0x76: {  	_ =	shalt  }
0x77: {  	_ =	shalt  }
0x78: {  	_ =	shalt  }
0x79: {  	_ =	shalt  }
0x7a: {  	_ =	shalt  }
0x7b: {  	_ =	shalt  }
0x7c: {  	_ =	shalt  }
0x7d: {  	_ =	shalt  }
0x7e: {  	_ =	shalt  }
0x7f: {  	_ =	shalt  }
0x80: {  	_ =	shalt  }
0x81: {  	_ =	shalt  }
0x82: {  	_ =	shalt  }
0x83: {  	_ =	shalt  }
0x84: {  	_ =	shalt  }
0x85: {  	_ =	shalt  }
0x86: {  	_ =	shalt  }
0x87: {  	_ =	shalt  }
.Lfunc_end0:
.L_simem_size_0:
called_computation.3_lowered:
.L_overlay_start_0:
0x88: {  	s2 =	sld [smem:$0x3FD9]  }
0x89: {  	s3 =	sld [smem:$0x3FFE];
	_ =	sdelay $0x1  }
0x8a: {  	s1 =	srdreg.scid  }
0x8b: {  	s0 =	sand.u32 $0x1, s1  }
0x8c: {  	s14 =	sshll.u32 s0, $0xA;
	s2 =	sadd.s32 s3, s2  }
0x8d: {  	s2 =	sadd.s32 s2, s14  }
0x8e: {  	[smem:$0x3FA8] =	sst s2  }
0x8f: {  	_ = 	snop  }
0x90: {  	s2 =	sld [smem:$0x3FD0];
	_ =	sdelay $0x2  }
0x91: {  	s15 =	simm.s32 $0xB;
	s4 =	simm.s32 $0x10  }
0x92: {  	[smem:s4], [sflag:s15] =	dma.local [hbm:s2], $0x1  }
0x93: {  	_ =	swait.eq [sflag:s15], $0x1  }
0x94: {  	[sflag:s15] =	ssyncset.done $0x0  }
0x95: {  	[sflag:s15] =	ssyncadd.s32 $0xFFFFFFFF  }
0x96: {  	s16 =	sld [smem:$0x10];
	(tm) =	ssettm $0x1  }
0x97: {  	s17 =	sld [smem:$0x3FFB];
	_ =	sdelay $0x3  }
0x98: {  	_ =	strace s17  }
0x99: {  	s3 =	sld [smem:$0x3FFC];
	_ =	sdelay $0x3  }
0x9a: {  	_ =	strace s3  }
0x9b: {  	s3 =	sld [smem:$0x3FFD];
	_ =	sdelay $0x3  }
0x9c: {  	_ =	strace s3  }
0x9d: {  	_ =	strace $0x8FFFFFFF  }
0x9e: {  	s18 =	sld [smem:$0x3FDB];
	_ =	sdelay $0x1  }
0x9f: {  	s19 =	simm.s32 $_scs_section_size  }
0xa0: {  	s5 =	simm.s32 $_size__tile_overlayer_lowered;
	s6 =	simm.s32 $_tile_overlayer_lowered  }
0xa1: {  	s22 =	simm.s32 $0x1BFF;
	s21 =	sshll.u32 s6, $0x1;
	s3 =	sadd.s32 s19, s18  }
0xa2: {  	s7 =	simm.s32 $0x0;
	s20 =	sshll.u32 s5, $0x1;
	s5 =	sadd.s32 s21, s3  }
0xa3: {  	[timem:s7], [sflag:s22] =	dma.local [hbm:s5], s20  }
0xa4: {  	_ =	swait.ge [sflag:s22], s20  }
0xa5: {  	s4 =	ssub.s32 $0x0, s20;
	[sflag:s22] =	ssyncset.done $0x0  }
0xa6: {  	[sflag:s22] =	ssyncadd.s32 s4;
	_ =	sdelay $0x1  }
0xa7: {  	s23 =	simm.s32 $0x1B8B  }
0xa8: {  	_ =	swait.ge [sflag:s23], $0x1  }
0xa9: {  	[sflag:s23] =	ssyncset.done $0x0  }
0xaa: {  	s25 =	simm.s32 $0x1B8E;
	s24 =	sld [smem:$0x3FFE];
	[sflag:s23] =	ssyncadd.s32 $0xFFFFFFFF  }
0xab: {  	s26 =	simm.s32 $execute0_lowered;
	[smem:$0x3FD2] =	sst s25  }
0xac: {  	s5 =	sshll.u32 s26, $0x1;
	_ =	strace $0x8000004F;
	[dreg:$0x1] =	wrdreg $0xFFFFFFFF  }
0xad: {  	s28 =	simm.s32 $_size_execute0_lowered;
	s3 =	sadd.s32 s3, s5;
	[dreg:$0x0] =	wrdreg $0x0  }
0xae: {  	s5 =	sshll.u32 s28, $0x1;
	[dreg:$0x2] =	wrdreg s3  }
0xaf: {  	[dreg:$0x3] =	wrdreg s5  }
0xb0: {  	[dreg:$0x4] =	wrdreg $0xC0  }
0xb1: {  	_ =	task [dreg:s7], $0x5FFFF  }
0xb2: {  	[dreg:$0x1] =	wrdreg $0xFFFFFFFF  }
0xb3: {  	[dreg:$0x0] =	wrdreg $0x60  }
0xb4: {  	[dreg:$0x2] =	wrdreg s16  }
0xb5: {  	[dreg:$0x3] =	wrdreg s24  }
0xb6: {  	[dreg:$0x4] =	wrdreg $0xB4000  }
0xb7: {  	[dreg:$0x5] =	wrdreg $0x9  }
0xb8: {  	_ =	task.clear_ibuf [dreg:s7], $0x6FFFF;
	_ =	strace $0x9000004F  }
0xb9: {  	s29 =	simm.s32 $0x9;
	_ =	strace $0x80000051  }
0xba: {  	_ =	swait.ge [sflag:s29], $0x1  }
0xbb: {  	[sflag:s29] =	ssyncadd.s32 $0xFFFFFFFF  }
0xbc: {  	_ =	strace $0x90000051  }
0xbd: {  	_ =	sfence  }
0xbe: {  	s30 =	sld [smem:$0x0];
	_ =	sdelay $0x2  }
0xbf: {  	s31 =	sshll.u32 s1, $0xD;
	s1 =	sshrl.u32 s1, $0x2  }
0xc0: {  	s3 =	sand.u32 $0x4000, s31;
	s1 =	sadd.s32 s1, s30  }
0xc1: {  	s0 =	sor.u32 s3, s0;
	s1 =	sshll.u32 s1, $0x11  }
0xc2: {  	s0 =	sor.u32 s1, s0  }
0xc3: {  	s0 =	sadd.s32 $0x8F2B, s0  }
0xc4: {  	[sflag:s0] =	ssyncadd.remote.s32 $0x1  }
0xc5: {  	_ =	sfence.sel $0xFFFF  }
0xc6: {  	[dreg:$0x0] =	wrdreg $0xFFFFFFFF;
	(pc) =	sbr.abs _section_cstart, $3  }
0xc7: {  	[dreg:$0x1] =	wrdreg $0xFFFFFFFF  }
0xc8: {  	_ =	task.clear_ibuf [dreg:s7], $0x2FFFF;
	_ =	strace $0x9FFFFFFF  }
0xc9: {  	(tm) =	ssettm $0x7FFFFFFF  }
tec
execute0_lowered:
.L_overlay_start_1:
0x0: {  	(tag) =	ssettag $0x1  }
0x1: {  	s1 =	rddreg [dreg:$0x0]  }
0x2: {  	s0 =	rddreg [dreg:$0x1]  }
0x3: {  	s2 =	rddreg [dreg:$0x2];
	s3 =	srdreg.scid;
	s9 =	simm.s32 $0x0  }
0x4: {  	s7 =	stileid.u32;
	s15 =	simm.s32 $0x19;
	s16 =	simm.s32 $0x5000  }
0x5: {  	s18 =	simm.s32 $0x5C80;
	s29 =	simm.s32 $0x9B00;
	s31 =	simm.s32 $0xA780  }
0x6: {  	s10 =	simm.s32 $0x4;
	s11 =	simm.s32 $0x5;
	s12 =	simm.s32 $0x7  }
0x7: {  	s14 =	simm.s32 $0x9;
	s17 =	simm.s32 $0xA;
	s28 =	simm.s32 $0xF  }
0x8: {  	s30 =	simm.s32 $0x10;
	s3 =	sand.u32 $0x1, s3;
	[smem:$0x7FF] =	sst s9  }
0x9: {  	s5 =	smul.u32 $0x14000, s7;
	s6 =	sadd.s32 $0x28000, s0;
	s19 =	sadd.s32 $0x5A000, s0  }
0xa: {  	s21 =	smul.u32 $0x50000, s7;
	s8 =	sadd.s32 $0x8C000, s0;
	s23 =	sshll.u32 s7, $0x1  }
0xb: {  	s25 =	sshll.u32 s7, $0x6;
	_ =	strace $0x80000050;
	[dreg:$0x5] =	wrdreg s6  }
0xc: {  	s7 =	simm.s32 $0x3;
	s4 =	smul.u32 $0x140000, s3;
	[dreg:$0x6] =	wrdreg s19  }
0xd: {  	s20 =	ssub.s32 $0x2, s3;
	[dreg:$0x7] =	wrdreg s8;
	s3 =	sor.u32 s3, s23  }
0xe: {  	s8 =	simm.s32 $0x6;
	s19 =	simm.s32 $0xB;
	s23 =	simm.s32 $0xD  }
0xf: {  	s22 =	sshrl.u32 s20, $0x1;
	s6 =	sshrl.u32 s21, $0x2;
	s3 =	smul.u32 $0x5, s3  }
0x10: {  	s21 =	simm.s32 $0xC;
	s4 =	sadd.s32 s5, s4;
	s24 =	sadd.s32 s6, s2  }
0x11: {  	s6 =	sor.u32 $0x1C11, s25;
	s25 =	simm.s32 $0xE;
	s4 =	sshrl.u32 s4, $0x3  }
0x12: {  	[dreg:$0x9] =	wrdreg s3;
	s13 =	sshrl.u32 s24, $0x3;
	s24 =	simm.s32 $0x8200  }
.Ltmp0:
0x13: {  	s3 =	simm.s32 $0x2;
	[dreg:$0x8] =	wrdreg s6;
	(pc) =	sbr.rel .LBB2_1-.Ltmp0, $4  }
0x14: {  	s0 =	sadd.s32 s4, s0;
	s4 =	ssub.s32 s20, s22;
	s20 =	simm.s32 $0x6900  }
0x15: {  	s22 =	simm.s32 $0x7580;
	[dreg:$0xc] =	wrdreg s13;
	s0 =	sadd.s32 $0x8E800, s0  }
0x16: {  	s26 =	smax.u32 s4, $0x1;
	s4 =	simm.s32 $0x8;
	[dreg:$0xa] =	wrdreg s0  }
0x17: {  	[dreg:$0xb] =	wrdreg s26;
	s26 =	simm.s32 $0x8E80;
	s0 =	simm.s32 $0x1  }
.LBB2_6:
0x18: {  	[bflag:$0x0] =	sbarrier.arrive $0xFFFF  }
0x19: {  	s6 =	rddreg [dreg:$0x8]  }
0x1a: {  	s5 =	rddreg [dreg:$0xa]  }
0x1b: {  	s13 =	rddreg [dreg:$0xc]  }
0x1c: {  	[hbm:s5], [sflag:s6] =	dma.local [spmem:s13], $0x2800  }
0x1d: {  	s5 =	simm.s32 $0x11  }
0x1e: {  	_ =	swait.ge [sflag:s5], $0x2800  }
0x1f: {  	s9 =	rddreg [dreg:$0x4]  }
0x20: {  	[sflag:s5] =	ssyncset.done $0x0;
	s5 =	rddreg [dreg:$0xb];
	s9 =	sadd.s32 $0x1, s9  }
0x21: {  	p0 =	sne.s32 s9, s5  }
.Ltmp1:
0x22: {  	_ = 	snop;
	(pc) =	sbr.rel @!p0 .LBB2_7-.Ltmp1, $3  }
0x23: {  	_ =	sdelay $0x1  }
0x24: {  	s5 =	simm.s32 $0x11  }
0x25: {  	[sflag:s5] =	ssyncadd.s32 $0xFFFFD800  }
.LBB2_1:
0x26: {  	[dreg:$0x4] =	wrdreg s9  }
0x27: {  	s9 =	simm.s32 $0x11;
	s5 =	rddreg [dreg:$0x7]  }
0x28: {  	[spmem:s13], [sflag:s6] =	dma.local [hbm:s5], $0x2800  }
.Ltmp2:
0x29: {  	_ =	swait.ge [sflag:s9], $0x2800;
	(pc) =	sbr.rel .LBB2_2-.Ltmp2, $4  }
0x2a: {  	[sflag:s9] =	ssyncset.done $0x0  }
0x2b: {  	[sflag:s9] =	ssyncadd.s32 $0xFFFFD800  }
0x2c: {  	[bflag:$0x0] =	sbarrier.arrive $0xFFFF  }
0x2d: {  	s5 =	simm.s32 $0x0  }
.LBB2_5:
0x2e: {  	_ =	swait.ge [sflag:s17], $0xC80  }
0x2f: {  	[sflag:s17] =	ssyncset.done $0x0  }
0x30: {  	[sflag:s17] =	ssyncadd.s32 $0xFFFFF380  }
0x31: {  	_ =	swait.ge [sflag:s19], $0xC80  }
0x32: {  	[sflag:s19] =	ssyncset.done $0x0  }
0x33: {  	[sflag:s19] =	ssyncadd.s32 $0xFFFFF380  }
0x34: {  	_ =	swait.ge [sflag:s21], $0xC80  }
0x35: {  	[sflag:s21] =	ssyncset.done $0x0  }
0x36: {  	[sflag:s21] =	ssyncadd.s32 $0xFFFFF380  }
0x37: {  	_ =	swait.ge [sflag:s23], $0xC80  }
0x38: {  	[sflag:s23] =	ssyncset.done $0x0  }
0x39: {  	[sflag:s23] =	ssyncadd.s32 $0xFFFFF380  }
0x3a: {  	_ =	swait.ge [sflag:s25], $0xC80  }
0x3b: {  	[sflag:s25] =	ssyncset.done $0x0  }
0x3c: {  	[sflag:s25] =	ssyncadd.s32 $0xFFFFF380  }
0x3d: {  	_ =	swait.ge [sflag:s28], $0xC80  }
0x3e: {  	[sflag:s28] =	ssyncset.done $0x0  }
0x3f: {  	[sflag:s28] =	ssyncadd.s32 $0xFFFFF380  }
0x40: {  	_ =	swait.ge [sflag:s30], $0xC80  }
0x41: {  	s5 =	rddreg [dreg:$0xd]  }
0x42: {  	s5 =	sadd.s32 $0x1, s5  }
0x43: {  	p0 =	sne.s32 s5, $0x5  }
.Ltmp3:
0x44: {  	_ = 	snop;
	(pc) =	sbr.rel @!p0 .LBB2_6-.Ltmp3, $3  }
0x45: {  	_ =	sdelay $0x1  }
0x46: {  	[sflag:s30] =	ssyncset.done $0x0  }
0x47: {  	[sflag:s30] =	ssyncadd.s32 $0xFFFFF380  }
.LBB2_2:
0x48: {  	s6 =	rddreg [dreg:$0x9]  }
0x49: {  	s6 =	sadd.s32 s6, s5  }
0x4a: {  	[dreg:$0xd] =	wrdreg s5;
	s9 =	smul.u32 $0x500, s6  }
0x4b: {  	s5 =	rddreg [dreg:$0x5]  }
0x4c: {  	s6 =	simm.s32 $0x0;
	s13 =	sadd.s32 s5, s9;
	s5 =	simm.s32 $0x11  }
0x4d: {  	[tilespmem:s6], [sflag:$0x11] =	stream.linear.gather [hbm4b:s13+s6], $0x2800, $0x38;
	[tilespmem:$0x1F400] =	vst v63  }
0x4e: {  	_ =	swait.ge [sflag:s5], $0x2800  }
0x4f: {  	[sflag:s5] =	ssyncset.done $0x0;
	s13 =	rddreg [dreg:$0x6]  }
0x50: {  	[sflag:s5] =	ssyncadd.s32 $0xFFFFD800;
	s9 =	sadd.s32 s13, s9;
	s13 =	simm.s32 $0x2800  }
0x51: {  	[tilespmem:s13], [sflag:$0x11] =	stream.linear.gather [hbm4b:s9+s6], $0x2800, $0x38;
	[tilespmem:$0x1F400] =	vst v63  }
0x52: {  	_ =	swait.ge [sflag:s5], $0x2800  }
0x53: {  	[sflag:s5] =	ssyncset.done $0x0  }
0x54: {  	[sflag:s5] =	ssyncadd.s32 $0xFFFFD800  }
0x55: {  	[tilespmem:s16], [sflag:$0x1] =	stream.indirect.gather [hbm4b:s1+s15], $0x80, s6, s15, $0xb8;
	[tilespmem:$0x1F400] =	vst v63  }
0x56: {  	s13 =	simm.s32 $0x80  }
0x57: {  	[tilespmem:s18], [sflag:$0x2] =	stream.indirect.gather [hbm4b:s1+s15], $0x80, s13, s15, $0xb8;
	[tilespmem:$0x1F400] =	vst v63  }
0x58: {  	s9 =	simm.s32 $0x100  }
0x59: {  	[tilespmem:s20], [sflag:$0x3] =	stream.indirect.gather [hbm4b:s1+s15], $0x80, s9, s15, $0xb8;
	[tilespmem:$0x1F400] =	vst v63  }
0x5a: {  	s13 =	simm.s32 $0x180  }
0x5b: {  	[tilespmem:s22], [sflag:$0x4] =	stream.indirect.gather [hbm4b:s1+s15], $0x80, s13, s15, $0xb8;
	[tilespmem:$0x1F400] =	vst v63  }
0x5c: {  	s9 =	simm.s32 $0x200  }
0x5d: {  	[tilespmem:s24], [sflag:$0x5] =	stream.indirect.gather [hbm4b:s1+s15], $0x80, s9, s15, $0xb8;
	[tilespmem:$0x1F400] =	vst v63  }
0x5e: {  	s13 =	simm.s32 $0x280  }
0x5f: {  	[tilespmem:s26], [sflag:$0x6] =	stream.indirect.gather [hbm4b:s1+s15], $0x80, s13, s15, $0xb8;
	[tilespmem:$0x1F400] =	vst v63  }
0x60: {  	s9 =	simm.s32 $0x300  }
0x61: {  	[tilespmem:s29], [sflag:$0x7] =	stream.indirect.gather [hbm4b:s1+s15], $0x80, s9, s15, $0xb8;
	[tilespmem:$0x1F400] =	vst v63  }
0x62: {  	s13 =	simm.s32 $0x380  }
0x63: {  	[tilespmem:s31], [sflag:$0x8] =	stream.indirect.gather [hbm4b:s1+s15], $0x80, s13, s15, $0xb8;
	[tilespmem:$0x1F400] =	vst v63  }
.LBB2_3:
0x64: {  	_ =	swait.ge [sflag:s0], $0xC80  }
0x65: {  	s9 =	sshra.s32 s6, $0x2;
	[sflag:s0] =	ssyncset.done $0x0  }
0x66: {  	s13 =	sadd.s32 $0x2800, s9;
	[sflag:s0] =	ssyncadd.s32 $0xFFFFF380  }
0x67: {  	[spmem:s2] =	stream.indirect.scatter.add.f32 [tilespmem:s16], [sflag:$0x9], $0x80, s13, s15, $0xb8;
	[tilespmem:$0x1F400] =	vst v63  }
0x68: {  	_ =	swait.ge [sflag:s3], $0xC80  }
0x69: {  	[sflag:s3] =	ssyncset.done $0x0  }
0x6a: {  	s5 =	sadd.s32 $0x2880, s9;
	[sflag:s3] =	ssyncadd.s32 $0xFFFFF380  }
0x6b: {  	[spmem:s2] =	stream.indirect.scatter.add.f32 [tilespmem:s18], [sflag:$0xA], $0x80, s5, s15, $0xb8;
	[tilespmem:$0x1F400] =	vst v63  }
0x6c: {  	_ =	swait.ge [sflag:s7], $0xC80  }
0x6d: {  	[sflag:s7] =	ssyncset.done $0x0  }
0x6e: {  	s5 =	sadd.s32 $0x2900, s9;
	[sflag:s7] =	ssyncadd.s32 $0xFFFFF380  }
0x6f: {  	[spmem:s2] =	stream.indirect.scatter.add.f32 [tilespmem:s20], [sflag:$0xB], $0x80, s5, s15, $0xb8;
	[tilespmem:$0x1F400] =	vst v63  }
0x70: {  	_ =	swait.ge [sflag:s10], $0xC80  }
0x71: {  	[sflag:s10] =	ssyncset.done $0x0  }
0x72: {  	s5 =	sadd.s32 $0x2980, s9;
	[sflag:s10] =	ssyncadd.s32 $0xFFFFF380  }
0x73: {  	[spmem:s2] =	stream.indirect.scatter.add.f32 [tilespmem:s22], [sflag:$0xC], $0x80, s5, s15, $0xb8;
	[tilespmem:$0x1F400] =	vst v63  }
0x74: {  	_ =	swait.ge [sflag:s11], $0xC80  }
0x75: {  	[sflag:s11] =	ssyncset.done $0x0  }
0x76: {  	s5 =	sadd.s32 $0x2A00, s9;
	[sflag:s11] =	ssyncadd.s32 $0xFFFFF380  }
0x77: {  	[spmem:s2] =	stream.indirect.scatter.add.f32 [tilespmem:s24], [sflag:$0xD], $0x80, s5, s15, $0xb8;
	[tilespmem:$0x1F400] =	vst v63  }
0x78: {  	_ =	swait.ge [sflag:s8], $0xC80  }
0x79: {  	[sflag:s8] =	ssyncset.done $0x0  }
0x7a: {  	s5 =	sadd.s32 $0x2A80, s9;
	[sflag:s8] =	ssyncadd.s32 $0xFFFFF380  }
0x7b: {  	[spmem:s2] =	stream.indirect.scatter.add.f32 [tilespmem:s26], [sflag:$0xE], $0x80, s5, s15, $0xb8;
	[tilespmem:$0x1F400] =	vst v63  }
0x7c: {  	_ =	swait.ge [sflag:s12], $0xC80  }
0x7d: {  	[sflag:s12] =	ssyncset.done $0x0  }
0x7e: {  	s5 =	sadd.s32 $0x2B00, s9;
	[sflag:s12] =	ssyncadd.s32 $0xFFFFF380  }
0x7f: {  	[spmem:s2] =	stream.indirect.scatter.add.f32 [tilespmem:s29], [sflag:$0xF], $0x80, s5, s15, $0xb8;
	[tilespmem:$0x1F400] =	vst v63  }
0x80: {  	_ =	swait.ge [sflag:s4], $0xC80  }
0x81: {  	p0 =	seq.s32 s6, $0x9000;
	[sflag:s4] =	ssyncset.done $0x0  }
.Ltmp4:
0x82: {  	s5 =	sadd.s32 $0x2B80, s9;
	[sflag:s4] =	ssyncadd.s32 $0xFFFFF380;
	(pc) =	sbr.rel @p0 .LBB2_5-.Ltmp4, $4  }
0x83: {  	[spmem:s2] =	stream.indirect.scatter.add.f32 [tilespmem:s31], [sflag:$0x10], $0x80, s5, s15, $0xb8;
	[tilespmem:$0x1F400] =	vst v63  }
0x84: {  	_ =	swait.ge [sflag:s14], $0xC80  }
0x85: {  	[sflag:s14] =	ssyncset.done $0x0  }
0x86: {  	[sflag:s14] =	ssyncadd.s32 $0xFFFFF380  }
0x87: {  	s13 =	sadd.s32 $0x400, s9  }
0x88: {  	[tilespmem:s16], [sflag:$0x1] =	stream.indirect.gather [hbm4b:s1+s15], $0x80, s13, s15, $0xb8;
	[tilespmem:$0x1F400] =	vst v63  }
0x89: {  	_ =	swait.ge [sflag:s17], $0xC80  }
0x8a: {  	[sflag:s17] =	ssyncset.done $0x0  }
0x8b: {  	s5 =	sadd.s32 $0x480, s9;
	[sflag:s17] =	ssyncadd.s32 $0xFFFFF380  }
0x8c: {  	[tilespmem:s18], [sflag:$0x2] =	stream.indirect.gather [hbm4b:s1+s15], $0x80, s5, s15, $0xb8;
	[tilespmem:$0x1F400] =	vst v63  }
0x8d: {  	_ =	swait.ge [sflag:s19], $0xC80  }
0x8e: {  	[sflag:s19] =	ssyncset.done $0x0  }
0x8f: {  	s5 =	sadd.s32 $0x500, s9;
	[sflag:s19] =	ssyncadd.s32 $0xFFFFF380  }
0x90: {  	[tilespmem:s20], [sflag:$0x3] =	stream.indirect.gather [hbm4b:s1+s15], $0x80, s5, s15, $0xb8;
	[tilespmem:$0x1F400] =	vst v63  }
0x91: {  	_ =	swait.ge [sflag:s21], $0xC80  }
0x92: {  	[sflag:s21] =	ssyncset.done $0x0  }
0x93: {  	s5 =	sadd.s32 $0x580, s9;
	[sflag:s21] =	ssyncadd.s32 $0xFFFFF380  }
0x94: {  	[tilespmem:s22], [sflag:$0x4] =	stream.indirect.gather [hbm4b:s1+s15], $0x80, s5, s15, $0xb8;
	[tilespmem:$0x1F400] =	vst v63  }
0x95: {  	_ =	swait.ge [sflag:s23], $0xC80  }
0x96: {  	[sflag:s23] =	ssyncset.done $0x0  }
0x97: {  	s5 =	sadd.s32 $0x600, s9;
	[sflag:s23] =	ssyncadd.s32 $0xFFFFF380  }
0x98: {  	[tilespmem:s24], [sflag:$0x5] =	stream.indirect.gather [hbm4b:s1+s15], $0x80, s5, s15, $0xb8;
	[tilespmem:$0x1F400] =	vst v63  }
0x99: {  	_ =	swait.ge [sflag:s25], $0xC80  }
0x9a: {  	[sflag:s25] =	ssyncset.done $0x0  }
0x9b: {  	s5 =	sadd.s32 $0x680, s9;
	[sflag:s25] =	ssyncadd.s32 $0xFFFFF380  }
0x9c: {  	[tilespmem:s26], [sflag:$0x6] =	stream.indirect.gather [hbm4b:s1+s15], $0x80, s5, s15, $0xb8;
	[tilespmem:$0x1F400] =	vst v63  }
0x9d: {  	_ =	swait.ge [sflag:s28], $0xC80  }
0x9e: {  	[sflag:s28] =	ssyncset.done $0x0  }
0x9f: {  	s5 =	sadd.s32 $0x700, s9;
	[sflag:s28] =	ssyncadd.s32 $0xFFFFF380  }
0xa0: {  	[tilespmem:s29], [sflag:$0x7] =	stream.indirect.gather [hbm4b:s1+s15], $0x80, s5, s15, $0xb8;
	[tilespmem:$0x1F400] =	vst v63  }
.Ltmp5:
0xa1: {  	_ = 	snop;
	(pc) =	sbr.rel .LBB2_3-.Ltmp5, $4  }
0xa2: {  	_ =	swait.ge [sflag:s30], $0xC80  }
0xa3: {  	[sflag:s30] =	ssyncset.done $0x0  }
0xa4: {  	s6 =	sadd.s32 $0x1000, s6;
	s13 =	sadd.s32 $0x780, s9;
	[sflag:s30] =	ssyncadd.s32 $0xFFFFF380  }
0xa5: {  	[tilespmem:s31], [sflag:$0x8] =	stream.indirect.gather [hbm4b:s1+s15], $0x80, s13, s15, $0xb8;
	[tilespmem:$0x1F400] =	vst v63  }
.LBB2_7:
0xa6: {  	_ =	sfence.sel $0x180000  }
0xa7: {  	[bflag:$0x0] =	sbarrier.arrive $0xFFFF  }
0xa8: {  	_ =	strace $0x90000050  }
0xa9: {  	s0 =	stileid.u32;
	[bflag:$0x2] =	sbarrier.arrive $0xFFFF  }
0xaa: {  	p0 =	sne.s32 s0, $0x0;
	s0 =	rddreg [dreg:$0x3]  }
0xab: {  	s0 =	sadd.s32 @!p0 $0x100000, s0  }
0xac: {  	[sflag:s0] =	ssyncadd.tile.s32 @!p0 $0x1;
	_ =	shalt  }
.Lfunc_end2:
_tile_overlayer_lowered:
.L_overlay_start_2:
0xad: {  	(tag) =	ssettag $0x2  }
0xae: {  	s0 =	rddreg [dreg:$0x0];
	s2 =	stileid.u32  }
0xaf: {  	s1 =	rddreg [dreg:$0x1];
	p0 =	sne.s32 s2, $0x0  }
0xb0: {  	s3 =	rddreg [dreg:$0x2];
	[bflag:$0x3] =	sbarrier.arrive $0xFFFF;
	s2 =	simm.s32 @!p0 $0x1C11  }
0xb1: {  	[timem:s3], [sflag:s2] =	dma.local @!p0 [hbm:s0], s1  }
0xb2: {  	s0 =	simm.s32 @!p0 $0x11  }
0xb3: {  	_ =	swait.ge @!p0 [sflag:s0], s1  }
0xb4: {  	s1 =	ssub.s32 @!p0 $0x0, s1;
	[sflag:s0] =	ssyncset.done @!p0 $0x0  }
0xb5: {  	[sflag:s0] =	ssyncadd.s32 @!p0 s1  }
0xb6: {  	[bflag:$0x3] =	sbarrier.arrive $0xFFFF  }
0xb7: {  	_ =	shalt  }

</sc_bundles>
